<compile_context>
chip_gen: v7x
topology: tpu7x:2x2x1
jax: 0.10.2.dev20260603
libtpu: 0.0.44.dev20260713+nightly
codegen_flags: <defaults>
</compile_context>

<pallas_src>
import jax
import jax.numpy as jnp
from jax import lax
from jax.experimental import pallas as pl
from jax.experimental.pallas import tpu as pltpu
from jax.experimental.pallas import tpu_sc as plsc

H = 512
W = 512
HW = H * W
N_MATCHED = 50000
N_UNMATCHED = 20000

NC = 2
NS = 16
NW = NC * NS
L = 16

GCH = 128

C_M = 1664
C_U = 640
PAD_M = NW * C_M
PAD_U = NW * C_U


def _compute_idx(rows_ref, cols_ref, idx_ref, count):
    def body(j, carry):
        for k in range(2):
            o = j * (2 * L) + k * L
            r = rows_ref[pl.ds(o, L)]
            c = cols_ref[pl.ds(o, L)]
            idx_ref[pl.ds(o, L)] = r * W + c
        return carry
    lax.fori_loop(0, count // (2 * L), body, 0)


def _gather(field_ref, idx_ref, vals_ref, count, sem):
    handles = []
    for k in range(count // GCH):
        sl = pl.ds(k * GCH, GCH)
        handles.append(
            pltpu.async_copy(field_ref.at[idx_ref.at[sl]], vals_ref.at[sl], sem))
    return handles


def _sc_body(pred_f, tgt_f,
             mrows, mcols, urows, ucols,
             out_hbm,
             crd_m, idx_m, vals_m, crd_u, idx_u, vals_u,
             sh_pred, sh_tgt, out_v, sem_s, sem_g, sem_f):
    sid = lax.axis_index("s")
    wid = sid * NC + lax.axis_index("c")

    iota = lax.iota(jnp.int32, L)
    base_m = wid * C_M
    base_u = wid * C_U

    unmatched = ((sh_pred, 1.0), (sh_pred, 0.0), (sh_tgt, 1.0), (sh_tgt, 0.0))

    stripe = HW // NS
    fsl = pl.ds(sid * stripe, stripe)
    field_hs = [pltpu.async_copy(pred_f.at[fsl], sh_pred.at[fsl], sem_f),
                pltpu.async_copy(tgt_f.at[fsl], sh_tgt.at[fsl], sem_f)]

    stage_hs = []
    for l in range(4):
        sl = pl.ds(l * PAD_M + base_m, C_M)
        stage_hs.append(pltpu.async_copy(mrows.at[sl], crd_m.at[2 * l], sem_s))
        stage_hs.append(pltpu.async_copy(mcols.at[sl], crd_m.at[2 * l + 1],
                                         sem_s))
    for u in range(4):
        sl = pl.ds(u * PAD_U + base_u, C_U)
        stage_hs.append(pltpu.async_copy(urows.at[sl], crd_u.at[2 * u], sem_s))
        stage_hs.append(pltpu.async_copy(ucols.at[sl], crd_u.at[2 * u + 1],
                                         sem_s))
    stage_hs.reverse()

    gather_hs = []
    for s in range(2):
        for _ in range(2):
            stage_hs.pop().wait()
        _compute_idx(crd_m.at[4 * s], crd_m.at[4 * s + 1], idx_m.at[2 * s], C_M)
        if s == 0:
            for h in field_hs:
                h.wait()
            plsc.subcore_barrier()
        gather_hs += _gather(sh_pred, idx_m.at[2 * s], vals_m.at[2 * s],
                             C_M, sem_g)
        for _ in range(2):
            stage_hs.pop().wait()
        _compute_idx(crd_m.at[4 * s + 2], crd_m.at[4 * s + 3],
                     idx_m.at[2 * s + 1], C_M)
        gather_hs += _gather(sh_tgt, idx_m.at[2 * s + 1], vals_m.at[2 * s + 1],
                             C_M, sem_g)
    for u, (field, _) in enumerate(unmatched):
        for _ in range(2):
            stage_hs.pop().wait()
        _compute_idx(crd_u.at[2 * u], crd_u.at[2 * u + 1], idx_u.at[u], C_U)
        gather_hs += _gather(field, idx_u.at[u], vals_u.at[u], C_U, sem_g)
    gather_hs.reverse()

    acc = jnp.zeros((L,), jnp.float32)
    for s in range(2):
        for _ in range(2 * (C_M // GCH)):
            gather_hs.pop().wait()
        va = vals_m.at[2 * s]
        vb = vals_m.at[2 * s + 1]

        def body_m(j, acc, va=va, vb=vb):
            for k in range(2):
                o = j * (2 * L) + k * L
                a = va[pl.ds(o, L)]
                b = vb[pl.ds(o, L)]
                pos = base_m + o + iota
                d = a - b
                acc = acc + jnp.where(pos < N_MATCHED, d * d, 0.0)
            return acc
        acc = lax.fori_loop(0, C_M // (2 * L), body_m, acc)
    for u, (_, const) in enumerate(unmatched):
        for _ in range(C_U // GCH):
            gather_hs.pop().wait()
        vu = vals_u.at[u]

        def body_u(j, acc, vu=vu, const=const):
            for k in range(2):
                o = j * (2 * L) + k * L
                a = vu[pl.ds(o, L)]
                pos = base_u + o + iota
                d = a - const
                acc = acc + jnp.where(pos < N_UNMATCHED, d * d, 0.0)
            return acc
        acc = lax.fori_loop(0, C_U // (2 * L), body_u, acc)

    out_v[...] = acc
    pltpu.sync_copy(out_v, out_hbm.at[wid])


@jax.jit
def _sc_gather_loss(pred_flat, tgt_flat, *coord_arrays):
    mesh = plsc.VectorSubcoreMesh(core_axis_name="c", subcore_axis_name="s",
                                  num_cores=NC, num_subcores=NS)
    k = pl.kernel(
        _sc_body,
        out_type=jax.ShapeDtypeStruct((NW, L), jnp.float32),
        mesh=mesh,
        scratch_types=[
            pltpu.VMEM((8, C_M), jnp.int32),
            pltpu.VMEM((4, C_M), jnp.int32),
            pltpu.VMEM((4, C_M), jnp.float32),
            pltpu.VMEM((8, C_U), jnp.int32),
            pltpu.VMEM((4, C_U), jnp.int32),
            pltpu.VMEM((4, C_U), jnp.float32),
            pltpu.VMEM_SHARED((HW,), jnp.float32),
            pltpu.VMEM_SHARED((HW,), jnp.float32),
            pltpu.VMEM((L,), jnp.float32),
            pltpu.SemaphoreType.DMA,
            pltpu.SemaphoreType.DMA,
            pltpu.SemaphoreType.DMA,
        ],
    )
    return k(pred_flat, tgt_flat, *coord_arrays)


def _tc_reduce_body(x_ref, o_ref):
    o_ref[...] = (jnp.sum(x_ref[...]) * 2.0).reshape(1, 1)


@jax.jit
def _tc_reduce(partials):
    return pl.pallas_call(
        _tc_reduce_body,
        out_shape=jax.ShapeDtypeStruct((1, 1), jnp.float32),
    )(partials)


def kernel(pred_field, tgt_field, pred_birth_coords, pred_death_coords,
           tgt_birth_coords, tgt_death_coords, pred_unmatched_birth,
           pred_unmatched_death, tgt_unmatched_birth, tgt_unmatched_death):
    pred_flat = pred_field.reshape(HW)
    tgt_flat = tgt_field.reshape(HW)
    m = jnp.stack([pred_birth_coords, tgt_birth_coords,
                   pred_death_coords, tgt_death_coords])
    m = jnp.pad(m.transpose(2, 0, 1), ((0, 0), (0, 0),
                                       (0, PAD_M - N_MATCHED)))
    u = jnp.stack([pred_unmatched_birth, pred_unmatched_death,
                   tgt_unmatched_birth, tgt_unmatched_death])
    u = jnp.pad(u.transpose(2, 0, 1), ((0, 0), (0, 0),
                                       (0, PAD_U - N_UNMATCHED)))
    partials = _sc_gather_loss(
        pred_flat, tgt_flat,
        m[0].reshape(-1), m[1].reshape(-1),
        u[0].reshape(-1), u[1].reshape(-1))
    return _tc_reduce(partials).reshape(1)

# --- scband reference (transcript-rebuilt; emitter-appended) ---
"""Pipeline reference for scband-betti-matching-loss-3006477107313 (READ-ONLY COPY).

The authoritative reference and input builder live on the scoring server;
editing this copy changes nothing except your own understanding.
"""

import jax, jax.numpy as jnp
import numpy as np

H, W = 512, 512
N_MATCHED = 50000
N_UNMATCHED = 20000


def setup_inputs(seed: int = 0) -> dict:
    key = jax.random.key(seed)
    ks = jax.random.split(key, 12)
    pred_field = jax.random.uniform(ks[0], (H, W), dtype=jnp.float32)
    tgt_field = jax.random.uniform(ks[1], (H, W), dtype=jnp.float32)
    def coords(k, n):
        return jax.random.randint(k, (n, 2), 0, H, dtype=jnp.int64 if jax.config.jax_enable_x64 else jnp.int32).astype(jnp.int32)
    return {
        'pred_field': pred_field,
        'tgt_field': tgt_field,
        'pred_birth_coords': coords(ks[2], N_MATCHED),
        'pred_death_coords': coords(ks[3], N_MATCHED),
        'tgt_birth_coords': coords(ks[4], N_MATCHED),
        'tgt_death_coords': coords(ks[5], N_MATCHED),
        'pred_unmatched_birth': coords(ks[6], N_UNMATCHED),
        'pred_unmatched_death': coords(ks[7], N_UNMATCHED),
        'tgt_unmatched_birth': coords(ks[8], N_UNMATCHED),
        'tgt_unmatched_death': coords(ks[9], N_UNMATCHED),
    }


def _values_at_coords(field, coords):
    # gather field values at 2D coordinates (equivalent of t[idx0, idx1])
    return field[coords[:, 0], coords[:, 1]]


def _stack_pairs(b, d):
    return jnp.stack([b, d], axis=1)


def _loss_unmatched(pairs, push_to='one_zero'):
    if push_to == 'diagonal':
        return ((pairs[:, 0] - pairs[:, 1]) ** 2).sum()
    if push_to == 'one_zero':
        return 2.0 * ((pairs[:, 0] - 1.0) ** 2 + pairs[:, 1] ** 2).sum()
    if push_to == 'death_death':
        return 2.0 * ((pairs[:, 0] - pairs[:, 1]) ** 2).sum()
    raise ValueError(push_to)


def reference(pred_field, tgt_field, pred_birth_coords, pred_death_coords,
              tgt_birth_coords, tgt_death_coords, pred_unmatched_birth,
              pred_unmatched_death, tgt_unmatched_birth, tgt_unmatched_death):
    # matched pairs: pull pred persistence pairs toward target pairs
    pred_birth_vals = _values_at_coords(pred_field, pred_birth_coords)
    pred_death_vals = _values_at_coords(pred_field, pred_death_coords)
    tgt_birth_vals = _values_at_coords(tgt_field, tgt_birth_coords)
    tgt_death_vals = _values_at_coords(tgt_field, tgt_death_coords)
    pred_matched_pairs = _stack_pairs(pred_birth_vals, pred_death_vals)
    tgt_matched_pairs = _stack_pairs(tgt_birth_vals, tgt_death_vals)
    loss_matched = 2.0 * ((pred_matched_pairs - tgt_matched_pairs) ** 2).sum()
    # unmatched pred pairs pushed per push_to='one_zero'
    pub = _values_at_coords(pred_field, pred_unmatched_birth)
    pud = _values_at_coords(pred_field, pred_unmatched_death)
    loss_unmatched_pred = _loss_unmatched(_stack_pairs(pub, pud), 'one_zero')
    # include_unmatched_target=True
    tub = _values_at_coords(tgt_field, tgt_unmatched_birth)
    tud = _values_at_coords(tgt_field, tgt_unmatched_death)
    loss_unmatched_tgt = _loss_unmatched(_stack_pairs(tub, tud), 'one_zero')
    total = loss_matched + loss_unmatched_pred + loss_unmatched_tgt
    return total.reshape(1)

if __name__ == "__main__":
    import jax
    _d = setup_inputs()
    print(jax.jit(kernel)(*tuple(_d.values())))

</pallas_src>

<mosaic_0001>
#map = affine_map<(d0, d1) -> (0)>
#map1 = affine_map<(d0, d1) -> (0, 0)>
module attributes {stable_mosaic.version = 14 : i64} {
  func.func @_sc_body(%arg0: i32, %arg1: i32, %arg2: memref<262144xf32, #tpu.memory_space<hbm>>, %arg3: memref<262144xf32, #tpu.memory_space<hbm>>, %arg4: memref<212992xi32, #tpu.memory_space<hbm>>, %arg5: memref<212992xi32, #tpu.memory_space<hbm>>, %arg6: memref<81920xi32, #tpu.memory_space<hbm>>, %arg7: memref<81920xi32, #tpu.memory_space<hbm>>, %arg8: memref<32x16xf32, #tpu.memory_space<hbm>>, %arg9: memref<8x1664xi32, #tpu.memory_space<vmem>>, %arg10: memref<4x1664xi32, #tpu.memory_space<vmem>>, %arg11: memref<4x1664xf32, #tpu.memory_space<vmem>>, %arg12: memref<8x640xi32, #tpu.memory_space<vmem>>, %arg13: memref<4x640xi32, #tpu.memory_space<vmem>>, %arg14: memref<4x640xf32, #tpu.memory_space<vmem>>, %arg15: memref<262144xf32, #tpu.memory_space<vmem_shared>>, %arg16: memref<262144xf32, #tpu.memory_space<vmem_shared>>, %arg17: memref<16xf32, #tpu.memory_space<vmem>>, %arg18: memref<!tpu.dma_semaphore, #tpu.memory_space<semaphore_mem>>, %arg19: memref<!tpu.dma_semaphore, #tpu.memory_space<semaphore_mem>>, %arg20: memref<!tpu.dma_semaphore, #tpu.memory_space<semaphore_mem>>) attributes {dimension_semantics = [#tpu.dimension_semantics<core_parallel>, #tpu.dimension_semantics<subcore_parallel>], iteration_bounds = array<i64: 2, 16>, scalar_prefetch = 0 : i64, scratch_operands = 12 : i64, tpu.core_type = #tpu.core_type<sc_vector_subcore>, window_params = [{transform_indices = #map}, {transform_indices = #map}, {transform_indices = #map}, {transform_indices = #map}, {transform_indices = #map}, {transform_indices = #map}, {transform_indices = #map1}]} {
    %mul3A = arith.constant 2 : i32
    %mul3A_0 = arith.muli %arg1, %mul3A : i32
    %add3A = arith.addi %mul3A_0, %arg0 : i32
    %iota3A = tpu.iota {dimensions = array<i32: 0>} : vector<16xi32>
    %mul3A_1 = arith.constant 1664 : i32
    %mul3A_2 = arith.muli %add3A, %mul3A_1 : i32
    %mul3A_3 = arith.constant 640 : i32
    %mul3A_4 = arith.muli %add3A, %mul3A_3 : i32
    %mul3A_5 = arith.constant 16384 : i32
    %mul3A_6 = arith.muli %arg1, %mul3A_5 : i32
    %dma_start3A = tpu.memref_slice %arg15[%mul3A_6] : memref<262144xf32, #tpu.memory_space<vmem_shared>> -> memref<16384xf32, #tpu.memory_space<vmem_shared>>
    %dma_start3A_7 = tpu.memref_slice %arg2[%mul3A_6] : memref<262144xf32, #tpu.memory_space<hbm>> -> memref<16384xf32, #tpu.memory_space<hbm>>
    tpu.enqueue_dma source(%dma_start3A_7 : memref<16384xf32, #tpu.memory_space<hbm>>) target(%dma_start3A : memref<16384xf32, #tpu.memory_space<vmem_shared>>) target_semaphore(%arg20 : memref<!tpu.dma_semaphore, #tpu.memory_space<semaphore_mem>>)
    %dma_start3A_8 = tpu.memref_slice %arg16[%mul3A_6] : memref<262144xf32, #tpu.memory_space<vmem_shared>> -> memref<16384xf32, #tpu.memory_space<vmem_shared>>
    %dma_start3A_9 = tpu.memref_slice %arg3[%mul3A_6] : memref<262144xf32, #tpu.memory_space<hbm>> -> memref<16384xf32, #tpu.memory_space<hbm>>
    tpu.enqueue_dma source(%dma_start3A_9 : memref<16384xf32, #tpu.memory_space<hbm>>) target(%dma_start3A_8 : memref<16384xf32, #tpu.memory_space<vmem_shared>>) target_semaphore(%arg20 : memref<!tpu.dma_semaphore, #tpu.memory_space<semaphore_mem>>)
    %add3A_10 = arith.constant 0 : i32
    %add3A_11 = arith.addi %add3A_10, %mul3A_2 : i32
    %dma_start3A_12 = arith.constant 0 : i32
    %dma_start3A_13 = arith.constant 0 : i32
    %dma_start3A_14 = tpu.memref_slice %arg9[%dma_start3A_12, %dma_start3A_13] : memref<8x1664xi32, #tpu.memory_space<vmem>> -> memref<1x1664xi32, #tpu.memory_space<vmem>>
    %dma_start3A_15 = tpu.memref_squeeze %dma_start3A_14 : memref<1x1664xi32, #tpu.memory_space<vmem>> -> memref<1664xi32, #tpu.memory_space<vmem>>
    %dma_start3A_16 = tpu.memref_slice %arg4[%add3A_11] : memref<212992xi32, #tpu.memory_space<hbm>> -> memref<1664xi32, #tpu.memory_space<hbm>>
    %dma_start3A_17 = arith.constant 0 : i32
    %dma_start3A_18 = tpu.memref_slice %arg9[%dma_start3A_12, %dma_start3A_17] : memref<8x1664xi32, #tpu.memory_space<vmem>> -> memref<1x1664xi32, #tpu.memory_space<vmem>>
    %dma_start3A_19 = tpu.memref_squeeze %dma_start3A_18 : memref<1x1664xi32, #tpu.memory_space<vmem>> -> memref<1664xi32, #tpu.memory_space<vmem>>
    %dma_start3A_20 = tpu.memref_slice %arg4[%add3A_11] : memref<212992xi32, #tpu.memory_space<hbm>> -> memref<1664xi32, #tpu.memory_space<hbm>>
    tpu.enqueue_dma source(%dma_start3A_20 : memref<1664xi32, #tpu.memory_space<hbm>>) target(%dma_start3A_19 : memref<1664xi32, #tpu.memory_space<vmem>>) target_semaphore(%arg18 : memref<!tpu.dma_semaphore, #tpu.memory_space<semaphore_mem>>)
    %dma_start3A_21 = arith.constant 1 : i32
    %dma_start3A_22 = arith.constant 0 : i32
    %dma_start3A_23 = tpu.memref_slice %arg9[%dma_start3A_21, %dma_start3A_22] : memref<8x1664xi32, #tpu.memory_space<vmem>> -> memref<1x1664xi32, #tpu.memory_space<vmem>>
    %dma_start3A_24 = tpu.memref_squeeze %dma_start3A_23 : memref<1x1664xi32, #tpu.memory_space<vmem>> -> memref<1664xi32, #tpu.memory_space<vmem>>
    %dma_start3A_25 = tpu.memref_slice %arg5[%add3A_11] : memref<212992xi32, #tpu.memory_space<hbm>> -> memref<1664xi32, #tpu.memory_space<hbm>>
    %dma_start3A_26 = arith.constant 0 : i32
    %dma_start3A_27 = tpu.memref_slice %arg9[%dma_start3A_21, %dma_start3A_26] : memref<8x1664xi32, #tpu.memory_space<vmem>> -> memref<1x1664xi32, #tpu.memory_space<vmem>>
    %dma_start3A_28 = tpu.memref_squeeze %dma_start3A_27 : memref<1x1664xi32, #tpu.memory_space<vmem>> -> memref<1664xi32, #tpu.memory_space<vmem>>
    %dma_start3A_29 = tpu.memref_slice %arg5[%add3A_11] : memref<212992xi32, #tpu.memory_space<hbm>> -> memref<1664xi32, #tpu.memory_space<hbm>>
    tpu.enqueue_dma source(%dma_start3A_29 : memref<1664xi32, #tpu.memory_space<hbm>>) target(%dma_start3A_28 : memref<1664xi32, #tpu.memory_space<vmem>>) target_semaphore(%arg18 : memref<!tpu.dma_semaphore, #tpu.memory_space<semaphore_mem>>)
    %add3A_30 = arith.constant 53248 : i32
    %add3A_31 = arith.addi %add3A_30, %mul3A_2 : i32
    %dma_start3A_32 = arith.constant 2 : i32
    %dma_start3A_33 = arith.constant 0 : i32
    %dma_start3A_34 = tpu.memref_slice %arg9[%dma_start3A_32, %dma_start3A_33] : memref<8x1664xi32, #tpu.memory_space<vmem>> -> memref<1x1664xi32, #tpu.memory_space<vmem>>
    %dma_start3A_35 = tpu.memref_squeeze %dma_start3A_34 : memref<1x1664xi32, #tpu.memory_space<vmem>> -> memref<1664xi32, #tpu.memory_space<vmem>>
    %dma_start3A_36 = tpu.memref_slice %arg4[%add3A_31] : memref<212992xi32, #tpu.memory_space<hbm>> -> memref<1664xi32, #tpu.memory_space<hbm>>
    %dma_start3A_37 = arith.constant 0 : i32
    %dma_start3A_38 = tpu.memref_slice %arg9[%dma_start3A_32, %dma_start3A_37] : memref<8x1664xi32, #tpu.memory_space<vmem>> -> memref<1x1664xi32, #tpu.memory_space<vmem>>
    %dma_start3A_39 = tpu.memref_squeeze %dma_start3A_38 : memref<1x1664xi32, #tpu.memory_space<vmem>> -> memref<1664xi32, #tpu.memory_space<vmem>>
    %dma_start3A_40 = tpu.memref_slice %arg4[%add3A_31] : memref<212992xi32, #tpu.memory_space<hbm>> -> memref<1664xi32, #tpu.memory_space<hbm>>
    tpu.enqueue_dma source(%dma_start3A_40 : memref<1664xi32, #tpu.memory_space<hbm>>) target(%dma_start3A_39 : memref<1664xi32, #tpu.memory_space<vmem>>) target_semaphore(%arg18 : memref<!tpu.dma_semaphore, #tpu.memory_space<semaphore_mem>>)
    %dma_start3A_41 = arith.constant 3 : i32
    %dma_start3A_42 = arith.constant 0 : i32
    %dma_start3A_43 = tpu.memref_slice %arg9[%dma_start3A_41, %dma_start3A_42] : memref<8x1664xi32, #tpu.memory_space<vmem>> -> memref<1x1664xi32, #tpu.memory_space<vmem>>
    %dma_start3A_44 = tpu.memref_squeeze %dma_start3A_43 : memref<1x1664xi32, #tpu.memory_space<vmem>> -> memref<1664xi32, #tpu.memory_space<vmem>>
    %dma_start3A_45 = tpu.memref_slice %arg5[%add3A_31] : memref<212992xi32, #tpu.memory_space<hbm>> -> memref<1664xi32, #tpu.memory_space<hbm>>
    %dma_start3A_46 = arith.constant 0 : i32
    %dma_start3A_47 = tpu.memref_slice %arg9[%dma_start3A_41, %dma_start3A_46] : memref<8x1664xi32, #tpu.memory_space<vmem>> -> memref<1x1664xi32, #tpu.memory_space<vmem>>
    %dma_start3A_48 = tpu.memref_squeeze %dma_start3A_47 : memref<1x1664xi32, #tpu.memory_space<vmem>> -> memref<1664xi32, #tpu.memory_space<vmem>>
    %dma_start3A_49 = tpu.memref_slice %arg5[%add3A_31] : memref<212992xi32, #tpu.memory_space<hbm>> -> memref<1664xi32, #tpu.memory_space<hbm>>
    tpu.enqueue_dma source(%dma_start3A_49 : memref<1664xi32, #tpu.memory_space<hbm>>) target(%dma_start3A_48 : memref<1664xi32, #tpu.memory_space<vmem>>) target_semaphore(%arg18 : memref<!tpu.dma_semaphore, #tpu.memory_space<semaphore_mem>>)
    %add3A_50 = arith.constant 106496 : i32
    %add3A_51 = arith.addi %add3A_50, %mul3A_2 : i32
    %dma_start3A_52 = arith.constant 4 : i32
    %dma_start3A_53 = arith.constant 0 : i32
    %dma_start3A_54 = tpu.memref_slice %arg9[%dma_start3A_52, %dma_start3A_53] : memref<8x1664xi32, #tpu.memory_space<vmem>> -> memref<1x1664xi32, #tpu.memory_space<vmem>>
    %dma_start3A_55 = tpu.memref_squeeze %dma_start3A_54 : memref<1x1664xi32, #tpu.memory_space<vmem>> -> memref<1664xi32, #tpu.memory_space<vmem>>
    %dma_start3A_56 = tpu.memref_slice %arg4[%add3A_51] : memref<212992xi32, #tpu.memory_space<hbm>> -> memref<1664xi32, #tpu.memory_space<hbm>>
    %dma_start3A_57 = arith.constant 0 : i32
    %dma_start3A_58 = tpu.memref_slice %arg9[%dma_start3A_52, %dma_start3A_57] : memref<8x1664xi32, #tpu.memory_space<vmem>> -> memref<1x1664xi32, #tpu.memory_space<vmem>>
    %dma_start3A_59 = tpu.memref_squeeze %dma_start3A_58 : memref<1x1664xi32, #tpu.memory_space<vmem>> -> memref<1664xi32, #tpu.memory_space<vmem>>
    %dma_start3A_60 = tpu.memref_slice %arg4[%add3A_51] : memref<212992xi32, #tpu.memory_space<hbm>> -> memref<1664xi32, #tpu.memory_space<hbm>>
    tpu.enqueue_dma source(%dma_start3A_60 : memref<1664xi32, #tpu.memory_space<hbm>>) target(%dma_start3A_59 : memref<1664xi32, #tpu.memory_space<vmem>>) target_semaphore(%arg18 : memref<!tpu.dma_semaphore, #tpu.memory_space<semaphore_mem>>)
    %dma_start3A_61 = arith.constant 5 : i32
    %dma_start3A_62 = arith.constant 0 : i32
    %dma_start3A_63 = tpu.memref_slice %arg9[%dma_start3A_61, %dma_start3A_62] : memref<8x1664xi32, #tpu.memory_space<vmem>> -> memref<1x1664xi32, #tpu.memory_space<vmem>>
    %dma_start3A_64 = tpu.memref_squeeze %dma_start3A_63 : memref<1x1664xi32, #tpu.memory_space<vmem>> -> memref<1664xi32, #tpu.memory_space<vmem>>
    %dma_start3A_65 = tpu.memref_slice %arg5[%add3A_51] : memref<212992xi32, #tpu.memory_space<hbm>> -> memref<1664xi32, #tpu.memory_space<hbm>>
    %dma_start3A_66 = arith.constant 0 : i32
    %dma_start3A_67 = tpu.memref_slice %arg9[%dma_start3A_61, %dma_start3A_66] : memref<8x1664xi32, #tpu.memory_space<vmem>> -> memref<1x1664xi32, #tpu.memory_space<vmem>>
    %dma_start3A_68 = tpu.memref_squeeze %dma_start3A_67 : memref<1x1664xi32, #tpu.memory_space<vmem>> -> memref<1664xi32, #tpu.memory_space<vmem>>
    %dma_start3A_69 = tpu.memref_slice %arg5[%add3A_51] : memref<212992xi32, #tpu.memory_space<hbm>> -> memref<1664xi32, #tpu.memory_space<hbm>>
    tpu.enqueue_dma source(%dma_start3A_69 : memref<1664xi32, #tpu.memory_space<hbm>>) target(%dma_start3A_68 : memref<1664xi32, #tpu.memory_space<vmem>>) target_semaphore(%arg18 : memref<!tpu.dma_semaphore, #tpu.memory_space<semaphore_mem>>)
    %add3A_70 = arith.constant 159744 : i32
    %add3A_71 = arith.addi %add3A_70, %mul3A_2 : i32
    %dma_start3A_72 = arith.constant 6 : i32
    %dma_start3A_73 = arith.constant 0 : i32
    %dma_start3A_74 = tpu.memref_slice %arg9[%dma_start3A_72, %dma_start3A_73] : memref<8x1664xi32, #tpu.memory_space<vmem>> -> memref<1x1664xi32, #tpu.memory_space<vmem>>
    %dma_start3A_75 = tpu.memref_squeeze %dma_start3A_74 : memref<1x1664xi32, #tpu.memory_space<vmem>> -> memref<1664xi32, #tpu.memory_space<vmem>>
    %dma_start3A_76 = tpu.memref_slice %arg4[%add3A_71] : memref<212992xi32, #tpu.memory_space<hbm>> -> memref<1664xi32, #tpu.memory_space<hbm>>
    %dma_start3A_77 = arith.constant 0 : i32
    %dma_start3A_78 = tpu.memref_slice %arg9[%dma_start3A_72, %dma_start3A_77] : memref<8x1664xi32, #tpu.memory_space<vmem>> -> memref<1x1664xi32, #tpu.memory_space<vmem>>
    %dma_start3A_79 = tpu.memref_squeeze %dma_start3A_78 : memref<1x1664xi32, #tpu.memory_space<vmem>> -> memref<1664xi32, #tpu.memory_space<vmem>>
    %dma_start3A_80 = tpu.memref_slice %arg4[%add3A_71] : memref<212992xi32, #tpu.memory_space<hbm>> -> memref<1664xi32, #tpu.memory_space<hbm>>
    tpu.enqueue_dma source(%dma_start3A_80 : memref<1664xi32, #tpu.memory_space<hbm>>) target(%dma_start3A_79 : memref<1664xi32, #tpu.memory_space<vmem>>) target_semaphore(%arg18 : memref<!tpu.dma_semaphore, #tpu.memory_space<semaphore_mem>>)
    %dma_start3A_81 = arith.constant 7 : i32
    %dma_start3A_82 = arith.constant 0 : i32
    %dma_start3A_83 = tpu.memref_slice %arg9[%dma_start3A_81, %dma_start3A_82] : memref<8x1664xi32, #tpu.memory_space<vmem>> -> memref<1x1664xi32, #tpu.memory_space<vmem>>
    %dma_start3A_84 = tpu.memref_squeeze %dma_start3A_83 : memref<1x1664xi32, #tpu.memory_space<vmem>> -> memref<1664xi32, #tpu.memory_space<vmem>>
    %dma_start3A_85 = tpu.memref_slice %arg5[%add3A_71] : memref<212992xi32, #tpu.memory_space<hbm>> -> memref<1664xi32, #tpu.memory_space<hbm>>
    %dma_start3A_86 = arith.constant 0 : i32
    %dma_start3A_87 = tpu.memref_slice %arg9[%dma_start3A_81, %dma_start3A_86] : memref<8x1664xi32, #tpu.memory_space<vmem>> -> memref<1x1664xi32, #tpu.memory_space<vmem>>
    %dma_start3A_88 = tpu.memref_squeeze %dma_start3A_87 : memref<1x1664xi32, #tpu.memory_space<vmem>> -> memref<1664xi32, #tpu.memory_space<vmem>>
    %dma_start3A_89 = tpu.memref_slice %arg5[%add3A_71] : memref<212992xi32, #tpu.memory_space<hbm>> -> memref<1664xi32, #tpu.memory_space<hbm>>
    tpu.enqueue_dma source(%dma_start3A_89 : memref<1664xi32, #tpu.memory_space<hbm>>) target(%dma_start3A_88 : memref<1664xi32, #tpu.memory_space<vmem>>) target_semaphore(%arg18 : memref<!tpu.dma_semaphore, #tpu.memory_space<semaphore_mem>>)
    %add3A_90 = arith.constant 0 : i32
    %add3A_91 = arith.addi %add3A_90, %mul3A_4 : i32
    %dma_start3A_92 = arith.constant 0 : i32
    %dma_start3A_93 = arith.constant 0 : i32
    %dma_start3A_94 = tpu.memref_slice %arg12[%dma_start3A_92, %dma_start3A_93] : memref<8x640xi32, #tpu.memory_space<vmem>> -> memref<1x640xi32, #tpu.memory_space<vmem>>
    %dma_start3A_95 = tpu.memref_squeeze %dma_start3A_94 : memref<1x640xi32, #tpu.memory_space<vmem>> -> memref<640xi32, #tpu.memory_space<vmem>>
    %dma_start3A_96 = tpu.memref_slice %arg6[%add3A_91] : memref<81920xi32, #tpu.memory_space<hbm>> -> memref<640xi32, #tpu.memory_space<hbm>>
    %dma_start3A_97 = arith.constant 0 : i32
    %dma_start3A_98 = tpu.memref_slice %arg12[%dma_start3A_92, %dma_start3A_97] : memref<8x640xi32, #tpu.memory_space<vmem>> -> memref<1x640xi32, #tpu.memory_space<vmem>>
    %dma_start3A_99 = tpu.memref_squeeze %dma_start3A_98 : memref<1x640xi32, #tpu.memory_space<vmem>> -> memref<640xi32, #tpu.memory_space<vmem>>
    %dma_start3A_100 = tpu.memref_slice %arg6[%add3A_91] : memref<81920xi32, #tpu.memory_space<hbm>> -> memref<640xi32, #tpu.memory_space<hbm>>
    tpu.enqueue_dma source(%dma_start3A_100 : memref<640xi32, #tpu.memory_space<hbm>>) target(%dma_start3A_99 : memref<640xi32, #tpu.memory_space<vmem>>) target_semaphore(%arg18 : memref<!tpu.dma_semaphore, #tpu.memory_space<semaphore_mem>>)
    %dma_start3A_101 = arith.constant 1 : i32
    %dma_start3A_102 = arith.constant 0 : i32
    %dma_start3A_103 = tpu.memref_slice %arg12[%dma_start3A_101, %dma_start3A_102] : memref<8x640xi32, #tpu.memory_space<vmem>> -> memref<1x640xi32, #tpu.memory_space<vmem>>
    %dma_start3A_104 = tpu.memref_squeeze %dma_start3A_103 : memref<1x640xi32, #tpu.memory_space<vmem>> -> memref<640xi32, #tpu.memory_space<vmem>>
    %dma_start3A_105 = tpu.memref_slice %arg7[%add3A_91] : memref<81920xi32, #tpu.memory_space<hbm>> -> memref<640xi32, #tpu.memory_space<hbm>>
    %dma_start3A_106 = arith.constant 0 : i32
    %dma_start3A_107 = tpu.memref_slice %arg12[%dma_start3A_101, %dma_start3A_106] : memref<8x640xi32, #tpu.memory_space<vmem>> -> memref<1x640xi32, #tpu.memory_space<vmem>>
    %dma_start3A_108 = tpu.memref_squeeze %dma_start3A_107 : memref<1x640xi32, #tpu.memory_space<vmem>> -> memref<640xi32, #tpu.memory_space<vmem>>
    %dma_start3A_109 = tpu.memref_slice %arg7[%add3A_91] : memref<81920xi32, #tpu.memory_space<hbm>> -> memref<640xi32, #tpu.memory_space<hbm>>
    tpu.enqueue_dma source(%dma_start3A_109 : memref<640xi32, #tpu.memory_space<hbm>>) target(%dma_start3A_108 : memref<640xi32, #tpu.memory_space<vmem>>) target_semaphore(%arg18 : memref<!tpu.dma_semaphore, #tpu.memory_space<semaphore_mem>>)
    %add3A_110 = arith.constant 20480 : i32
    %add3A_111 = arith.addi %add3A_110, %mul3A_4 : i32
    %dma_start3A_112 = arith.constant 2 : i32
    %dma_start3A_113 = arith.constant 0 : i32
    %dma_start3A_114 = tpu.memref_slice %arg12[%dma_start3A_112, %dma_start3A_113] : memref<8x640xi32, #tpu.memory_space<vmem>> -> memref<1x640xi32, #tpu.memory_space<vmem>>
    %dma_start3A_115 = tpu.memref_squeeze %dma_start3A_114 : memref<1x640xi32, #tpu.memory_space<vmem>> -> memref<640xi32, #tpu.memory_space<vmem>>
    %dma_start3A_116 = tpu.memref_slice %arg6[%add3A_111] : memref<81920xi32, #tpu.memory_space<hbm>> -> memref<640xi32, #tpu.memory_space<hbm>>
    %dma_start3A_117 = arith.constant 0 : i32
    %dma_start3A_118 = tpu.memref_slice %arg12[%dma_start3A_112, %dma_start3A_117] : memref<8x640xi32, #tpu.memory_space<vmem>> -> memref<1x640xi32, #tpu.memory_space<vmem>>
    %dma_start3A_119 = tpu.memref_squeeze %dma_start3A_118 : memref<1x640xi32, #tpu.memory_space<vmem>> -> memref<640xi32, #tpu.memory_space<vmem>>
    %dma_start3A_120 = tpu.memref_slice %arg6[%add3A_111] : memref<81920xi32, #tpu.memory_space<hbm>> -> memref<640xi32, #tpu.memory_space<hbm>>
    tpu.enqueue_dma source(%dma_start3A_120 : memref<640xi32, #tpu.memory_space<hbm>>) target(%dma_start3A_119 : memref<640xi32, #tpu.memory_space<vmem>>) target_semaphore(%arg18 : memref<!tpu.dma_semaphore, #tpu.memory_space<semaphore_mem>>)
    %dma_start3A_121 = arith.constant 3 : i32
    %dma_start3A_122 = arith.constant 0 : i32
    %dma_start3A_123 = tpu.memref_slice %arg12[%dma_start3A_121, %dma_start3A_122] : memref<8x640xi32, #tpu.memory_space<vmem>> -> memref<1x640xi32, #tpu.memory_space<vmem>>
    %dma_start3A_124 = tpu.memref_squeeze %dma_start3A_123 : memref<1x640xi32, #tpu.memory_space<vmem>> -> memref<640xi32, #tpu.memory_space<vmem>>
    %dma_start3A_125 = tpu.memref_slice %arg7[%add3A_111] : memref<81920xi32, #tpu.memory_space<hbm>> -> memref<640xi32, #tpu.memory_space<hbm>>
    %dma_start3A_126 = arith.constant 0 : i32
    %dma_start3A_127 = tpu.memref_slice %arg12[%dma_start3A_121, %dma_start3A_126] : memref<8x640xi32, #tpu.memory_space<vmem>> -> memref<1x640xi32, #tpu.memory_space<vmem>>
    %dma_start3A_128 = tpu.memref_squeeze %dma_start3A_127 : memref<1x640xi32, #tpu.memory_space<vmem>> -> memref<640xi32, #tpu.memory_space<vmem>>
    %dma_start3A_129 = tpu.memref_slice %arg7[%add3A_111] : memref<81920xi32, #tpu.memory_space<hbm>> -> memref<640xi32, #tpu.memory_space<hbm>>
    tpu.enqueue_dma source(%dma_start3A_129 : memref<640xi32, #tpu.memory_space<hbm>>) target(%dma_start3A_128 : memref<640xi32, #tpu.memory_space<vmem>>) target_semaphore(%arg18 : memref<!tpu.dma_semaphore, #tpu.memory_space<semaphore_mem>>)
    %add3A_130 = arith.constant 40960 : i32
    %add3A_131 = arith.addi %add3A_130, %mul3A_4 : i32
    %dma_start3A_132 = arith.constant 4 : i32
    %dma_start3A_133 = arith.constant 0 : i32
    %dma_start3A_134 = tpu.memref_slice %arg12[%dma_start3A_132, %dma_start3A_133] : memref<8x640xi32, #tpu.memory_space<vmem>> -> memref<1x640xi32, #tpu.memory_space<vmem>>
    %dma_start3A_135 = tpu.memref_squeeze %dma_start3A_134 : memref<1x640xi32, #tpu.memory_space<vmem>> -> memref<640xi32, #tpu.memory_space<vmem>>
    %dma_start3A_136 = tpu.memref_slice %arg6[%add3A_131] : memref<81920xi32, #tpu.memory_space<hbm>> -> memref<640xi32, #tpu.memory_space<hbm>>
    %dma_start3A_137 = arith.constant 0 : i32
    %dma_start3A_138 = tpu.memref_slice %arg12[%dma_start3A_132, %dma_start3A_137] : memref<8x640xi32, #tpu.memory_space<vmem>> -> memref<1x640xi32, #tpu.memory_space<vmem>>
    %dma_start3A_139 = tpu.memref_squeeze %dma_start3A_138 : memref<1x640xi32, #tpu.memory_space<vmem>> -> memref<640xi32, #tpu.memory_space<vmem>>
    %dma_start3A_140 = tpu.memref_slice %arg6[%add3A_131] : memref<81920xi32, #tpu.memory_space<hbm>> -> memref<640xi32, #tpu.memory_space<hbm>>
    tpu.enqueue_dma source(%dma_start3A_140 : memref<640xi32, #tpu.memory_space<hbm>>) target(%dma_start3A_139 : memref<640xi32, #tpu.memory_space<vmem>>) target_semaphore(%arg18 : memref<!tpu.dma_semaphore, #tpu.memory_space<semaphore_mem>>)
    %dma_start3A_141 = arith.constant 5 : i32
    %dma_start3A_142 = arith.constant 0 : i32
    %dma_start3A_143 = tpu.memref_slice %arg12[%dma_start3A_141, %dma_start3A_142] : memref<8x640xi32, #tpu.memory_space<vmem>> -> memref<1x640xi32, #tpu.memory_space<vmem>>
    %dma_start3A_144 = tpu.memref_squeeze %dma_start3A_143 : memref<1x640xi32, #tpu.memory_space<vmem>> -> memref<640xi32, #tpu.memory_space<vmem>>
    %dma_start3A_145 = tpu.memref_slice %arg7[%add3A_131] : memref<81920xi32, #tpu.memory_space<hbm>> -> memref<640xi32, #tpu.memory_space<hbm>>
    %dma_start3A_146 = arith.constant 0 : i32
    %dma_start3A_147 = tpu.memref_slice %arg12[%dma_start3A_141, %dma_start3A_146] : memref<8x640xi32, #tpu.memory_space<vmem>> -> memref<1x640xi32, #tpu.memory_space<vmem>>
    %dma_start3A_148 = tpu.memref_squeeze %dma_start3A_147 : memref<1x640xi32, #tpu.memory_space<vmem>> -> memref<640xi32, #tpu.memory_space<vmem>>
    %dma_start3A_149 = tpu.memref_slice %arg7[%add3A_131] : memref<81920xi32, #tpu.memory_space<hbm>> -> memref<640xi32, #tpu.memory_space<hbm>>
    tpu.enqueue_dma source(%dma_start3A_149 : memref<640xi32, #tpu.memory_space<hbm>>) target(%dma_start3A_148 : memref<640xi32, #tpu.memory_space<vmem>>) target_semaphore(%arg18 : memref<!tpu.dma_semaphore, #tpu.memory_space<semaphore_mem>>)
    %add3A_150 = arith.constant 61440 : i32
    %add3A_151 = arith.addi %add3A_150, %mul3A_4 : i32
    %dma_start3A_152 = arith.constant 6 : i32
    %dma_start3A_153 = arith.constant 0 : i32
    %dma_start3A_154 = tpu.memref_slice %arg12[%dma_start3A_152, %dma_start3A_153] : memref<8x640xi32, #tpu.memory_space<vmem>> -> memref<1x640xi32, #tpu.memory_space<vmem>>
    %dma_start3A_155 = tpu.memref_squeeze %dma_start3A_154 : memref<1x640xi32, #tpu.memory_space<vmem>> -> memref<640xi32, #tpu.memory_space<vmem>>
    %dma_start3A_156 = tpu.memref_slice %arg6[%add3A_151] : memref<81920xi32, #tpu.memory_space<hbm>> -> memref<640xi32, #tpu.memory_space<hbm>>
    %dma_start3A_157 = arith.constant 0 : i32
    %dma_start3A_158 = tpu.memref_slice %arg12[%dma_start3A_152, %dma_start3A_157] : memref<8x640xi32, #tpu.memory_space<vmem>> -> memref<1x640xi32, #tpu.memory_space<vmem>>
    %dma_start3A_159 = tpu.memref_squeeze %dma_start3A_158 : memref<1x640xi32, #tpu.memory_space<vmem>> -> memref<640xi32, #tpu.memory_space<vmem>>
    %dma_start3A_160 = tpu.memref_slice %arg6[%add3A_151] : memref<81920xi32, #tpu.memory_space<hbm>> -> memref<640xi32, #tpu.memory_space<hbm>>
    tpu.enqueue_dma source(%dma_start3A_160 : memref<640xi32, #tpu.memory_space<hbm>>) target(%dma_start3A_159 : memref<640xi32, #tpu.memory_space<vmem>>) target_semaphore(%arg18 : memref<!tpu.dma_semaphore, #tpu.memory_space<semaphore_mem>>)
    %dma_start3A_161 = arith.constant 7 : i32
    %dma_start3A_162 = arith.constant 0 : i32
    %dma_start3A_163 = tpu.memref_slice %arg12[%dma_start3A_161, %dma_start3A_162] : memref<8x640xi32, #tpu.memory_space<vmem>> -> memref<1x640xi32, #tpu.memory_space<vmem>>
    %dma_start3A_164 = tpu.memref_squeeze %dma_start3A_163 : memref<1x640xi32, #tpu.memory_space<vmem>> -> memref<640xi32, #tpu.memory_space<vmem>>
    %dma_start3A_165 = tpu.memref_slice %arg7[%add3A_151] : memref<81920xi32, #tpu.memory_space<hbm>> -> memref<640xi32, #tpu.memory_space<hbm>>
    %dma_start3A_166 = arith.constant 0 : i32
    %dma_start3A_167 = tpu.memref_slice %arg12[%dma_start3A_161, %dma_start3A_166] : memref<8x640xi32, #tpu.memory_space<vmem>> -> memref<1x640xi32, #tpu.memory_space<vmem>>
    %dma_start3A_168 = tpu.memref_squeeze %dma_start3A_167 : memref<1x640xi32, #tpu.memory_space<vmem>> -> memref<640xi32, #tpu.memory_space<vmem>>
    %dma_start3A_169 = tpu.memref_slice %arg7[%add3A_151] : memref<81920xi32, #tpu.memory_space<hbm>> -> memref<640xi32, #tpu.memory_space<hbm>>
    tpu.enqueue_dma source(%dma_start3A_169 : memref<640xi32, #tpu.memory_space<hbm>>) target(%dma_start3A_168 : memref<640xi32, #tpu.memory_space<vmem>>) target_semaphore(%arg18 : memref<!tpu.dma_semaphore, #tpu.memory_space<semaphore_mem>>)
    %dma_wait3A = arith.constant 0 : i32
    %dma_wait3A_170 = arith.constant 0 : i32
    %dma_wait3A_171 = tpu.memref_slice %arg9[%dma_wait3A, %dma_wait3A_170] : memref<8x1664xi32, #tpu.memory_space<vmem>> -> memref<1x1664xi32, #tpu.memory_space<vmem>>
    %dma_wait3A_172 = tpu.memref_squeeze %dma_wait3A_171 : memref<1x1664xi32, #tpu.memory_space<vmem>> -> memref<1664xi32, #tpu.memory_space<vmem>>
    %dma_wait3A_173 = tpu.memref_slice %arg4[%add3A_11] : memref<212992xi32, #tpu.memory_space<hbm>> -> memref<1664xi32, #tpu.memory_space<hbm>>
    %dma_wait3A_174 = arith.constant 0 : i32
    %dma_wait3A_175 = tpu.memref_slice %arg9[%dma_wait3A, %dma_wait3A_174] : memref<8x1664xi32, #tpu.memory_space<vmem>> -> memref<1x1664xi32, #tpu.memory_space<vmem>>
    %dma_wait3A_176 = tpu.memref_squeeze %dma_wait3A_175 : memref<1x1664xi32, #tpu.memory_space<vmem>> -> memref<1664xi32, #tpu.memory_space<vmem>>
    %dma_wait3A_177 = tpu.memref_slice %arg4[%add3A_11] : memref<212992xi32, #tpu.memory_space<hbm>> -> memref<1664xi32, #tpu.memory_space<hbm>>
    tpu.wait_dma2 semaphore(%arg18 : memref<!tpu.dma_semaphore, #tpu.memory_space<semaphore_mem>>) src(%dma_wait3A_177 : memref<1664xi32, #tpu.memory_space<hbm>>) dst(%dma_wait3A_176 : memref<1664xi32, #tpu.memory_space<vmem>>)
    %dma_wait3A_178 = arith.constant 1 : i32
    %dma_wait3A_179 = arith.constant 0 : i32
    %dma_wait3A_180 = tpu.memref_slice %arg9[%dma_wait3A_178, %dma_wait3A_179] : memref<8x1664xi32, #tpu.memory_space<vmem>> -> memref<1x1664xi32, #tpu.memory_space<vmem>>
    %dma_wait3A_181 = tpu.memref_squeeze %dma_wait3A_180 : memref<1x1664xi32, #tpu.memory_space<vmem>> -> memref<1664xi32, #tpu.memory_space<vmem>>
    %dma_wait3A_182 = tpu.memref_slice %arg5[%add3A_11] : memref<212992xi32, #tpu.memory_space<hbm>> -> memref<1664xi32, #tpu.memory_space<hbm>>
    %dma_wait3A_183 = arith.constant 0 : i32
    %dma_wait3A_184 = tpu.memref_slice %arg9[%dma_wait3A_178, %dma_wait3A_183] : memref<8x1664xi32, #tpu.memory_space<vmem>> -> memref<1x1664xi32, #tpu.memory_space<vmem>>
    %dma_wait3A_185 = tpu.memref_squeeze %dma_wait3A_184 : memref<1x1664xi32, #tpu.memory_space<vmem>> -> memref<1664xi32, #tpu.memory_space<vmem>>
    %dma_wait3A_186 = tpu.memref_slice %arg5[%add3A_11] : memref<212992xi32, #tpu.memory_space<hbm>> -> memref<1664xi32, #tpu.memory_space<hbm>>
    tpu.wait_dma2 semaphore(%arg18 : memref<!tpu.dma_semaphore, #tpu.memory_space<semaphore_mem>>) src(%dma_wait3A_186 : memref<1664xi32, #tpu.memory_space<hbm>>) dst(%dma_wait3A_185 : memref<1664xi32, #tpu.memory_space<vmem>>)
    %scan3A = arith.constant 0 : i32
    %scan3A_187 = arith.constant 0 : i32
    %scan3A_188 = arith.constant 1 : i32
    %scan3A_189 = arith.constant 0 : i32
    %scan3A_190 = arith.constant 0 : i32
    %scan3A_191 = arith.constant 52 : i32
    %scan3A_192 = arith.addi %scan3A_190, %scan3A_191 : i32
    %scan3A_193 = arith.constant 1 : i32
    scf.for %scan3A_2452 = %scan3A_190 to %scan3A_192 step %scan3A_193  : i32 {
      %mul3A_2453 = arith.constant 32 : i32
      %mul3A_2454 = arith.muli %scan3A_2452, %mul3A_2453 : i32
      %add3A_2455 = arith.constant 0 : i32
      %add3A_2456 = arith.addi %mul3A_2454, %add3A_2455 : i32
      %get3A = arith.constant 0 : i32
      %get3A_2457 = tpu.memref_slice %arg9[%scan3A_187, %get3A] : memref<8x1664xi32, #tpu.memory_space<vmem>> -> memref<1x1664xi32, #tpu.memory_space<vmem>>
      %get3A_2458 = tpu.memref_squeeze %get3A_2457 : memref<1x1664xi32, #tpu.memory_space<vmem>> -> memref<1664xi32, #tpu.memory_space<vmem>>
      %get3A_2459 = arith.index_cast %add3A_2456 : i32 to index
      %get3A_2460 = tpu.vector_load %get3A_2458[%get3A_2459] {strides = array<i32>} : memref<1664xi32, #tpu.memory_space<vmem>>, vector<16xi32>,
      %get3A_2461 = vector.shape_cast %get3A_2460 : vector<16xi32> to vector<16xi32>
      %get3A_2462 = arith.constant 0 : i32
      %get3A_2463 = tpu.memref_slice %arg9[%scan3A_188, %get3A_2462] : memref<8x1664xi32, #tpu.memory_space<vmem>> -> memref<1x1664xi32, #tpu.memory_space<vmem>>
      %get3A_2464 = tpu.memref_squeeze %get3A_2463 : memref<1x1664xi32, #tpu.memory_space<vmem>> -> memref<1664xi32, #tpu.memory_space<vmem>>
      %get3A_2465 = arith.index_cast %add3A_2456 : i32 to index
      %get3A_2466 = tpu.vector_load %get3A_2464[%get3A_2465] {strides = array<i32>} : memref<1664xi32, #tpu.memory_space<vmem>>, vector<16xi32>,
      %get3A_2467 = vector.shape_cast %get3A_2466 : vector<16xi32> to vector<16xi32>
      %mul3A_2468 = arith.constant 512 : i32
      %mul3A_2469 = vector.broadcast %mul3A_2468 : i32 to vector<16xi32>
      %mul3A_2470 = arith.muli %get3A_2461, %mul3A_2469 : vector<16xi32>
      %add3A_2471 = arith.addi %mul3A_2470, %get3A_2467 : vector<16xi32>
      %swap3A_2472 = arith.constant 0 : i32
      %swap3A_2473 = tpu.memref_slice %arg10[%scan3A_189, %swap3A_2472] : memref<4x1664xi32, #tpu.memory_space<vmem>> -> memref<1x1664xi32, #tpu.memory_space<vmem>>
      %swap3A_2474 = tpu.memref_squeeze %swap3A_2473 : memref<1x1664xi32, #tpu.memory_space<vmem>> -> memref<1664xi32, #tpu.memory_space<vmem>>
      %swap3A_2475 = arith.index_cast %add3A_2456 : i32 to index
      %swap3A_2476 = tpu.vector_load %swap3A_2474[%swap3A_2475] {strides = array<i32>} : memref<1664xi32, #tpu.memory_space<vmem>>, vector<16xi32>,
      %swap3A_2477 = vector.shape_cast %swap3A_2476 : vector<16xi32> to vector<16xi32>
      %swap3A_2478 = vector.shape_cast %add3A_2471 : vector<16xi32> to vector<16xi32>
      tpu.vector_store %swap3A_2474[%swap3A_2475], %swap3A_2478 {strides = array<i32>} : memref<1664xi32, #tpu.memory_space<vmem>>, vector<16xi32>,
      %mul3A_2479 = arith.constant 32 : i32
      %mul3A_2480 = arith.muli %scan3A_2452, %mul3A_2479 : i32
      %add3A_2481 = arith.constant 16 : i32
      %add3A_2482 = arith.addi %mul3A_2480, %add3A_2481 : i32
      %get3A_2483 = arith.constant 0 : i32
      %get3A_2484 = tpu.memref_slice %arg9[%scan3A_187, %get3A_2483] : memref<8x1664xi32, #tpu.memory_space<vmem>> -> memref<1x1664xi32, #tpu.memory_space<vmem>>
      %get3A_2485 = tpu.memref_squeeze %get3A_2484 : memref<1x1664xi32, #tpu.memory_space<vmem>> -> memref<1664xi32, #tpu.memory_space<vmem>>
      %get3A_2486 = arith.index_cast %add3A_2482 : i32 to index
      %get3A_2487 = tpu.vector_load %get3A_2485[%get3A_2486] {strides = array<i32>} : memref<1664xi32, #tpu.memory_space<vmem>>, vector<16xi32>,
      %get3A_2488 = vector.shape_cast %get3A_2487 : vector<16xi32> to vector<16xi32>
      %get3A_2489 = arith.constant 0 : i32
      %get3A_2490 = tpu.memref_slice %arg9[%scan3A_188, %get3A_2489] : memref<8x1664xi32, #tpu.memory_space<vmem>> -> memref<1x1664xi32, #tpu.memory_space<vmem>>
      %get3A_2491 = tpu.memref_squeeze %get3A_2490 : memref<1x1664xi32, #tpu.memory_space<vmem>> -> memref<1664xi32, #tpu.memory_space<vmem>>
      %get3A_2492 = arith.index_cast %add3A_2482 : i32 to index
      %get3A_2493 = tpu.vector_load %get3A_2491[%get3A_2492] {strides = array<i32>} : memref<1664xi32, #tpu.memory_space<vmem>>, vector<16xi32>,
      %get3A_2494 = vector.shape_cast %get3A_2493 : vector<16xi32> to vector<16xi32>
      %mul3A_2495 = arith.constant 512 : i32
      %mul3A_2496 = vector.broadcast %mul3A_2495 : i32 to vector<16xi32>
      %mul3A_2497 = arith.muli %get3A_2488, %mul3A_2496 : vector<16xi32>
      %add3A_2498 = arith.addi %mul3A_2497, %get3A_2494 : vector<16xi32>
      %swap3A_2499 = arith.constant 0 : i32
      %swap3A_2500 = tpu.memref_slice %arg10[%scan3A_189, %swap3A_2499] : memref<4x1664xi32, #tpu.memory_space<vmem>> -> memref<1x1664xi32, #tpu.memory_space<vmem>>
      %swap3A_2501 = tpu.memref_squeeze %swap3A_2500 : memref<1x1664xi32, #tpu.memory_space<vmem>> -> memref<1664xi32, #tpu.memory_space<vmem>>
      %swap3A_2502 = arith.index_cast %add3A_2482 : i32 to index
      %swap3A_2503 = tpu.vector_load %swap3A_2501[%swap3A_2502] {strides = array<i32>} : memref<1664xi32, #tpu.memory_space<vmem>>, vector<16xi32>,
      %swap3A_2504 = vector.shape_cast %swap3A_2503 : vector<16xi32> to vector<16xi32>
      %swap3A_2505 = vector.shape_cast %add3A_2498 : vector<16xi32> to vector<16xi32>
      tpu.vector_store %swap3A_2501[%swap3A_2502], %swap3A_2505 {strides = array<i32>} : memref<1664xi32, #tpu.memory_space<vmem>>, vector<16xi32>,
    }
    %scan3A_194 = arith.constant 52 : i32
    %dma_wait3A_195 = tpu.memref_slice %arg15[%mul3A_6] : memref<262144xf32, #tpu.memory_space<vmem_shared>> -> memref<16384xf32, #tpu.memory_space<vmem_shared>>
    %dma_wait3A_196 = tpu.memref_slice %arg2[%mul3A_6] : memref<262144xf32, #tpu.memory_space<hbm>> -> memref<16384xf32, #tpu.memory_space<hbm>>
    tpu.wait_dma2 semaphore(%arg20 : memref<!tpu.dma_semaphore, #tpu.memory_space<semaphore_mem>>) src(%dma_wait3A_196 : memref<16384xf32, #tpu.memory_space<hbm>>) dst(%dma_wait3A_195 : memref<16384xf32, #tpu.memory_space<vmem_shared>>)
    %dma_wait3A_197 = tpu.memref_slice %arg16[%mul3A_6] : memref<262144xf32, #tpu.memory_space<vmem_shared>> -> memref<16384xf32, #tpu.memory_space<vmem_shared>>
    %dma_wait3A_198 = tpu.memref_slice %arg3[%mul3A_6] : memref<262144xf32, #tpu.memory_space<hbm>> -> memref<16384xf32, #tpu.memory_space<hbm>>
    tpu.wait_dma2 semaphore(%arg20 : memref<!tpu.dma_semaphore, #tpu.memory_space<semaphore_mem>>) src(%dma_wait3A_198 : memref<16384xf32, #tpu.memory_space<hbm>>) dst(%dma_wait3A_197 : memref<16384xf32, #tpu.memory_space<vmem_shared>>)
    %barrier3A = arith.constant 0 : index
    tpu.barrier barrier_id(%barrier3A)
    %dma_start3A_199 = arith.constant 0 : i32
    %dma_start3A_200 = arith.constant 0 : i32
    %dma_start3A_201 = arith.constant 0 : i32
    %dma_start3A_202 = tpu.memref_slice %arg11[%dma_start3A_200, %dma_start3A_201] : memref<4x1664xf32, #tpu.memory_space<vmem>> -> memref<1x1664xf32, #tpu.memory_space<vmem>>
    %dma_start3A_203 = tpu.memref_squeeze %dma_start3A_202 : memref<1x1664xf32, #tpu.memory_space<vmem>> -> memref<1664xf32, #tpu.memory_space<vmem>>
    %dma_start3A_204 = arith.constant 0 : i32
    %dma_start3A_205 = tpu.memref_slice %dma_start3A_203[%dma_start3A_204] : memref<1664xf32, #tpu.memory_space<vmem>> -> memref<128xf32, #tpu.memory_space<vmem>>
    %dma_start3A_206 = arith.constant 0 : i32
    %dma_start3A_207 = tpu.memref_slice %arg10[%dma_start3A_199, %dma_start3A_206] : memref<4x1664xi32, #tpu.memory_space<vmem>> -> memref<1x1664xi32, #tpu.memory_space<vmem>>
    %dma_start3A_208 = tpu.memref_squeeze %dma_start3A_207 : memref<1x1664xi32, #tpu.memory_space<vmem>> -> memref<1664xi32, #tpu.memory_space<vmem>>
    %dma_start3A_209 = arith.constant 0 : i32
    %dma_start3A_210 = tpu.memref_slice %dma_start3A_208[%dma_start3A_209] : memref<1664xi32, #tpu.memory_space<vmem>> -> memref<128xi32, #tpu.memory_space<vmem>>
    %dma_start3A_211 = arith.constant 0 : i32
    %dma_start3A_212 = tpu.memref_slice %arg15[%dma_start3A_211] : memref<262144xf32, #tpu.memory_space<vmem_shared>> -> memref<262144xf32, #tpu.memory_space<vmem_shared>>
    tpu.enqueue_indirect_dma source(%dma_start3A_212 : memref<262144xf32, #tpu.memory_space<vmem_shared>>) target(%dma_start3A_205 : memref<128xf32, #tpu.memory_space<vmem>>) offsets(%dma_start3A_210 : memref<128xi32, #tpu.memory_space<vmem>>) semaphore(%arg19 : memref<!tpu.dma_semaphore, #tpu.memory_space<semaphore_mem>>)
    %dma_start3A_213 = arith.constant 0 : i32
    %dma_start3A_214 = arith.constant 0 : i32
    %dma_start3A_215 = arith.constant 0 : i32
    %dma_start3A_216 = tpu.memref_slice %arg11[%dma_start3A_214, %dma_start3A_215] : memref<4x1664xf32, #tpu.memory_space<vmem>> -> memref<1x1664xf32, #tpu.memory_space<vmem>>
    %dma_start3A_217 = tpu.memref_squeeze %dma_start3A_216 : memref<1x1664xf32, #tpu.memory_space<vmem>> -> memref<1664xf32, #tpu.memory_space<vmem>>
    %dma_start3A_218 = arith.constant 128 : i32
    %dma_start3A_219 = tpu.memref_slice %dma_start3A_217[%dma_start3A_218] : memref<1664xf32, #tpu.memory_space<vmem>> -> memref<128xf32, #tpu.memory_space<vmem>>
    %dma_start3A_220 = arith.constant 0 : i32
    %dma_start3A_221 = tpu.memref_slice %arg10[%dma_start3A_213, %dma_start3A_220] : memref<4x1664xi32, #tpu.memory_space<vmem>> -> memref<1x1664xi32, #tpu.memory_space<vmem>>
    %dma_start3A_222 = tpu.memref_squeeze %dma_start3A_221 : memref<1x1664xi32, #tpu.memory_space<vmem>> -> memref<1664xi32, #tpu.memory_space<vmem>>
    %dma_start3A_223 = arith.constant 128 : i32
    %dma_start3A_224 = tpu.memref_slice %dma_start3A_222[%dma_start3A_223] : memref<1664xi32, #tpu.memory_space<vmem>> -> memref<128xi32, #tpu.memory_space<vmem>>
    %dma_start3A_225 = arith.constant 0 : i32
    %dma_start3A_226 = tpu.memref_slice %arg15[%dma_start3A_225] : memref<262144xf32, #tpu.memory_space<vmem_shared>> -> memref<262144xf32, #tpu.memory_space<vmem_shared>>
    tpu.enqueue_indirect_dma source(%dma_start3A_226 : memref<262144xf32, #tpu.memory_space<vmem_shared>>) target(%dma_start3A_219 : memref<128xf32, #tpu.memory_space<vmem>>) offsets(%dma_start3A_224 : memref<128xi32, #tpu.memory_space<vmem>>) semaphore(%arg19 : memref<!tpu.dma_semaphore, #tpu.memory_space<semaphore_mem>>)
    %dma_start3A_227 = arith.constant 0 : i32
    %dma_start3A_228 = arith.constant 0 : i32
    %dma_start3A_229 = arith.constant 0 : i32
    %dma_start3A_230 = tpu.memref_slice %arg11[%dma_start3A_228, %dma_start3A_229] : memref<4x1664xf32, #tpu.memory_space<vmem>> -> memref<1x1664xf32, #tpu.memory_space<vmem>>
    %dma_start3A_231 = tpu.memref_squeeze %dma_start3A_230 : memref<1x1664xf32, #tpu.memory_space<vmem>> -> memref<1664xf32, #tpu.memory_space<vmem>>
    %dma_start3A_232 = arith.constant 256 : i32
    %dma_start3A_233 = tpu.memref_slice %dma_start3A_231[%dma_start3A_232] : memref<1664xf32, #tpu.memory_space<vmem>> -> memref<128xf32, #tpu.memory_space<vmem>>
    %dma_start3A_234 = arith.constant 0 : i32
    %dma_start3A_235 = tpu.memref_slice %arg10[%dma_start3A_227, %dma_start3A_234] : memref<4x1664xi32, #tpu.memory_space<vmem>> -> memref<1x1664xi32, #tpu.memory_space<vmem>>
    %dma_start3A_236 = tpu.memref_squeeze %dma_start3A_235 : memref<1x1664xi32, #tpu.memory_space<vmem>> -> memref<1664xi32, #tpu.memory_space<vmem>>
    %dma_start3A_237 = arith.constant 256 : i32
    %dma_start3A_238 = tpu.memref_slice %dma_start3A_236[%dma_start3A_237] : memref<1664xi32, #tpu.memory_space<vmem>> -> memref<128xi32, #tpu.memory_space<vmem>>
    %dma_start3A_239 = arith.constant 0 : i32
    %dma_start3A_240 = tpu.memref_slice %arg15[%dma_start3A_239] : memref<262144xf32, #tpu.memory_space<vmem_shared>> -> memref<262144xf32, #tpu.memory_space<vmem_shared>>
    tpu.enqueue_indirect_dma source(%dma_start3A_240 : memref<262144xf32, #tpu.memory_space<vmem_shared>>) target(%dma_start3A_233 : memref<128xf32, #tpu.memory_space<vmem>>) offsets(%dma_start3A_238 : memref<128xi32, #tpu.memory_space<vmem>>) semaphore(%arg19 : memref<!tpu.dma_semaphore, #tpu.memory_space<semaphore_mem>>)
    %dma_start3A_241 = arith.constant 0 : i32
    %dma_start3A_242 = arith.constant 0 : i32
    %dma_start3A_243 = arith.constant 0 : i32
    %dma_start3A_244 = tpu.memref_slice %arg11[%dma_start3A_242, %dma_start3A_243] : memref<4x1664xf32, #tpu.memory_space<vmem>> -> memref<1x1664xf32, #tpu.memory_space<vmem>>
    %dma_start3A_245 = tpu.memref_squeeze %dma_start3A_244 : memref<1x1664xf32, #tpu.memory_space<vmem>> -> memref<1664xf32, #tpu.memory_space<vmem>>
    %dma_start3A_246 = arith.constant 384 : i32
    %dma_start3A_247 = tpu.memref_slice %dma_start3A_245[%dma_start3A_246] : memref<1664xf32, #tpu.memory_space<vmem>> -> memref<128xf32, #tpu.memory_space<vmem>>
    %dma_start3A_248 = arith.constant 0 : i32
    %dma_start3A_249 = tpu.memref_slice %arg10[%dma_start3A_241, %dma_start3A_248] : memref<4x1664xi32, #tpu.memory_space<vmem>> -> memref<1x1664xi32, #tpu.memory_space<vmem>>
    %dma_start3A_250 = tpu.memref_squeeze %dma_start3A_249 : memref<1x1664xi32, #tpu.memory_space<vmem>> -> memref<1664xi32, #tpu.memory_space<vmem>>
    %dma_start3A_251 = arith.constant 384 : i32
    %dma_start3A_252 = tpu.memref_slice %dma_start3A_250[%dma_start3A_251] : memref<1664xi32, #tpu.memory_space<vmem>> -> memref<128xi32, #tpu.memory_space<vmem>>
    %dma_start3A_253 = arith.constant 0 : i32
    %dma_start3A_254 = tpu.memref_slice %arg15[%dma_start3A_253] : memref<262144xf32, #tpu.memory_space<vmem_shared>> -> memref<262144xf32, #tpu.memory_space<vmem_shared>>
    tpu.enqueue_indirect_dma source(%dma_start3A_254 : memref<262144xf32, #tpu.memory_space<vmem_shared>>) target(%dma_start3A_247 : memref<128xf32, #tpu.memory_space<vmem>>) offsets(%dma_start3A_252 : memref<128xi32, #tpu.memory_space<vmem>>) semaphore(%arg19 : memref<!tpu.dma_semaphore, #tpu.memory_space<semaphore_mem>>)
    %dma_start3A_255 = arith.constant 0 : i32
    %dma_start3A_256 = arith.constant 0 : i32
    %dma_start3A_257 = arith.constant 0 : i32
    %dma_start3A_258 = tpu.memref_slice %arg11[%dma_start3A_256, %dma_start3A_257] : memref<4x1664xf32, #tpu.memory_space<vmem>> -> memref<1x1664xf32, #tpu.memory_space<vmem>>
    %dma_start3A_259 = tpu.memref_squeeze %dma_start3A_258 : memref<1x1664xf32, #tpu.memory_space<vmem>> -> memref<1664xf32, #tpu.memory_space<vmem>>
    %dma_start3A_260 = arith.constant 512 : i32
    %dma_start3A_261 = tpu.memref_slice %dma_start3A_259[%dma_start3A_260] : memref<1664xf32, #tpu.memory_space<vmem>> -> memref<128xf32, #tpu.memory_space<vmem>>
    %dma_start3A_262 = arith.constant 0 : i32
    %dma_start3A_263 = tpu.memref_slice %arg10[%dma_start3A_255, %dma_start3A_262] : memref<4x1664xi32, #tpu.memory_space<vmem>> -> memref<1x1664xi32, #tpu.memory_space<vmem>>
    %dma_start3A_264 = tpu.memref_squeeze %dma_start3A_263 : memref<1x1664xi32, #tpu.memory_space<vmem>> -> memref<1664xi32, #tpu.memory_space<vmem>>
    %dma_start3A_265 = arith.constant 512 : i32
    %dma_start3A_266 = tpu.memref_slice %dma_start3A_264[%dma_start3A_265] : memref<1664xi32, #tpu.memory_space<vmem>> -> memref<128xi32, #tpu.memory_space<vmem>>
    %dma_start3A_267 = arith.constant 0 : i32
    %dma_start3A_268 = tpu.memref_slice %arg15[%dma_start3A_267] : memref<262144xf32, #tpu.memory_space<vmem_shared>> -> memref<262144xf32, #tpu.memory_space<vmem_shared>>
    tpu.enqueue_indirect_dma source(%dma_start3A_268 : memref<262144xf32, #tpu.memory_space<vmem_shared>>) target(%dma_start3A_261 : memref<128xf32, #tpu.memory_space<vmem>>) offsets(%dma_start3A_266 : memref<128xi32, #tpu.memory_space<vmem>>) semaphore(%arg19 : memref<!tpu.dma_semaphore, #tpu.memory_space<semaphore_mem>>)
    %dma_start3A_269 = arith.constant 0 : i32
    %dma_start3A_270 = arith.constant 0 : i32
    %dma_start3A_271 = arith.constant 0 : i32
    %dma_start3A_272 = tpu.memref_slice %arg11[%dma_start3A_270, %dma_start3A_271] : memref<4x1664xf32, #tpu.memory_space<vmem>> -> memref<1x1664xf32, #tpu.memory_space<vmem>>
    %dma_start3A_273 = tpu.memref_squeeze %dma_start3A_272 : memref<1x1664xf32, #tpu.memory_space<vmem>> -> memref<1664xf32, #tpu.memory_space<vmem>>
    %dma_start3A_274 = arith.constant 640 : i32
    %dma_start3A_275 = tpu.memref_slice %dma_start3A_273[%dma_start3A_274] : memref<1664xf32, #tpu.memory_space<vmem>> -> memref<128xf32, #tpu.memory_space<vmem>>
    %dma_start3A_276 = arith.constant 0 : i32
    %dma_start3A_277 = tpu.memref_slice %arg10[%dma_start3A_269, %dma_start3A_276] : memref<4x1664xi32, #tpu.memory_space<vmem>> -> memref<1x1664xi32, #tpu.memory_space<vmem>>
    %dma_start3A_278 = tpu.memref_squeeze %dma_start3A_277 : memref<1x1664xi32, #tpu.memory_space<vmem>> -> memref<1664xi32, #tpu.memory_space<vmem>>
    %dma_start3A_279 = arith.constant 640 : i32
    %dma_start3A_280 = tpu.memref_slice %dma_start3A_278[%dma_start3A_279] : memref<1664xi32, #tpu.memory_space<vmem>> -> memref<128xi32, #tpu.memory_space<vmem>>
    %dma_start3A_281 = arith.constant 0 : i32
    %dma_start3A_282 = tpu.memref_slice %arg15[%dma_start3A_281] : memref<262144xf32, #tpu.memory_space<vmem_shared>> -> memref<262144xf32, #tpu.memory_space<vmem_shared>>
    tpu.enqueue_indirect_dma source(%dma_start3A_282 : memref<262144xf32, #tpu.memory_space<vmem_shared>>) target(%dma_start3A_275 : memref<128xf32, #tpu.memory_space<vmem>>) offsets(%dma_start3A_280 : memref<128xi32, #tpu.memory_space<vmem>>) semaphore(%arg19 : memref<!tpu.dma_semaphore, #tpu.memory_space<semaphore_mem>>)
    %dma_start3A_283 = arith.constant 0 : i32
    %dma_start3A_284 = arith.constant 0 : i32
    %dma_start3A_285 = arith.constant 0 : i32
    %dma_start3A_286 = tpu.memref_slice %arg11[%dma_start3A_284, %dma_start3A_285] : memref<4x1664xf32, #tpu.memory_space<vmem>> -> memref<1x1664xf32, #tpu.memory_space<vmem>>
    %dma_start3A_287 = tpu.memref_squeeze %dma_start3A_286 : memref<1x1664xf32, #tpu.memory_space<vmem>> -> memref<1664xf32, #tpu.memory_space<vmem>>
    %dma_start3A_288 = arith.constant 768 : i32
    %dma_start3A_289 = tpu.memref_slice %dma_start3A_287[%dma_start3A_288] : memref<1664xf32, #tpu.memory_space<vmem>> -> memref<128xf32, #tpu.memory_space<vmem>>
    %dma_start3A_290 = arith.constant 0 : i32
    %dma_start3A_291 = tpu.memref_slice %arg10[%dma_start3A_283, %dma_start3A_290] : memref<4x1664xi32, #tpu.memory_space<vmem>> -> memref<1x1664xi32, #tpu.memory_space<vmem>>
    %dma_start3A_292 = tpu.memref_squeeze %dma_start3A_291 : memref<1x1664xi32, #tpu.memory_space<vmem>> -> memref<1664xi32, #tpu.memory_space<vmem>>
    %dma_start3A_293 = arith.constant 768 : i32
    %dma_start3A_294 = tpu.memref_slice %dma_start3A_292[%dma_start3A_293] : memref<1664xi32, #tpu.memory_space<vmem>> -> memref<128xi32, #tpu.memory_space<vmem>>
    %dma_start3A_295 = arith.constant 0 : i32
    %dma_start3A_296 = tpu.memref_slice %arg15[%dma_start3A_295] : memref<262144xf32, #tpu.memory_space<vmem_shared>> -> memref<262144xf32, #tpu.memory_space<vmem_shared>>
    tpu.enqueue_indirect_dma source(%dma_start3A_296 : memref<262144xf32, #tpu.memory_space<vmem_shared>>) target(%dma_start3A_289 : memref<128xf32, #tpu.memory_space<vmem>>) offsets(%dma_start3A_294 : memref<128xi32, #tpu.memory_space<vmem>>) semaphore(%arg19 : memref<!tpu.dma_semaphore, #tpu.memory_space<semaphore_mem>>)
    %dma_start3A_297 = arith.constant 0 : i32
    %dma_start3A_298 = arith.constant 0 : i32
    %dma_start3A_299 = arith.constant 0 : i32
    %dma_start3A_300 = tpu.memref_slice %arg11[%dma_start3A_298, %dma_start3A_299] : memref<4x1664xf32, #tpu.memory_space<vmem>> -> memref<1x1664xf32, #tpu.memory_space<vmem>>
    %dma_start3A_301 = tpu.memref_squeeze %dma_start3A_300 : memref<1x1664xf32, #tpu.memory_space<vmem>> -> memref<1664xf32, #tpu.memory_space<vmem>>
    %dma_start3A_302 = arith.constant 896 : i32
    %dma_start3A_303 = tpu.memref_slice %dma_start3A_301[%dma_start3A_302] : memref<1664xf32, #tpu.memory_space<vmem>> -> memref<128xf32, #tpu.memory_space<vmem>>
    %dma_start3A_304 = arith.constant 0 : i32
    %dma_start3A_305 = tpu.memref_slice %arg10[%dma_start3A_297, %dma_start3A_304] : memref<4x1664xi32, #tpu.memory_space<vmem>> -> memref<1x1664xi32, #tpu.memory_space<vmem>>
    %dma_start3A_306 = tpu.memref_squeeze %dma_start3A_305 : memref<1x1664xi32, #tpu.memory_space<vmem>> -> memref<1664xi32, #tpu.memory_space<vmem>>
    %dma_start3A_307 = arith.constant 896 : i32
    %dma_start3A_308 = tpu.memref_slice %dma_start3A_306[%dma_start3A_307] : memref<1664xi32, #tpu.memory_space<vmem>> -> memref<128xi32, #tpu.memory_space<vmem>>
    %dma_start3A_309 = arith.constant 0 : i32
    %dma_start3A_310 = tpu.memref_slice %arg15[%dma_start3A_309] : memref<262144xf32, #tpu.memory_space<vmem_shared>> -> memref<262144xf32, #tpu.memory_space<vmem_shared>>
    tpu.enqueue_indirect_dma source(%dma_start3A_310 : memref<262144xf32, #tpu.memory_space<vmem_shared>>) target(%dma_start3A_303 : memref<128xf32, #tpu.memory_space<vmem>>) offsets(%dma_start3A_308 : memref<128xi32, #tpu.memory_space<vmem>>) semaphore(%arg19 : memref<!tpu.dma_semaphore, #tpu.memory_space<semaphore_mem>>)
    %dma_start3A_311 = arith.constant 0 : i32
    %dma_start3A_312 = arith.constant 0 : i32
    %dma_start3A_313 = arith.constant 0 : i32
    %dma_start3A_314 = tpu.memref_slice %arg11[%dma_start3A_312, %dma_start3A_313] : memref<4x1664xf32, #tpu.memory_space<vmem>> -> memref<1x1664xf32, #tpu.memory_space<vmem>>
    %dma_start3A_315 = tpu.memref_squeeze %dma_start3A_314 : memref<1x1664xf32, #tpu.memory_space<vmem>> -> memref<1664xf32, #tpu.memory_space<vmem>>
    %dma_start3A_316 = arith.constant 1024 : i32
    %dma_start3A_317 = tpu.memref_slice %dma_start3A_315[%dma_start3A_316] : memref<1664xf32, #tpu.memory_space<vmem>> -> memref<128xf32, #tpu.memory_space<vmem>>
    %dma_start3A_318 = arith.constant 0 : i32
    %dma_start3A_319 = tpu.memref_slice %arg10[%dma_start3A_311, %dma_start3A_318] : memref<4x1664xi32, #tpu.memory_space<vmem>> -> memref<1x1664xi32, #tpu.memory_space<vmem>>
    %dma_start3A_320 = tpu.memref_squeeze %dma_start3A_319 : memref<1x1664xi32, #tpu.memory_space<vmem>> -> memref<1664xi32, #tpu.memory_space<vmem>>
    %dma_start3A_321 = arith.constant 1024 : i32
    %dma_start3A_322 = tpu.memref_slice %dma_start3A_320[%dma_start3A_321] : memref<1664xi32, #tpu.memory_space<vmem>> -> memref<128xi32, #tpu.memory_space<vmem>>
    %dma_start3A_323 = arith.constant 0 : i32
    %dma_start3A_324 = tpu.memref_slice %arg15[%dma_start3A_323] : memref<262144xf32, #tpu.memory_space<vmem_shared>> -> memref<262144xf32, #tpu.memory_space<vmem_shared>>
    tpu.enqueue_indirect_dma source(%dma_start3A_324 : memref<262144xf32, #tpu.memory_space<vmem_shared>>) target(%dma_start3A_317 : memref<128xf32, #tpu.memory_space<vmem>>) offsets(%dma_start3A_322 : memref<128xi32, #tpu.memory_space<vmem>>) semaphore(%arg19 : memref<!tpu.dma_semaphore, #tpu.memory_space<semaphore_mem>>)
    %dma_start3A_325 = arith.constant 0 : i32
    %dma_start3A_326 = arith.constant 0 : i32
    %dma_start3A_327 = arith.constant 0 : i32
    %dma_start3A_328 = tpu.memref_slice %arg11[%dma_start3A_326, %dma_start3A_327] : memref<4x1664xf32, #tpu.memory_space<vmem>> -> memref<1x1664xf32, #tpu.memory_space<vmem>>
    %dma_start3A_329 = tpu.memref_squeeze %dma_start3A_328 : memref<1x1664xf32, #tpu.memory_space<vmem>> -> memref<1664xf32, #tpu.memory_space<vmem>>
    %dma_start3A_330 = arith.constant 1152 : i32
    %dma_start3A_331 = tpu.memref_slice %dma_start3A_329[%dma_start3A_330] : memref<1664xf32, #tpu.memory_space<vmem>> -> memref<128xf32, #tpu.memory_space<vmem>>
    %dma_start3A_332 = arith.constant 0 : i32
    %dma_start3A_333 = tpu.memref_slice %arg10[%dma_start3A_325, %dma_start3A_332] : memref<4x1664xi32, #tpu.memory_space<vmem>> -> memref<1x1664xi32, #tpu.memory_space<vmem>>
    %dma_start3A_334 = tpu.memref_squeeze %dma_start3A_333 : memref<1x1664xi32, #tpu.memory_space<vmem>> -> memref<1664xi32, #tpu.memory_space<vmem>>
    %dma_start3A_335 = arith.constant 1152 : i32
    %dma_start3A_336 = tpu.memref_slice %dma_start3A_334[%dma_start3A_335] : memref<1664xi32, #tpu.memory_space<vmem>> -> memref<128xi32, #tpu.memory_space<vmem>>
    %dma_start3A_337 = arith.constant 0 : i32
    %dma_start3A_338 = tpu.memref_slice %arg15[%dma_start3A_337] : memref<262144xf32, #tpu.memory_space<vmem_shared>> -> memref<262144xf32, #tpu.memory_space<vmem_shared>>
    tpu.enqueue_indirect_dma source(%dma_start3A_338 : memref<262144xf32, #tpu.memory_space<vmem_shared>>) target(%dma_start3A_331 : memref<128xf32, #tpu.memory_space<vmem>>) offsets(%dma_start3A_336 : memref<128xi32, #tpu.memory_space<vmem>>) semaphore(%arg19 : memref<!tpu.dma_semaphore, #tpu.memory_space<semaphore_mem>>)
    %dma_start3A_339 = arith.constant 0 : i32
    %dma_start3A_340 = arith.constant 0 : i32
    %dma_start3A_341 = arith.constant 0 : i32
    %dma_start3A_342 = tpu.memref_slice %arg11[%dma_start3A_340, %dma_start3A_341] : memref<4x1664xf32, #tpu.memory_space<vmem>> -> memref<1x1664xf32, #tpu.memory_space<vmem>>
    %dma_start3A_343 = tpu.memref_squeeze %dma_start3A_342 : memref<1x1664xf32, #tpu.memory_space<vmem>> -> memref<1664xf32, #tpu.memory_space<vmem>>
    %dma_start3A_344 = arith.constant 1280 : i32
    %dma_start3A_345 = tpu.memref_slice %dma_start3A_343[%dma_start3A_344] : memref<1664xf32, #tpu.memory_space<vmem>> -> memref<128xf32, #tpu.memory_space<vmem>>
    %dma_start3A_346 = arith.constant 0 : i32
    %dma_start3A_347 = tpu.memref_slice %arg10[%dma_start3A_339, %dma_start3A_346] : memref<4x1664xi32, #tpu.memory_space<vmem>> -> memref<1x1664xi32, #tpu.memory_space<vmem>>
    %dma_start3A_348 = tpu.memref_squeeze %dma_start3A_347 : memref<1x1664xi32, #tpu.memory_space<vmem>> -> memref<1664xi32, #tpu.memory_space<vmem>>
    %dma_start3A_349 = arith.constant 1280 : i32
    %dma_start3A_350 = tpu.memref_slice %dma_start3A_348[%dma_start3A_349] : memref<1664xi32, #tpu.memory_space<vmem>> -> memref<128xi32, #tpu.memory_space<vmem>>
    %dma_start3A_351 = arith.constant 0 : i32
    %dma_start3A_352 = tpu.memref_slice %arg15[%dma_start3A_351] : memref<262144xf32, #tpu.memory_space<vmem_shared>> -> memref<262144xf32, #tpu.memory_space<vmem_shared>>
    tpu.enqueue_indirect_dma source(%dma_start3A_352 : memref<262144xf32, #tpu.memory_space<vmem_shared>>) target(%dma_start3A_345 : memref<128xf32, #tpu.memory_space<vmem>>) offsets(%dma_start3A_350 : memref<128xi32, #tpu.memory_space<vmem>>) semaphore(%arg19 : memref<!tpu.dma_semaphore, #tpu.memory_space<semaphore_mem>>)
    %dma_start3A_353 = arith.constant 0 : i32
    %dma_start3A_354 = arith.constant 0 : i32
    %dma_start3A_355 = arith.constant 0 : i32
    %dma_start3A_356 = tpu.memref_slice %arg11[%dma_start3A_354, %dma_start3A_355] : memref<4x1664xf32, #tpu.memory_space<vmem>> -> memref<1x1664xf32, #tpu.memory_space<vmem>>
    %dma_start3A_357 = tpu.memref_squeeze %dma_start3A_356 : memref<1x1664xf32, #tpu.memory_space<vmem>> -> memref<1664xf32, #tpu.memory_space<vmem>>
    %dma_start3A_358 = arith.constant 1408 : i32
    %dma_start3A_359 = tpu.memref_slice %dma_start3A_357[%dma_start3A_358] : memref<1664xf32, #tpu.memory_space<vmem>> -> memref<128xf32, #tpu.memory_space<vmem>>
    %dma_start3A_360 = arith.constant 0 : i32
    %dma_start3A_361 = tpu.memref_slice %arg10[%dma_start3A_353, %dma_start3A_360] : memref<4x1664xi32, #tpu.memory_space<vmem>> -> memref<1x1664xi32, #tpu.memory_space<vmem>>
    %dma_start3A_362 = tpu.memref_squeeze %dma_start3A_361 : memref<1x1664xi32, #tpu.memory_space<vmem>> -> memref<1664xi32, #tpu.memory_space<vmem>>
    %dma_start3A_363 = arith.constant 1408 : i32
    %dma_start3A_364 = tpu.memref_slice %dma_start3A_362[%dma_start3A_363] : memref<1664xi32, #tpu.memory_space<vmem>> -> memref<128xi32, #tpu.memory_space<vmem>>
    %dma_start3A_365 = arith.constant 0 : i32
    %dma_start3A_366 = tpu.memref_slice %arg15[%dma_start3A_365] : memref<262144xf32, #tpu.memory_space<vmem_shared>> -> memref<262144xf32, #tpu.memory_space<vmem_shared>>
    tpu.enqueue_indirect_dma source(%dma_start3A_366 : memref<262144xf32, #tpu.memory_space<vmem_shared>>) target(%dma_start3A_359 : memref<128xf32, #tpu.memory_space<vmem>>) offsets(%dma_start3A_364 : memref<128xi32, #tpu.memory_space<vmem>>) semaphore(%arg19 : memref<!tpu.dma_semaphore, #tpu.memory_space<semaphore_mem>>)
    %dma_start3A_367 = arith.constant 0 : i32
    %dma_start3A_368 = arith.constant 0 : i32
    %dma_start3A_369 = arith.constant 0 : i32
    %dma_start3A_370 = tpu.memref_slice %arg11[%dma_start3A_368, %dma_start3A_369] : memref<4x1664xf32, #tpu.memory_space<vmem>> -> memref<1x1664xf32, #tpu.memory_space<vmem>>
    %dma_start3A_371 = tpu.memref_squeeze %dma_start3A_370 : memref<1x1664xf32, #tpu.memory_space<vmem>> -> memref<1664xf32, #tpu.memory_space<vmem>>
    %dma_start3A_372 = arith.constant 1536 : i32
    %dma_start3A_373 = tpu.memref_slice %dma_start3A_371[%dma_start3A_372] : memref<1664xf32, #tpu.memory_space<vmem>> -> memref<128xf32, #tpu.memory_space<vmem>>
    %dma_start3A_374 = arith.constant 0 : i32
    %dma_start3A_375 = tpu.memref_slice %arg10[%dma_start3A_367, %dma_start3A_374] : memref<4x1664xi32, #tpu.memory_space<vmem>> -> memref<1x1664xi32, #tpu.memory_space<vmem>>
    %dma_start3A_376 = tpu.memref_squeeze %dma_start3A_375 : memref<1x1664xi32, #tpu.memory_space<vmem>> -> memref<1664xi32, #tpu.memory_space<vmem>>
    %dma_start3A_377 = arith.constant 1536 : i32
    %dma_start3A_378 = tpu.memref_slice %dma_start3A_376[%dma_start3A_377] : memref<1664xi32, #tpu.memory_space<vmem>> -> memref<128xi32, #tpu.memory_space<vmem>>
    %dma_start3A_379 = arith.constant 0 : i32
    %dma_start3A_380 = tpu.memref_slice %arg15[%dma_start3A_379] : memref<262144xf32, #tpu.memory_space<vmem_shared>> -> memref<262144xf32, #tpu.memory_space<vmem_shared>>
    tpu.enqueue_indirect_dma source(%dma_start3A_380 : memref<262144xf32, #tpu.memory_space<vmem_shared>>) target(%dma_start3A_373 : memref<128xf32, #tpu.memory_space<vmem>>) offsets(%dma_start3A_378 : memref<128xi32, #tpu.memory_space<vmem>>) semaphore(%arg19 : memref<!tpu.dma_semaphore, #tpu.memory_space<semaphore_mem>>)
    %dma_wait3A_381 = arith.constant 2 : i32
    %dma_wait3A_382 = arith.constant 0 : i32
    %dma_wait3A_383 = tpu.memref_slice %arg9[%dma_wait3A_381, %dma_wait3A_382] : memref<8x1664xi32, #tpu.memory_space<vmem>> -> memref<1x1664xi32, #tpu.memory_space<vmem>>
    %dma_wait3A_384 = tpu.memref_squeeze %dma_wait3A_383 : memref<1x1664xi32, #tpu.memory_space<vmem>> -> memref<1664xi32, #tpu.memory_space<vmem>>
    %dma_wait3A_385 = tpu.memref_slice %arg4[%add3A_31] : memref<212992xi32, #tpu.memory_space<hbm>> -> memref<1664xi32, #tpu.memory_space<hbm>>
    %dma_wait3A_386 = arith.constant 0 : i32
    %dma_wait3A_387 = tpu.memref_slice %arg9[%dma_wait3A_381, %dma_wait3A_386] : memref<8x1664xi32, #tpu.memory_space<vmem>> -> memref<1x1664xi32, #tpu.memory_space<vmem>>
    %dma_wait3A_388 = tpu.memref_squeeze %dma_wait3A_387 : memref<1x1664xi32, #tpu.memory_space<vmem>> -> memref<1664xi32, #tpu.memory_space<vmem>>
    %dma_wait3A_389 = tpu.memref_slice %arg4[%add3A_31] : memref<212992xi32, #tpu.memory_space<hbm>> -> memref<1664xi32, #tpu.memory_space<hbm>>
    tpu.wait_dma2 semaphore(%arg18 : memref<!tpu.dma_semaphore, #tpu.memory_space<semaphore_mem>>) src(%dma_wait3A_389 : memref<1664xi32, #tpu.memory_space<hbm>>) dst(%dma_wait3A_388 : memref<1664xi32, #tpu.memory_space<vmem>>)
    %dma_wait3A_390 = arith.constant 3 : i32
    %dma_wait3A_391 = arith.constant 0 : i32
    %dma_wait3A_392 = tpu.memref_slice %arg9[%dma_wait3A_390, %dma_wait3A_391] : memref<8x1664xi32, #tpu.memory_space<vmem>> -> memref<1x1664xi32, #tpu.memory_space<vmem>>
    %dma_wait3A_393 = tpu.memref_squeeze %dma_wait3A_392 : memref<1x1664xi32, #tpu.memory_space<vmem>> -> memref<1664xi32, #tpu.memory_space<vmem>>
    %dma_wait3A_394 = tpu.memref_slice %arg5[%add3A_31] : memref<212992xi32, #tpu.memory_space<hbm>> -> memref<1664xi32, #tpu.memory_space<hbm>>
    %dma_wait3A_395 = arith.constant 0 : i32
    %dma_wait3A_396 = tpu.memref_slice %arg9[%dma_wait3A_390, %dma_wait3A_395] : memref<8x1664xi32, #tpu.memory_space<vmem>> -> memref<1x1664xi32, #tpu.memory_space<vmem>>
    %dma_wait3A_397 = tpu.memref_squeeze %dma_wait3A_396 : memref<1x1664xi32, #tpu.memory_space<vmem>> -> memref<1664xi32, #tpu.memory_space<vmem>>
    %dma_wait3A_398 = tpu.memref_slice %arg5[%add3A_31] : memref<212992xi32, #tpu.memory_space<hbm>> -> memref<1664xi32, #tpu.memory_space<hbm>>
    tpu.wait_dma2 semaphore(%arg18 : memref<!tpu.dma_semaphore, #tpu.memory_space<semaphore_mem>>) src(%dma_wait3A_398 : memref<1664xi32, #tpu.memory_space<hbm>>) dst(%dma_wait3A_397 : memref<1664xi32, #tpu.memory_space<vmem>>)
    %scan3A_399 = arith.constant 0 : i32
    %scan3A_400 = arith.constant 2 : i32
    %scan3A_401 = arith.constant 3 : i32
    %scan3A_402 = arith.constant 1 : i32
    %scan3A_403 = arith.constant 0 : i32
    %scan3A_404 = arith.constant 52 : i32
    %scan3A_405 = arith.addi %scan3A_403, %scan3A_404 : i32
    %scan3A_406 = arith.constant 1 : i32
    scf.for %scan3A_2452 = %scan3A_403 to %scan3A_405 step %scan3A_406  : i32 {
      %mul3A_2453 = arith.constant 32 : i32
      %mul3A_2454 = arith.muli %scan3A_2452, %mul3A_2453 : i32
      %add3A_2455 = arith.constant 0 : i32
      %add3A_2456 = arith.addi %mul3A_2454, %add3A_2455 : i32
      %get3A = arith.constant 0 : i32
      %get3A_2457 = tpu.memref_slice %arg9[%scan3A_400, %get3A] : memref<8x1664xi32, #tpu.memory_space<vmem>> -> memref<1x1664xi32, #tpu.memory_space<vmem>>
      %get3A_2458 = tpu.memref_squeeze %get3A_2457 : memref<1x1664xi32, #tpu.memory_space<vmem>> -> memref<1664xi32, #tpu.memory_space<vmem>>
      %get3A_2459 = arith.index_cast %add3A_2456 : i32 to index
      %get3A_2460 = tpu.vector_load %get3A_2458[%get3A_2459] {strides = array<i32>} : memref<1664xi32, #tpu.memory_space<vmem>>, vector<16xi32>,
      %get3A_2461 = vector.shape_cast %get3A_2460 : vector<16xi32> to vector<16xi32>
      %get3A_2462 = arith.constant 0 : i32
      %get3A_2463 = tpu.memref_slice %arg9[%scan3A_401, %get3A_2462] : memref<8x1664xi32, #tpu.memory_space<vmem>> -> memref<1x1664xi32, #tpu.memory_space<vmem>>
      %get3A_2464 = tpu.memref_squeeze %get3A_2463 : memref<1x1664xi32, #tpu.memory_space<vmem>> -> memref<1664xi32, #tpu.memory_space<vmem>>
      %get3A_2465 = arith.index_cast %add3A_2456 : i32 to index
      %get3A_2466 = tpu.vector_load %get3A_2464[%get3A_2465] {strides = array<i32>} : memref<1664xi32, #tpu.memory_space<vmem>>, vector<16xi32>,
      %get3A_2467 = vector.shape_cast %get3A_2466 : vector<16xi32> to vector<16xi32>
      %mul3A_2468 = arith.constant 512 : i32
      %mul3A_2469 = vector.broadcast %mul3A_2468 : i32 to vector<16xi32>
      %mul3A_2470 = arith.muli %get3A_2461, %mul3A_2469 : vector<16xi32>
      %add3A_2471 = arith.addi %mul3A_2470, %get3A_2467 : vector<16xi32>
      %swap3A_2472 = arith.constant 0 : i32
      %swap3A_2473 = tpu.memref_slice %arg10[%scan3A_402, %swap3A_2472] : memref<4x1664xi32, #tpu.memory_space<vmem>> -> memref<1x1664xi32, #tpu.memory_space<vmem>>
      %swap3A_2474 = tpu.memref_squeeze %swap3A_2473 : memref<1x1664xi32, #tpu.memory_space<vmem>> -> memref<1664xi32, #tpu.memory_space<vmem>>
      %swap3A_2475 = arith.index_cast %add3A_2456 : i32 to index
      %swap3A_2476 = tpu.vector_load %swap3A_2474[%swap3A_2475] {strides = array<i32>} : memref<1664xi32, #tpu.memory_space<vmem>>, vector<16xi32>,
      %swap3A_2477 = vector.shape_cast %swap3A_2476 : vector<16xi32> to vector<16xi32>
      %swap3A_2478 = vector.shape_cast %add3A_2471 : vector<16xi32> to vector<16xi32>
      tpu.vector_store %swap3A_2474[%swap3A_2475], %swap3A_2478 {strides = array<i32>} : memref<1664xi32, #tpu.memory_space<vmem>>, vector<16xi32>,
      %mul3A_2479 = arith.constant 32 : i32
      %mul3A_2480 = arith.muli %scan3A_2452, %mul3A_2479 : i32
      %add3A_2481 = arith.constant 16 : i32
      %add3A_2482 = arith.addi %mul3A_2480, %add3A_2481 : i32
      %get3A_2483 = arith.constant 0 : i32
      %get3A_2484 = tpu.memref_slice %arg9[%scan3A_400, %get3A_2483] : memref<8x1664xi32, #tpu.memory_space<vmem>> -> memref<1x1664xi32, #tpu.memory_space<vmem>>
      %get3A_2485 = tpu.memref_squeeze %get3A_2484 : memref<1x1664xi32, #tpu.memory_space<vmem>> -> memref<1664xi32, #tpu.memory_space<vmem>>
      %get3A_2486 = arith.index_cast %add3A_2482 : i32 to index
      %get3A_2487 = tpu.vector_load %get3A_2485[%get3A_2486] {strides = array<i32>} : memref<1664xi32, #tpu.memory_space<vmem>>, vector<16xi32>,
      %get3A_2488 = vector.shape_cast %get3A_2487 : vector<16xi32> to vector<16xi32>
      %get3A_2489 = arith.constant 0 : i32
      %get3A_2490 = tpu.memref_slice %arg9[%scan3A_401, %get3A_2489] : memref<8x1664xi32, #tpu.memory_space<vmem>> -> memref<1x1664xi32, #tpu.memory_space<vmem>>
      %get3A_2491 = tpu.memref_squeeze %get3A_2490 : memref<1x1664xi32, #tpu.memory_space<vmem>> -> memref<1664xi32, #tpu.memory_space<vmem>>
      %get3A_2492 = arith.index_cast %add3A_2482 : i32 to index
      %get3A_2493 = tpu.vector_load %get3A_2491[%get3A_2492] {strides = array<i32>} : memref<1664xi32, #tpu.memory_space<vmem>>, vector<16xi32>,
      %get3A_2494 = vector.shape_cast %get3A_2493 : vector<16xi32> to vector<16xi32>
      %mul3A_2495 = arith.constant 512 : i32
      %mul3A_2496 = vector.broadcast %mul3A_2495 : i32 to vector<16xi32>
      %mul3A_2497 = arith.muli %get3A_2488, %mul3A_2496 : vector<16xi32>
      %add3A_2498 = arith.addi %mul3A_2497, %get3A_2494 : vector<16xi32>
      %swap3A_2499 = arith.constant 0 : i32
      %swap3A_2500 = tpu.memref_slice %arg10[%scan3A_402, %swap3A_2499] : memref<4x1664xi32, #tpu.memory_space<vmem>> -> memref<1x1664xi32, #tpu.memory_space<vmem>>
      %swap3A_2501 = tpu.memref_squeeze %swap3A_2500 : memref<1x1664xi32, #tpu.memory_space<vmem>> -> memref<1664xi32, #tpu.memory_space<vmem>>
      %swap3A_2502 = arith.index_cast %add3A_2482 : i32 to index
      %swap3A_2503 = tpu.vector_load %swap3A_2501[%swap3A_2502] {strides = array<i32>} : memref<1664xi32, #tpu.memory_space<vmem>>, vector<16xi32>,
      %swap3A_2504 = vector.shape_cast %swap3A_2503 : vector<16xi32> to vector<16xi32>
      %swap3A_2505 = vector.shape_cast %add3A_2498 : vector<16xi32> to vector<16xi32>
      tpu.vector_store %swap3A_2501[%swap3A_2502], %swap3A_2505 {strides = array<i32>} : memref<1664xi32, #tpu.memory_space<vmem>>, vector<16xi32>,
    }
    %scan3A_407 = arith.constant 52 : i32
    %dma_start3A_408 = arith.constant 1 : i32
    %dma_start3A_409 = arith.constant 1 : i32
    %dma_start3A_410 = arith.constant 0 : i32
    %dma_start3A_411 = tpu.memref_slice %arg11[%dma_start3A_409, %dma_start3A_410] : memref<4x1664xf32, #tpu.memory_space<vmem>> -> memref<1x1664xf32, #tpu.memory_space<vmem>>
    %dma_start3A_412 = tpu.memref_squeeze %dma_start3A_411 : memref<1x1664xf32, #tpu.memory_space<vmem>> -> memref<1664xf32, #tpu.memory_space<vmem>>
    %dma_start3A_413 = arith.constant 0 : i32
    %dma_start3A_414 = tpu.memref_slice %dma_start3A_412[%dma_start3A_413] : memref<1664xf32, #tpu.memory_space<vmem>> -> memref<128xf32, #tpu.memory_space<vmem>>
    %dma_start3A_415 = arith.constant 0 : i32
    %dma_start3A_416 = tpu.memref_slice %arg10[%dma_start3A_408, %dma_start3A_415] : memref<4x1664xi32, #tpu.memory_space<vmem>> -> memref<1x1664xi32, #tpu.memory_space<vmem>>
    %dma_start3A_417 = tpu.memref_squeeze %dma_start3A_416 : memref<1x1664xi32, #tpu.memory_space<vmem>> -> memref<1664xi32, #tpu.memory_space<vmem>>
    %dma_start3A_418 = arith.constant 0 : i32
    %dma_start3A_419 = tpu.memref_slice %dma_start3A_417[%dma_start3A_418] : memref<1664xi32, #tpu.memory_space<vmem>> -> memref<128xi32, #tpu.memory_space<vmem>>
    %dma_start3A_420 = arith.constant 0 : i32
    %dma_start3A_421 = tpu.memref_slice %arg16[%dma_start3A_420] : memref<262144xf32, #tpu.memory_space<vmem_shared>> -> memref<262144xf32, #tpu.memory_space<vmem_shared>>
    tpu.enqueue_indirect_dma source(%dma_start3A_421 : memref<262144xf32, #tpu.memory_space<vmem_shared>>) target(%dma_start3A_414 : memref<128xf32, #tpu.memory_space<vmem>>) offsets(%dma_start3A_419 : memref<128xi32, #tpu.memory_space<vmem>>) semaphore(%arg19 : memref<!tpu.dma_semaphore, #tpu.memory_space<semaphore_mem>>)
    %dma_start3A_422 = arith.constant 1 : i32
    %dma_start3A_423 = arith.constant 1 : i32
    %dma_start3A_424 = arith.constant 0 : i32
    %dma_start3A_425 = tpu.memref_slice %arg11[%dma_start3A_423, %dma_start3A_424] : memref<4x1664xf32, #tpu.memory_space<vmem>> -> memref<1x1664xf32, #tpu.memory_space<vmem>>
    %dma_start3A_426 = tpu.memref_squeeze %dma_start3A_425 : memref<1x1664xf32, #tpu.memory_space<vmem>> -> memref<1664xf32, #tpu.memory_space<vmem>>
    %dma_start3A_427 = arith.constant 128 : i32
    %dma_start3A_428 = tpu.memref_slice %dma_start3A_426[%dma_start3A_427] : memref<1664xf32, #tpu.memory_space<vmem>> -> memref<128xf32, #tpu.memory_space<vmem>>
    %dma_start3A_429 = arith.constant 0 : i32
    %dma_start3A_430 = tpu.memref_slice %arg10[%dma_start3A_422, %dma_start3A_429] : memref<4x1664xi32, #tpu.memory_space<vmem>> -> memref<1x1664xi32, #tpu.memory_space<vmem>>
    %dma_start3A_431 = tpu.memref_squeeze %dma_start3A_430 : memref<1x1664xi32, #tpu.memory_space<vmem>> -> memref<1664xi32, #tpu.memory_space<vmem>>
    %dma_start3A_432 = arith.constant 128 : i32
    %dma_start3A_433 = tpu.memref_slice %dma_start3A_431[%dma_start3A_432] : memref<1664xi32, #tpu.memory_space<vmem>> -> memref<128xi32, #tpu.memory_space<vmem>>
    %dma_start3A_434 = arith.constant 0 : i32
    %dma_start3A_435 = tpu.memref_slice %arg16[%dma_start3A_434] : memref<262144xf32, #tpu.memory_space<vmem_shared>> -> memref<262144xf32, #tpu.memory_space<vmem_shared>>
    tpu.enqueue_indirect_dma source(%dma_start3A_435 : memref<262144xf32, #tpu.memory_space<vmem_shared>>) target(%dma_start3A_428 : memref<128xf32, #tpu.memory_space<vmem>>) offsets(%dma_start3A_433 : memref<128xi32, #tpu.memory_space<vmem>>) semaphore(%arg19 : memref<!tpu.dma_semaphore, #tpu.memory_space<semaphore_mem>>)
    %dma_start3A_436 = arith.constant 1 : i32
    %dma_start3A_437 = arith.constant 1 : i32
    %dma_start3A_438 = arith.constant 0 : i32
    %dma_start3A_439 = tpu.memref_slice %arg11[%dma_start3A_437, %dma_start3A_438] : memref<4x1664xf32, #tpu.memory_space<vmem>> -> memref<1x1664xf32, #tpu.memory_space<vmem>>
    %dma_start3A_440 = tpu.memref_squeeze %dma_start3A_439 : memref<1x1664xf32, #tpu.memory_space<vmem>> -> memref<1664xf32, #tpu.memory_space<vmem>>
    %dma_start3A_441 = arith.constant 256 : i32
    %dma_start3A_442 = tpu.memref_slice %dma_start3A_440[%dma_start3A_441] : memref<1664xf32, #tpu.memory_space<vmem>> -> memref<128xf32, #tpu.memory_space<vmem>>
    %dma_start3A_443 = arith.constant 0 : i32
    %dma_start3A_444 = tpu.memref_slice %arg10[%dma_start3A_436, %dma_start3A_443] : memref<4x1664xi32, #tpu.memory_space<vmem>> -> memref<1x1664xi32, #tpu.memory_space<vmem>>
    %dma_start3A_445 = tpu.memref_squeeze %dma_start3A_444 : memref<1x1664xi32, #tpu.memory_space<vmem>> -> memref<1664xi32, #tpu.memory_space<vmem>>
    %dma_start3A_446 = arith.constant 256 : i32
    %dma_start3A_447 = tpu.memref_slice %dma_start3A_445[%dma_start3A_446] : memref<1664xi32, #tpu.memory_space<vmem>> -> memref<128xi32, #tpu.memory_space<vmem>>
    %dma_start3A_448 = arith.constant 0 : i32
    %dma_start3A_449 = tpu.memref_slice %arg16[%dma_start3A_448] : memref<262144xf32, #tpu.memory_space<vmem_shared>> -> memref<262144xf32, #tpu.memory_space<vmem_shared>>
    tpu.enqueue_indirect_dma source(%dma_start3A_449 : memref<262144xf32, #tpu.memory_space<vmem_shared>>) target(%dma_start3A_442 : memref<128xf32, #tpu.memory_space<vmem>>) offsets(%dma_start3A_447 : memref<128xi32, #tpu.memory_space<vmem>>) semaphore(%arg19 : memref<!tpu.dma_semaphore, #tpu.memory_space<semaphore_mem>>)
    %dma_start3A_450 = arith.constant 1 : i32
    %dma_start3A_451 = arith.constant 1 : i32
    %dma_start3A_452 = arith.constant 0 : i32
    %dma_start3A_453 = tpu.memref_slice %arg11[%dma_start3A_451, %dma_start3A_452] : memref<4x1664xf32, #tpu.memory_space<vmem>> -> memref<1x1664xf32, #tpu.memory_space<vmem>>
    %dma_start3A_454 = tpu.memref_squeeze %dma_start3A_453 : memref<1x1664xf32, #tpu.memory_space<vmem>> -> memref<1664xf32, #tpu.memory_space<vmem>>
    %dma_start3A_455 = arith.constant 384 : i32
    %dma_start3A_456 = tpu.memref_slice %dma_start3A_454[%dma_start3A_455] : memref<1664xf32, #tpu.memory_space<vmem>> -> memref<128xf32, #tpu.memory_space<vmem>>
    %dma_start3A_457 = arith.constant 0 : i32
    %dma_start3A_458 = tpu.memref_slice %arg10[%dma_start3A_450, %dma_start3A_457] : memref<4x1664xi32, #tpu.memory_space<vmem>> -> memref<1x1664xi32, #tpu.memory_space<vmem>>
    %dma_start3A_459 = tpu.memref_squeeze %dma_start3A_458 : memref<1x1664xi32, #tpu.memory_space<vmem>> -> memref<1664xi32, #tpu.memory_space<vmem>>
    %dma_start3A_460 = arith.constant 384 : i32
    %dma_start3A_461 = tpu.memref_slice %dma_start3A_459[%dma_start3A_460] : memref<1664xi32, #tpu.memory_space<vmem>> -> memref<128xi32, #tpu.memory_space<vmem>>
    %dma_start3A_462 = arith.constant 0 : i32
    %dma_start3A_463 = tpu.memref_slice %arg16[%dma_start3A_462] : memref<262144xf32, #tpu.memory_space<vmem_shared>> -> memref<262144xf32, #tpu.memory_space<vmem_shared>>
    tpu.enqueue_indirect_dma source(%dma_start3A_463 : memref<262144xf32, #tpu.memory_space<vmem_shared>>) target(%dma_start3A_456 : memref<128xf32, #tpu.memory_space<vmem>>) offsets(%dma_start3A_461 : memref<128xi32, #tpu.memory_space<vmem>>) semaphore(%arg19 : memref<!tpu.dma_semaphore, #tpu.memory_space<semaphore_mem>>)
    %dma_start3A_464 = arith.constant 1 : i32
    %dma_start3A_465 = arith.constant 1 : i32
    %dma_start3A_466 = arith.constant 0 : i32
    %dma_start3A_467 = tpu.memref_slice %arg11[%dma_start3A_465, %dma_start3A_466] : memref<4x1664xf32, #tpu.memory_space<vmem>> -> memref<1x1664xf32, #tpu.memory_space<vmem>>
    %dma_start3A_468 = tpu.memref_squeeze %dma_start3A_467 : memref<1x1664xf32, #tpu.memory_space<vmem>> -> memref<1664xf32, #tpu.memory_space<vmem>>
    %dma_start3A_469 = arith.constant 512 : i32
    %dma_start3A_470 = tpu.memref_slice %dma_start3A_468[%dma_start3A_469] : memref<1664xf32, #tpu.memory_space<vmem>> -> memref<128xf32, #tpu.memory_space<vmem>>
    %dma_start3A_471 = arith.constant 0 : i32
    %dma_start3A_472 = tpu.memref_slice %arg10[%dma_start3A_464, %dma_start3A_471] : memref<4x1664xi32, #tpu.memory_space<vmem>> -> memref<1x1664xi32, #tpu.memory_space<vmem>>
    %dma_start3A_473 = tpu.memref_squeeze %dma_start3A_472 : memref<1x1664xi32, #tpu.memory_space<vmem>> -> memref<1664xi32, #tpu.memory_space<vmem>>
    %dma_start3A_474 = arith.constant 512 : i32
    %dma_start3A_475 = tpu.memref_slice %dma_start3A_473[%dma_start3A_474] : memref<1664xi32, #tpu.memory_space<vmem>> -> memref<128xi32, #tpu.memory_space<vmem>>
    %dma_start3A_476 = arith.constant 0 : i32
    %dma_start3A_477 = tpu.memref_slice %arg16[%dma_start3A_476] : memref<262144xf32, #tpu.memory_space<vmem_shared>> -> memref<262144xf32, #tpu.memory_space<vmem_shared>>
    tpu.enqueue_indirect_dma source(%dma_start3A_477 : memref<262144xf32, #tpu.memory_space<vmem_shared>>) target(%dma_start3A_470 : memref<128xf32, #tpu.memory_space<vmem>>) offsets(%dma_start3A_475 : memref<128xi32, #tpu.memory_space<vmem>>) semaphore(%arg19 : memref<!tpu.dma_semaphore, #tpu.memory_space<semaphore_mem>>)
    %dma_start3A_478 = arith.constant 1 : i32
    %dma_start3A_479 = arith.constant 1 : i32
    %dma_start3A_480 = arith.constant 0 : i32
    %dma_start3A_481 = tpu.memref_slice %arg11[%dma_start3A_479, %dma_start3A_480] : memref<4x1664xf32, #tpu.memory_space<vmem>> -> memref<1x1664xf32, #tpu.memory_space<vmem>>
    %dma_start3A_482 = tpu.memref_squeeze %dma_start3A_481 : memref<1x1664xf32, #tpu.memory_space<vmem>> -> memref<1664xf32, #tpu.memory_space<vmem>>
    %dma_start3A_483 = arith.constant 640 : i32
    %dma_start3A_484 = tpu.memref_slice %dma_start3A_482[%dma_start3A_483] : memref<1664xf32, #tpu.memory_space<vmem>> -> memref<128xf32, #tpu.memory_space<vmem>>
    %dma_start3A_485 = arith.constant 0 : i32
    %dma_start3A_486 = tpu.memref_slice %arg10[%dma_start3A_478, %dma_start3A_485] : memref<4x1664xi32, #tpu.memory_space<vmem>> -> memref<1x1664xi32, #tpu.memory_space<vmem>>
    %dma_start3A_487 = tpu.memref_squeeze %dma_start3A_486 : memref<1x1664xi32, #tpu.memory_space<vmem>> -> memref<1664xi32, #tpu.memory_space<vmem>>
    %dma_start3A_488 = arith.constant 640 : i32
    %dma_start3A_489 = tpu.memref_slice %dma_start3A_487[%dma_start3A_488] : memref<1664xi32, #tpu.memory_space<vmem>> -> memref<128xi32, #tpu.memory_space<vmem>>
    %dma_start3A_490 = arith.constant 0 : i32
    %dma_start3A_491 = tpu.memref_slice %arg16[%dma_start3A_490] : memref<262144xf32, #tpu.memory_space<vmem_shared>> -> memref<262144xf32, #tpu.memory_space<vmem_shared>>
    tpu.enqueue_indirect_dma source(%dma_start3A_491 : memref<262144xf32, #tpu.memory_space<vmem_shared>>) target(%dma_start3A_484 : memref<128xf32, #tpu.memory_space<vmem>>) offsets(%dma_start3A_489 : memref<128xi32, #tpu.memory_space<vmem>>) semaphore(%arg19 : memref<!tpu.dma_semaphore, #tpu.memory_space<semaphore_mem>>)
    %dma_start3A_492 = arith.constant 1 : i32
    %dma_start3A_493 = arith.constant 1 : i32
    %dma_start3A_494 = arith.constant 0 : i32
    %dma_start3A_495 = tpu.memref_slice %arg11[%dma_start3A_493, %dma_start3A_494] : memref<4x1664xf32, #tpu.memory_space<vmem>> -> memref<1x1664xf32, #tpu.memory_space<vmem>>
    %dma_start3A_496 = tpu.memref_squeeze %dma_start3A_495 : memref<1x1664xf32, #tpu.memory_space<vmem>> -> memref<1664xf32, #tpu.memory_space<vmem>>
    %dma_start3A_497 = arith.constant 768 : i32
    %dma_start3A_498 = tpu.memref_slice %dma_start3A_496[%dma_start3A_497] : memref<1664xf32, #tpu.memory_space<vmem>> -> memref<128xf32, #tpu.memory_space<vmem>>
    %dma_start3A_499 = arith.constant 0 : i32
    %dma_start3A_500 = tpu.memref_slice %arg10[%dma_start3A_492, %dma_start3A_499] : memref<4x1664xi32, #tpu.memory_space<vmem>> -> memref<1x1664xi32, #tpu.memory_space<vmem>>
    %dma_start3A_501 = tpu.memref_squeeze %dma_start3A_500 : memref<1x1664xi32, #tpu.memory_space<vmem>> -> memref<1664xi32, #tpu.memory_space<vmem>>
    %dma_start3A_502 = arith.constant 768 : i32
    %dma_start3A_503 = tpu.memref_slice %dma_start3A_501[%dma_start3A_502] : memref<1664xi32, #tpu.memory_space<vmem>> -> memref<128xi32, #tpu.memory_space<vmem>>
    %dma_start3A_504 = arith.constant 0 : i32
    %dma_start3A_505 = tpu.memref_slice %arg16[%dma_start3A_504] : memref<262144xf32, #tpu.memory_space<vmem_shared>> -> memref<262144xf32, #tpu.memory_space<vmem_shared>>
    tpu.enqueue_indirect_dma source(%dma_start3A_505 : memref<262144xf32, #tpu.memory_space<vmem_shared>>) target(%dma_start3A_498 : memref<128xf32, #tpu.memory_space<vmem>>) offsets(%dma_start3A_503 : memref<128xi32, #tpu.memory_space<vmem>>) semaphore(%arg19 : memref<!tpu.dma_semaphore, #tpu.memory_space<semaphore_mem>>)
    %dma_start3A_506 = arith.constant 1 : i32
    %dma_start3A_507 = arith.constant 1 : i32
    %dma_start3A_508 = arith.constant 0 : i32
    %dma_start3A_509 = tpu.memref_slice %arg11[%dma_start3A_507, %dma_start3A_508] : memref<4x1664xf32, #tpu.memory_space<vmem>> -> memref<1x1664xf32, #tpu.memory_space<vmem>>
    %dma_start3A_510 = tpu.memref_squeeze %dma_start3A_509 : memref<1x1664xf32, #tpu.memory_space<vmem>> -> memref<1664xf32, #tpu.memory_space<vmem>>
    %dma_start3A_511 = arith.constant 896 : i32
    %dma_start3A_512 = tpu.memref_slice %dma_start3A_510[%dma_start3A_511] : memref<1664xf32, #tpu.memory_space<vmem>> -> memref<128xf32, #tpu.memory_space<vmem>>
    %dma_start3A_513 = arith.constant 0 : i32
    %dma_start3A_514 = tpu.memref_slice %arg10[%dma_start3A_506, %dma_start3A_513] : memref<4x1664xi32, #tpu.memory_space<vmem>> -> memref<1x1664xi32, #tpu.memory_space<vmem>>
    %dma_start3A_515 = tpu.memref_squeeze %dma_start3A_514 : memref<1x1664xi32, #tpu.memory_space<vmem>> -> memref<1664xi32, #tpu.memory_space<vmem>>
    %dma_start3A_516 = arith.constant 896 : i32
    %dma_start3A_517 = tpu.memref_slice %dma_start3A_515[%dma_start3A_516] : memref<1664xi32, #tpu.memory_space<vmem>> -> memref<128xi32, #tpu.memory_space<vmem>>
    %dma_start3A_518 = arith.constant 0 : i32
    %dma_start3A_519 = tpu.memref_slice %arg16[%dma_start3A_518] : memref<262144xf32, #tpu.memory_space<vmem_shared>> -> memref<262144xf32, #tpu.memory_space<vmem_shared>>
    tpu.enqueue_indirect_dma source(%dma_start3A_519 : memref<262144xf32, #tpu.memory_space<vmem_shared>>) target(%dma_start3A_512 : memref<128xf32, #tpu.memory_space<vmem>>) offsets(%dma_start3A_517 : memref<128xi32, #tpu.memory_space<vmem>>) semaphore(%arg19 : memref<!tpu.dma_semaphore, #tpu.memory_space<semaphore_mem>>)
    %dma_start3A_520 = arith.constant 1 : i32
    %dma_start3A_521 = arith.constant 1 : i32
    %dma_start3A_522 = arith.constant 0 : i32
    %dma_start3A_523 = tpu.memref_slice %arg11[%dma_start3A_521, %dma_start3A_522] : memref<4x1664xf32, #tpu.memory_space<vmem>> -> memref<1x1664xf32, #tpu.memory_space<vmem>>
    %dma_start3A_524 = tpu.memref_squeeze %dma_start3A_523 : memref<1x1664xf32, #tpu.memory_space<vmem>> -> memref<1664xf32, #tpu.memory_space<vmem>>
    %dma_start3A_525 = arith.constant 1024 : i32
    %dma_start3A_526 = tpu.memref_slice %dma_start3A_524[%dma_start3A_525] : memref<1664xf32, #tpu.memory_space<vmem>> -> memref<128xf32, #tpu.memory_space<vmem>>
    %dma_start3A_527 = arith.constant 0 : i32
    %dma_start3A_528 = tpu.memref_slice %arg10[%dma_start3A_520, %dma_start3A_527] : memref<4x1664xi32, #tpu.memory_space<vmem>> -> memref<1x1664xi32, #tpu.memory_space<vmem>>
    %dma_start3A_529 = tpu.memref_squeeze %dma_start3A_528 : memref<1x1664xi32, #tpu.memory_space<vmem>> -> memref<1664xi32, #tpu.memory_space<vmem>>
    %dma_start3A_530 = arith.constant 1024 : i32
    %dma_start3A_531 = tpu.memref_slice %dma_start3A_529[%dma_start3A_530] : memref<1664xi32, #tpu.memory_space<vmem>> -> memref<128xi32, #tpu.memory_space<vmem>>
    %dma_start3A_532 = arith.constant 0 : i32
    %dma_start3A_533 = tpu.memref_slice %arg16[%dma_start3A_532] : memref<262144xf32, #tpu.memory_space<vmem_shared>> -> memref<262144xf32, #tpu.memory_space<vmem_shared>>
    tpu.enqueue_indirect_dma source(%dma_start3A_533 : memref<262144xf32, #tpu.memory_space<vmem_shared>>) target(%dma_start3A_526 : memref<128xf32, #tpu.memory_space<vmem>>) offsets(%dma_start3A_531 : memref<128xi32, #tpu.memory_space<vmem>>) semaphore(%arg19 : memref<!tpu.dma_semaphore, #tpu.memory_space<semaphore_mem>>)
    %dma_start3A_534 = arith.constant 1 : i32
    %dma_start3A_535 = arith.constant 1 : i32
    %dma_start3A_536 = arith.constant 0 : i32
    %dma_start3A_537 = tpu.memref_slice %arg11[%dma_start3A_535, %dma_start3A_536] : memref<4x1664xf32, #tpu.memory_space<vmem>> -> memref<1x1664xf32, #tpu.memory_space<vmem>>
    %dma_start3A_538 = tpu.memref_squeeze %dma_start3A_537 : memref<1x1664xf32, #tpu.memory_space<vmem>> -> memref<1664xf32, #tpu.memory_space<vmem>>
    %dma_start3A_539 = arith.constant 1152 : i32
    %dma_start3A_540 = tpu.memref_slice %dma_start3A_538[%dma_start3A_539] : memref<1664xf32, #tpu.memory_space<vmem>> -> memref<128xf32, #tpu.memory_space<vmem>>
    %dma_start3A_541 = arith.constant 0 : i32
    %dma_start3A_542 = tpu.memref_slice %arg10[%dma_start3A_534, %dma_start3A_541] : memref<4x1664xi32, #tpu.memory_space<vmem>> -> memref<1x1664xi32, #tpu.memory_space<vmem>>
    %dma_start3A_543 = tpu.memref_squeeze %dma_start3A_542 : memref<1x1664xi32, #tpu.memory_space<vmem>> -> memref<1664xi32, #tpu.memory_space<vmem>>
    %dma_start3A_544 = arith.constant 1152 : i32
    %dma_start3A_545 = tpu.memref_slice %dma_start3A_543[%dma_start3A_544] : memref<1664xi32, #tpu.memory_space<vmem>> -> memref<128xi32, #tpu.memory_space<vmem>>
    %dma_start3A_546 = arith.constant 0 : i32
    %dma_start3A_547 = tpu.memref_slice %arg16[%dma_start3A_546] : memref<262144xf32, #tpu.memory_space<vmem_shared>> -> memref<262144xf32, #tpu.memory_space<vmem_shared>>
    tpu.enqueue_indirect_dma source(%dma_start3A_547 : memref<262144xf32, #tpu.memory_space<vmem_shared>>) target(%dma_start3A_540 : memref<128xf32, #tpu.memory_space<vmem>>) offsets(%dma_start3A_545 : memref<128xi32, #tpu.memory_space<vmem>>) semaphore(%arg19 : memref<!tpu.dma_semaphore, #tpu.memory_space<semaphore_mem>>)
    %dma_start3A_548 = arith.constant 1 : i32
    %dma_start3A_549 = arith.constant 1 : i32
    %dma_start3A_550 = arith.constant 0 : i32
    %dma_start3A_551 = tpu.memref_slice %arg11[%dma_start3A_549, %dma_start3A_550] : memref<4x1664xf32, #tpu.memory_space<vmem>> -> memref<1x1664xf32, #tpu.memory_space<vmem>>
    %dma_start3A_552 = tpu.memref_squeeze %dma_start3A_551 : memref<1x1664xf32, #tpu.memory_space<vmem>> -> memref<1664xf32, #tpu.memory_space<vmem>>
    %dma_start3A_553 = arith.constant 1280 : i32
    %dma_start3A_554 = tpu.memref_slice %dma_start3A_552[%dma_start3A_553] : memref<1664xf32, #tpu.memory_space<vmem>> -> memref<128xf32, #tpu.memory_space<vmem>>
    %dma_start3A_555 = arith.constant 0 : i32
    %dma_start3A_556 = tpu.memref_slice %arg10[%dma_start3A_548, %dma_start3A_555] : memref<4x1664xi32, #tpu.memory_space<vmem>> -> memref<1x1664xi32, #tpu.memory_space<vmem>>
    %dma_start3A_557 = tpu.memref_squeeze %dma_start3A_556 : memref<1x1664xi32, #tpu.memory_space<vmem>> -> memref<1664xi32, #tpu.memory_space<vmem>>
    %dma_start3A_558 = arith.constant 1280 : i32
    %dma_start3A_559 = tpu.memref_slice %dma_start3A_557[%dma_start3A_558] : memref<1664xi32, #tpu.memory_space<vmem>> -> memref<128xi32, #tpu.memory_space<vmem>>
    %dma_start3A_560 = arith.constant 0 : i32
    %dma_start3A_561 = tpu.memref_slice %arg16[%dma_start3A_560] : memref<262144xf32, #tpu.memory_space<vmem_shared>> -> memref<262144xf32, #tpu.memory_space<vmem_shared>>
    tpu.enqueue_indirect_dma source(%dma_start3A_561 : memref<262144xf32, #tpu.memory_space<vmem_shared>>) target(%dma_start3A_554 : memref<128xf32, #tpu.memory_space<vmem>>) offsets(%dma_start3A_559 : memref<128xi32, #tpu.memory_space<vmem>>) semaphore(%arg19 : memref<!tpu.dma_semaphore, #tpu.memory_space<semaphore_mem>>)
    %dma_start3A_562 = arith.constant 1 : i32
    %dma_start3A_563 = arith.constant 1 : i32
    %dma_start3A_564 = arith.constant 0 : i32
    %dma_start3A_565 = tpu.memref_slice %arg11[%dma_start3A_563, %dma_start3A_564] : memref<4x1664xf32, #tpu.memory_space<vmem>> -> memref<1x1664xf32, #tpu.memory_space<vmem>>
    %dma_start3A_566 = tpu.memref_squeeze %dma_start3A_565 : memref<1x1664xf32, #tpu.memory_space<vmem>> -> memref<1664xf32, #tpu.memory_space<vmem>>
    %dma_start3A_567 = arith.constant 1408 : i32
    %dma_start3A_568 = tpu.memref_slice %dma_start3A_566[%dma_start3A_567] : memref<1664xf32, #tpu.memory_space<vmem>> -> memref<128xf32, #tpu.memory_space<vmem>>
    %dma_start3A_569 = arith.constant 0 : i32
    %dma_start3A_570 = tpu.memref_slice %arg10[%dma_start3A_562, %dma_start3A_569] : memref<4x1664xi32, #tpu.memory_space<vmem>> -> memref<1x1664xi32, #tpu.memory_space<vmem>>
    %dma_start3A_571 = tpu.memref_squeeze %dma_start3A_570 : memref<1x1664xi32, #tpu.memory_space<vmem>> -> memref<1664xi32, #tpu.memory_space<vmem>>
    %dma_start3A_572 = arith.constant 1408 : i32
    %dma_start3A_573 = tpu.memref_slice %dma_start3A_571[%dma_start3A_572] : memref<1664xi32, #tpu.memory_space<vmem>> -> memref<128xi32, #tpu.memory_space<vmem>>
    %dma_start3A_574 = arith.constant 0 : i32
    %dma_start3A_575 = tpu.memref_slice %arg16[%dma_start3A_574] : memref<262144xf32, #tpu.memory_space<vmem_shared>> -> memref<262144xf32, #tpu.memory_space<vmem_shared>>
    tpu.enqueue_indirect_dma source(%dma_start3A_575 : memref<262144xf32, #tpu.memory_space<vmem_shared>>) target(%dma_start3A_568 : memref<128xf32, #tpu.memory_space<vmem>>) offsets(%dma_start3A_573 : memref<128xi32, #tpu.memory_space<vmem>>) semaphore(%arg19 : memref<!tpu.dma_semaphore, #tpu.memory_space<semaphore_mem>>)
    %dma_start3A_576 = arith.constant 1 : i32
    %dma_start3A_577 = arith.constant 1 : i32
    %dma_start3A_578 = arith.constant 0 : i32
    %dma_start3A_579 = tpu.memref_slice %arg11[%dma_start3A_577, %dma_start3A_578] : memref<4x1664xf32, #tpu.memory_space<vmem>> -> memref<1x1664xf32, #tpu.memory_space<vmem>>
    %dma_start3A_580 = tpu.memref_squeeze %dma_start3A_579 : memref<1x1664xf32, #tpu.memory_space<vmem>> -> memref<1664xf32, #tpu.memory_space<vmem>>
    %dma_start3A_581 = arith.constant 1536 : i32
    %dma_start3A_582 = tpu.memref_slice %dma_start3A_580[%dma_start3A_581] : memref<1664xf32, #tpu.memory_space<vmem>> -> memref<128xf32, #tpu.memory_space<vmem>>
    %dma_start3A_583 = arith.constant 0 : i32
    %dma_start3A_584 = tpu.memref_slice %arg10[%dma_start3A_576, %dma_start3A_583] : memref<4x1664xi32, #tpu.memory_space<vmem>> -> memref<1x1664xi32, #tpu.memory_space<vmem>>
    %dma_start3A_585 = tpu.memref_squeeze %dma_start3A_584 : memref<1x1664xi32, #tpu.memory_space<vmem>> -> memref<1664xi32, #tpu.memory_space<vmem>>
    %dma_start3A_586 = arith.constant 1536 : i32
    %dma_start3A_587 = tpu.memref_slice %dma_start3A_585[%dma_start3A_586] : memref<1664xi32, #tpu.memory_space<vmem>> -> memref<128xi32, #tpu.memory_space<vmem>>
    %dma_start3A_588 = arith.constant 0 : i32
    %dma_start3A_589 = tpu.memref_slice %arg16[%dma_start3A_588] : memref<262144xf32, #tpu.memory_space<vmem_shared>> -> memref<262144xf32, #tpu.memory_space<vmem_shared>>
    tpu.enqueue_indirect_dma source(%dma_start3A_589 : memref<262144xf32, #tpu.memory_space<vmem_shared>>) target(%dma_start3A_582 : memref<128xf32, #tpu.memory_space<vmem>>) offsets(%dma_start3A_587 : memref<128xi32, #tpu.memory_space<vmem>>) semaphore(%arg19 : memref<!tpu.dma_semaphore, #tpu.memory_space<semaphore_mem>>)
    %dma_wait3A_590 = arith.constant 4 : i32
    %dma_wait3A_591 = arith.constant 0 : i32
    %dma_wait3A_592 = tpu.memref_slice %arg9[%dma_wait3A_590, %dma_wait3A_591] : memref<8x1664xi32, #tpu.memory_space<vmem>> -> memref<1x1664xi32, #tpu.memory_space<vmem>>
    %dma_wait3A_593 = tpu.memref_squeeze %dma_wait3A_592 : memref<1x1664xi32, #tpu.memory_space<vmem>> -> memref<1664xi32, #tpu.memory_space<vmem>>
    %dma_wait3A_594 = tpu.memref_slice %arg4[%add3A_51] : memref<212992xi32, #tpu.memory_space<hbm>> -> memref<1664xi32, #tpu.memory_space<hbm>>
    %dma_wait3A_595 = arith.constant 0 : i32
    %dma_wait3A_596 = tpu.memref_slice %arg9[%dma_wait3A_590, %dma_wait3A_595] : memref<8x1664xi32, #tpu.memory_space<vmem>> -> memref<1x1664xi32, #tpu.memory_space<vmem>>
    %dma_wait3A_597 = tpu.memref_squeeze %dma_wait3A_596 : memref<1x1664xi32, #tpu.memory_space<vmem>> -> memref<1664xi32, #tpu.memory_space<vmem>>
    %dma_wait3A_598 = tpu.memref_slice %arg4[%add3A_51] : memref<212992xi32, #tpu.memory_space<hbm>> -> memref<1664xi32, #tpu.memory_space<hbm>>
    tpu.wait_dma2 semaphore(%arg18 : memref<!tpu.dma_semaphore, #tpu.memory_space<semaphore_mem>>) src(%dma_wait3A_598 : memref<1664xi32, #tpu.memory_space<hbm>>) dst(%dma_wait3A_597 : memref<1664xi32, #tpu.memory_space<vmem>>)
    %dma_wait3A_599 = arith.constant 5 : i32
    %dma_wait3A_600 = arith.constant 0 : i32
    %dma_wait3A_601 = tpu.memref_slice %arg9[%dma_wait3A_599, %dma_wait3A_600] : memref<8x1664xi32, #tpu.memory_space<vmem>> -> memref<1x1664xi32, #tpu.memory_space<vmem>>
    %dma_wait3A_602 = tpu.memref_squeeze %dma_wait3A_601 : memref<1x1664xi32, #tpu.memory_space<vmem>> -> memref<1664xi32, #tpu.memory_space<vmem>>
    %dma_wait3A_603 = tpu.memref_slice %arg5[%add3A_51] : memref<212992xi32, #tpu.memory_space<hbm>> -> memref<1664xi32, #tpu.memory_space<hbm>>
    %dma_wait3A_604 = arith.constant 0 : i32
    %dma_wait3A_605 = tpu.memref_slice %arg9[%dma_wait3A_599, %dma_wait3A_604] : memref<8x1664xi32, #tpu.memory_space<vmem>> -> memref<1x1664xi32, #tpu.memory_space<vmem>>
    %dma_wait3A_606 = tpu.memref_squeeze %dma_wait3A_605 : memref<1x1664xi32, #tpu.memory_space<vmem>> -> memref<1664xi32, #tpu.memory_space<vmem>>
    %dma_wait3A_607 = tpu.memref_slice %arg5[%add3A_51] : memref<212992xi32, #tpu.memory_space<hbm>> -> memref<1664xi32, #tpu.memory_space<hbm>>
    tpu.wait_dma2 semaphore(%arg18 : memref<!tpu.dma_semaphore, #tpu.memory_space<semaphore_mem>>) src(%dma_wait3A_607 : memref<1664xi32, #tpu.memory_space<hbm>>) dst(%dma_wait3A_606 : memref<1664xi32, #tpu.memory_space<vmem>>)
    %scan3A_608 = arith.constant 0 : i32
    %scan3A_609 = arith.constant 4 : i32
    %scan3A_610 = arith.constant 5 : i32
    %scan3A_611 = arith.constant 2 : i32
    %scan3A_612 = arith.constant 0 : i32
    %scan3A_613 = arith.constant 52 : i32
    %scan3A_614 = arith.addi %scan3A_612, %scan3A_613 : i32
    %scan3A_615 = arith.constant 1 : i32
    scf.for %scan3A_2452 = %scan3A_612 to %scan3A_614 step %scan3A_615  : i32 {
      %mul3A_2453 = arith.constant 32 : i32
      %mul3A_2454 = arith.muli %scan3A_2452, %mul3A_2453 : i32
      %add3A_2455 = arith.constant 0 : i32
      %add3A_2456 = arith.addi %mul3A_2454, %add3A_2455 : i32
      %get3A = arith.constant 0 : i32
      %get3A_2457 = tpu.memref_slice %arg9[%scan3A_609, %get3A] : memref<8x1664xi32, #tpu.memory_space<vmem>> -> memref<1x1664xi32, #tpu.memory_space<vmem>>
      %get3A_2458 = tpu.memref_squeeze %get3A_2457 : memref<1x1664xi32, #tpu.memory_space<vmem>> -> memref<1664xi32, #tpu.memory_space<vmem>>
      %get3A_2459 = arith.index_cast %add3A_2456 : i32 to index
      %get3A_2460 = tpu.vector_load %get3A_2458[%get3A_2459] {strides = array<i32>} : memref<1664xi32, #tpu.memory_space<vmem>>, vector<16xi32>,
      %get3A_2461 = vector.shape_cast %get3A_2460 : vector<16xi32> to vector<16xi32>
      %get3A_2462 = arith.constant 0 : i32
      %get3A_2463 = tpu.memref_slice %arg9[%scan3A_610, %get3A_2462] : memref<8x1664xi32, #tpu.memory_space<vmem>> -> memref<1x1664xi32, #tpu.memory_space<vmem>>
      %get3A_2464 = tpu.memref_squeeze %get3A_2463 : memref<1x1664xi32, #tpu.memory_space<vmem>> -> memref<1664xi32, #tpu.memory_space<vmem>>
      %get3A_2465 = arith.index_cast %add3A_2456 : i32 to index
      %get3A_2466 = tpu.vector_load %get3A_2464[%get3A_2465] {strides = array<i32>} : memref<1664xi32, #tpu.memory_space<vmem>>, vector<16xi32>,
      %get3A_2467 = vector.shape_cast %get3A_2466 : vector<16xi32> to vector<16xi32>
      %mul3A_2468 = arith.constant 512 : i32
      %mul3A_2469 = vector.broadcast %mul3A_2468 : i32 to vector<16xi32>
      %mul3A_2470 = arith.muli %get3A_2461, %mul3A_2469 : vector<16xi32>
      %add3A_2471 = arith.addi %mul3A_2470, %get3A_2467 : vector<16xi32>
      %swap3A_2472 = arith.constant 0 : i32
      %swap3A_2473 = tpu.memref_slice %arg10[%scan3A_611, %swap3A_2472] : memref<4x1664xi32, #tpu.memory_space<vmem>> -> memref<1x1664xi32, #tpu.memory_space<vmem>>
      %swap3A_2474 = tpu.memref_squeeze %swap3A_2473 : memref<1x1664xi32, #tpu.memory_space<vmem>> -> memref<1664xi32, #tpu.memory_space<vmem>>
      %swap3A_2475 = arith.index_cast %add3A_2456 : i32 to index
      %swap3A_2476 = tpu.vector_load %swap3A_2474[%swap3A_2475] {strides = array<i32>} : memref<1664xi32, #tpu.memory_space<vmem>>, vector<16xi32>,
      %swap3A_2477 = vector.shape_cast %swap3A_2476 : vector<16xi32> to vector<16xi32>
      %swap3A_2478 = vector.shape_cast %add3A_2471 : vector<16xi32> to vector<16xi32>
      tpu.vector_store %swap3A_2474[%swap3A_2475], %swap3A_2478 {strides = array<i32>} : memref<1664xi32, #tpu.memory_space<vmem>>, vector<16xi32>,
      %mul3A_2479 = arith.constant 32 : i32
      %mul3A_2480 = arith.muli %scan3A_2452, %mul3A_2479 : i32
      %add3A_2481 = arith.constant 16 : i32
      %add3A_2482 = arith.addi %mul3A_2480, %add3A_2481 : i32
      %get3A_2483 = arith.constant 0 : i32
      %get3A_2484 = tpu.memref_slice %arg9[%scan3A_609, %get3A_2483] : memref<8x1664xi32, #tpu.memory_space<vmem>> -> memref<1x1664xi32, #tpu.memory_space<vmem>>
      %get3A_2485 = tpu.memref_squeeze %get3A_2484 : memref<1x1664xi32, #tpu.memory_space<vmem>> -> memref<1664xi32, #tpu.memory_space<vmem>>
      %get3A_2486 = arith.index_cast %add3A_2482 : i32 to index
      %get3A_2487 = tpu.vector_load %get3A_2485[%get3A_2486] {strides = array<i32>} : memref<1664xi32, #tpu.memory_space<vmem>>, vector<16xi32>,
      %get3A_2488 = vector.shape_cast %get3A_2487 : vector<16xi32> to vector<16xi32>
      %get3A_2489 = arith.constant 0 : i32
      %get3A_2490 = tpu.memref_slice %arg9[%scan3A_610, %get3A_2489] : memref<8x1664xi32, #tpu.memory_space<vmem>> -> memref<1x1664xi32, #tpu.memory_space<vmem>>
      %get3A_2491 = tpu.memref_squeeze %get3A_2490 : memref<1x1664xi32, #tpu.memory_space<vmem>> -> memref<1664xi32, #tpu.memory_space<vmem>>
      %get3A_2492 = arith.index_cast %add3A_2482 : i32 to index
      %get3A_2493 = tpu.vector_load %get3A_2491[%get3A_2492] {strides = array<i32>} : memref<1664xi32, #tpu.memory_space<vmem>>, vector<16xi32>,
      %get3A_2494 = vector.shape_cast %get3A_2493 : vector<16xi32> to vector<16xi32>
      %mul3A_2495 = arith.constant 512 : i32
      %mul3A_2496 = vector.broadcast %mul3A_2495 : i32 to vector<16xi32>
      %mul3A_2497 = arith.muli %get3A_2488, %mul3A_2496 : vector<16xi32>
      %add3A_2498 = arith.addi %mul3A_2497, %get3A_2494 : vector<16xi32>
      %swap3A_2499 = arith.constant 0 : i32
      %swap3A_2500 = tpu.memref_slice %arg10[%scan3A_611, %swap3A_2499] : memref<4x1664xi32, #tpu.memory_space<vmem>> -> memref<1x1664xi32, #tpu.memory_space<vmem>>
      %swap3A_2501 = tpu.memref_squeeze %swap3A_2500 : memref<1x1664xi32, #tpu.memory_space<vmem>> -> memref<1664xi32, #tpu.memory_space<vmem>>
      %swap3A_2502 = arith.index_cast %add3A_2482 : i32 to index
      %swap3A_2503 = tpu.vector_load %swap3A_2501[%swap3A_2502] {strides = array<i32>} : memref<1664xi32, #tpu.memory_space<vmem>>, vector<16xi32>,
      %swap3A_2504 = vector.shape_cast %swap3A_2503 : vector<16xi32> to vector<16xi32>
      %swap3A_2505 = vector.shape_cast %add3A_2498 : vector<16xi32> to vector<16xi32>
      tpu.vector_store %swap3A_2501[%swap3A_2502], %swap3A_2505 {strides = array<i32>} : memref<1664xi32, #tpu.memory_space<vmem>>, vector<16xi32>,
    }
    %scan3A_616 = arith.constant 52 : i32
    %dma_start3A_617 = arith.constant 2 : i32
    %dma_start3A_618 = arith.constant 2 : i32
    %dma_start3A_619 = arith.constant 0 : i32
    %dma_start3A_620 = tpu.memref_slice %arg11[%dma_start3A_618, %dma_start3A_619] : memref<4x1664xf32, #tpu.memory_space<vmem>> -> memref<1x1664xf32, #tpu.memory_space<vmem>>
    %dma_start3A_621 = tpu.memref_squeeze %dma_start3A_620 : memref<1x1664xf32, #tpu.memory_space<vmem>> -> memref<1664xf32, #tpu.memory_space<vmem>>
    %dma_start3A_622 = arith.constant 0 : i32
    %dma_start3A_623 = tpu.memref_slice %dma_start3A_621[%dma_start3A_622] : memref<1664xf32, #tpu.memory_space<vmem>> -> memref<128xf32, #tpu.memory_space<vmem>>
    %dma_start3A_624 = arith.constant 0 : i32
    %dma_start3A_625 = tpu.memref_slice %arg10[%dma_start3A_617, %dma_start3A_624] : memref<4x1664xi32, #tpu.memory_space<vmem>> -> memref<1x1664xi32, #tpu.memory_space<vmem>>
    %dma_start3A_626 = tpu.memref_squeeze %dma_start3A_625 : memref<1x1664xi32, #tpu.memory_space<vmem>> -> memref<1664xi32, #tpu.memory_space<vmem>>
    %dma_start3A_627 = arith.constant 0 : i32
    %dma_start3A_628 = tpu.memref_slice %dma_start3A_626[%dma_start3A_627] : memref<1664xi32, #tpu.memory_space<vmem>> -> memref<128xi32, #tpu.memory_space<vmem>>
    %dma_start3A_629 = arith.constant 0 : i32
    %dma_start3A_630 = tpu.memref_slice %arg15[%dma_start3A_629] : memref<262144xf32, #tpu.memory_space<vmem_shared>> -> memref<262144xf32, #tpu.memory_space<vmem_shared>>
    tpu.enqueue_indirect_dma source(%dma_start3A_630 : memref<262144xf32, #tpu.memory_space<vmem_shared>>) target(%dma_start3A_623 : memref<128xf32, #tpu.memory_space<vmem>>) offsets(%dma_start3A_628 : memref<128xi32, #tpu.memory_space<vmem>>) semaphore(%arg19 : memref<!tpu.dma_semaphore, #tpu.memory_space<semaphore_mem>>)
    %dma_start3A_631 = arith.constant 2 : i32
    %dma_start3A_632 = arith.constant 2 : i32
    %dma_start3A_633 = arith.constant 0 : i32
    %dma_start3A_634 = tpu.memref_slice %arg11[%dma_start3A_632, %dma_start3A_633] : memref<4x1664xf32, #tpu.memory_space<vmem>> -> memref<1x1664xf32, #tpu.memory_space<vmem>>
    %dma_start3A_635 = tpu.memref_squeeze %dma_start3A_634 : memref<1x1664xf32, #tpu.memory_space<vmem>> -> memref<1664xf32, #tpu.memory_space<vmem>>
    %dma_start3A_636 = arith.constant 128 : i32
    %dma_start3A_637 = tpu.memref_slice %dma_start3A_635[%dma_start3A_636] : memref<1664xf32, #tpu.memory_space<vmem>> -> memref<128xf32, #tpu.memory_space<vmem>>
    %dma_start3A_638 = arith.constant 0 : i32
    %dma_start3A_639 = tpu.memref_slice %arg10[%dma_start3A_631, %dma_start3A_638] : memref<4x1664xi32, #tpu.memory_space<vmem>> -> memref<1x1664xi32, #tpu.memory_space<vmem>>
    %dma_start3A_640 = tpu.memref_squeeze %dma_start3A_639 : memref<1x1664xi32, #tpu.memory_space<vmem>> -> memref<1664xi32, #tpu.memory_space<vmem>>
    %dma_start3A_641 = arith.constant 128 : i32
    %dma_start3A_642 = tpu.memref_slice %dma_start3A_640[%dma_start3A_641] : memref<1664xi32, #tpu.memory_space<vmem>> -> memref<128xi32, #tpu.memory_space<vmem>>
    %dma_start3A_643 = arith.constant 0 : i32
    %dma_start3A_644 = tpu.memref_slice %arg15[%dma_start3A_643] : memref<262144xf32, #tpu.memory_space<vmem_shared>> -> memref<262144xf32, #tpu.memory_space<vmem_shared>>
    tpu.enqueue_indirect_dma source(%dma_start3A_644 : memref<262144xf32, #tpu.memory_space<vmem_shared>>) target(%dma_start3A_637 : memref<128xf32, #tpu.memory_space<vmem>>) offsets(%dma_start3A_642 : memref<128xi32, #tpu.memory_space<vmem>>) semaphore(%arg19 : memref<!tpu.dma_semaphore, #tpu.memory_space<semaphore_mem>>)
    %dma_start3A_645 = arith.constant 2 : i32
    %dma_start3A_646 = arith.constant 2 : i32
    %dma_start3A_647 = arith.constant 0 : i32
    %dma_start3A_648 = tpu.memref_slice %arg11[%dma_start3A_646, %dma_start3A_647] : memref<4x1664xf32, #tpu.memory_space<vmem>> -> memref<1x1664xf32, #tpu.memory_space<vmem>>
    %dma_start3A_649 = tpu.memref_squeeze %dma_start3A_648 : memref<1x1664xf32, #tpu.memory_space<vmem>> -> memref<1664xf32, #tpu.memory_space<vmem>>
    %dma_start3A_650 = arith.constant 256 : i32
    %dma_start3A_651 = tpu.memref_slice %dma_start3A_649[%dma_start3A_650] : memref<1664xf32, #tpu.memory_space<vmem>> -> memref<128xf32, #tpu.memory_space<vmem>>
    %dma_start3A_652 = arith.constant 0 : i32
    %dma_start3A_653 = tpu.memref_slice %arg10[%dma_start3A_645, %dma_start3A_652] : memref<4x1664xi32, #tpu.memory_space<vmem>> -> memref<1x1664xi32, #tpu.memory_space<vmem>>
    %dma_start3A_654 = tpu.memref_squeeze %dma_start3A_653 : memref<1x1664xi32, #tpu.memory_space<vmem>> -> memref<1664xi32, #tpu.memory_space<vmem>>
    %dma_start3A_655 = arith.constant 256 : i32
    %dma_start3A_656 = tpu.memref_slice %dma_start3A_654[%dma_start3A_655] : memref<1664xi32, #tpu.memory_space<vmem>> -> memref<128xi32, #tpu.memory_space<vmem>>
    %dma_start3A_657 = arith.constant 0 : i32
    %dma_start3A_658 = tpu.memref_slice %arg15[%dma_start3A_657] : memref<262144xf32, #tpu.memory_space<vmem_shared>> -> memref<262144xf32, #tpu.memory_space<vmem_shared>>
    tpu.enqueue_indirect_dma source(%dma_start3A_658 : memref<262144xf32, #tpu.memory_space<vmem_shared>>) target(%dma_start3A_651 : memref<128xf32, #tpu.memory_space<vmem>>) offsets(%dma_start3A_656 : memref<128xi32, #tpu.memory_space<vmem>>) semaphore(%arg19 : memref<!tpu.dma_semaphore, #tpu.memory_space<semaphore_mem>>)
    %dma_start3A_659 = arith.constant 2 : i32
    %dma_start3A_660 = arith.constant 2 : i32
    %dma_start3A_661 = arith.constant 0 : i32
    %dma_start3A_662 = tpu.memref_slice %arg11[%dma_start3A_660, %dma_start3A_661] : memref<4x1664xf32, #tpu.memory_space<vmem>> -> memref<1x1664xf32, #tpu.memory_space<vmem>>
    %dma_start3A_663 = tpu.memref_squeeze %dma_start3A_662 : memref<1x1664xf32, #tpu.memory_space<vmem>> -> memref<1664xf32, #tpu.memory_space<vmem>>
    %dma_start3A_664 = arith.constant 384 : i32
    %dma_start3A_665 = tpu.memref_slice %dma_start3A_663[%dma_start3A_664] : memref<1664xf32, #tpu.memory_space<vmem>> -> memref<128xf32, #tpu.memory_space<vmem>>
    %dma_start3A_666 = arith.constant 0 : i32
    %dma_start3A_667 = tpu.memref_slice %arg10[%dma_start3A_659, %dma_start3A_666] : memref<4x1664xi32, #tpu.memory_space<vmem>> -> memref<1x1664xi32, #tpu.memory_space<vmem>>
    %dma_start3A_668 = tpu.memref_squeeze %dma_start3A_667 : memref<1x1664xi32, #tpu.memory_space<vmem>> -> memref<1664xi32, #tpu.memory_space<vmem>>
    %dma_start3A_669 = arith.constant 384 : i32
    %dma_start3A_670 = tpu.memref_slice %dma_start3A_668[%dma_start3A_669] : memref<1664xi32, #tpu.memory_space<vmem>> -> memref<128xi32, #tpu.memory_space<vmem>>
    %dma_start3A_671 = arith.constant 0 : i32
    %dma_start3A_672 = tpu.memref_slice %arg15[%dma_start3A_671] : memref<262144xf32, #tpu.memory_space<vmem_shared>> -> memref<262144xf32, #tpu.memory_space<vmem_shared>>
    tpu.enqueue_indirect_dma source(%dma_start3A_672 : memref<262144xf32, #tpu.memory_space<vmem_shared>>) target(%dma_start3A_665 : memref<128xf32, #tpu.memory_space<vmem>>) offsets(%dma_start3A_670 : memref<128xi32, #tpu.memory_space<vmem>>) semaphore(%arg19 : memref<!tpu.dma_semaphore, #tpu.memory_space<semaphore_mem>>)
    %dma_start3A_673 = arith.constant 2 : i32
    %dma_start3A_674 = arith.constant 2 : i32
    %dma_start3A_675 = arith.constant 0 : i32
    %dma_start3A_676 = tpu.memref_slice %arg11[%dma_start3A_674, %dma_start3A_675] : memref<4x1664xf32, #tpu.memory_space<vmem>> -> memref<1x1664xf32, #tpu.memory_space<vmem>>
    %dma_start3A_677 = tpu.memref_squeeze %dma_start3A_676 : memref<1x1664xf32, #tpu.memory_space<vmem>> -> memref<1664xf32, #tpu.memory_space<vmem>>
    %dma_start3A_678 = arith.constant 512 : i32
    %dma_start3A_679 = tpu.memref_slice %dma_start3A_677[%dma_start3A_678] : memref<1664xf32, #tpu.memory_space<vmem>> -> memref<128xf32, #tpu.memory_space<vmem>>
    %dma_start3A_680 = arith.constant 0 : i32
    %dma_start3A_681 = tpu.memref_slice %arg10[%dma_start3A_673, %dma_start3A_680] : memref<4x1664xi32, #tpu.memory_space<vmem>> -> memref<1x1664xi32, #tpu.memory_space<vmem>>
    %dma_start3A_682 = tpu.memref_squeeze %dma_start3A_681 : memref<1x1664xi32, #tpu.memory_space<vmem>> -> memref<1664xi32, #tpu.memory_space<vmem>>
    %dma_start3A_683 = arith.constant 512 : i32
    %dma_start3A_684 = tpu.memref_slice %dma_start3A_682[%dma_start3A_683] : memref<1664xi32, #tpu.memory_space<vmem>> -> memref<128xi32, #tpu.memory_space<vmem>>
    %dma_start3A_685 = arith.constant 0 : i32
    %dma_start3A_686 = tpu.memref_slice %arg15[%dma_start3A_685] : memref<262144xf32, #tpu.memory_space<vmem_shared>> -> memref<262144xf32, #tpu.memory_space<vmem_shared>>
    tpu.enqueue_indirect_dma source(%dma_start3A_686 : memref<262144xf32, #tpu.memory_space<vmem_shared>>) target(%dma_start3A_679 : memref<128xf32, #tpu.memory_space<vmem>>) offsets(%dma_start3A_684 : memref<128xi32, #tpu.memory_space<vmem>>) semaphore(%arg19 : memref<!tpu.dma_semaphore, #tpu.memory_space<semaphore_mem>>)
    %dma_start3A_687 = arith.constant 2 : i32
    %dma_start3A_688 = arith.constant 2 : i32
    %dma_start3A_689 = arith.constant 0 : i32
    %dma_start3A_690 = tpu.memref_slice %arg11[%dma_start3A_688, %dma_start3A_689] : memref<4x1664xf32, #tpu.memory_space<vmem>> -> memref<1x1664xf32, #tpu.memory_space<vmem>>
    %dma_start3A_691 = tpu.memref_squeeze %dma_start3A_690 : memref<1x1664xf32, #tpu.memory_space<vmem>> -> memref<1664xf32, #tpu.memory_space<vmem>>
    %dma_start3A_692 = arith.constant 640 : i32
    %dma_start3A_693 = tpu.memref_slice %dma_start3A_691[%dma_start3A_692] : memref<1664xf32, #tpu.memory_space<vmem>> -> memref<128xf32, #tpu.memory_space<vmem>>
    %dma_start3A_694 = arith.constant 0 : i32
    %dma_start3A_695 = tpu.memref_slice %arg10[%dma_start3A_687, %dma_start3A_694] : memref<4x1664xi32, #tpu.memory_space<vmem>> -> memref<1x1664xi32, #tpu.memory_space<vmem>>
    %dma_start3A_696 = tpu.memref_squeeze %dma_start3A_695 : memref<1x1664xi32, #tpu.memory_space<vmem>> -> memref<1664xi32, #tpu.memory_space<vmem>>
    %dma_start3A_697 = arith.constant 640 : i32
    %dma_start3A_698 = tpu.memref_slice %dma_start3A_696[%dma_start3A_697] : memref<1664xi32, #tpu.memory_space<vmem>> -> memref<128xi32, #tpu.memory_space<vmem>>
    %dma_start3A_699 = arith.constant 0 : i32
    %dma_start3A_700 = tpu.memref_slice %arg15[%dma_start3A_699] : memref<262144xf32, #tpu.memory_space<vmem_shared>> -> memref<262144xf32, #tpu.memory_space<vmem_shared>>
    tpu.enqueue_indirect_dma source(%dma_start3A_700 : memref<262144xf32, #tpu.memory_space<vmem_shared>>) target(%dma_start3A_693 : memref<128xf32, #tpu.memory_space<vmem>>) offsets(%dma_start3A_698 : memref<128xi32, #tpu.memory_space<vmem>>) semaphore(%arg19 : memref<!tpu.dma_semaphore, #tpu.memory_space<semaphore_mem>>)
    %dma_start3A_701 = arith.constant 2 : i32
    %dma_start3A_702 = arith.constant 2 : i32
    %dma_start3A_703 = arith.constant 0 : i32
    %dma_start3A_704 = tpu.memref_slice %arg11[%dma_start3A_702, %dma_start3A_703] : memref<4x1664xf32, #tpu.memory_space<vmem>> -> memref<1x1664xf32, #tpu.memory_space<vmem>>
    %dma_start3A_705 = tpu.memref_squeeze %dma_start3A_704 : memref<1x1664xf32, #tpu.memory_space<vmem>> -> memref<1664xf32, #tpu.memory_space<vmem>>
    %dma_start3A_706 = arith.constant 768 : i32
    %dma_start3A_707 = tpu.memref_slice %dma_start3A_705[%dma_start3A_706] : memref<1664xf32, #tpu.memory_space<vmem>> -> memref<128xf32, #tpu.memory_space<vmem>>
    %dma_start3A_708 = arith.constant 0 : i32
    %dma_start3A_709 = tpu.memref_slice %arg10[%dma_start3A_701, %dma_start3A_708] : memref<4x1664xi32, #tpu.memory_space<vmem>> -> memref<1x1664xi32, #tpu.memory_space<vmem>>
    %dma_start3A_710 = tpu.memref_squeeze %dma_start3A_709 : memref<1x1664xi32, #tpu.memory_space<vmem>> -> memref<1664xi32, #tpu.memory_space<vmem>>
    %dma_start3A_711 = arith.constant 768 : i32
    %dma_start3A_712 = tpu.memref_slice %dma_start3A_710[%dma_start3A_711] : memref<1664xi32, #tpu.memory_space<vmem>> -> memref<128xi32, #tpu.memory_space<vmem>>
    %dma_start3A_713 = arith.constant 0 : i32
    %dma_start3A_714 = tpu.memref_slice %arg15[%dma_start3A_713] : memref<262144xf32, #tpu.memory_space<vmem_shared>> -> memref<262144xf32, #tpu.memory_space<vmem_shared>>
    tpu.enqueue_indirect_dma source(%dma_start3A_714 : memref<262144xf32, #tpu.memory_space<vmem_shared>>) target(%dma_start3A_707 : memref<128xf32, #tpu.memory_space<vmem>>) offsets(%dma_start3A_712 : memref<128xi32, #tpu.memory_space<vmem>>) semaphore(%arg19 : memref<!tpu.dma_semaphore, #tpu.memory_space<semaphore_mem>>)
    %dma_start3A_715 = arith.constant 2 : i32
    %dma_start3A_716 = arith.constant 2 : i32
    %dma_start3A_717 = arith.constant 0 : i32
    %dma_start3A_718 = tpu.memref_slice %arg11[%dma_start3A_716, %dma_start3A_717] : memref<4x1664xf32, #tpu.memory_space<vmem>> -> memref<1x1664xf32, #tpu.memory_space<vmem>>
    %dma_start3A_719 = tpu.memref_squeeze %dma_start3A_718 : memref<1x1664xf32, #tpu.memory_space<vmem>> -> memref<1664xf32, #tpu.memory_space<vmem>>
    %dma_start3A_720 = arith.constant 896 : i32
    %dma_start3A_721 = tpu.memref_slice %dma_start3A_719[%dma_start3A_720] : memref<1664xf32, #tpu.memory_space<vmem>> -> memref<128xf32, #tpu.memory_space<vmem>>
    %dma_start3A_722 = arith.constant 0 : i32
    %dma_start3A_723 = tpu.memref_slice %arg10[%dma_start3A_715, %dma_start3A_722] : memref<4x1664xi32, #tpu.memory_space<vmem>> -> memref<1x1664xi32, #tpu.memory_space<vmem>>
    %dma_start3A_724 = tpu.memref_squeeze %dma_start3A_723 : memref<1x1664xi32, #tpu.memory_space<vmem>> -> memref<1664xi32, #tpu.memory_space<vmem>>
    %dma_start3A_725 = arith.constant 896 : i32
    %dma_start3A_726 = tpu.memref_slice %dma_start3A_724[%dma_start3A_725] : memref<1664xi32, #tpu.memory_space<vmem>> -> memref<128xi32, #tpu.memory_space<vmem>>
    %dma_start3A_727 = arith.constant 0 : i32
    %dma_start3A_728 = tpu.memref_slice %arg15[%dma_start3A_727] : memref<262144xf32, #tpu.memory_space<vmem_shared>> -> memref<262144xf32, #tpu.memory_space<vmem_shared>>
    tpu.enqueue_indirect_dma source(%dma_start3A_728 : memref<262144xf32, #tpu.memory_space<vmem_shared>>) target(%dma_start3A_721 : memref<128xf32, #tpu.memory_space<vmem>>) offsets(%dma_start3A_726 : memref<128xi32, #tpu.memory_space<vmem>>) semaphore(%arg19 : memref<!tpu.dma_semaphore, #tpu.memory_space<semaphore_mem>>)
    %dma_start3A_729 = arith.constant 2 : i32
    %dma_start3A_730 = arith.constant 2 : i32
    %dma_start3A_731 = arith.constant 0 : i32
    %dma_start3A_732 = tpu.memref_slice %arg11[%dma_start3A_730, %dma_start3A_731] : memref<4x1664xf32, #tpu.memory_space<vmem>> -> memref<1x1664xf32, #tpu.memory_space<vmem>>
    %dma_start3A_733 = tpu.memref_squeeze %dma_start3A_732 : memref<1x1664xf32, #tpu.memory_space<vmem>> -> memref<1664xf32, #tpu.memory_space<vmem>>
    %dma_start3A_734 = arith.constant 1024 : i32
    %dma_start3A_735 = tpu.memref_slice %dma_start3A_733[%dma_start3A_734] : memref<1664xf32, #tpu.memory_space<vmem>> -> memref<128xf32, #tpu.memory_space<vmem>>
    %dma_start3A_736 = arith.constant 0 : i32
    %dma_start3A_737 = tpu.memref_slice %arg10[%dma_start3A_729, %dma_start3A_736] : memref<4x1664xi32, #tpu.memory_space<vmem>> -> memref<1x1664xi32, #tpu.memory_space<vmem>>
    %dma_start3A_738 = tpu.memref_squeeze %dma_start3A_737 : memref<1x1664xi32, #tpu.memory_space<vmem>> -> memref<1664xi32, #tpu.memory_space<vmem>>
    %dma_start3A_739 = arith.constant 1024 : i32
    %dma_start3A_740 = tpu.memref_slice %dma_start3A_738[%dma_start3A_739] : memref<1664xi32, #tpu.memory_space<vmem>> -> memref<128xi32, #tpu.memory_space<vmem>>
    %dma_start3A_741 = arith.constant 0 : i32
    %dma_start3A_742 = tpu.memref_slice %arg15[%dma_start3A_741] : memref<262144xf32, #tpu.memory_space<vmem_shared>> -> memref<262144xf32, #tpu.memory_space<vmem_shared>>
    tpu.enqueue_indirect_dma source(%dma_start3A_742 : memref<262144xf32, #tpu.memory_space<vmem_shared>>) target(%dma_start3A_735 : memref<128xf32, #tpu.memory_space<vmem>>) offsets(%dma_start3A_740 : memref<128xi32, #tpu.memory_space<vmem>>) semaphore(%arg19 : memref<!tpu.dma_semaphore, #tpu.memory_space<semaphore_mem>>)
    %dma_start3A_743 = arith.constant 2 : i32
    %dma_start3A_744 = arith.constant 2 : i32
    %dma_start3A_745 = arith.constant 0 : i32
    %dma_start3A_746 = tpu.memref_slice %arg11[%dma_start3A_744, %dma_start3A_745] : memref<4x1664xf32, #tpu.memory_space<vmem>> -> memref<1x1664xf32, #tpu.memory_space<vmem>>
    %dma_start3A_747 = tpu.memref_squeeze %dma_start3A_746 : memref<1x1664xf32, #tpu.memory_space<vmem>> -> memref<1664xf32, #tpu.memory_space<vmem>>
    %dma_start3A_748 = arith.constant 1152 : i32
    %dma_start3A_749 = tpu.memref_slice %dma_start3A_747[%dma_start3A_748] : memref<1664xf32, #tpu.memory_space<vmem>> -> memref<128xf32, #tpu.memory_space<vmem>>
    %dma_start3A_750 = arith.constant 0 : i32
    %dma_start3A_751 = tpu.memref_slice %arg10[%dma_start3A_743, %dma_start3A_750] : memref<4x1664xi32, #tpu.memory_space<vmem>> -> memref<1x1664xi32, #tpu.memory_space<vmem>>
    %dma_start3A_752 = tpu.memref_squeeze %dma_start3A_751 : memref<1x1664xi32, #tpu.memory_space<vmem>> -> memref<1664xi32, #tpu.memory_space<vmem>>
    %dma_start3A_753 = arith.constant 1152 : i32
    %dma_start3A_754 = tpu.memref_slice %dma_start3A_752[%dma_start3A_753] : memref<1664xi32, #tpu.memory_space<vmem>> -> memref<128xi32, #tpu.memory_space<vmem>>
    %dma_start3A_755 = arith.constant 0 : i32
    %dma_start3A_756 = tpu.memref_slice %arg15[%dma_start3A_755] : memref<262144xf32, #tpu.memory_space<vmem_shared>> -> memref<262144xf32, #tpu.memory_space<vmem_shared>>
    tpu.enqueue_indirect_dma source(%dma_start3A_756 : memref<262144xf32, #tpu.memory_space<vmem_shared>>) target(%dma_start3A_749 : memref<128xf32, #tpu.memory_space<vmem>>) offsets(%dma_start3A_754 : memref<128xi32, #tpu.memory_space<vmem>>) semaphore(%arg19 : memref<!tpu.dma_semaphore, #tpu.memory_space<semaphore_mem>>)
    %dma_start3A_757 = arith.constant 2 : i32
    %dma_start3A_758 = arith.constant 2 : i32
    %dma_start3A_759 = arith.constant 0 : i32
    %dma_start3A_760 = tpu.memref_slice %arg11[%dma_start3A_758, %dma_start3A_759] : memref<4x1664xf32, #tpu.memory_space<vmem>> -> memref<1x1664xf32, #tpu.memory_space<vmem>>
    %dma_start3A_761 = tpu.memref_squeeze %dma_start3A_760 : memref<1x1664xf32, #tpu.memory_space<vmem>> -> memref<1664xf32, #tpu.memory_space<vmem>>
    %dma_start3A_762 = arith.constant 1280 : i32
    %dma_start3A_763 = tpu.memref_slice %dma_start3A_761[%dma_start3A_762] : memref<1664xf32, #tpu.memory_space<vmem>> -> memref<128xf32, #tpu.memory_space<vmem>>
    %dma_start3A_764 = arith.constant 0 : i32
    %dma_start3A_765 = tpu.memref_slice %arg10[%dma_start3A_757, %dma_start3A_764] : memref<4x1664xi32, #tpu.memory_space<vmem>> -> memref<1x1664xi32, #tpu.memory_space<vmem>>
    %dma_start3A_766 = tpu.memref_squeeze %dma_start3A_765 : memref<1x1664xi32, #tpu.memory_space<vmem>> -> memref<1664xi32, #tpu.memory_space<vmem>>
    %dma_start3A_767 = arith.constant 1280 : i32
    %dma_start3A_768 = tpu.memref_slice %dma_start3A_766[%dma_start3A_767] : memref<1664xi32, #tpu.memory_space<vmem>> -> memref<128xi32, #tpu.memory_space<vmem>>
    %dma_start3A_769 = arith.constant 0 : i32
    %dma_start3A_770 = tpu.memref_slice %arg15[%dma_start3A_769] : memref<262144xf32, #tpu.memory_space<vmem_shared>> -> memref<262144xf32, #tpu.memory_space<vmem_shared>>
    tpu.enqueue_indirect_dma source(%dma_start3A_770 : memref<262144xf32, #tpu.memory_space<vmem_shared>>) target(%dma_start3A_763 : memref<128xf32, #tpu.memory_space<vmem>>) offsets(%dma_start3A_768 : memref<128xi32, #tpu.memory_space<vmem>>) semaphore(%arg19 : memref<!tpu.dma_semaphore, #tpu.memory_space<semaphore_mem>>)
    %dma_start3A_771 = arith.constant 2 : i32
    %dma_start3A_772 = arith.constant 2 : i32
    %dma_start3A_773 = arith.constant 0 : i32
    %dma_start3A_774 = tpu.memref_slice %arg11[%dma_start3A_772, %dma_start3A_773] : memref<4x1664xf32, #tpu.memory_space<vmem>> -> memref<1x1664xf32, #tpu.memory_space<vmem>>
    %dma_start3A_775 = tpu.memref_squeeze %dma_start3A_774 : memref<1x1664xf32, #tpu.memory_space<vmem>> -> memref<1664xf32, #tpu.memory_space<vmem>>
    %dma_start3A_776 = arith.constant 1408 : i32
    %dma_start3A_777 = tpu.memref_slice %dma_start3A_775[%dma_start3A_776] : memref<1664xf32, #tpu.memory_space<vmem>> -> memref<128xf32, #tpu.memory_space<vmem>>
    %dma_start3A_778 = arith.constant 0 : i32
    %dma_start3A_779 = tpu.memref_slice %arg10[%dma_start3A_771, %dma_start3A_778] : memref<4x1664xi32, #tpu.memory_space<vmem>> -> memref<1x1664xi32, #tpu.memory_space<vmem>>
    %dma_start3A_780 = tpu.memref_squeeze %dma_start3A_779 : memref<1x1664xi32, #tpu.memory_space<vmem>> -> memref<1664xi32, #tpu.memory_space<vmem>>
    %dma_start3A_781 = arith.constant 1408 : i32
    %dma_start3A_782 = tpu.memref_slice %dma_start3A_780[%dma_start3A_781] : memref<1664xi32, #tpu.memory_space<vmem>> -> memref<128xi32, #tpu.memory_space<vmem>>
    %dma_start3A_783 = arith.constant 0 : i32
    %dma_start3A_784 = tpu.memref_slice %arg15[%dma_start3A_783] : memref<262144xf32, #tpu.memory_space<vmem_shared>> -> memref<262144xf32, #tpu.memory_space<vmem_shared>>
    tpu.enqueue_indirect_dma source(%dma_start3A_784 : memref<262144xf32, #tpu.memory_space<vmem_shared>>) target(%dma_start3A_777 : memref<128xf32, #tpu.memory_space<vmem>>) offsets(%dma_start3A_782 : memref<128xi32, #tpu.memory_space<vmem>>) semaphore(%arg19 : memref<!tpu.dma_semaphore, #tpu.memory_space<semaphore_mem>>)
    %dma_start3A_785 = arith.constant 2 : i32
    %dma_start3A_786 = arith.constant 2 : i32
    %dma_start3A_787 = arith.constant 0 : i32
    %dma_start3A_788 = tpu.memref_slice %arg11[%dma_start3A_786, %dma_start3A_787] : memref<4x1664xf32, #tpu.memory_space<vmem>> -> memref<1x1664xf32, #tpu.memory_space<vmem>>
    %dma_start3A_789 = tpu.memref_squeeze %dma_start3A_788 : memref<1x1664xf32, #tpu.memory_space<vmem>> -> memref<1664xf32, #tpu.memory_space<vmem>>
    %dma_start3A_790 = arith.constant 1536 : i32
    %dma_start3A_791 = tpu.memref_slice %dma_start3A_789[%dma_start3A_790] : memref<1664xf32, #tpu.memory_space<vmem>> -> memref<128xf32, #tpu.memory_space<vmem>>
    %dma_start3A_792 = arith.constant 0 : i32
    %dma_start3A_793 = tpu.memref_slice %arg10[%dma_start3A_785, %dma_start3A_792] : memref<4x1664xi32, #tpu.memory_space<vmem>> -> memref<1x1664xi32, #tpu.memory_space<vmem>>
    %dma_start3A_794 = tpu.memref_squeeze %dma_start3A_793 : memref<1x1664xi32, #tpu.memory_space<vmem>> -> memref<1664xi32, #tpu.memory_space<vmem>>
    %dma_start3A_795 = arith.constant 1536 : i32
    %dma_start3A_796 = tpu.memref_slice %dma_start3A_794[%dma_start3A_795] : memref<1664xi32, #tpu.memory_space<vmem>> -> memref<128xi32, #tpu.memory_space<vmem>>
    %dma_start3A_797 = arith.constant 0 : i32
    %dma_start3A_798 = tpu.memref_slice %arg15[%dma_start3A_797] : memref<262144xf32, #tpu.memory_space<vmem_shared>> -> memref<262144xf32, #tpu.memory_space<vmem_shared>>
    tpu.enqueue_indirect_dma source(%dma_start3A_798 : memref<262144xf32, #tpu.memory_space<vmem_shared>>) target(%dma_start3A_791 : memref<128xf32, #tpu.memory_space<vmem>>) offsets(%dma_start3A_796 : memref<128xi32, #tpu.memory_space<vmem>>) semaphore(%arg19 : memref<!tpu.dma_semaphore, #tpu.memory_space<semaphore_mem>>)
    %dma_wait3A_799 = arith.constant 6 : i32
    %dma_wait3A_800 = arith.constant 0 : i32
    %dma_wait3A_801 = tpu.memref_slice %arg9[%dma_wait3A_799, %dma_wait3A_800] : memref<8x1664xi32, #tpu.memory_space<vmem>> -> memref<1x1664xi32, #tpu.memory_space<vmem>>
    %dma_wait3A_802 = tpu.memref_squeeze %dma_wait3A_801 : memref<1x1664xi32, #tpu.memory_space<vmem>> -> memref<1664xi32, #tpu.memory_space<vmem>>
    %dma_wait3A_803 = tpu.memref_slice %arg4[%add3A_71] : memref<212992xi32, #tpu.memory_space<hbm>> -> memref<1664xi32, #tpu.memory_space<hbm>>
    %dma_wait3A_804 = arith.constant 0 : i32
    %dma_wait3A_805 = tpu.memref_slice %arg9[%dma_wait3A_799, %dma_wait3A_804] : memref<8x1664xi32, #tpu.memory_space<vmem>> -> memref<1x1664xi32, #tpu.memory_space<vmem>>
    %dma_wait3A_806 = tpu.memref_squeeze %dma_wait3A_805 : memref<1x1664xi32, #tpu.memory_space<vmem>> -> memref<1664xi32, #tpu.memory_space<vmem>>
    %dma_wait3A_807 = tpu.memref_slice %arg4[%add3A_71] : memref<212992xi32, #tpu.memory_space<hbm>> -> memref<1664xi32, #tpu.memory_space<hbm>>
    tpu.wait_dma2 semaphore(%arg18 : memref<!tpu.dma_semaphore, #tpu.memory_space<semaphore_mem>>) src(%dma_wait3A_807 : memref<1664xi32, #tpu.memory_space<hbm>>) dst(%dma_wait3A_806 : memref<1664xi32, #tpu.memory_space<vmem>>)
    %dma_wait3A_808 = arith.constant 7 : i32
    %dma_wait3A_809 = arith.constant 0 : i32
    %dma_wait3A_810 = tpu.memref_slice %arg9[%dma_wait3A_808, %dma_wait3A_809] : memref<8x1664xi32, #tpu.memory_space<vmem>> -> memref<1x1664xi32, #tpu.memory_space<vmem>>
    %dma_wait3A_811 = tpu.memref_squeeze %dma_wait3A_810 : memref<1x1664xi32, #tpu.memory_space<vmem>> -> memref<1664xi32, #tpu.memory_space<vmem>>
    %dma_wait3A_812 = tpu.memref_slice %arg5[%add3A_71] : memref<212992xi32, #tpu.memory_space<hbm>> -> memref<1664xi32, #tpu.memory_space<hbm>>
    %dma_wait3A_813 = arith.constant 0 : i32
    %dma_wait3A_814 = tpu.memref_slice %arg9[%dma_wait3A_808, %dma_wait3A_813] : memref<8x1664xi32, #tpu.memory_space<vmem>> -> memref<1x1664xi32, #tpu.memory_space<vmem>>
    %dma_wait3A_815 = tpu.memref_squeeze %dma_wait3A_814 : memref<1x1664xi32, #tpu.memory_space<vmem>> -> memref<1664xi32, #tpu.memory_space<vmem>>
    %dma_wait3A_816 = tpu.memref_slice %arg5[%add3A_71] : memref<212992xi32, #tpu.memory_space<hbm>> -> memref<1664xi32, #tpu.memory_space<hbm>>
    tpu.wait_dma2 semaphore(%arg18 : memref<!tpu.dma_semaphore, #tpu.memory_space<semaphore_mem>>) src(%dma_wait3A_816 : memref<1664xi32, #tpu.memory_space<hbm>>) dst(%dma_wait3A_815 : memref<1664xi32, #tpu.memory_space<vmem>>)
    %scan3A_817 = arith.constant 0 : i32
    %scan3A_818 = arith.constant 6 : i32
    %scan3A_819 = arith.constant 7 : i32
    %scan3A_820 = arith.constant 3 : i32
    %scan3A_821 = arith.constant 0 : i32
    %scan3A_822 = arith.constant 52 : i32
    %scan3A_823 = arith.addi %scan3A_821, %scan3A_822 : i32
    %scan3A_824 = arith.constant 1 : i32
    scf.for %scan3A_2452 = %scan3A_821 to %scan3A_823 step %scan3A_824  : i32 {
      %mul3A_2453 = arith.constant 32 : i32
      %mul3A_2454 = arith.muli %scan3A_2452, %mul3A_2453 : i32
      %add3A_2455 = arith.constant 0 : i32
      %add3A_2456 = arith.addi %mul3A_2454, %add3A_2455 : i32
      %get3A = arith.constant 0 : i32
      %get3A_2457 = tpu.memref_slice %arg9[%scan3A_818, %get3A] : memref<8x1664xi32, #tpu.memory_space<vmem>> -> memref<1x1664xi32, #tpu.memory_space<vmem>>
      %get3A_2458 = tpu.memref_squeeze %get3A_2457 : memref<1x1664xi32, #tpu.memory_space<vmem>> -> memref<1664xi32, #tpu.memory_space<vmem>>
      %get3A_2459 = arith.index_cast %add3A_2456 : i32 to index
      %get3A_2460 = tpu.vector_load %get3A_2458[%get3A_2459] {strides = array<i32>} : memref<1664xi32, #tpu.memory_space<vmem>>, vector<16xi32>,
      %get3A_2461 = vector.shape_cast %get3A_2460 : vector<16xi32> to vector<16xi32>
      %get3A_2462 = arith.constant 0 : i32
      %get3A_2463 = tpu.memref_slice %arg9[%scan3A_819, %get3A_2462] : memref<8x1664xi32, #tpu.memory_space<vmem>> -> memref<1x1664xi32, #tpu.memory_space<vmem>>
      %get3A_2464 = tpu.memref_squeeze %get3A_2463 : memref<1x1664xi32, #tpu.memory_space<vmem>> -> memref<1664xi32, #tpu.memory_space<vmem>>
      %get3A_2465 = arith.index_cast %add3A_2456 : i32 to index
      %get3A_2466 = tpu.vector_load %get3A_2464[%get3A_2465] {strides = array<i32>} : memref<1664xi32, #tpu.memory_space<vmem>>, vector<16xi32>,
      %get3A_2467 = vector.shape_cast %get3A_2466 : vector<16xi32> to vector<16xi32>
      %mul3A_2468 = arith.constant 512 : i32
      %mul3A_2469 = vector.broadcast %mul3A_2468 : i32 to vector<16xi32>
      %mul3A_2470 = arith.muli %get3A_2461, %mul3A_2469 : vector<16xi32>
      %add3A_2471 = arith.addi %mul3A_2470, %get3A_2467 : vector<16xi32>
      %swap3A_2472 = arith.constant 0 : i32
      %swap3A_2473 = tpu.memref_slice %arg10[%scan3A_820, %swap3A_2472] : memref<4x1664xi32, #tpu.memory_space<vmem>> -> memref<1x1664xi32, #tpu.memory_space<vmem>>
      %swap3A_2474 = tpu.memref_squeeze %swap3A_2473 : memref<1x1664xi32, #tpu.memory_space<vmem>> -> memref<1664xi32, #tpu.memory_space<vmem>>
      %swap3A_2475 = arith.index_cast %add3A_2456 : i32 to index
      %swap3A_2476 = tpu.vector_load %swap3A_2474[%swap3A_2475] {strides = array<i32>} : memref<1664xi32, #tpu.memory_space<vmem>>, vector<16xi32>,
      %swap3A_2477 = vector.shape_cast %swap3A_2476 : vector<16xi32> to vector<16xi32>
      %swap3A_2478 = vector.shape_cast %add3A_2471 : vector<16xi32> to vector<16xi32>
      tpu.vector_store %swap3A_2474[%swap3A_2475], %swap3A_2478 {strides = array<i32>} : memref<1664xi32, #tpu.memory_space<vmem>>, vector<16xi32>,
      %mul3A_2479 = arith.constant 32 : i32
      %mul3A_2480 = arith.muli %scan3A_2452, %mul3A_2479 : i32
      %add3A_2481 = arith.constant 16 : i32
      %add3A_2482 = arith.addi %mul3A_2480, %add3A_2481 : i32
      %get3A_2483 = arith.constant 0 : i32
      %get3A_2484 = tpu.memref_slice %arg9[%scan3A_818, %get3A_2483] : memref<8x1664xi32, #tpu.memory_space<vmem>> -> memref<1x1664xi32, #tpu.memory_space<vmem>>
      %get3A_2485 = tpu.memref_squeeze %get3A_2484 : memref<1x1664xi32, #tpu.memory_space<vmem>> -> memref<1664xi32, #tpu.memory_space<vmem>>
      %get3A_2486 = arith.index_cast %add3A_2482 : i32 to index
      %get3A_2487 = tpu.vector_load %get3A_2485[%get3A_2486] {strides = array<i32>} : memref<1664xi32, #tpu.memory_space<vmem>>, vector<16xi32>,
      %get3A_2488 = vector.shape_cast %get3A_2487 : vector<16xi32> to vector<16xi32>
      %get3A_2489 = arith.constant 0 : i32
      %get3A_2490 = tpu.memref_slice %arg9[%scan3A_819, %get3A_2489] : memref<8x1664xi32, #tpu.memory_space<vmem>> -> memref<1x1664xi32, #tpu.memory_space<vmem>>
      %get3A_2491 = tpu.memref_squeeze %get3A_2490 : memref<1x1664xi32, #tpu.memory_space<vmem>> -> memref<1664xi32, #tpu.memory_space<vmem>>
      %get3A_2492 = arith.index_cast %add3A_2482 : i32 to index
      %get3A_2493 = tpu.vector_load %get3A_2491[%get3A_2492] {strides = array<i32>} : memref<1664xi32, #tpu.memory_space<vmem>>, vector<16xi32>,
      %get3A_2494 = vector.shape_cast %get3A_2493 : vector<16xi32> to vector<16xi32>
      %mul3A_2495 = arith.constant 512 : i32
      %mul3A_2496 = vector.broadcast %mul3A_2495 : i32 to vector<16xi32>
      %mul3A_2497 = arith.muli %get3A_2488, %mul3A_2496 : vector<16xi32>
      %add3A_2498 = arith.addi %mul3A_2497, %get3A_2494 : vector<16xi32>
      %swap3A_2499 = arith.constant 0 : i32
      %swap3A_2500 = tpu.memref_slice %arg10[%scan3A_820, %swap3A_2499] : memref<4x1664xi32, #tpu.memory_space<vmem>> -> memref<1x1664xi32, #tpu.memory_space<vmem>>
      %swap3A_2501 = tpu.memref_squeeze %swap3A_2500 : memref<1x1664xi32, #tpu.memory_space<vmem>> -> memref<1664xi32, #tpu.memory_space<vmem>>
      %swap3A_2502 = arith.index_cast %add3A_2482 : i32 to index
      %swap3A_2503 = tpu.vector_load %swap3A_2501[%swap3A_2502] {strides = array<i32>} : memref<1664xi32, #tpu.memory_space<vmem>>, vector<16xi32>,
      %swap3A_2504 = vector.shape_cast %swap3A_2503 : vector<16xi32> to vector<16xi32>
      %swap3A_2505 = vector.shape_cast %add3A_2498 : vector<16xi32> to vector<16xi32>
      tpu.vector_store %swap3A_2501[%swap3A_2502], %swap3A_2505 {strides = array<i32>} : memref<1664xi32, #tpu.memory_space<vmem>>, vector<16xi32>,
    }
    %scan3A_825 = arith.constant 52 : i32
    %dma_start3A_826 = arith.constant 3 : i32
    %dma_start3A_827 = arith.constant 3 : i32
    %dma_start3A_828 = arith.constant 0 : i32
    %dma_start3A_829 = tpu.memref_slice %arg11[%dma_start3A_827, %dma_start3A_828] : memref<4x1664xf32, #tpu.memory_space<vmem>> -> memref<1x1664xf32, #tpu.memory_space<vmem>>
    %dma_start3A_830 = tpu.memref_squeeze %dma_start3A_829 : memref<1x1664xf32, #tpu.memory_space<vmem>> -> memref<1664xf32, #tpu.memory_space<vmem>>
    %dma_start3A_831 = arith.constant 0 : i32
    %dma_start3A_832 = tpu.memref_slice %dma_start3A_830[%dma_start3A_831] : memref<1664xf32, #tpu.memory_space<vmem>> -> memref<128xf32, #tpu.memory_space<vmem>>
    %dma_start3A_833 = arith.constant 0 : i32
    %dma_start3A_834 = tpu.memref_slice %arg10[%dma_start3A_826, %dma_start3A_833] : memref<4x1664xi32, #tpu.memory_space<vmem>> -> memref<1x1664xi32, #tpu.memory_space<vmem>>
    %dma_start3A_835 = tpu.memref_squeeze %dma_start3A_834 : memref<1x1664xi32, #tpu.memory_space<vmem>> -> memref<1664xi32, #tpu.memory_space<vmem>>
    %dma_start3A_836 = arith.constant 0 : i32
    %dma_start3A_837 = tpu.memref_slice %dma_start3A_835[%dma_start3A_836] : memref<1664xi32, #tpu.memory_space<vmem>> -> memref<128xi32, #tpu.memory_space<vmem>>
    %dma_start3A_838 = arith.constant 0 : i32
    %dma_start3A_839 = tpu.memref_slice %arg16[%dma_start3A_838] : memref<262144xf32, #tpu.memory_space<vmem_shared>> -> memref<262144xf32, #tpu.memory_space<vmem_shared>>
    tpu.enqueue_indirect_dma source(%dma_start3A_839 : memref<262144xf32, #tpu.memory_space<vmem_shared>>) target(%dma_start3A_832 : memref<128xf32, #tpu.memory_space<vmem>>) offsets(%dma_start3A_837 : memref<128xi32, #tpu.memory_space<vmem>>) semaphore(%arg19 : memref<!tpu.dma_semaphore, #tpu.memory_space<semaphore_mem>>)
    %dma_start3A_840 = arith.constant 3 : i32
    %dma_start3A_841 = arith.constant 3 : i32
    %dma_start3A_842 = arith.constant 0 : i32
    %dma_start3A_843 = tpu.memref_slice %arg11[%dma_start3A_841, %dma_start3A_842] : memref<4x1664xf32, #tpu.memory_space<vmem>> -> memref<1x1664xf32, #tpu.memory_space<vmem>>
    %dma_start3A_844 = tpu.memref_squeeze %dma_start3A_843 : memref<1x1664xf32, #tpu.memory_space<vmem>> -> memref<1664xf32, #tpu.memory_space<vmem>>
    %dma_start3A_845 = arith.constant 128 : i32
    %dma_start3A_846 = tpu.memref_slice %dma_start3A_844[%dma_start3A_845] : memref<1664xf32, #tpu.memory_space<vmem>> -> memref<128xf32, #tpu.memory_space<vmem>>
    %dma_start3A_847 = arith.constant 0 : i32
    %dma_start3A_848 = tpu.memref_slice %arg10[%dma_start3A_840, %dma_start3A_847] : memref<4x1664xi32, #tpu.memory_space<vmem>> -> memref<1x1664xi32, #tpu.memory_space<vmem>>
    %dma_start3A_849 = tpu.memref_squeeze %dma_start3A_848 : memref<1x1664xi32, #tpu.memory_space<vmem>> -> memref<1664xi32, #tpu.memory_space<vmem>>
    %dma_start3A_850 = arith.constant 128 : i32
    %dma_start3A_851 = tpu.memref_slice %dma_start3A_849[%dma_start3A_850] : memref<1664xi32, #tpu.memory_space<vmem>> -> memref<128xi32, #tpu.memory_space<vmem>>
    %dma_start3A_852 = arith.constant 0 : i32
    %dma_start3A_853 = tpu.memref_slice %arg16[%dma_start3A_852] : memref<262144xf32, #tpu.memory_space<vmem_shared>> -> memref<262144xf32, #tpu.memory_space<vmem_shared>>
    tpu.enqueue_indirect_dma source(%dma_start3A_853 : memref<262144xf32, #tpu.memory_space<vmem_shared>>) target(%dma_start3A_846 : memref<128xf32, #tpu.memory_space<vmem>>) offsets(%dma_start3A_851 : memref<128xi32, #tpu.memory_space<vmem>>) semaphore(%arg19 : memref<!tpu.dma_semaphore, #tpu.memory_space<semaphore_mem>>)
    %dma_start3A_854 = arith.constant 3 : i32
    %dma_start3A_855 = arith.constant 3 : i32
    %dma_start3A_856 = arith.constant 0 : i32
    %dma_start3A_857 = tpu.memref_slice %arg11[%dma_start3A_855, %dma_start3A_856] : memref<4x1664xf32, #tpu.memory_space<vmem>> -> memref<1x1664xf32, #tpu.memory_space<vmem>>
    %dma_start3A_858 = tpu.memref_squeeze %dma_start3A_857 : memref<1x1664xf32, #tpu.memory_space<vmem>> -> memref<1664xf32, #tpu.memory_space<vmem>>
    %dma_start3A_859 = arith.constant 256 : i32
    %dma_start3A_860 = tpu.memref_slice %dma_start3A_858[%dma_start3A_859] : memref<1664xf32, #tpu.memory_space<vmem>> -> memref<128xf32, #tpu.memory_space<vmem>>
    %dma_start3A_861 = arith.constant 0 : i32
    %dma_start3A_862 = tpu.memref_slice %arg10[%dma_start3A_854, %dma_start3A_861] : memref<4x1664xi32, #tpu.memory_space<vmem>> -> memref<1x1664xi32, #tpu.memory_space<vmem>>
    %dma_start3A_863 = tpu.memref_squeeze %dma_start3A_862 : memref<1x1664xi32, #tpu.memory_space<vmem>> -> memref<1664xi32, #tpu.memory_space<vmem>>
    %dma_start3A_864 = arith.constant 256 : i32
    %dma_start3A_865 = tpu.memref_slice %dma_start3A_863[%dma_start3A_864] : memref<1664xi32, #tpu.memory_space<vmem>> -> memref<128xi32, #tpu.memory_space<vmem>>
    %dma_start3A_866 = arith.constant 0 : i32
    %dma_start3A_867 = tpu.memref_slice %arg16[%dma_start3A_866] : memref<262144xf32, #tpu.memory_space<vmem_shared>> -> memref<262144xf32, #tpu.memory_space<vmem_shared>>
    tpu.enqueue_indirect_dma source(%dma_start3A_867 : memref<262144xf32, #tpu.memory_space<vmem_shared>>) target(%dma_start3A_860 : memref<128xf32, #tpu.memory_space<vmem>>) offsets(%dma_start3A_865 : memref<128xi32, #tpu.memory_space<vmem>>) semaphore(%arg19 : memref<!tpu.dma_semaphore, #tpu.memory_space<semaphore_mem>>)
    %dma_start3A_868 = arith.constant 3 : i32
    %dma_start3A_869 = arith.constant 3 : i32
    %dma_start3A_870 = arith.constant 0 : i32
    %dma_start3A_871 = tpu.memref_slice %arg11[%dma_start3A_869, %dma_start3A_870] : memref<4x1664xf32, #tpu.memory_space<vmem>> -> memref<1x1664xf32, #tpu.memory_space<vmem>>
    %dma_start3A_872 = tpu.memref_squeeze %dma_start3A_871 : memref<1x1664xf32, #tpu.memory_space<vmem>> -> memref<1664xf32, #tpu.memory_space<vmem>>
    %dma_start3A_873 = arith.constant 384 : i32
    %dma_start3A_874 = tpu.memref_slice %dma_start3A_872[%dma_start3A_873] : memref<1664xf32, #tpu.memory_space<vmem>> -> memref<128xf32, #tpu.memory_space<vmem>>
    %dma_start3A_875 = arith.constant 0 : i32
    %dma_start3A_876 = tpu.memref_slice %arg10[%dma_start3A_868, %dma_start3A_875] : memref<4x1664xi32, #tpu.memory_space<vmem>> -> memref<1x1664xi32, #tpu.memory_space<vmem>>
    %dma_start3A_877 = tpu.memref_squeeze %dma_start3A_876 : memref<1x1664xi32, #tpu.memory_space<vmem>> -> memref<1664xi32, #tpu.memory_space<vmem>>
    %dma_start3A_878 = arith.constant 384 : i32
    %dma_start3A_879 = tpu.memref_slice %dma_start3A_877[%dma_start3A_878] : memref<1664xi32, #tpu.memory_space<vmem>> -> memref<128xi32, #tpu.memory_space<vmem>>
    %dma_start3A_880 = arith.constant 0 : i32
    %dma_start3A_881 = tpu.memref_slice %arg16[%dma_start3A_880] : memref<262144xf32, #tpu.memory_space<vmem_shared>> -> memref<262144xf32, #tpu.memory_space<vmem_shared>>
    tpu.enqueue_indirect_dma source(%dma_start3A_881 : memref<262144xf32, #tpu.memory_space<vmem_shared>>) target(%dma_start3A_874 : memref<128xf32, #tpu.memory_space<vmem>>) offsets(%dma_start3A_879 : memref<128xi32, #tpu.memory_space<vmem>>) semaphore(%arg19 : memref<!tpu.dma_semaphore, #tpu.memory_space<semaphore_mem>>)
    %dma_start3A_882 = arith.constant 3 : i32
    %dma_start3A_883 = arith.constant 3 : i32
    %dma_start3A_884 = arith.constant 0 : i32
    %dma_start3A_885 = tpu.memref_slice %arg11[%dma_start3A_883, %dma_start3A_884] : memref<4x1664xf32, #tpu.memory_space<vmem>> -> memref<1x1664xf32, #tpu.memory_space<vmem>>
    %dma_start3A_886 = tpu.memref_squeeze %dma_start3A_885 : memref<1x1664xf32, #tpu.memory_space<vmem>> -> memref<1664xf32, #tpu.memory_space<vmem>>
    %dma_start3A_887 = arith.constant 512 : i32
    %dma_start3A_888 = tpu.memref_slice %dma_start3A_886[%dma_start3A_887] : memref<1664xf32, #tpu.memory_space<vmem>> -> memref<128xf32, #tpu.memory_space<vmem>>
    %dma_start3A_889 = arith.constant 0 : i32
    %dma_start3A_890 = tpu.memref_slice %arg10[%dma_start3A_882, %dma_start3A_889] : memref<4x1664xi32, #tpu.memory_space<vmem>> -> memref<1x1664xi32, #tpu.memory_space<vmem>>
    %dma_start3A_891 = tpu.memref_squeeze %dma_start3A_890 : memref<1x1664xi32, #tpu.memory_space<vmem>> -> memref<1664xi32, #tpu.memory_space<vmem>>
    %dma_start3A_892 = arith.constant 512 : i32
    %dma_start3A_893 = tpu.memref_slice %dma_start3A_891[%dma_start3A_892] : memref<1664xi32, #tpu.memory_space<vmem>> -> memref<128xi32, #tpu.memory_space<vmem>>
    %dma_start3A_894 = arith.constant 0 : i32
    %dma_start3A_895 = tpu.memref_slice %arg16[%dma_start3A_894] : memref<262144xf32, #tpu.memory_space<vmem_shared>> -> memref<262144xf32, #tpu.memory_space<vmem_shared>>
    tpu.enqueue_indirect_dma source(%dma_start3A_895 : memref<262144xf32, #tpu.memory_space<vmem_shared>>) target(%dma_start3A_888 : memref<128xf32, #tpu.memory_space<vmem>>) offsets(%dma_start3A_893 : memref<128xi32, #tpu.memory_space<vmem>>) semaphore(%arg19 : memref<!tpu.dma_semaphore, #tpu.memory_space<semaphore_mem>>)
    %dma_start3A_896 = arith.constant 3 : i32
    %dma_start3A_897 = arith.constant 3 : i32
    %dma_start3A_898 = arith.constant 0 : i32
    %dma_start3A_899 = tpu.memref_slice %arg11[%dma_start3A_897, %dma_start3A_898] : memref<4x1664xf32, #tpu.memory_space<vmem>> -> memref<1x1664xf32, #tpu.memory_space<vmem>>
    %dma_start3A_900 = tpu.memref_squeeze %dma_start3A_899 : memref<1x1664xf32, #tpu.memory_space<vmem>> -> memref<1664xf32, #tpu.memory_space<vmem>>
    %dma_start3A_901 = arith.constant 640 : i32
    %dma_start3A_902 = tpu.memref_slice %dma_start3A_900[%dma_start3A_901] : memref<1664xf32, #tpu.memory_space<vmem>> -> memref<128xf32, #tpu.memory_space<vmem>>
    %dma_start3A_903 = arith.constant 0 : i32
    %dma_start3A_904 = tpu.memref_slice %arg10[%dma_start3A_896, %dma_start3A_903] : memref<4x1664xi32, #tpu.memory_space<vmem>> -> memref<1x1664xi32, #tpu.memory_space<vmem>>
    %dma_start3A_905 = tpu.memref_squeeze %dma_start3A_904 : memref<1x1664xi32, #tpu.memory_space<vmem>> -> memref<1664xi32, #tpu.memory_space<vmem>>
    %dma_start3A_906 = arith.constant 640 : i32
    %dma_start3A_907 = tpu.memref_slice %dma_start3A_905[%dma_start3A_906] : memref<1664xi32, #tpu.memory_space<vmem>> -> memref<128xi32, #tpu.memory_space<vmem>>
    %dma_start3A_908 = arith.constant 0 : i32
    %dma_start3A_909 = tpu.memref_slice %arg16[%dma_start3A_908] : memref<262144xf32, #tpu.memory_space<vmem_shared>> -> memref<262144xf32, #tpu.memory_space<vmem_shared>>
    tpu.enqueue_indirect_dma source(%dma_start3A_909 : memref<262144xf32, #tpu.memory_space<vmem_shared>>) target(%dma_start3A_902 : memref<128xf32, #tpu.memory_space<vmem>>) offsets(%dma_start3A_907 : memref<128xi32, #tpu.memory_space<vmem>>) semaphore(%arg19 : memref<!tpu.dma_semaphore, #tpu.memory_space<semaphore_mem>>)
    %dma_start3A_910 = arith.constant 3 : i32
    %dma_start3A_911 = arith.constant 3 : i32
    %dma_start3A_912 = arith.constant 0 : i32
    %dma_start3A_913 = tpu.memref_slice %arg11[%dma_start3A_911, %dma_start3A_912] : memref<4x1664xf32, #tpu.memory_space<vmem>> -> memref<1x1664xf32, #tpu.memory_space<vmem>>
    %dma_start3A_914 = tpu.memref_squeeze %dma_start3A_913 : memref<1x1664xf32, #tpu.memory_space<vmem>> -> memref<1664xf32, #tpu.memory_space<vmem>>
    %dma_start3A_915 = arith.constant 768 : i32
    %dma_start3A_916 = tpu.memref_slice %dma_start3A_914[%dma_start3A_915] : memref<1664xf32, #tpu.memory_space<vmem>> -> memref<128xf32, #tpu.memory_space<vmem>>
    %dma_start3A_917 = arith.constant 0 : i32
    %dma_start3A_918 = tpu.memref_slice %arg10[%dma_start3A_910, %dma_start3A_917] : memref<4x1664xi32, #tpu.memory_space<vmem>> -> memref<1x1664xi32, #tpu.memory_space<vmem>>
    %dma_start3A_919 = tpu.memref_squeeze %dma_start3A_918 : memref<1x1664xi32, #tpu.memory_space<vmem>> -> memref<1664xi32, #tpu.memory_space<vmem>>
    %dma_start3A_920 = arith.constant 768 : i32
    %dma_start3A_921 = tpu.memref_slice %dma_start3A_919[%dma_start3A_920] : memref<1664xi32, #tpu.memory_space<vmem>> -> memref<128xi32, #tpu.memory_space<vmem>>
    %dma_start3A_922 = arith.constant 0 : i32
    %dma_start3A_923 = tpu.memref_slice %arg16[%dma_start3A_922] : memref<262144xf32, #tpu.memory_space<vmem_shared>> -> memref<262144xf32, #tpu.memory_space<vmem_shared>>
    tpu.enqueue_indirect_dma source(%dma_start3A_923 : memref<262144xf32, #tpu.memory_space<vmem_shared>>) target(%dma_start3A_916 : memref<128xf32, #tpu.memory_space<vmem>>) offsets(%dma_start3A_921 : memref<128xi32, #tpu.memory_space<vmem>>) semaphore(%arg19 : memref<!tpu.dma_semaphore, #tpu.memory_space<semaphore_mem>>)
    %dma_start3A_924 = arith.constant 3 : i32
    %dma_start3A_925 = arith.constant 3 : i32
    %dma_start3A_926 = arith.constant 0 : i32
    %dma_start3A_927 = tpu.memref_slice %arg11[%dma_start3A_925, %dma_start3A_926] : memref<4x1664xf32, #tpu.memory_space<vmem>> -> memref<1x1664xf32, #tpu.memory_space<vmem>>
    %dma_start3A_928 = tpu.memref_squeeze %dma_start3A_927 : memref<1x1664xf32, #tpu.memory_space<vmem>> -> memref<1664xf32, #tpu.memory_space<vmem>>
    %dma_start3A_929 = arith.constant 896 : i32
    %dma_start3A_930 = tpu.memref_slice %dma_start3A_928[%dma_start3A_929] : memref<1664xf32, #tpu.memory_space<vmem>> -> memref<128xf32, #tpu.memory_space<vmem>>
    %dma_start3A_931 = arith.constant 0 : i32
    %dma_start3A_932 = tpu.memref_slice %arg10[%dma_start3A_924, %dma_start3A_931] : memref<4x1664xi32, #tpu.memory_space<vmem>> -> memref<1x1664xi32, #tpu.memory_space<vmem>>
    %dma_start3A_933 = tpu.memref_squeeze %dma_start3A_932 : memref<1x1664xi32, #tpu.memory_space<vmem>> -> memref<1664xi32, #tpu.memory_space<vmem>>
    %dma_start3A_934 = arith.constant 896 : i32
    %dma_start3A_935 = tpu.memref_slice %dma_start3A_933[%dma_start3A_934] : memref<1664xi32, #tpu.memory_space<vmem>> -> memref<128xi32, #tpu.memory_space<vmem>>
    %dma_start3A_936 = arith.constant 0 : i32
    %dma_start3A_937 = tpu.memref_slice %arg16[%dma_start3A_936] : memref<262144xf32, #tpu.memory_space<vmem_shared>> -> memref<262144xf32, #tpu.memory_space<vmem_shared>>
    tpu.enqueue_indirect_dma source(%dma_start3A_937 : memref<262144xf32, #tpu.memory_space<vmem_shared>>) target(%dma_start3A_930 : memref<128xf32, #tpu.memory_space<vmem>>) offsets(%dma_start3A_935 : memref<128xi32, #tpu.memory_space<vmem>>) semaphore(%arg19 : memref<!tpu.dma_semaphore, #tpu.memory_space<semaphore_mem>>)
    %dma_start3A_938 = arith.constant 3 : i32
    %dma_start3A_939 = arith.constant 3 : i32
    %dma_start3A_940 = arith.constant 0 : i32
    %dma_start3A_941 = tpu.memref_slice %arg11[%dma_start3A_939, %dma_start3A_940] : memref<4x1664xf32, #tpu.memory_space<vmem>> -> memref<1x1664xf32, #tpu.memory_space<vmem>>
    %dma_start3A_942 = tpu.memref_squeeze %dma_start3A_941 : memref<1x1664xf32, #tpu.memory_space<vmem>> -> memref<1664xf32, #tpu.memory_space<vmem>>
    %dma_start3A_943 = arith.constant 1024 : i32
    %dma_start3A_944 = tpu.memref_slice %dma_start3A_942[%dma_start3A_943] : memref<1664xf32, #tpu.memory_space<vmem>> -> memref<128xf32, #tpu.memory_space<vmem>>
    %dma_start3A_945 = arith.constant 0 : i32
    %dma_start3A_946 = tpu.memref_slice %arg10[%dma_start3A_938, %dma_start3A_945] : memref<4x1664xi32, #tpu.memory_space<vmem>> -> memref<1x1664xi32, #tpu.memory_space<vmem>>
    %dma_start3A_947 = tpu.memref_squeeze %dma_start3A_946 : memref<1x1664xi32, #tpu.memory_space<vmem>> -> memref<1664xi32, #tpu.memory_space<vmem>>
    %dma_start3A_948 = arith.constant 1024 : i32
    %dma_start3A_949 = tpu.memref_slice %dma_start3A_947[%dma_start3A_948] : memref<1664xi32, #tpu.memory_space<vmem>> -> memref<128xi32, #tpu.memory_space<vmem>>
    %dma_start3A_950 = arith.constant 0 : i32
    %dma_start3A_951 = tpu.memref_slice %arg16[%dma_start3A_950] : memref<262144xf32, #tpu.memory_space<vmem_shared>> -> memref<262144xf32, #tpu.memory_space<vmem_shared>>
    tpu.enqueue_indirect_dma source(%dma_start3A_951 : memref<262144xf32, #tpu.memory_space<vmem_shared>>) target(%dma_start3A_944 : memref<128xf32, #tpu.memory_space<vmem>>) offsets(%dma_start3A_949 : memref<128xi32, #tpu.memory_space<vmem>>) semaphore(%arg19 : memref<!tpu.dma_semaphore, #tpu.memory_space<semaphore_mem>>)
    %dma_start3A_952 = arith.constant 3 : i32
    %dma_start3A_953 = arith.constant 3 : i32
    %dma_start3A_954 = arith.constant 0 : i32
    %dma_start3A_955 = tpu.memref_slice %arg11[%dma_start3A_953, %dma_start3A_954] : memref<4x1664xf32, #tpu.memory_space<vmem>> -> memref<1x1664xf32, #tpu.memory_space<vmem>>
    %dma_start3A_956 = tpu.memref_squeeze %dma_start3A_955 : memref<1x1664xf32, #tpu.memory_space<vmem>> -> memref<1664xf32, #tpu.memory_space<vmem>>
    %dma_start3A_957 = arith.constant 1152 : i32
    %dma_start3A_958 = tpu.memref_slice %dma_start3A_956[%dma_start3A_957] : memref<1664xf32, #tpu.memory_space<vmem>> -> memref<128xf32, #tpu.memory_space<vmem>>
    %dma_start3A_959 = arith.constant 0 : i32
    %dma_start3A_960 = tpu.memref_slice %arg10[%dma_start3A_952, %dma_start3A_959] : memref<4x1664xi32, #tpu.memory_space<vmem>> -> memref<1x1664xi32, #tpu.memory_space<vmem>>
    %dma_start3A_961 = tpu.memref_squeeze %dma_start3A_960 : memref<1x1664xi32, #tpu.memory_space<vmem>> -> memref<1664xi32, #tpu.memory_space<vmem>>
    %dma_start3A_962 = arith.constant 1152 : i32
    %dma_start3A_963 = tpu.memref_slice %dma_start3A_961[%dma_start3A_962] : memref<1664xi32, #tpu.memory_space<vmem>> -> memref<128xi32, #tpu.memory_space<vmem>>
    %dma_start3A_964 = arith.constant 0 : i32
    %dma_start3A_965 = tpu.memref_slice %arg16[%dma_start3A_964] : memref<262144xf32, #tpu.memory_space<vmem_shared>> -> memref<262144xf32, #tpu.memory_space<vmem_shared>>
    tpu.enqueue_indirect_dma source(%dma_start3A_965 : memref<262144xf32, #tpu.memory_space<vmem_shared>>) target(%dma_start3A_958 : memref<128xf32, #tpu.memory_space<vmem>>) offsets(%dma_start3A_963 : memref<128xi32, #tpu.memory_space<vmem>>) semaphore(%arg19 : memref<!tpu.dma_semaphore, #tpu.memory_space<semaphore_mem>>)
    %dma_start3A_966 = arith.constant 3 : i32
    %dma_start3A_967 = arith.constant 3 : i32
    %dma_start3A_968 = arith.constant 0 : i32
    %dma_start3A_969 = tpu.memref_slice %arg11[%dma_start3A_967, %dma_start3A_968] : memref<4x1664xf32, #tpu.memory_space<vmem>> -> memref<1x1664xf32, #tpu.memory_space<vmem>>
    %dma_start3A_970 = tpu.memref_squeeze %dma_start3A_969 : memref<1x1664xf32, #tpu.memory_space<vmem>> -> memref<1664xf32, #tpu.memory_space<vmem>>
    %dma_start3A_971 = arith.constant 1280 : i32
    %dma_start3A_972 = tpu.memref_slice %dma_start3A_970[%dma_start3A_971] : memref<1664xf32, #tpu.memory_space<vmem>> -> memref<128xf32, #tpu.memory_space<vmem>>
    %dma_start3A_973 = arith.constant 0 : i32
    %dma_start3A_974 = tpu.memref_slice %arg10[%dma_start3A_966, %dma_start3A_973] : memref<4x1664xi32, #tpu.memory_space<vmem>> -> memref<1x1664xi32, #tpu.memory_space<vmem>>
    %dma_start3A_975 = tpu.memref_squeeze %dma_start3A_974 : memref<1x1664xi32, #tpu.memory_space<vmem>> -> memref<1664xi32, #tpu.memory_space<vmem>>
    %dma_start3A_976 = arith.constant 1280 : i32
    %dma_start3A_977 = tpu.memref_slice %dma_start3A_975[%dma_start3A_976] : memref<1664xi32, #tpu.memory_space<vmem>> -> memref<128xi32, #tpu.memory_space<vmem>>
    %dma_start3A_978 = arith.constant 0 : i32
    %dma_start3A_979 = tpu.memref_slice %arg16[%dma_start3A_978] : memref<262144xf32, #tpu.memory_space<vmem_shared>> -> memref<262144xf32, #tpu.memory_space<vmem_shared>>
    tpu.enqueue_indirect_dma source(%dma_start3A_979 : memref<262144xf32, #tpu.memory_space<vmem_shared>>) target(%dma_start3A_972 : memref<128xf32, #tpu.memory_space<vmem>>) offsets(%dma_start3A_977 : memref<128xi32, #tpu.memory_space<vmem>>) semaphore(%arg19 : memref<!tpu.dma_semaphore, #tpu.memory_space<semaphore_mem>>)
    %dma_start3A_980 = arith.constant 3 : i32
    %dma_start3A_981 = arith.constant 3 : i32
    %dma_start3A_982 = arith.constant 0 : i32
    %dma_start3A_983 = tpu.memref_slice %arg11[%dma_start3A_981, %dma_start3A_982] : memref<4x1664xf32, #tpu.memory_space<vmem>> -> memref<1x1664xf32, #tpu.memory_space<vmem>>
    %dma_start3A_984 = tpu.memref_squeeze %dma_start3A_983 : memref<1x1664xf32, #tpu.memory_space<vmem>> -> memref<1664xf32, #tpu.memory_space<vmem>>
    %dma_start3A_985 = arith.constant 1408 : i32
    %dma_start3A_986 = tpu.memref_slice %dma_start3A_984[%dma_start3A_985] : memref<1664xf32, #tpu.memory_space<vmem>> -> memref<128xf32, #tpu.memory_space<vmem>>
    %dma_start3A_987 = arith.constant 0 : i32
    %dma_start3A_988 = tpu.memref_slice %arg10[%dma_start3A_980, %dma_start3A_987] : memref<4x1664xi32, #tpu.memory_space<vmem>> -> memref<1x1664xi32, #tpu.memory_space<vmem>>
    %dma_start3A_989 = tpu.memref_squeeze %dma_start3A_988 : memref<1x1664xi32, #tpu.memory_space<vmem>> -> memref<1664xi32, #tpu.memory_space<vmem>>
    %dma_start3A_990 = arith.constant 1408 : i32
    %dma_start3A_991 = tpu.memref_slice %dma_start3A_989[%dma_start3A_990] : memref<1664xi32, #tpu.memory_space<vmem>> -> memref<128xi32, #tpu.memory_space<vmem>>
    %dma_start3A_992 = arith.constant 0 : i32
    %dma_start3A_993 = tpu.memref_slice %arg16[%dma_start3A_992] : memref<262144xf32, #tpu.memory_space<vmem_shared>> -> memref<262144xf32, #tpu.memory_space<vmem_shared>>
    tpu.enqueue_indirect_dma source(%dma_start3A_993 : memref<262144xf32, #tpu.memory_space<vmem_shared>>) target(%dma_start3A_986 : memref<128xf32, #tpu.memory_space<vmem>>) offsets(%dma_start3A_991 : memref<128xi32, #tpu.memory_space<vmem>>) semaphore(%arg19 : memref<!tpu.dma_semaphore, #tpu.memory_space<semaphore_mem>>)
    %dma_start3A_994 = arith.constant 3 : i32
    %dma_start3A_995 = arith.constant 3 : i32
    %dma_start3A_996 = arith.constant 0 : i32
    %dma_start3A_997 = tpu.memref_slice %arg11[%dma_start3A_995, %dma_start3A_996] : memref<4x1664xf32, #tpu.memory_space<vmem>> -> memref<1x1664xf32, #tpu.memory_space<vmem>>
    %dma_start3A_998 = tpu.memref_squeeze %dma_start3A_997 : memref<1x1664xf32, #tpu.memory_space<vmem>> -> memref<1664xf32, #tpu.memory_space<vmem>>
    %dma_start3A_999 = arith.constant 1536 : i32
    %dma_start3A_1000 = tpu.memref_slice %dma_start3A_998[%dma_start3A_999] : memref<1664xf32, #tpu.memory_space<vmem>> -> memref<128xf32, #tpu.memory_space<vmem>>
    %dma_start3A_1001 = arith.constant 0 : i32
    %dma_start3A_1002 = tpu.memref_slice %arg10[%dma_start3A_994, %dma_start3A_1001] : memref<4x1664xi32, #tpu.memory_space<vmem>> -> memref<1x1664xi32, #tpu.memory_space<vmem>>
    %dma_start3A_1003 = tpu.memref_squeeze %dma_start3A_1002 : memref<1x1664xi32, #tpu.memory_space<vmem>> -> memref<1664xi32, #tpu.memory_space<vmem>>
    %dma_start3A_1004 = arith.constant 1536 : i32
    %dma_start3A_1005 = tpu.memref_slice %dma_start3A_1003[%dma_start3A_1004] : memref<1664xi32, #tpu.memory_space<vmem>> -> memref<128xi32, #tpu.memory_space<vmem>>
    %dma_start3A_1006 = arith.constant 0 : i32
    %dma_start3A_1007 = tpu.memref_slice %arg16[%dma_start3A_1006] : memref<262144xf32, #tpu.memory_space<vmem_shared>> -> memref<262144xf32, #tpu.memory_space<vmem_shared>>
    tpu.enqueue_indirect_dma source(%dma_start3A_1007 : memref<262144xf32, #tpu.memory_space<vmem_shared>>) target(%dma_start3A_1000 : memref<128xf32, #tpu.memory_space<vmem>>) offsets(%dma_start3A_1005 : memref<128xi32, #tpu.memory_space<vmem>>) semaphore(%arg19 : memref<!tpu.dma_semaphore, #tpu.memory_space<semaphore_mem>>)
    %dma_wait3A_1008 = arith.constant 0 : i32
    %dma_wait3A_1009 = arith.constant 0 : i32
    %dma_wait3A_1010 = tpu.memref_slice %arg12[%dma_wait3A_1008, %dma_wait3A_1009] : memref<8x640xi32, #tpu.memory_space<vmem>> -> memref<1x640xi32, #tpu.memory_space<vmem>>
    %dma_wait3A_1011 = tpu.memref_squeeze %dma_wait3A_1010 : memref<1x640xi32, #tpu.memory_space<vmem>> -> memref<640xi32, #tpu.memory_space<vmem>>
    %dma_wait3A_1012 = tpu.memref_slice %arg6[%add3A_91] : memref<81920xi32, #tpu.memory_space<hbm>> -> memref<640xi32, #tpu.memory_space<hbm>>
    %dma_wait3A_1013 = arith.constant 0 : i32
    %dma_wait3A_1014 = tpu.memref_slice %arg12[%dma_wait3A_1008, %dma_wait3A_1013] : memref<8x640xi32, #tpu.memory_space<vmem>> -> memref<1x640xi32, #tpu.memory_space<vmem>>
    %dma_wait3A_1015 = tpu.memref_squeeze %dma_wait3A_1014 : memref<1x640xi32, #tpu.memory_space<vmem>> -> memref<640xi32, #tpu.memory_space<vmem>>
    %dma_wait3A_1016 = tpu.memref_slice %arg6[%add3A_91] : memref<81920xi32, #tpu.memory_space<hbm>> -> memref<640xi32, #tpu.memory_space<hbm>>
    tpu.wait_dma2 semaphore(%arg18 : memref<!tpu.dma_semaphore, #tpu.memory_space<semaphore_mem>>) src(%dma_wait3A_1016 : memref<640xi32, #tpu.memory_space<hbm>>) dst(%dma_wait3A_1015 : memref<640xi32, #tpu.memory_space<vmem>>)
    %dma_wait3A_1017 = arith.constant 1 : i32
    %dma_wait3A_1018 = arith.constant 0 : i32
    %dma_wait3A_1019 = tpu.memref_slice %arg12[%dma_wait3A_1017, %dma_wait3A_1018] : memref<8x640xi32, #tpu.memory_space<vmem>> -> memref<1x640xi32, #tpu.memory_space<vmem>>
    %dma_wait3A_1020 = tpu.memref_squeeze %dma_wait3A_1019 : memref<1x640xi32, #tpu.memory_space<vmem>> -> memref<640xi32, #tpu.memory_space<vmem>>
    %dma_wait3A_1021 = tpu.memref_slice %arg7[%add3A_91] : memref<81920xi32, #tpu.memory_space<hbm>> -> memref<640xi32, #tpu.memory_space<hbm>>
    %dma_wait3A_1022 = arith.constant 0 : i32
    %dma_wait3A_1023 = tpu.memref_slice %arg12[%dma_wait3A_1017, %dma_wait3A_1022] : memref<8x640xi32, #tpu.memory_space<vmem>> -> memref<1x640xi32, #tpu.memory_space<vmem>>
    %dma_wait3A_1024 = tpu.memref_squeeze %dma_wait3A_1023 : memref<1x640xi32, #tpu.memory_space<vmem>> -> memref<640xi32, #tpu.memory_space<vmem>>
    %dma_wait3A_1025 = tpu.memref_slice %arg7[%add3A_91] : memref<81920xi32, #tpu.memory_space<hbm>> -> memref<640xi32, #tpu.memory_space<hbm>>
    tpu.wait_dma2 semaphore(%arg18 : memref<!tpu.dma_semaphore, #tpu.memory_space<semaphore_mem>>) src(%dma_wait3A_1025 : memref<640xi32, #tpu.memory_space<hbm>>) dst(%dma_wait3A_1024 : memref<640xi32, #tpu.memory_space<vmem>>)
    %scan3A_1026 = arith.constant 0 : i32
    %scan3A_1027 = arith.constant 0 : i32
    %scan3A_1028 = arith.constant 1 : i32
    %scan3A_1029 = arith.constant 0 : i32
    %scan3A_1030 = arith.constant 0 : i32
    %scan3A_1031 = arith.constant 20 : i32
    %scan3A_1032 = arith.addi %scan3A_1030, %scan3A_1031 : i32
    %scan3A_1033 = arith.constant 1 : i32
    scf.for %scan3A_2452 = %scan3A_1030 to %scan3A_1032 step %scan3A_1033  : i32 {
      %mul3A_2453 = arith.constant 32 : i32
      %mul3A_2454 = arith.muli %scan3A_2452, %mul3A_2453 : i32
      %add3A_2455 = arith.constant 0 : i32
      %add3A_2456 = arith.addi %mul3A_2454, %add3A_2455 : i32
      %get3A = arith.constant 0 : i32
      %get3A_2457 = tpu.memref_slice %arg12[%scan3A_1027, %get3A] : memref<8x640xi32, #tpu.memory_space<vmem>> -> memref<1x640xi32, #tpu.memory_space<vmem>>
      %get3A_2458 = tpu.memref_squeeze %get3A_2457 : memref<1x640xi32, #tpu.memory_space<vmem>> -> memref<640xi32, #tpu.memory_space<vmem>>
      %get3A_2459 = arith.index_cast %add3A_2456 : i32 to index
      %get3A_2460 = tpu.vector_load %get3A_2458[%get3A_2459] {strides = array<i32>} : memref<640xi32, #tpu.memory_space<vmem>>, vector<16xi32>,
      %get3A_2461 = vector.shape_cast %get3A_2460 : vector<16xi32> to vector<16xi32>
      %get3A_2462 = arith.constant 0 : i32
      %get3A_2463 = tpu.memref_slice %arg12[%scan3A_1028, %get3A_2462] : memref<8x640xi32, #tpu.memory_space<vmem>> -> memref<1x640xi32, #tpu.memory_space<vmem>>
      %get3A_2464 = tpu.memref_squeeze %get3A_2463 : memref<1x640xi32, #tpu.memory_space<vmem>> -> memref<640xi32, #tpu.memory_space<vmem>>
      %get3A_2465 = arith.index_cast %add3A_2456 : i32 to index
      %get3A_2466 = tpu.vector_load %get3A_2464[%get3A_2465] {strides = array<i32>} : memref<640xi32, #tpu.memory_space<vmem>>, vector<16xi32>,
      %get3A_2467 = vector.shape_cast %get3A_2466 : vector<16xi32> to vector<16xi32>
      %mul3A_2468 = arith.constant 512 : i32
      %mul3A_2469 = vector.broadcast %mul3A_2468 : i32 to vector<16xi32>
      %mul3A_2470 = arith.muli %get3A_2461, %mul3A_2469 : vector<16xi32>
      %add3A_2471 = arith.addi %mul3A_2470, %get3A_2467 : vector<16xi32>
      %swap3A_2472 = arith.constant 0 : i32
      %swap3A_2473 = tpu.memref_slice %arg13[%scan3A_1029, %swap3A_2472] : memref<4x640xi32, #tpu.memory_space<vmem>> -> memref<1x640xi32, #tpu.memory_space<vmem>>
      %swap3A_2474 = tpu.memref_squeeze %swap3A_2473 : memref<1x640xi32, #tpu.memory_space<vmem>> -> memref<640xi32, #tpu.memory_space<vmem>>
      %swap3A_2475 = arith.index_cast %add3A_2456 : i32 to index
      %swap3A_2476 = tpu.vector_load %swap3A_2474[%swap3A_2475] {strides = array<i32>} : memref<640xi32, #tpu.memory_space<vmem>>, vector<16xi32>,
      %swap3A_2477 = vector.shape_cast %swap3A_2476 : vector<16xi32> to vector<16xi32>
      %swap3A_2478 = vector.shape_cast %add3A_2471 : vector<16xi32> to vector<16xi32>
      tpu.vector_store %swap3A_2474[%swap3A_2475], %swap3A_2478 {strides = array<i32>} : memref<640xi32, #tpu.memory_space<vmem>>, vector<16xi32>,
      %mul3A_2479 = arith.constant 32 : i32
      %mul3A_2480 = arith.muli %scan3A_2452, %mul3A_2479 : i32
      %add3A_2481 = arith.constant 16 : i32
      %add3A_2482 = arith.addi %mul3A_2480, %add3A_2481 : i32
      %get3A_2483 = arith.constant 0 : i32
      %get3A_2484 = tpu.memref_slice %arg12[%scan3A_1027, %get3A_2483] : memref<8x640xi32, #tpu.memory_space<vmem>> -> memref<1x640xi32, #tpu.memory_space<vmem>>
      %get3A_2485 = tpu.memref_squeeze %get3A_2484 : memref<1x640xi32, #tpu.memory_space<vmem>> -> memref<640xi32, #tpu.memory_space<vmem>>
      %get3A_2486 = arith.index_cast %add3A_2482 : i32 to index
      %get3A_2487 = tpu.vector_load %get3A_2485[%get3A_2486] {strides = array<i32>} : memref<640xi32, #tpu.memory_space<vmem>>, vector<16xi32>,
      %get3A_2488 = vector.shape_cast %get3A_2487 : vector<16xi32> to vector<16xi32>
      %get3A_2489 = arith.constant 0 : i32
      %get3A_2490 = tpu.memref_slice %arg12[%scan3A_1028, %get3A_2489] : memref<8x640xi32, #tpu.memory_space<vmem>> -> memref<1x640xi32, #tpu.memory_space<vmem>>
      %get3A_2491 = tpu.memref_squeeze %get3A_2490 : memref<1x640xi32, #tpu.memory_space<vmem>> -> memref<640xi32, #tpu.memory_space<vmem>>
      %get3A_2492 = arith.index_cast %add3A_2482 : i32 to index
      %get3A_2493 = tpu.vector_load %get3A_2491[%get3A_2492] {strides = array<i32>} : memref<640xi32, #tpu.memory_space<vmem>>, vector<16xi32>,
      %get3A_2494 = vector.shape_cast %get3A_2493 : vector<16xi32> to vector<16xi32>
      %mul3A_2495 = arith.constant 512 : i32
      %mul3A_2496 = vector.broadcast %mul3A_2495 : i32 to vector<16xi32>
      %mul3A_2497 = arith.muli %get3A_2488, %mul3A_2496 : vector<16xi32>
      %add3A_2498 = arith.addi %mul3A_2497, %get3A_2494 : vector<16xi32>
      %swap3A_2499 = arith.constant 0 : i32
      %swap3A_2500 = tpu.memref_slice %arg13[%scan3A_1029, %swap3A_2499] : memref<4x640xi32, #tpu.memory_space<vmem>> -> memref<1x640xi32, #tpu.memory_space<vmem>>
      %swap3A_2501 = tpu.memref_squeeze %swap3A_2500 : memref<1x640xi32, #tpu.memory_space<vmem>> -> memref<640xi32, #tpu.memory_space<vmem>>
      %swap3A_2502 = arith.index_cast %add3A_2482 : i32 to index
      %swap3A_2503 = tpu.vector_load %swap3A_2501[%swap3A_2502] {strides = array<i32>} : memref<640xi32, #tpu.memory_space<vmem>>, vector<16xi32>,
      %swap3A_2504 = vector.shape_cast %swap3A_2503 : vector<16xi32> to vector<16xi32>
      %swap3A_2505 = vector.shape_cast %add3A_2498 : vector<16xi32> to vector<16xi32>
      tpu.vector_store %swap3A_2501[%swap3A_2502], %swap3A_2505 {strides = array<i32>} : memref<640xi32, #tpu.memory_space<vmem>>, vector<16xi32>,
    }
    %scan3A_1034 = arith.constant 20 : i32
    %dma_start3A_1035 = arith.constant 0 : i32
    %dma_start3A_1036 = arith.constant 0 : i32
    %dma_start3A_1037 = arith.constant 0 : i32
    %dma_start3A_1038 = tpu.memref_slice %arg14[%dma_start3A_1036, %dma_start3A_1037] : memref<4x640xf32, #tpu.memory_space<vmem>> -> memref<1x640xf32, #tpu.memory_space<vmem>>
    %dma_start3A_1039 = tpu.memref_squeeze %dma_start3A_1038 : memref<1x640xf32, #tpu.memory_space<vmem>> -> memref<640xf32, #tpu.memory_space<vmem>>
    %dma_start3A_1040 = arith.constant 0 : i32
    %dma_start3A_1041 = tpu.memref_slice %dma_start3A_1039[%dma_start3A_1040] : memref<640xf32, #tpu.memory_space<vmem>> -> memref<128xf32, #tpu.memory_space<vmem>>
    %dma_start3A_1042 = arith.constant 0 : i32
    %dma_start3A_1043 = tpu.memref_slice %arg13[%dma_start3A_1035, %dma_start3A_1042] : memref<4x640xi32, #tpu.memory_space<vmem>> -> memref<1x640xi32, #tpu.memory_space<vmem>>
    %dma_start3A_1044 = tpu.memref_squeeze %dma_start3A_1043 : memref<1x640xi32, #tpu.memory_space<vmem>> -> memref<640xi32, #tpu.memory_space<vmem>>
    %dma_start3A_1045 = arith.constant 0 : i32
    %dma_start3A_1046 = tpu.memref_slice %dma_start3A_1044[%dma_start3A_1045] : memref<640xi32, #tpu.memory_space<vmem>> -> memref<128xi32, #tpu.memory_space<vmem>>
    %dma_start3A_1047 = arith.constant 0 : i32
    %dma_start3A_1048 = tpu.memref_slice %arg15[%dma_start3A_1047] : memref<262144xf32, #tpu.memory_space<vmem_shared>> -> memref<262144xf32, #tpu.memory_space<vmem_shared>>
    tpu.enqueue_indirect_dma source(%dma_start3A_1048 : memref<262144xf32, #tpu.memory_space<vmem_shared>>) target(%dma_start3A_1041 : memref<128xf32, #tpu.memory_space<vmem>>) offsets(%dma_start3A_1046 : memref<128xi32, #tpu.memory_space<vmem>>) semaphore(%arg19 : memref<!tpu.dma_semaphore, #tpu.memory_space<semaphore_mem>>)
    %dma_start3A_1049 = arith.constant 0 : i32
    %dma_start3A_1050 = arith.constant 0 : i32
    %dma_start3A_1051 = arith.constant 0 : i32
    %dma_start3A_1052 = tpu.memref_slice %arg14[%dma_start3A_1050, %dma_start3A_1051] : memref<4x640xf32, #tpu.memory_space<vmem>> -> memref<1x640xf32, #tpu.memory_space<vmem>>
    %dma_start3A_1053 = tpu.memref_squeeze %dma_start3A_1052 : memref<1x640xf32, #tpu.memory_space<vmem>> -> memref<640xf32, #tpu.memory_space<vmem>>
    %dma_start3A_1054 = arith.constant 128 : i32
    %dma_start3A_1055 = tpu.memref_slice %dma_start3A_1053[%dma_start3A_1054] : memref<640xf32, #tpu.memory_space<vmem>> -> memref<128xf32, #tpu.memory_space<vmem>>
    %dma_start3A_1056 = arith.constant 0 : i32
    %dma_start3A_1057 = tpu.memref_slice %arg13[%dma_start3A_1049, %dma_start3A_1056] : memref<4x640xi32, #tpu.memory_space<vmem>> -> memref<1x640xi32, #tpu.memory_space<vmem>>
    %dma_start3A_1058 = tpu.memref_squeeze %dma_start3A_1057 : memref<1x640xi32, #tpu.memory_space<vmem>> -> memref<640xi32, #tpu.memory_space<vmem>>
    %dma_start3A_1059 = arith.constant 128 : i32
    %dma_start3A_1060 = tpu.memref_slice %dma_start3A_1058[%dma_start3A_1059] : memref<640xi32, #tpu.memory_space<vmem>> -> memref<128xi32, #tpu.memory_space<vmem>>
    %dma_start3A_1061 = arith.constant 0 : i32
    %dma_start3A_1062 = tpu.memref_slice %arg15[%dma_start3A_1061] : memref<262144xf32, #tpu.memory_space<vmem_shared>> -> memref<262144xf32, #tpu.memory_space<vmem_shared>>
    tpu.enqueue_indirect_dma source(%dma_start3A_1062 : memref<262144xf32, #tpu.memory_space<vmem_shared>>) target(%dma_start3A_1055 : memref<128xf32, #tpu.memory_space<vmem>>) offsets(%dma_start3A_1060 : memref<128xi32, #tpu.memory_space<vmem>>) semaphore(%arg19 : memref<!tpu.dma_semaphore, #tpu.memory_space<semaphore_mem>>)
    %dma_start3A_1063 = arith.constant 0 : i32
    %dma_start3A_1064 = arith.constant 0 : i32
    %dma_start3A_1065 = arith.constant 0 : i32
    %dma_start3A_1066 = tpu.memref_slice %arg14[%dma_start3A_1064, %dma_start3A_1065] : memref<4x640xf32, #tpu.memory_space<vmem>> -> memref<1x640xf32, #tpu.memory_space<vmem>>
    %dma_start3A_1067 = tpu.memref_squeeze %dma_start3A_1066 : memref<1x640xf32, #tpu.memory_space<vmem>> -> memref<640xf32, #tpu.memory_space<vmem>>
    %dma_start3A_1068 = arith.constant 256 : i32
    %dma_start3A_1069 = tpu.memref_slice %dma_start3A_1067[%dma_start3A_1068] : memref<640xf32, #tpu.memory_space<vmem>> -> memref<128xf32, #tpu.memory_space<vmem>>
    %dma_start3A_1070 = arith.constant 0 : i32
    %dma_start3A_1071 = tpu.memref_slice %arg13[%dma_start3A_1063, %dma_start3A_1070] : memref<4x640xi32, #tpu.memory_space<vmem>> -> memref<1x640xi32, #tpu.memory_space<vmem>>
    %dma_start3A_1072 = tpu.memref_squeeze %dma_start3A_1071 : memref<1x640xi32, #tpu.memory_space<vmem>> -> memref<640xi32, #tpu.memory_space<vmem>>
    %dma_start3A_1073 = arith.constant 256 : i32
    %dma_start3A_1074 = tpu.memref_slice %dma_start3A_1072[%dma_start3A_1073] : memref<640xi32, #tpu.memory_space<vmem>> -> memref<128xi32, #tpu.memory_space<vmem>>
    %dma_start3A_1075 = arith.constant 0 : i32
    %dma_start3A_1076 = tpu.memref_slice %arg15[%dma_start3A_1075] : memref<262144xf32, #tpu.memory_space<vmem_shared>> -> memref<262144xf32, #tpu.memory_space<vmem_shared>>
    tpu.enqueue_indirect_dma source(%dma_start3A_1076 : memref<262144xf32, #tpu.memory_space<vmem_shared>>) target(%dma_start3A_1069 : memref<128xf32, #tpu.memory_space<vmem>>) offsets(%dma_start3A_1074 : memref<128xi32, #tpu.memory_space<vmem>>) semaphore(%arg19 : memref<!tpu.dma_semaphore, #tpu.memory_space<semaphore_mem>>)
    %dma_start3A_1077 = arith.constant 0 : i32
    %dma_start3A_1078 = arith.constant 0 : i32
    %dma_start3A_1079 = arith.constant 0 : i32
    %dma_start3A_1080 = tpu.memref_slice %arg14[%dma_start3A_1078, %dma_start3A_1079] : memref<4x640xf32, #tpu.memory_space<vmem>> -> memref<1x640xf32, #tpu.memory_space<vmem>>
    %dma_start3A_1081 = tpu.memref_squeeze %dma_start3A_1080 : memref<1x640xf32, #tpu.memory_space<vmem>> -> memref<640xf32, #tpu.memory_space<vmem>>
    %dma_start3A_1082 = arith.constant 384 : i32
    %dma_start3A_1083 = tpu.memref_slice %dma_start3A_1081[%dma_start3A_1082] : memref<640xf32, #tpu.memory_space<vmem>> -> memref<128xf32, #tpu.memory_space<vmem>>
    %dma_start3A_1084 = arith.constant 0 : i32
    %dma_start3A_1085 = tpu.memref_slice %arg13[%dma_start3A_1077, %dma_start3A_1084] : memref<4x640xi32, #tpu.memory_space<vmem>> -> memref<1x640xi32, #tpu.memory_space<vmem>>
    %dma_start3A_1086 = tpu.memref_squeeze %dma_start3A_1085 : memref<1x640xi32, #tpu.memory_space<vmem>> -> memref<640xi32, #tpu.memory_space<vmem>>
    %dma_start3A_1087 = arith.constant 384 : i32
    %dma_start3A_1088 = tpu.memref_slice %dma_start3A_1086[%dma_start3A_1087] : memref<640xi32, #tpu.memory_space<vmem>> -> memref<128xi32, #tpu.memory_space<vmem>>
    %dma_start3A_1089 = arith.constant 0 : i32
    %dma_start3A_1090 = tpu.memref_slice %arg15[%dma_start3A_1089] : memref<262144xf32, #tpu.memory_space<vmem_shared>> -> memref<262144xf32, #tpu.memory_space<vmem_shared>>
    tpu.enqueue_indirect_dma source(%dma_start3A_1090 : memref<262144xf32, #tpu.memory_space<vmem_shared>>) target(%dma_start3A_1083 : memref<128xf32, #tpu.memory_space<vmem>>) offsets(%dma_start3A_1088 : memref<128xi32, #tpu.memory_space<vmem>>) semaphore(%arg19 : memref<!tpu.dma_semaphore, #tpu.memory_space<semaphore_mem>>)
    %dma_start3A_1091 = arith.constant 0 : i32
    %dma_start3A_1092 = arith.constant 0 : i32
    %dma_start3A_1093 = arith.constant 0 : i32
    %dma_start3A_1094 = tpu.memref_slice %arg14[%dma_start3A_1092, %dma_start3A_1093] : memref<4x640xf32, #tpu.memory_space<vmem>> -> memref<1x640xf32, #tpu.memory_space<vmem>>
    %dma_start3A_1095 = tpu.memref_squeeze %dma_start3A_1094 : memref<1x640xf32, #tpu.memory_space<vmem>> -> memref<640xf32, #tpu.memory_space<vmem>>
    %dma_start3A_1096 = arith.constant 512 : i32
    %dma_start3A_1097 = tpu.memref_slice %dma_start3A_1095[%dma_start3A_1096] : memref<640xf32, #tpu.memory_space<vmem>> -> memref<128xf32, #tpu.memory_space<vmem>>
    %dma_start3A_1098 = arith.constant 0 : i32
    %dma_start3A_1099 = tpu.memref_slice %arg13[%dma_start3A_1091, %dma_start3A_1098] : memref<4x640xi32, #tpu.memory_space<vmem>> -> memref<1x640xi32, #tpu.memory_space<vmem>>
    %dma_start3A_1100 = tpu.memref_squeeze %dma_start3A_1099 : memref<1x640xi32, #tpu.memory_space<vmem>> -> memref<640xi32, #tpu.memory_space<vmem>>
    %dma_start3A_1101 = arith.constant 512 : i32
    %dma_start3A_1102 = tpu.memref_slice %dma_start3A_1100[%dma_start3A_1101] : memref<640xi32, #tpu.memory_space<vmem>> -> memref<128xi32, #tpu.memory_space<vmem>>
    %dma_start3A_1103 = arith.constant 0 : i32
    %dma_start3A_1104 = tpu.memref_slice %arg15[%dma_start3A_1103] : memref<262144xf32, #tpu.memory_space<vmem_shared>> -> memref<262144xf32, #tpu.memory_space<vmem_shared>>
    tpu.enqueue_indirect_dma source(%dma_start3A_1104 : memref<262144xf32, #tpu.memory_space<vmem_shared>>) target(%dma_start3A_1097 : memref<128xf32, #tpu.memory_space<vmem>>) offsets(%dma_start3A_1102 : memref<128xi32, #tpu.memory_space<vmem>>) semaphore(%arg19 : memref<!tpu.dma_semaphore, #tpu.memory_space<semaphore_mem>>)
    %dma_wait3A_1105 = arith.constant 2 : i32
    %dma_wait3A_1106 = arith.constant 0 : i32
    %dma_wait3A_1107 = tpu.memref_slice %arg12[%dma_wait3A_1105, %dma_wait3A_1106] : memref<8x640xi32, #tpu.memory_space<vmem>> -> memref<1x640xi32, #tpu.memory_space<vmem>>
    %dma_wait3A_1108 = tpu.memref_squeeze %dma_wait3A_1107 : memref<1x640xi32, #tpu.memory_space<vmem>> -> memref<640xi32, #tpu.memory_space<vmem>>
    %dma_wait3A_1109 = tpu.memref_slice %arg6[%add3A_111] : memref<81920xi32, #tpu.memory_space<hbm>> -> memref<640xi32, #tpu.memory_space<hbm>>
    %dma_wait3A_1110 = arith.constant 0 : i32
    %dma_wait3A_1111 = tpu.memref_slice %arg12[%dma_wait3A_1105, %dma_wait3A_1110] : memref<8x640xi32, #tpu.memory_space<vmem>> -> memref<1x640xi32, #tpu.memory_space<vmem>>
    %dma_wait3A_1112 = tpu.memref_squeeze %dma_wait3A_1111 : memref<1x640xi32, #tpu.memory_space<vmem>> -> memref<640xi32, #tpu.memory_space<vmem>>
    %dma_wait3A_1113 = tpu.memref_slice %arg6[%add3A_111] : memref<81920xi32, #tpu.memory_space<hbm>> -> memref<640xi32, #tpu.memory_space<hbm>>
    tpu.wait_dma2 semaphore(%arg18 : memref<!tpu.dma_semaphore, #tpu.memory_space<semaphore_mem>>) src(%dma_wait3A_1113 : memref<640xi32, #tpu.memory_space<hbm>>) dst(%dma_wait3A_1112 : memref<640xi32, #tpu.memory_space<vmem>>)
    %dma_wait3A_1114 = arith.constant 3 : i32
    %dma_wait3A_1115 = arith.constant 0 : i32
    %dma_wait3A_1116 = tpu.memref_slice %arg12[%dma_wait3A_1114, %dma_wait3A_1115] : memref<8x640xi32, #tpu.memory_space<vmem>> -> memref<1x640xi32, #tpu.memory_space<vmem>>
    %dma_wait3A_1117 = tpu.memref_squeeze %dma_wait3A_1116 : memref<1x640xi32, #tpu.memory_space<vmem>> -> memref<640xi32, #tpu.memory_space<vmem>>
    %dma_wait3A_1118 = tpu.memref_slice %arg7[%add3A_111] : memref<81920xi32, #tpu.memory_space<hbm>> -> memref<640xi32, #tpu.memory_space<hbm>>
    %dma_wait3A_1119 = arith.constant 0 : i32
    %dma_wait3A_1120 = tpu.memref_slice %arg12[%dma_wait3A_1114, %dma_wait3A_1119] : memref<8x640xi32, #tpu.memory_space<vmem>> -> memref<1x640xi32, #tpu.memory_space<vmem>>
    %dma_wait3A_1121 = tpu.memref_squeeze %dma_wait3A_1120 : memref<1x640xi32, #tpu.memory_space<vmem>> -> memref<640xi32, #tpu.memory_space<vmem>>
    %dma_wait3A_1122 = tpu.memref_slice %arg7[%add3A_111] : memref<81920xi32, #tpu.memory_space<hbm>> -> memref<640xi32, #tpu.memory_space<hbm>>
    tpu.wait_dma2 semaphore(%arg18 : memref<!tpu.dma_semaphore, #tpu.memory_space<semaphore_mem>>) src(%dma_wait3A_1122 : memref<640xi32, #tpu.memory_space<hbm>>) dst(%dma_wait3A_1121 : memref<640xi32, #tpu.memory_space<vmem>>)
    %scan3A_1123 = arith.constant 0 : i32
    %scan3A_1124 = arith.constant 2 : i32
    %scan3A_1125 = arith.constant 3 : i32
    %scan3A_1126 = arith.constant 1 : i32
    %scan3A_1127 = arith.constant 0 : i32
    %scan3A_1128 = arith.constant 20 : i32
    %scan3A_1129 = arith.addi %scan3A_1127, %scan3A_1128 : i32
    %scan3A_1130 = arith.constant 1 : i32
    scf.for %scan3A_2452 = %scan3A_1127 to %scan3A_1129 step %scan3A_1130  : i32 {
      %mul3A_2453 = arith.constant 32 : i32
      %mul3A_2454 = arith.muli %scan3A_2452, %mul3A_2453 : i32
      %add3A_2455 = arith.constant 0 : i32
      %add3A_2456 = arith.addi %mul3A_2454, %add3A_2455 : i32
      %get3A = arith.constant 0 : i32
      %get3A_2457 = tpu.memref_slice %arg12[%scan3A_1124, %get3A] : memref<8x640xi32, #tpu.memory_space<vmem>> -> memref<1x640xi32, #tpu.memory_space<vmem>>
      %get3A_2458 = tpu.memref_squeeze %get3A_2457 : memref<1x640xi32, #tpu.memory_space<vmem>> -> memref<640xi32, #tpu.memory_space<vmem>>
      %get3A_2459 = arith.index_cast %add3A_2456 : i32 to index
      %get3A_2460 = tpu.vector_load %get3A_2458[%get3A_2459] {strides = array<i32>} : memref<640xi32, #tpu.memory_space<vmem>>, vector<16xi32>,
      %get3A_2461 = vector.shape_cast %get3A_2460 : vector<16xi32> to vector<16xi32>
      %get3A_2462 = arith.constant 0 : i32
      %get3A_2463 = tpu.memref_slice %arg12[%scan3A_1125, %get3A_2462] : memref<8x640xi32, #tpu.memory_space<vmem>> -> memref<1x640xi32, #tpu.memory_space<vmem>>
      %get3A_2464 = tpu.memref_squeeze %get3A_2463 : memref<1x640xi32, #tpu.memory_space<vmem>> -> memref<640xi32, #tpu.memory_space<vmem>>
      %get3A_2465 = arith.index_cast %add3A_2456 : i32 to index
      %get3A_2466 = tpu.vector_load %get3A_2464[%get3A_2465] {strides = array<i32>} : memref<640xi32, #tpu.memory_space<vmem>>, vector<16xi32>,
      %get3A_2467 = vector.shape_cast %get3A_2466 : vector<16xi32> to vector<16xi32>
      %mul3A_2468 = arith.constant 512 : i32
      %mul3A_2469 = vector.broadcast %mul3A_2468 : i32 to vector<16xi32>
      %mul3A_2470 = arith.muli %get3A_2461, %mul3A_2469 : vector<16xi32>
      %add3A_2471 = arith.addi %mul3A_2470, %get3A_2467 : vector<16xi32>
      %swap3A_2472 = arith.constant 0 : i32
      %swap3A_2473 = tpu.memref_slice %arg13[%scan3A_1126, %swap3A_2472] : memref<4x640xi32, #tpu.memory_space<vmem>> -> memref<1x640xi32, #tpu.memory_space<vmem>>
      %swap3A_2474 = tpu.memref_squeeze %swap3A_2473 : memref<1x640xi32, #tpu.memory_space<vmem>> -> memref<640xi32, #tpu.memory_space<vmem>>
      %swap3A_2475 = arith.index_cast %add3A_2456 : i32 to index
      %swap3A_2476 = tpu.vector_load %swap3A_2474[%swap3A_2475] {strides = array<i32>} : memref<640xi32, #tpu.memory_space<vmem>>, vector<16xi32>,
      %swap3A_2477 = vector.shape_cast %swap3A_2476 : vector<16xi32> to vector<16xi32>
      %swap3A_2478 = vector.shape_cast %add3A_2471 : vector<16xi32> to vector<16xi32>
      tpu.vector_store %swap3A_2474[%swap3A_2475], %swap3A_2478 {strides = array<i32>} : memref<640xi32, #tpu.memory_space<vmem>>, vector<16xi32>,
      %mul3A_2479 = arith.constant 32 : i32
      %mul3A_2480 = arith.muli %scan3A_2452, %mul3A_2479 : i32
      %add3A_2481 = arith.constant 16 : i32
      %add3A_2482 = arith.addi %mul3A_2480, %add3A_2481 : i32
      %get3A_2483 = arith.constant 0 : i32
      %get3A_2484 = tpu.memref_slice %arg12[%scan3A_1124, %get3A_2483] : memref<8x640xi32, #tpu.memory_space<vmem>> -> memref<1x640xi32, #tpu.memory_space<vmem>>
      %get3A_2485 = tpu.memref_squeeze %get3A_2484 : memref<1x640xi32, #tpu.memory_space<vmem>> -> memref<640xi32, #tpu.memory_space<vmem>>
      %get3A_2486 = arith.index_cast %add3A_2482 : i32 to index
      %get3A_2487 = tpu.vector_load %get3A_2485[%get3A_2486] {strides = array<i32>} : memref<640xi32, #tpu.memory_space<vmem>>, vector<16xi32>,
      %get3A_2488 = vector.shape_cast %get3A_2487 : vector<16xi32> to vector<16xi32>
      %get3A_2489 = arith.constant 0 : i32
      %get3A_2490 = tpu.memref_slice %arg12[%scan3A_1125, %get3A_2489] : memref<8x640xi32, #tpu.memory_space<vmem>> -> memref<1x640xi32, #tpu.memory_space<vmem>>
      %get3A_2491 = tpu.memref_squeeze %get3A_2490 : memref<1x640xi32, #tpu.memory_space<vmem>> -> memref<640xi32, #tpu.memory_space<vmem>>
      %get3A_2492 = arith.index_cast %add3A_2482 : i32 to index
      %get3A_2493 = tpu.vector_load %get3A_2491[%get3A_2492] {strides = array<i32>} : memref<640xi32, #tpu.memory_space<vmem>>, vector<16xi32>,
      %get3A_2494 = vector.shape_cast %get3A_2493 : vector<16xi32> to vector<16xi32>
      %mul3A_2495 = arith.constant 512 : i32
      %mul3A_2496 = vector.broadcast %mul3A_2495 : i32 to vector<16xi32>
      %mul3A_2497 = arith.muli %get3A_2488, %mul3A_2496 : vector<16xi32>
      %add3A_2498 = arith.addi %mul3A_2497, %get3A_2494 : vector<16xi32>
      %swap3A_2499 = arith.constant 0 : i32
      %swap3A_2500 = tpu.memref_slice %arg13[%scan3A_1126, %swap3A_2499] : memref<4x640xi32, #tpu.memory_space<vmem>> -> memref<1x640xi32, #tpu.memory_space<vmem>>
      %swap3A_2501 = tpu.memref_squeeze %swap3A_2500 : memref<1x640xi32, #tpu.memory_space<vmem>> -> memref<640xi32, #tpu.memory_space<vmem>>
      %swap3A_2502 = arith.index_cast %add3A_2482 : i32 to index
      %swap3A_2503 = tpu.vector_load %swap3A_2501[%swap3A_2502] {strides = array<i32>} : memref<640xi32, #tpu.memory_space<vmem>>, vector<16xi32>,
      %swap3A_2504 = vector.shape_cast %swap3A_2503 : vector<16xi32> to vector<16xi32>
      %swap3A_2505 = vector.shape_cast %add3A_2498 : vector<16xi32> to vector<16xi32>
      tpu.vector_store %swap3A_2501[%swap3A_2502], %swap3A_2505 {strides = array<i32>} : memref<640xi32, #tpu.memory_space<vmem>>, vector<16xi32>,
    }
    %scan3A_1131 = arith.constant 20 : i32
    %dma_start3A_1132 = arith.constant 1 : i32
    %dma_start3A_1133 = arith.constant 1 : i32
    %dma_start3A_1134 = arith.constant 0 : i32
    %dma_start3A_1135 = tpu.memref_slice %arg14[%dma_start3A_1133, %dma_start3A_1134] : memref<4x640xf32, #tpu.memory_space<vmem>> -> memref<1x640xf32, #tpu.memory_space<vmem>>
    %dma_start3A_1136 = tpu.memref_squeeze %dma_start3A_1135 : memref<1x640xf32, #tpu.memory_space<vmem>> -> memref<640xf32, #tpu.memory_space<vmem>>
    %dma_start3A_1137 = arith.constant 0 : i32
    %dma_start3A_1138 = tpu.memref_slice %dma_start3A_1136[%dma_start3A_1137] : memref<640xf32, #tpu.memory_space<vmem>> -> memref<128xf32, #tpu.memory_space<vmem>>
    %dma_start3A_1139 = arith.constant 0 : i32
    %dma_start3A_1140 = tpu.memref_slice %arg13[%dma_start3A_1132, %dma_start3A_1139] : memref<4x640xi32, #tpu.memory_space<vmem>> -> memref<1x640xi32, #tpu.memory_space<vmem>>
    %dma_start3A_1141 = tpu.memref_squeeze %dma_start3A_1140 : memref<1x640xi32, #tpu.memory_space<vmem>> -> memref<640xi32, #tpu.memory_space<vmem>>
    %dma_start3A_1142 = arith.constant 0 : i32
    %dma_start3A_1143 = tpu.memref_slice %dma_start3A_1141[%dma_start3A_1142] : memref<640xi32, #tpu.memory_space<vmem>> -> memref<128xi32, #tpu.memory_space<vmem>>
    %dma_start3A_1144 = arith.constant 0 : i32
    %dma_start3A_1145 = tpu.memref_slice %arg15[%dma_start3A_1144] : memref<262144xf32, #tpu.memory_space<vmem_shared>> -> memref<262144xf32, #tpu.memory_space<vmem_shared>>
    tpu.enqueue_indirect_dma source(%dma_start3A_1145 : memref<262144xf32, #tpu.memory_space<vmem_shared>>) target(%dma_start3A_1138 : memref<128xf32, #tpu.memory_space<vmem>>) offsets(%dma_start3A_1143 : memref<128xi32, #tpu.memory_space<vmem>>) semaphore(%arg19 : memref<!tpu.dma_semaphore, #tpu.memory_space<semaphore_mem>>)
    %dma_start3A_1146 = arith.constant 1 : i32
    %dma_start3A_1147 = arith.constant 1 : i32
    %dma_start3A_1148 = arith.constant 0 : i32
    %dma_start3A_1149 = tpu.memref_slice %arg14[%dma_start3A_1147, %dma_start3A_1148] : memref<4x640xf32, #tpu.memory_space<vmem>> -> memref<1x640xf32, #tpu.memory_space<vmem>>
    %dma_start3A_1150 = tpu.memref_squeeze %dma_start3A_1149 : memref<1x640xf32, #tpu.memory_space<vmem>> -> memref<640xf32, #tpu.memory_space<vmem>>
    %dma_start3A_1151 = arith.constant 128 : i32
    %dma_start3A_1152 = tpu.memref_slice %dma_start3A_1150[%dma_start3A_1151] : memref<640xf32, #tpu.memory_space<vmem>> -> memref<128xf32, #tpu.memory_space<vmem>>
    %dma_start3A_1153 = arith.constant 0 : i32
    %dma_start3A_1154 = tpu.memref_slice %arg13[%dma_start3A_1146, %dma_start3A_1153] : memref<4x640xi32, #tpu.memory_space<vmem>> -> memref<1x640xi32, #tpu.memory_space<vmem>>
    %dma_start3A_1155 = tpu.memref_squeeze %dma_start3A_1154 : memref<1x640xi32, #tpu.memory_space<vmem>> -> memref<640xi32, #tpu.memory_space<vmem>>
    %dma_start3A_1156 = arith.constant 128 : i32
    %dma_start3A_1157 = tpu.memref_slice %dma_start3A_1155[%dma_start3A_1156] : memref<640xi32, #tpu.memory_space<vmem>> -> memref<128xi32, #tpu.memory_space<vmem>>
    %dma_start3A_1158 = arith.constant 0 : i32
    %dma_start3A_1159 = tpu.memref_slice %arg15[%dma_start3A_1158] : memref<262144xf32, #tpu.memory_space<vmem_shared>> -> memref<262144xf32, #tpu.memory_space<vmem_shared>>
    tpu.enqueue_indirect_dma source(%dma_start3A_1159 : memref<262144xf32, #tpu.memory_space<vmem_shared>>) target(%dma_start3A_1152 : memref<128xf32, #tpu.memory_space<vmem>>) offsets(%dma_start3A_1157 : memref<128xi32, #tpu.memory_space<vmem>>) semaphore(%arg19 : memref<!tpu.dma_semaphore, #tpu.memory_space<semaphore_mem>>)
    %dma_start3A_1160 = arith.constant 1 : i32
    %dma_start3A_1161 = arith.constant 1 : i32
    %dma_start3A_1162 = arith.constant 0 : i32
    %dma_start3A_1163 = tpu.memref_slice %arg14[%dma_start3A_1161, %dma_start3A_1162] : memref<4x640xf32, #tpu.memory_space<vmem>> -> memref<1x640xf32, #tpu.memory_space<vmem>>
    %dma_start3A_1164 = tpu.memref_squeeze %dma_start3A_1163 : memref<1x640xf32, #tpu.memory_space<vmem>> -> memref<640xf32, #tpu.memory_space<vmem>>
    %dma_start3A_1165 = arith.constant 256 : i32
    %dma_start3A_1166 = tpu.memref_slice %dma_start3A_1164[%dma_start3A_1165] : memref<640xf32, #tpu.memory_space<vmem>> -> memref<128xf32, #tpu.memory_space<vmem>>
    %dma_start3A_1167 = arith.constant 0 : i32
    %dma_start3A_1168 = tpu.memref_slice %arg13[%dma_start3A_1160, %dma_start3A_1167] : memref<4x640xi32, #tpu.memory_space<vmem>> -> memref<1x640xi32, #tpu.memory_space<vmem>>
    %dma_start3A_1169 = tpu.memref_squeeze %dma_start3A_1168 : memref<1x640xi32, #tpu.memory_space<vmem>> -> memref<640xi32, #tpu.memory_space<vmem>>
    %dma_start3A_1170 = arith.constant 256 : i32
    %dma_start3A_1171 = tpu.memref_slice %dma_start3A_1169[%dma_start3A_1170] : memref<640xi32, #tpu.memory_space<vmem>> -> memref<128xi32, #tpu.memory_space<vmem>>
    %dma_start3A_1172 = arith.constant 0 : i32
    %dma_start3A_1173 = tpu.memref_slice %arg15[%dma_start3A_1172] : memref<262144xf32, #tpu.memory_space<vmem_shared>> -> memref<262144xf32, #tpu.memory_space<vmem_shared>>
    tpu.enqueue_indirect_dma source(%dma_start3A_1173 : memref<262144xf32, #tpu.memory_space<vmem_shared>>) target(%dma_start3A_1166 : memref<128xf32, #tpu.memory_space<vmem>>) offsets(%dma_start3A_1171 : memref<128xi32, #tpu.memory_space<vmem>>) semaphore(%arg19 : memref<!tpu.dma_semaphore, #tpu.memory_space<semaphore_mem>>)
    %dma_start3A_1174 = arith.constant 1 : i32
    %dma_start3A_1175 = arith.constant 1 : i32
    %dma_start3A_1176 = arith.constant 0 : i32
    %dma_start3A_1177 = tpu.memref_slice %arg14[%dma_start3A_1175, %dma_start3A_1176] : memref<4x640xf32, #tpu.memory_space<vmem>> -> memref<1x640xf32, #tpu.memory_space<vmem>>
    %dma_start3A_1178 = tpu.memref_squeeze %dma_start3A_1177 : memref<1x640xf32, #tpu.memory_space<vmem>> -> memref<640xf32, #tpu.memory_space<vmem>>
    %dma_start3A_1179 = arith.constant 384 : i32
    %dma_start3A_1180 = tpu.memref_slice %dma_start3A_1178[%dma_start3A_1179] : memref<640xf32, #tpu.memory_space<vmem>> -> memref<128xf32, #tpu.memory_space<vmem>>
    %dma_start3A_1181 = arith.constant 0 : i32
    %dma_start3A_1182 = tpu.memref_slice %arg13[%dma_start3A_1174, %dma_start3A_1181] : memref<4x640xi32, #tpu.memory_space<vmem>> -> memref<1x640xi32, #tpu.memory_space<vmem>>
    %dma_start3A_1183 = tpu.memref_squeeze %dma_start3A_1182 : memref<1x640xi32, #tpu.memory_space<vmem>> -> memref<640xi32, #tpu.memory_space<vmem>>
    %dma_start3A_1184 = arith.constant 384 : i32
    %dma_start3A_1185 = tpu.memref_slice %dma_start3A_1183[%dma_start3A_1184] : memref<640xi32, #tpu.memory_space<vmem>> -> memref<128xi32, #tpu.memory_space<vmem>>
    %dma_start3A_1186 = arith.constant 0 : i32
    %dma_start3A_1187 = tpu.memref_slice %arg15[%dma_start3A_1186] : memref<262144xf32, #tpu.memory_space<vmem_shared>> -> memref<262144xf32, #tpu.memory_space<vmem_shared>>
    tpu.enqueue_indirect_dma source(%dma_start3A_1187 : memref<262144xf32, #tpu.memory_space<vmem_shared>>) target(%dma_start3A_1180 : memref<128xf32, #tpu.memory_space<vmem>>) offsets(%dma_start3A_1185 : memref<128xi32, #tpu.memory_space<vmem>>) semaphore(%arg19 : memref<!tpu.dma_semaphore, #tpu.memory_space<semaphore_mem>>)
    %dma_start3A_1188 = arith.constant 1 : i32
    %dma_start3A_1189 = arith.constant 1 : i32
    %dma_start3A_1190 = arith.constant 0 : i32
    %dma_start3A_1191 = tpu.memref_slice %arg14[%dma_start3A_1189, %dma_start3A_1190] : memref<4x640xf32, #tpu.memory_space<vmem>> -> memref<1x640xf32, #tpu.memory_space<vmem>>
    %dma_start3A_1192 = tpu.memref_squeeze %dma_start3A_1191 : memref<1x640xf32, #tpu.memory_space<vmem>> -> memref<640xf32, #tpu.memory_space<vmem>>
    %dma_start3A_1193 = arith.constant 512 : i32
    %dma_start3A_1194 = tpu.memref_slice %dma_start3A_1192[%dma_start3A_1193] : memref<640xf32, #tpu.memory_space<vmem>> -> memref<128xf32, #tpu.memory_space<vmem>>
    %dma_start3A_1195 = arith.constant 0 : i32
    %dma_start3A_1196 = tpu.memref_slice %arg13[%dma_start3A_1188, %dma_start3A_1195] : memref<4x640xi32, #tpu.memory_space<vmem>> -> memref<1x640xi32, #tpu.memory_space<vmem>>
    %dma_start3A_1197 = tpu.memref_squeeze %dma_start3A_1196 : memref<1x640xi32, #tpu.memory_space<vmem>> -> memref<640xi32, #tpu.memory_space<vmem>>
    %dma_start3A_1198 = arith.constant 512 : i32
    %dma_start3A_1199 = tpu.memref_slice %dma_start3A_1197[%dma_start3A_1198] : memref<640xi32, #tpu.memory_space<vmem>> -> memref<128xi32, #tpu.memory_space<vmem>>
    %dma_start3A_1200 = arith.constant 0 : i32
    %dma_start3A_1201 = tpu.memref_slice %arg15[%dma_start3A_1200] : memref<262144xf32, #tpu.memory_space<vmem_shared>> -> memref<262144xf32, #tpu.memory_space<vmem_shared>>
    tpu.enqueue_indirect_dma source(%dma_start3A_1201 : memref<262144xf32, #tpu.memory_space<vmem_shared>>) target(%dma_start3A_1194 : memref<128xf32, #tpu.memory_space<vmem>>) offsets(%dma_start3A_1199 : memref<128xi32, #tpu.memory_space<vmem>>) semaphore(%arg19 : memref<!tpu.dma_semaphore, #tpu.memory_space<semaphore_mem>>)
    %dma_wait3A_1202 = arith.constant 4 : i32
    %dma_wait3A_1203 = arith.constant 0 : i32
    %dma_wait3A_1204 = tpu.memref_slice %arg12[%dma_wait3A_1202, %dma_wait3A_1203] : memref<8x640xi32, #tpu.memory_space<vmem>> -> memref<1x640xi32, #tpu.memory_space<vmem>>
    %dma_wait3A_1205 = tpu.memref_squeeze %dma_wait3A_1204 : memref<1x640xi32, #tpu.memory_space<vmem>> -> memref<640xi32, #tpu.memory_space<vmem>>
    %dma_wait3A_1206 = tpu.memref_slice %arg6[%add3A_131] : memref<81920xi32, #tpu.memory_space<hbm>> -> memref<640xi32, #tpu.memory_space<hbm>>
    %dma_wait3A_1207 = arith.constant 0 : i32
    %dma_wait3A_1208 = tpu.memref_slice %arg12[%dma_wait3A_1202, %dma_wait3A_1207] : memref<8x640xi32, #tpu.memory_space<vmem>> -> memref<1x640xi32, #tpu.memory_space<vmem>>
    %dma_wait3A_1209 = tpu.memref_squeeze %dma_wait3A_1208 : memref<1x640xi32, #tpu.memory_space<vmem>> -> memref<640xi32, #tpu.memory_space<vmem>>
    %dma_wait3A_1210 = tpu.memref_slice %arg6[%add3A_131] : memref<81920xi32, #tpu.memory_space<hbm>> -> memref<640xi32, #tpu.memory_space<hbm>>
    tpu.wait_dma2 semaphore(%arg18 : memref<!tpu.dma_semaphore, #tpu.memory_space<semaphore_mem>>) src(%dma_wait3A_1210 : memref<640xi32, #tpu.memory_space<hbm>>) dst(%dma_wait3A_1209 : memref<640xi32, #tpu.memory_space<vmem>>)
    %dma_wait3A_1211 = arith.constant 5 : i32
    %dma_wait3A_1212 = arith.constant 0 : i32
    %dma_wait3A_1213 = tpu.memref_slice %arg12[%dma_wait3A_1211, %dma_wait3A_1212] : memref<8x640xi32, #tpu.memory_space<vmem>> -> memref<1x640xi32, #tpu.memory_space<vmem>>
    %dma_wait3A_1214 = tpu.memref_squeeze %dma_wait3A_1213 : memref<1x640xi32, #tpu.memory_space<vmem>> -> memref<640xi32, #tpu.memory_space<vmem>>
    %dma_wait3A_1215 = tpu.memref_slice %arg7[%add3A_131] : memref<81920xi32, #tpu.memory_space<hbm>> -> memref<640xi32, #tpu.memory_space<hbm>>
    %dma_wait3A_1216 = arith.constant 0 : i32
    %dma_wait3A_1217 = tpu.memref_slice %arg12[%dma_wait3A_1211, %dma_wait3A_1216] : memref<8x640xi32, #tpu.memory_space<vmem>> -> memref<1x640xi32, #tpu.memory_space<vmem>>
    %dma_wait3A_1218 = tpu.memref_squeeze %dma_wait3A_1217 : memref<1x640xi32, #tpu.memory_space<vmem>> -> memref<640xi32, #tpu.memory_space<vmem>>
    %dma_wait3A_1219 = tpu.memref_slice %arg7[%add3A_131] : memref<81920xi32, #tpu.memory_space<hbm>> -> memref<640xi32, #tpu.memory_space<hbm>>
    tpu.wait_dma2 semaphore(%arg18 : memref<!tpu.dma_semaphore, #tpu.memory_space<semaphore_mem>>) src(%dma_wait3A_1219 : memref<640xi32, #tpu.memory_space<hbm>>) dst(%dma_wait3A_1218 : memref<640xi32, #tpu.memory_space<vmem>>)
    %scan3A_1220 = arith.constant 0 : i32
    %scan3A_1221 = arith.constant 4 : i32
    %scan3A_1222 = arith.constant 5 : i32
    %scan3A_1223 = arith.constant 2 : i32
    %scan3A_1224 = arith.constant 0 : i32
    %scan3A_1225 = arith.constant 20 : i32
    %scan3A_1226 = arith.addi %scan3A_1224, %scan3A_1225 : i32
    %scan3A_1227 = arith.constant 1 : i32
    scf.for %scan3A_2452 = %scan3A_1224 to %scan3A_1226 step %scan3A_1227  : i32 {
      %mul3A_2453 = arith.constant 32 : i32
      %mul3A_2454 = arith.muli %scan3A_2452, %mul3A_2453 : i32
      %add3A_2455 = arith.constant 0 : i32
      %add3A_2456 = arith.addi %mul3A_2454, %add3A_2455 : i32
      %get3A = arith.constant 0 : i32
      %get3A_2457 = tpu.memref_slice %arg12[%scan3A_1221, %get3A] : memref<8x640xi32, #tpu.memory_space<vmem>> -> memref<1x640xi32, #tpu.memory_space<vmem>>
      %get3A_2458 = tpu.memref_squeeze %get3A_2457 : memref<1x640xi32, #tpu.memory_space<vmem>> -> memref<640xi32, #tpu.memory_space<vmem>>
      %get3A_2459 = arith.index_cast %add3A_2456 : i32 to index
      %get3A_2460 = tpu.vector_load %get3A_2458[%get3A_2459] {strides = array<i32>} : memref<640xi32, #tpu.memory_space<vmem>>, vector<16xi32>,
      %get3A_2461 = vector.shape_cast %get3A_2460 : vector<16xi32> to vector<16xi32>
      %get3A_2462 = arith.constant 0 : i32
      %get3A_2463 = tpu.memref_slice %arg12[%scan3A_1222, %get3A_2462] : memref<8x640xi32, #tpu.memory_space<vmem>> -> memref<1x640xi32, #tpu.memory_space<vmem>>
      %get3A_2464 = tpu.memref_squeeze %get3A_2463 : memref<1x640xi32, #tpu.memory_space<vmem>> -> memref<640xi32, #tpu.memory_space<vmem>>
      %get3A_2465 = arith.index_cast %add3A_2456 : i32 to index
      %get3A_2466 = tpu.vector_load %get3A_2464[%get3A_2465] {strides = array<i32>} : memref<640xi32, #tpu.memory_space<vmem>>, vector<16xi32>,
      %get3A_2467 = vector.shape_cast %get3A_2466 : vector<16xi32> to vector<16xi32>
      %mul3A_2468 = arith.constant 512 : i32
      %mul3A_2469 = vector.broadcast %mul3A_2468 : i32 to vector<16xi32>
      %mul3A_2470 = arith.muli %get3A_2461, %mul3A_2469 : vector<16xi32>
      %add3A_2471 = arith.addi %mul3A_2470, %get3A_2467 : vector<16xi32>
      %swap3A_2472 = arith.constant 0 : i32
      %swap3A_2473 = tpu.memref_slice %arg13[%scan3A_1223, %swap3A_2472] : memref<4x640xi32, #tpu.memory_space<vmem>> -> memref<1x640xi32, #tpu.memory_space<vmem>>
      %swap3A_2474 = tpu.memref_squeeze %swap3A_2473 : memref<1x640xi32, #tpu.memory_space<vmem>> -> memref<640xi32, #tpu.memory_space<vmem>>
      %swap3A_2475 = arith.index_cast %add3A_2456 : i32 to index
      %swap3A_2476 = tpu.vector_load %swap3A_2474[%swap3A_2475] {strides = array<i32>} : memref<640xi32, #tpu.memory_space<vmem>>, vector<16xi32>,
      %swap3A_2477 = vector.shape_cast %swap3A_2476 : vector<16xi32> to vector<16xi32>
      %swap3A_2478 = vector.shape_cast %add3A_2471 : vector<16xi32> to vector<16xi32>
      tpu.vector_store %swap3A_2474[%swap3A_2475], %swap3A_2478 {strides = array<i32>} : memref<640xi32, #tpu.memory_space<vmem>>, vector<16xi32>,
      %mul3A_2479 = arith.constant 32 : i32
      %mul3A_2480 = arith.muli %scan3A_2452, %mul3A_2479 : i32
      %add3A_2481 = arith.constant 16 : i32
      %add3A_2482 = arith.addi %mul3A_2480, %add3A_2481 : i32
      %get3A_2483 = arith.constant 0 : i32
      %get3A_2484 = tpu.memref_slice %arg12[%scan3A_1221, %get3A_2483] : memref<8x640xi32, #tpu.memory_space<vmem>> -> memref<1x640xi32, #tpu.memory_space<vmem>>
      %get3A_2485 = tpu.memref_squeeze %get3A_2484 : memref<1x640xi32, #tpu.memory_space<vmem>> -> memref<640xi32, #tpu.memory_space<vmem>>
      %get3A_2486 = arith.index_cast %add3A_2482 : i32 to index
      %get3A_2487 = tpu.vector_load %get3A_2485[%get3A_2486] {strides = array<i32>} : memref<640xi32, #tpu.memory_space<vmem>>, vector<16xi32>,
      %get3A_2488 = vector.shape_cast %get3A_2487 : vector<16xi32> to vector<16xi32>
      %get3A_2489 = arith.constant 0 : i32
      %get3A_2490 = tpu.memref_slice %arg12[%scan3A_1222, %get3A_2489] : memref<8x640xi32, #tpu.memory_space<vmem>> -> memref<1x640xi32, #tpu.memory_space<vmem>>
      %get3A_2491 = tpu.memref_squeeze %get3A_2490 : memref<1x640xi32, #tpu.memory_space<vmem>> -> memref<640xi32, #tpu.memory_space<vmem>>
      %get3A_2492 = arith.index_cast %add3A_2482 : i32 to index
      %get3A_2493 = tpu.vector_load %get3A_2491[%get3A_2492] {strides = array<i32>} : memref<640xi32, #tpu.memory_space<vmem>>, vector<16xi32>,
      %get3A_2494 = vector.shape_cast %get3A_2493 : vector<16xi32> to vector<16xi32>
      %mul3A_2495 = arith.constant 512 : i32
      %mul3A_2496 = vector.broadcast %mul3A_2495 : i32 to vector<16xi32>
      %mul3A_2497 = arith.muli %get3A_2488, %mul3A_2496 : vector<16xi32>
      %add3A_2498 = arith.addi %mul3A_2497, %get3A_2494 : vector<16xi32>
      %swap3A_2499 = arith.constant 0 : i32
      %swap3A_2500 = tpu.memref_slice %arg13[%scan3A_1223, %swap3A_2499] : memref<4x640xi32, #tpu.memory_space<vmem>> -> memref<1x640xi32, #tpu.memory_space<vmem>>
      %swap3A_2501 = tpu.memref_squeeze %swap3A_2500 : memref<1x640xi32, #tpu.memory_space<vmem>> -> memref<640xi32, #tpu.memory_space<vmem>>
      %swap3A_2502 = arith.index_cast %add3A_2482 : i32 to index
      %swap3A_2503 = tpu.vector_load %swap3A_2501[%swap3A_2502] {strides = array<i32>} : memref<640xi32, #tpu.memory_space<vmem>>, vector<16xi32>,
      %swap3A_2504 = vector.shape_cast %swap3A_2503 : vector<16xi32> to vector<16xi32>
      %swap3A_2505 = vector.shape_cast %add3A_2498 : vector<16xi32> to vector<16xi32>
      tpu.vector_store %swap3A_2501[%swap3A_2502], %swap3A_2505 {strides = array<i32>} : memref<640xi32, #tpu.memory_space<vmem>>, vector<16xi32>,
    }
    %scan3A_1228 = arith.constant 20 : i32
    %dma_start3A_1229 = arith.constant 2 : i32
    %dma_start3A_1230 = arith.constant 2 : i32
    %dma_start3A_1231 = arith.constant 0 : i32
    %dma_start3A_1232 = tpu.memref_slice %arg14[%dma_start3A_1230, %dma_start3A_1231] : memref<4x640xf32, #tpu.memory_space<vmem>> -> memref<1x640xf32, #tpu.memory_space<vmem>>
    %dma_start3A_1233 = tpu.memref_squeeze %dma_start3A_1232 : memref<1x640xf32, #tpu.memory_space<vmem>> -> memref<640xf32, #tpu.memory_space<vmem>>
    %dma_start3A_1234 = arith.constant 0 : i32
    %dma_start3A_1235 = tpu.memref_slice %dma_start3A_1233[%dma_start3A_1234] : memref<640xf32, #tpu.memory_space<vmem>> -> memref<128xf32, #tpu.memory_space<vmem>>
    %dma_start3A_1236 = arith.constant 0 : i32
    %dma_start3A_1237 = tpu.memref_slice %arg13[%dma_start3A_1229, %dma_start3A_1236] : memref<4x640xi32, #tpu.memory_space<vmem>> -> memref<1x640xi32, #tpu.memory_space<vmem>>
    %dma_start3A_1238 = tpu.memref_squeeze %dma_start3A_1237 : memref<1x640xi32, #tpu.memory_space<vmem>> -> memref<640xi32, #tpu.memory_space<vmem>>
    %dma_start3A_1239 = arith.constant 0 : i32
    %dma_start3A_1240 = tpu.memref_slice %dma_start3A_1238[%dma_start3A_1239] : memref<640xi32, #tpu.memory_space<vmem>> -> memref<128xi32, #tpu.memory_space<vmem>>
    %dma_start3A_1241 = arith.constant 0 : i32
    %dma_start3A_1242 = tpu.memref_slice %arg16[%dma_start3A_1241] : memref<262144xf32, #tpu.memory_space<vmem_shared>> -> memref<262144xf32, #tpu.memory_space<vmem_shared>>
    tpu.enqueue_indirect_dma source(%dma_start3A_1242 : memref<262144xf32, #tpu.memory_space<vmem_shared>>) target(%dma_start3A_1235 : memref<128xf32, #tpu.memory_space<vmem>>) offsets(%dma_start3A_1240 : memref<128xi32, #tpu.memory_space<vmem>>) semaphore(%arg19 : memref<!tpu.dma_semaphore, #tpu.memory_space<semaphore_mem>>)
    %dma_start3A_1243 = arith.constant 2 : i32
    %dma_start3A_1244 = arith.constant 2 : i32
    %dma_start3A_1245 = arith.constant 0 : i32
    %dma_start3A_1246 = tpu.memref_slice %arg14[%dma_start3A_1244, %dma_start3A_1245] : memref<4x640xf32, #tpu.memory_space<vmem>> -> memref<1x640xf32, #tpu.memory_space<vmem>>
    %dma_start3A_1247 = tpu.memref_squeeze %dma_start3A_1246 : memref<1x640xf32, #tpu.memory_space<vmem>> -> memref<640xf32, #tpu.memory_space<vmem>>
    %dma_start3A_1248 = arith.constant 128 : i32
    %dma_start3A_1249 = tpu.memref_slice %dma_start3A_1247[%dma_start3A_1248] : memref<640xf32, #tpu.memory_space<vmem>> -> memref<128xf32, #tpu.memory_space<vmem>>
    %dma_start3A_1250 = arith.constant 0 : i32
    %dma_start3A_1251 = tpu.memref_slice %arg13[%dma_start3A_1243, %dma_start3A_1250] : memref<4x640xi32, #tpu.memory_space<vmem>> -> memref<1x640xi32, #tpu.memory_space<vmem>>
    %dma_start3A_1252 = tpu.memref_squeeze %dma_start3A_1251 : memref<1x640xi32, #tpu.memory_space<vmem>> -> memref<640xi32, #tpu.memory_space<vmem>>
    %dma_start3A_1253 = arith.constant 128 : i32
    %dma_start3A_1254 = tpu.memref_slice %dma_start3A_1252[%dma_start3A_1253] : memref<640xi32, #tpu.memory_space<vmem>> -> memref<128xi32, #tpu.memory_space<vmem>>
    %dma_start3A_1255 = arith.constant 0 : i32
    %dma_start3A_1256 = tpu.memref_slice %arg16[%dma_start3A_1255] : memref<262144xf32, #tpu.memory_space<vmem_shared>> -> memref<262144xf32, #tpu.memory_space<vmem_shared>>
    tpu.enqueue_indirect_dma source(%dma_start3A_1256 : memref<262144xf32, #tpu.memory_space<vmem_shared>>) target(%dma_start3A_1249 : memref<128xf32, #tpu.memory_space<vmem>>) offsets(%dma_start3A_1254 : memref<128xi32, #tpu.memory_space<vmem>>) semaphore(%arg19 : memref<!tpu.dma_semaphore, #tpu.memory_space<semaphore_mem>>)
    %dma_start3A_1257 = arith.constant 2 : i32
    %dma_start3A_1258 = arith.constant 2 : i32
    %dma_start3A_1259 = arith.constant 0 : i32
    %dma_start3A_1260 = tpu.memref_slice %arg14[%dma_start3A_1258, %dma_start3A_1259] : memref<4x640xf32, #tpu.memory_space<vmem>> -> memref<1x640xf32, #tpu.memory_space<vmem>>
    %dma_start3A_1261 = tpu.memref_squeeze %dma_start3A_1260 : memref<1x640xf32, #tpu.memory_space<vmem>> -> memref<640xf32, #tpu.memory_space<vmem>>
    %dma_start3A_1262 = arith.constant 256 : i32
    %dma_start3A_1263 = tpu.memref_slice %dma_start3A_1261[%dma_start3A_1262] : memref<640xf32, #tpu.memory_space<vmem>> -> memref<128xf32, #tpu.memory_space<vmem>>
    %dma_start3A_1264 = arith.constant 0 : i32
    %dma_start3A_1265 = tpu.memref_slice %arg13[%dma_start3A_1257, %dma_start3A_1264] : memref<4x640xi32, #tpu.memory_space<vmem>> -> memref<1x640xi32, #tpu.memory_space<vmem>>
    %dma_start3A_1266 = tpu.memref_squeeze %dma_start3A_1265 : memref<1x640xi32, #tpu.memory_space<vmem>> -> memref<640xi32, #tpu.memory_space<vmem>>
    %dma_start3A_1267 = arith.constant 256 : i32
    %dma_start3A_1268 = tpu.memref_slice %dma_start3A_1266[%dma_start3A_1267] : memref<640xi32, #tpu.memory_space<vmem>> -> memref<128xi32, #tpu.memory_space<vmem>>
    %dma_start3A_1269 = arith.constant 0 : i32
    %dma_start3A_1270 = tpu.memref_slice %arg16[%dma_start3A_1269] : memref<262144xf32, #tpu.memory_space<vmem_shared>> -> memref<262144xf32, #tpu.memory_space<vmem_shared>>
    tpu.enqueue_indirect_dma source(%dma_start3A_1270 : memref<262144xf32, #tpu.memory_space<vmem_shared>>) target(%dma_start3A_1263 : memref<128xf32, #tpu.memory_space<vmem>>) offsets(%dma_start3A_1268 : memref<128xi32, #tpu.memory_space<vmem>>) semaphore(%arg19 : memref<!tpu.dma_semaphore, #tpu.memory_space<semaphore_mem>>)
    %dma_start3A_1271 = arith.constant 2 : i32
    %dma_start3A_1272 = arith.constant 2 : i32
    %dma_start3A_1273 = arith.constant 0 : i32
    %dma_start3A_1274 = tpu.memref_slice %arg14[%dma_start3A_1272, %dma_start3A_1273] : memref<4x640xf32, #tpu.memory_space<vmem>> -> memref<1x640xf32, #tpu.memory_space<vmem>>
    %dma_start3A_1275 = tpu.memref_squeeze %dma_start3A_1274 : memref<1x640xf32, #tpu.memory_space<vmem>> -> memref<640xf32, #tpu.memory_space<vmem>>
    %dma_start3A_1276 = arith.constant 384 : i32
    %dma_start3A_1277 = tpu.memref_slice %dma_start3A_1275[%dma_start3A_1276] : memref<640xf32, #tpu.memory_space<vmem>> -> memref<128xf32, #tpu.memory_space<vmem>>
    %dma_start3A_1278 = arith.constant 0 : i32
    %dma_start3A_1279 = tpu.memref_slice %arg13[%dma_start3A_1271, %dma_start3A_1278] : memref<4x640xi32, #tpu.memory_space<vmem>> -> memref<1x640xi32, #tpu.memory_space<vmem>>
    %dma_start3A_1280 = tpu.memref_squeeze %dma_start3A_1279 : memref<1x640xi32, #tpu.memory_space<vmem>> -> memref<640xi32, #tpu.memory_space<vmem>>
    %dma_start3A_1281 = arith.constant 384 : i32
    %dma_start3A_1282 = tpu.memref_slice %dma_start3A_1280[%dma_start3A_1281] : memref<640xi32, #tpu.memory_space<vmem>> -> memref<128xi32, #tpu.memory_space<vmem>>
    %dma_start3A_1283 = arith.constant 0 : i32
    %dma_start3A_1284 = tpu.memref_slice %arg16[%dma_start3A_1283] : memref<262144xf32, #tpu.memory_space<vmem_shared>> -> memref<262144xf32, #tpu.memory_space<vmem_shared>>
    tpu.enqueue_indirect_dma source(%dma_start3A_1284 : memref<262144xf32, #tpu.memory_space<vmem_shared>>) target(%dma_start3A_1277 : memref<128xf32, #tpu.memory_space<vmem>>) offsets(%dma_start3A_1282 : memref<128xi32, #tpu.memory_space<vmem>>) semaphore(%arg19 : memref<!tpu.dma_semaphore, #tpu.memory_space<semaphore_mem>>)
    %dma_start3A_1285 = arith.constant 2 : i32
    %dma_start3A_1286 = arith.constant 2 : i32
    %dma_start3A_1287 = arith.constant 0 : i32
    %dma_start3A_1288 = tpu.memref_slice %arg14[%dma_start3A_1286, %dma_start3A_1287] : memref<4x640xf32, #tpu.memory_space<vmem>> -> memref<1x640xf32, #tpu.memory_space<vmem>>
    %dma_start3A_1289 = tpu.memref_squeeze %dma_start3A_1288 : memref<1x640xf32, #tpu.memory_space<vmem>> -> memref<640xf32, #tpu.memory_space<vmem>>
    %dma_start3A_1290 = arith.constant 512 : i32
    %dma_start3A_1291 = tpu.memref_slice %dma_start3A_1289[%dma_start3A_1290] : memref<640xf32, #tpu.memory_space<vmem>> -> memref<128xf32, #tpu.memory_space<vmem>>
    %dma_start3A_1292 = arith.constant 0 : i32
    %dma_start3A_1293 = tpu.memref_slice %arg13[%dma_start3A_1285, %dma_start3A_1292] : memref<4x640xi32, #tpu.memory_space<vmem>> -> memref<1x640xi32, #tpu.memory_space<vmem>>
    %dma_start3A_1294 = tpu.memref_squeeze %dma_start3A_1293 : memref<1x640xi32, #tpu.memory_space<vmem>> -> memref<640xi32, #tpu.memory_space<vmem>>
    %dma_start3A_1295 = arith.constant 512 : i32
    %dma_start3A_1296 = tpu.memref_slice %dma_start3A_1294[%dma_start3A_1295] : memref<640xi32, #tpu.memory_space<vmem>> -> memref<128xi32, #tpu.memory_space<vmem>>
    %dma_start3A_1297 = arith.constant 0 : i32
    %dma_start3A_1298 = tpu.memref_slice %arg16[%dma_start3A_1297] : memref<262144xf32, #tpu.memory_space<vmem_shared>> -> memref<262144xf32, #tpu.memory_space<vmem_shared>>
    tpu.enqueue_indirect_dma source(%dma_start3A_1298 : memref<262144xf32, #tpu.memory_space<vmem_shared>>) target(%dma_start3A_1291 : memref<128xf32, #tpu.memory_space<vmem>>) offsets(%dma_start3A_1296 : memref<128xi32, #tpu.memory_space<vmem>>) semaphore(%arg19 : memref<!tpu.dma_semaphore, #tpu.memory_space<semaphore_mem>>)
    %dma_wait3A_1299 = arith.constant 6 : i32
    %dma_wait3A_1300 = arith.constant 0 : i32
    %dma_wait3A_1301 = tpu.memref_slice %arg12[%dma_wait3A_1299, %dma_wait3A_1300] : memref<8x640xi32, #tpu.memory_space<vmem>> -> memref<1x640xi32, #tpu.memory_space<vmem>>
    %dma_wait3A_1302 = tpu.memref_squeeze %dma_wait3A_1301 : memref<1x640xi32, #tpu.memory_space<vmem>> -> memref<640xi32, #tpu.memory_space<vmem>>
    %dma_wait3A_1303 = tpu.memref_slice %arg6[%add3A_151] : memref<81920xi32, #tpu.memory_space<hbm>> -> memref<640xi32, #tpu.memory_space<hbm>>
    %dma_wait3A_1304 = arith.constant 0 : i32
    %dma_wait3A_1305 = tpu.memref_slice %arg12[%dma_wait3A_1299, %dma_wait3A_1304] : memref<8x640xi32, #tpu.memory_space<vmem>> -> memref<1x640xi32, #tpu.memory_space<vmem>>
    %dma_wait3A_1306 = tpu.memref_squeeze %dma_wait3A_1305 : memref<1x640xi32, #tpu.memory_space<vmem>> -> memref<640xi32, #tpu.memory_space<vmem>>
    %dma_wait3A_1307 = tpu.memref_slice %arg6[%add3A_151] : memref<81920xi32, #tpu.memory_space<hbm>> -> memref<640xi32, #tpu.memory_space<hbm>>
    tpu.wait_dma2 semaphore(%arg18 : memref<!tpu.dma_semaphore, #tpu.memory_space<semaphore_mem>>) src(%dma_wait3A_1307 : memref<640xi32, #tpu.memory_space<hbm>>) dst(%dma_wait3A_1306 : memref<640xi32, #tpu.memory_space<vmem>>)
    %dma_wait3A_1308 = arith.constant 7 : i32
    %dma_wait3A_1309 = arith.constant 0 : i32
    %dma_wait3A_1310 = tpu.memref_slice %arg12[%dma_wait3A_1308, %dma_wait3A_1309] : memref<8x640xi32, #tpu.memory_space<vmem>> -> memref<1x640xi32, #tpu.memory_space<vmem>>
    %dma_wait3A_1311 = tpu.memref_squeeze %dma_wait3A_1310 : memref<1x640xi32, #tpu.memory_space<vmem>> -> memref<640xi32, #tpu.memory_space<vmem>>
    %dma_wait3A_1312 = tpu.memref_slice %arg7[%add3A_151] : memref<81920xi32, #tpu.memory_space<hbm>> -> memref<640xi32, #tpu.memory_space<hbm>>
    %dma_wait3A_1313 = arith.constant 0 : i32
    %dma_wait3A_1314 = tpu.memref_slice %arg12[%dma_wait3A_1308, %dma_wait3A_1313] : memref<8x640xi32, #tpu.memory_space<vmem>> -> memref<1x640xi32, #tpu.memory_space<vmem>>
    %dma_wait3A_1315 = tpu.memref_squeeze %dma_wait3A_1314 : memref<1x640xi32, #tpu.memory_space<vmem>> -> memref<640xi32, #tpu.memory_space<vmem>>
    %dma_wait3A_1316 = tpu.memref_slice %arg7[%add3A_151] : memref<81920xi32, #tpu.memory_space<hbm>> -> memref<640xi32, #tpu.memory_space<hbm>>
    tpu.wait_dma2 semaphore(%arg18 : memref<!tpu.dma_semaphore, #tpu.memory_space<semaphore_mem>>) src(%dma_wait3A_1316 : memref<640xi32, #tpu.memory_space<hbm>>) dst(%dma_wait3A_1315 : memref<640xi32, #tpu.memory_space<vmem>>)
    %scan3A_1317 = arith.constant 0 : i32
    %scan3A_1318 = arith.constant 6 : i32
    %scan3A_1319 = arith.constant 7 : i32
    %scan3A_1320 = arith.constant 3 : i32
    %scan3A_1321 = arith.constant 0 : i32
    %scan3A_1322 = arith.constant 20 : i32
    %scan3A_1323 = arith.addi %scan3A_1321, %scan3A_1322 : i32
    %scan3A_1324 = arith.constant 1 : i32
    scf.for %scan3A_2452 = %scan3A_1321 to %scan3A_1323 step %scan3A_1324  : i32 {
      %mul3A_2453 = arith.constant 32 : i32
      %mul3A_2454 = arith.muli %scan3A_2452, %mul3A_2453 : i32
      %add3A_2455 = arith.constant 0 : i32
      %add3A_2456 = arith.addi %mul3A_2454, %add3A_2455 : i32
      %get3A = arith.constant 0 : i32
      %get3A_2457 = tpu.memref_slice %arg12[%scan3A_1318, %get3A] : memref<8x640xi32, #tpu.memory_space<vmem>> -> memref<1x640xi32, #tpu.memory_space<vmem>>
      %get3A_2458 = tpu.memref_squeeze %get3A_2457 : memref<1x640xi32, #tpu.memory_space<vmem>> -> memref<640xi32, #tpu.memory_space<vmem>>
      %get3A_2459 = arith.index_cast %add3A_2456 : i32 to index
      %get3A_2460 = tpu.vector_load %get3A_2458[%get3A_2459] {strides = array<i32>} : memref<640xi32, #tpu.memory_space<vmem>>, vector<16xi32>,
      %get3A_2461 = vector.shape_cast %get3A_2460 : vector<16xi32> to vector<16xi32>
      %get3A_2462 = arith.constant 0 : i32
      %get3A_2463 = tpu.memref_slice %arg12[%scan3A_1319, %get3A_2462] : memref<8x640xi32, #tpu.memory_space<vmem>> -> memref<1x640xi32, #tpu.memory_space<vmem>>
      %get3A_2464 = tpu.memref_squeeze %get3A_2463 : memref<1x640xi32, #tpu.memory_space<vmem>> -> memref<640xi32, #tpu.memory_space<vmem>>
      %get3A_2465 = arith.index_cast %add3A_2456 : i32 to index
      %get3A_2466 = tpu.vector_load %get3A_2464[%get3A_2465] {strides = array<i32>} : memref<640xi32, #tpu.memory_space<vmem>>, vector<16xi32>,
      %get3A_2467 = vector.shape_cast %get3A_2466 : vector<16xi32> to vector<16xi32>
      %mul3A_2468 = arith.constant 512 : i32
      %mul3A_2469 = vector.broadcast %mul3A_2468 : i32 to vector<16xi32>
      %mul3A_2470 = arith.muli %get3A_2461, %mul3A_2469 : vector<16xi32>
      %add3A_2471 = arith.addi %mul3A_2470, %get3A_2467 : vector<16xi32>
      %swap3A_2472 = arith.constant 0 : i32
      %swap3A_2473 = tpu.memref_slice %arg13[%scan3A_1320, %swap3A_2472] : memref<4x640xi32, #tpu.memory_space<vmem>> -> memref<1x640xi32, #tpu.memory_space<vmem>>
      %swap3A_2474 = tpu.memref_squeeze %swap3A_2473 : memref<1x640xi32, #tpu.memory_space<vmem>> -> memref<640xi32, #tpu.memory_space<vmem>>
      %swap3A_2475 = arith.index_cast %add3A_2456 : i32 to index
      %swap3A_2476 = tpu.vector_load %swap3A_2474[%swap3A_2475] {strides = array<i32>} : memref<640xi32, #tpu.memory_space<vmem>>, vector<16xi32>,
      %swap3A_2477 = vector.shape_cast %swap3A_2476 : vector<16xi32> to vector<16xi32>
      %swap3A_2478 = vector.shape_cast %add3A_2471 : vector<16xi32> to vector<16xi32>
      tpu.vector_store %swap3A_2474[%swap3A_2475], %swap3A_2478 {strides = array<i32>} : memref<640xi32, #tpu.memory_space<vmem>>, vector<16xi32>,
      %mul3A_2479 = arith.constant 32 : i32
      %mul3A_2480 = arith.muli %scan3A_2452, %mul3A_2479 : i32
      %add3A_2481 = arith.constant 16 : i32
      %add3A_2482 = arith.addi %mul3A_2480, %add3A_2481 : i32
      %get3A_2483 = arith.constant 0 : i32
      %get3A_2484 = tpu.memref_slice %arg12[%scan3A_1318, %get3A_2483] : memref<8x640xi32, #tpu.memory_space<vmem>> -> memref<1x640xi32, #tpu.memory_space<vmem>>
      %get3A_2485 = tpu.memref_squeeze %get3A_2484 : memref<1x640xi32, #tpu.memory_space<vmem>> -> memref<640xi32, #tpu.memory_space<vmem>>
      %get3A_2486 = arith.index_cast %add3A_2482 : i32 to index
      %get3A_2487 = tpu.vector_load %get3A_2485[%get3A_2486] {strides = array<i32>} : memref<640xi32, #tpu.memory_space<vmem>>, vector<16xi32>,
      %get3A_2488 = vector.shape_cast %get3A_2487 : vector<16xi32> to vector<16xi32>
      %get3A_2489 = arith.constant 0 : i32
      %get3A_2490 = tpu.memref_slice %arg12[%scan3A_1319, %get3A_2489] : memref<8x640xi32, #tpu.memory_space<vmem>> -> memref<1x640xi32, #tpu.memory_space<vmem>>
      %get3A_2491 = tpu.memref_squeeze %get3A_2490 : memref<1x640xi32, #tpu.memory_space<vmem>> -> memref<640xi32, #tpu.memory_space<vmem>>
      %get3A_2492 = arith.index_cast %add3A_2482 : i32 to index
      %get3A_2493 = tpu.vector_load %get3A_2491[%get3A_2492] {strides = array<i32>} : memref<640xi32, #tpu.memory_space<vmem>>, vector<16xi32>,
      %get3A_2494 = vector.shape_cast %get3A_2493 : vector<16xi32> to vector<16xi32>
      %mul3A_2495 = arith.constant 512 : i32
      %mul3A_2496 = vector.broadcast %mul3A_2495 : i32 to vector<16xi32>
      %mul3A_2497 = arith.muli %get3A_2488, %mul3A_2496 : vector<16xi32>
      %add3A_2498 = arith.addi %mul3A_2497, %get3A_2494 : vector<16xi32>
      %swap3A_2499 = arith.constant 0 : i32
      %swap3A_2500 = tpu.memref_slice %arg13[%scan3A_1320, %swap3A_2499] : memref<4x640xi32, #tpu.memory_space<vmem>> -> memref<1x640xi32, #tpu.memory_space<vmem>>
      %swap3A_2501 = tpu.memref_squeeze %swap3A_2500 : memref<1x640xi32, #tpu.memory_space<vmem>> -> memref<640xi32, #tpu.memory_space<vmem>>
      %swap3A_2502 = arith.index_cast %add3A_2482 : i32 to index
      %swap3A_2503 = tpu.vector_load %swap3A_2501[%swap3A_2502] {strides = array<i32>} : memref<640xi32, #tpu.memory_space<vmem>>, vector<16xi32>,
      %swap3A_2504 = vector.shape_cast %swap3A_2503 : vector<16xi32> to vector<16xi32>
      %swap3A_2505 = vector.shape_cast %add3A_2498 : vector<16xi32> to vector<16xi32>
      tpu.vector_store %swap3A_2501[%swap3A_2502], %swap3A_2505 {strides = array<i32>} : memref<640xi32, #tpu.memory_space<vmem>>, vector<16xi32>,
    }
    %scan3A_1325 = arith.constant 20 : i32
    %dma_start3A_1326 = arith.constant 3 : i32
    %dma_start3A_1327 = arith.constant 3 : i32
    %dma_start3A_1328 = arith.constant 0 : i32
    %dma_start3A_1329 = tpu.memref_slice %arg14[%dma_start3A_1327, %dma_start3A_1328] : memref<4x640xf32, #tpu.memory_space<vmem>> -> memref<1x640xf32, #tpu.memory_space<vmem>>
    %dma_start3A_1330 = tpu.memref_squeeze %dma_start3A_1329 : memref<1x640xf32, #tpu.memory_space<vmem>> -> memref<640xf32, #tpu.memory_space<vmem>>
    %dma_start3A_1331 = arith.constant 0 : i32
    %dma_start3A_1332 = tpu.memref_slice %dma_start3A_1330[%dma_start3A_1331] : memref<640xf32, #tpu.memory_space<vmem>> -> memref<128xf32, #tpu.memory_space<vmem>>
    %dma_start3A_1333 = arith.constant 0 : i32
    %dma_start3A_1334 = tpu.memref_slice %arg13[%dma_start3A_1326, %dma_start3A_1333] : memref<4x640xi32, #tpu.memory_space<vmem>> -> memref<1x640xi32, #tpu.memory_space<vmem>>
    %dma_start3A_1335 = tpu.memref_squeeze %dma_start3A_1334 : memref<1x640xi32, #tpu.memory_space<vmem>> -> memref<640xi32, #tpu.memory_space<vmem>>
    %dma_start3A_1336 = arith.constant 0 : i32
    %dma_start3A_1337 = tpu.memref_slice %dma_start3A_1335[%dma_start3A_1336] : memref<640xi32, #tpu.memory_space<vmem>> -> memref<128xi32, #tpu.memory_space<vmem>>
    %dma_start3A_1338 = arith.constant 0 : i32
    %dma_start3A_1339 = tpu.memref_slice %arg16[%dma_start3A_1338] : memref<262144xf32, #tpu.memory_space<vmem_shared>> -> memref<262144xf32, #tpu.memory_space<vmem_shared>>
    tpu.enqueue_indirect_dma source(%dma_start3A_1339 : memref<262144xf32, #tpu.memory_space<vmem_shared>>) target(%dma_start3A_1332 : memref<128xf32, #tpu.memory_space<vmem>>) offsets(%dma_start3A_1337 : memref<128xi32, #tpu.memory_space<vmem>>) semaphore(%arg19 : memref<!tpu.dma_semaphore, #tpu.memory_space<semaphore_mem>>)
    %dma_start3A_1340 = arith.constant 3 : i32
    %dma_start3A_1341 = arith.constant 3 : i32
    %dma_start3A_1342 = arith.constant 0 : i32
    %dma_start3A_1343 = tpu.memref_slice %arg14[%dma_start3A_1341, %dma_start3A_1342] : memref<4x640xf32, #tpu.memory_space<vmem>> -> memref<1x640xf32, #tpu.memory_space<vmem>>
    %dma_start3A_1344 = tpu.memref_squeeze %dma_start3A_1343 : memref<1x640xf32, #tpu.memory_space<vmem>> -> memref<640xf32, #tpu.memory_space<vmem>>
    %dma_start3A_1345 = arith.constant 128 : i32
    %dma_start3A_1346 = tpu.memref_slice %dma_start3A_1344[%dma_start3A_1345] : memref<640xf32, #tpu.memory_space<vmem>> -> memref<128xf32, #tpu.memory_space<vmem>>
    %dma_start3A_1347 = arith.constant 0 : i32
    %dma_start3A_1348 = tpu.memref_slice %arg13[%dma_start3A_1340, %dma_start3A_1347] : memref<4x640xi32, #tpu.memory_space<vmem>> -> memref<1x640xi32, #tpu.memory_space<vmem>>
    %dma_start3A_1349 = tpu.memref_squeeze %dma_start3A_1348 : memref<1x640xi32, #tpu.memory_space<vmem>> -> memref<640xi32, #tpu.memory_space<vmem>>
    %dma_start3A_1350 = arith.constant 128 : i32
    %dma_start3A_1351 = tpu.memref_slice %dma_start3A_1349[%dma_start3A_1350] : memref<640xi32, #tpu.memory_space<vmem>> -> memref<128xi32, #tpu.memory_space<vmem>>
    %dma_start3A_1352 = arith.constant 0 : i32
    %dma_start3A_1353 = tpu.memref_slice %arg16[%dma_start3A_1352] : memref<262144xf32, #tpu.memory_space<vmem_shared>> -> memref<262144xf32, #tpu.memory_space<vmem_shared>>
    tpu.enqueue_indirect_dma source(%dma_start3A_1353 : memref<262144xf32, #tpu.memory_space<vmem_shared>>) target(%dma_start3A_1346 : memref<128xf32, #tpu.memory_space<vmem>>) offsets(%dma_start3A_1351 : memref<128xi32, #tpu.memory_space<vmem>>) semaphore(%arg19 : memref<!tpu.dma_semaphore, #tpu.memory_space<semaphore_mem>>)
    %dma_start3A_1354 = arith.constant 3 : i32
    %dma_start3A_1355 = arith.constant 3 : i32
    %dma_start3A_1356 = arith.constant 0 : i32
    %dma_start3A_1357 = tpu.memref_slice %arg14[%dma_start3A_1355, %dma_start3A_1356] : memref<4x640xf32, #tpu.memory_space<vmem>> -> memref<1x640xf32, #tpu.memory_space<vmem>>
    %dma_start3A_1358 = tpu.memref_squeeze %dma_start3A_1357 : memref<1x640xf32, #tpu.memory_space<vmem>> -> memref<640xf32, #tpu.memory_space<vmem>>
    %dma_start3A_1359 = arith.constant 256 : i32
    %dma_start3A_1360 = tpu.memref_slice %dma_start3A_1358[%dma_start3A_1359] : memref<640xf32, #tpu.memory_space<vmem>> -> memref<128xf32, #tpu.memory_space<vmem>>
    %dma_start3A_1361 = arith.constant 0 : i32
    %dma_start3A_1362 = tpu.memref_slice %arg13[%dma_start3A_1354, %dma_start3A_1361] : memref<4x640xi32, #tpu.memory_space<vmem>> -> memref<1x640xi32, #tpu.memory_space<vmem>>
    %dma_start3A_1363 = tpu.memref_squeeze %dma_start3A_1362 : memref<1x640xi32, #tpu.memory_space<vmem>> -> memref<640xi32, #tpu.memory_space<vmem>>
    %dma_start3A_1364 = arith.constant 256 : i32
    %dma_start3A_1365 = tpu.memref_slice %dma_start3A_1363[%dma_start3A_1364] : memref<640xi32, #tpu.memory_space<vmem>> -> memref<128xi32, #tpu.memory_space<vmem>>
    %dma_start3A_1366 = arith.constant 0 : i32
    %dma_start3A_1367 = tpu.memref_slice %arg16[%dma_start3A_1366] : memref<262144xf32, #tpu.memory_space<vmem_shared>> -> memref<262144xf32, #tpu.memory_space<vmem_shared>>
    tpu.enqueue_indirect_dma source(%dma_start3A_1367 : memref<262144xf32, #tpu.memory_space<vmem_shared>>) target(%dma_start3A_1360 : memref<128xf32, #tpu.memory_space<vmem>>) offsets(%dma_start3A_1365 : memref<128xi32, #tpu.memory_space<vmem>>) semaphore(%arg19 : memref<!tpu.dma_semaphore, #tpu.memory_space<semaphore_mem>>)
    %dma_start3A_1368 = arith.constant 3 : i32
    %dma_start3A_1369 = arith.constant 3 : i32
    %dma_start3A_1370 = arith.constant 0 : i32
    %dma_start3A_1371 = tpu.memref_slice %arg14[%dma_start3A_1369, %dma_start3A_1370] : memref<4x640xf32, #tpu.memory_space<vmem>> -> memref<1x640xf32, #tpu.memory_space<vmem>>
    %dma_start3A_1372 = tpu.memref_squeeze %dma_start3A_1371 : memref<1x640xf32, #tpu.memory_space<vmem>> -> memref<640xf32, #tpu.memory_space<vmem>>
    %dma_start3A_1373 = arith.constant 384 : i32
    %dma_start3A_1374 = tpu.memref_slice %dma_start3A_1372[%dma_start3A_1373] : memref<640xf32, #tpu.memory_space<vmem>> -> memref<128xf32, #tpu.memory_space<vmem>>
    %dma_start3A_1375 = arith.constant 0 : i32
    %dma_start3A_1376 = tpu.memref_slice %arg13[%dma_start3A_1368, %dma_start3A_1375] : memref<4x640xi32, #tpu.memory_space<vmem>> -> memref<1x640xi32, #tpu.memory_space<vmem>>
    %dma_start3A_1377 = tpu.memref_squeeze %dma_start3A_1376 : memref<1x640xi32, #tpu.memory_space<vmem>> -> memref<640xi32, #tpu.memory_space<vmem>>
    %dma_start3A_1378 = arith.constant 384 : i32
    %dma_start3A_1379 = tpu.memref_slice %dma_start3A_1377[%dma_start3A_1378] : memref<640xi32, #tpu.memory_space<vmem>> -> memref<128xi32, #tpu.memory_space<vmem>>
    %dma_start3A_1380 = arith.constant 0 : i32
    %dma_start3A_1381 = tpu.memref_slice %arg16[%dma_start3A_1380] : memref<262144xf32, #tpu.memory_space<vmem_shared>> -> memref<262144xf32, #tpu.memory_space<vmem_shared>>
    tpu.enqueue_indirect_dma source(%dma_start3A_1381 : memref<262144xf32, #tpu.memory_space<vmem_shared>>) target(%dma_start3A_1374 : memref<128xf32, #tpu.memory_space<vmem>>) offsets(%dma_start3A_1379 : memref<128xi32, #tpu.memory_space<vmem>>) semaphore(%arg19 : memref<!tpu.dma_semaphore, #tpu.memory_space<semaphore_mem>>)
    %dma_start3A_1382 = arith.constant 3 : i32
    %dma_start3A_1383 = arith.constant 3 : i32
    %dma_start3A_1384 = arith.constant 0 : i32
    %dma_start3A_1385 = tpu.memref_slice %arg14[%dma_start3A_1383, %dma_start3A_1384] : memref<4x640xf32, #tpu.memory_space<vmem>> -> memref<1x640xf32, #tpu.memory_space<vmem>>
    %dma_start3A_1386 = tpu.memref_squeeze %dma_start3A_1385 : memref<1x640xf32, #tpu.memory_space<vmem>> -> memref<640xf32, #tpu.memory_space<vmem>>
    %dma_start3A_1387 = arith.constant 512 : i32
    %dma_start3A_1388 = tpu.memref_slice %dma_start3A_1386[%dma_start3A_1387] : memref<640xf32, #tpu.memory_space<vmem>> -> memref<128xf32, #tpu.memory_space<vmem>>
    %dma_start3A_1389 = arith.constant 0 : i32
    %dma_start3A_1390 = tpu.memref_slice %arg13[%dma_start3A_1382, %dma_start3A_1389] : memref<4x640xi32, #tpu.memory_space<vmem>> -> memref<1x640xi32, #tpu.memory_space<vmem>>
    %dma_start3A_1391 = tpu.memref_squeeze %dma_start3A_1390 : memref<1x640xi32, #tpu.memory_space<vmem>> -> memref<640xi32, #tpu.memory_space<vmem>>
    %dma_start3A_1392 = arith.constant 512 : i32
    %dma_start3A_1393 = tpu.memref_slice %dma_start3A_1391[%dma_start3A_1392] : memref<640xi32, #tpu.memory_space<vmem>> -> memref<128xi32, #tpu.memory_space<vmem>>
    %dma_start3A_1394 = arith.constant 0 : i32
    %dma_start3A_1395 = tpu.memref_slice %arg16[%dma_start3A_1394] : memref<262144xf32, #tpu.memory_space<vmem_shared>> -> memref<262144xf32, #tpu.memory_space<vmem_shared>>
    tpu.enqueue_indirect_dma source(%dma_start3A_1395 : memref<262144xf32, #tpu.memory_space<vmem_shared>>) target(%dma_start3A_1388 : memref<128xf32, #tpu.memory_space<vmem>>) offsets(%dma_start3A_1393 : memref<128xi32, #tpu.memory_space<vmem>>) semaphore(%arg19 : memref<!tpu.dma_semaphore, #tpu.memory_space<semaphore_mem>>)
    %broadcast_in_dim3A = arith.constant 0.000000e+00 : f32
    %broadcast_in_dim3A_1396 = vector.broadcast %broadcast_in_dim3A : f32 to vector<16xf32>
    %dma_wait3A_1397 = arith.constant 0 : i32
    %dma_wait3A_1398 = arith.constant 0 : i32
    %dma_wait3A_1399 = arith.constant 0 : i32
    %dma_wait3A_1400 = tpu.memref_slice %arg11[%dma_wait3A_1398, %dma_wait3A_1399] : memref<4x1664xf32, #tpu.memory_space<vmem>> -> memref<1x1664xf32, #tpu.memory_space<vmem>>
    %dma_wait3A_1401 = tpu.memref_squeeze %dma_wait3A_1400 : memref<1x1664xf32, #tpu.memory_space<vmem>> -> memref<1664xf32, #tpu.memory_space<vmem>>
    %dma_wait3A_1402 = arith.constant 0 : i32
    %dma_wait3A_1403 = tpu.memref_slice %dma_wait3A_1401[%dma_wait3A_1402] : memref<1664xf32, #tpu.memory_space<vmem>> -> memref<128xf32, #tpu.memory_space<vmem>>
    %dma_wait3A_1404 = arith.constant 0 : i32
    %dma_wait3A_1405 = tpu.memref_slice %arg10[%dma_wait3A_1397, %dma_wait3A_1404] : memref<4x1664xi32, #tpu.memory_space<vmem>> -> memref<1x1664xi32, #tpu.memory_space<vmem>>
    %dma_wait3A_1406 = tpu.memref_squeeze %dma_wait3A_1405 : memref<1x1664xi32, #tpu.memory_space<vmem>> -> memref<1664xi32, #tpu.memory_space<vmem>>
    %dma_wait3A_1407 = arith.constant 0 : i32
    %dma_wait3A_1408 = tpu.memref_slice %dma_wait3A_1406[%dma_wait3A_1407] : memref<1664xi32, #tpu.memory_space<vmem>> -> memref<128xi32, #tpu.memory_space<vmem>>
    %dma_wait3A_1409 = arith.constant 0 : i32
    %dma_wait3A_1410 = tpu.memref_slice %arg15[%dma_wait3A_1409] : memref<262144xf32, #tpu.memory_space<vmem_shared>> -> memref<262144xf32, #tpu.memory_space<vmem_shared>>
    tpu.wait_indirect_dma semaphore(%arg19 : memref<!tpu.dma_semaphore, #tpu.memory_space<semaphore_mem>>) src(%dma_wait3A_1410 : memref<262144xf32, #tpu.memory_space<vmem_shared>>) dst(%dma_wait3A_1403 : memref<128xf32, #tpu.memory_space<vmem>>)
    %dma_wait3A_1411 = arith.constant 0 : i32
    %dma_wait3A_1412 = arith.constant 0 : i32
    %dma_wait3A_1413 = arith.constant 0 : i32
    %dma_wait3A_1414 = tpu.memref_slice %arg11[%dma_wait3A_1412, %dma_wait3A_1413] : memref<4x1664xf32, #tpu.memory_space<vmem>> -> memref<1x1664xf32, #tpu.memory_space<vmem>>
    %dma_wait3A_1415 = tpu.memref_squeeze %dma_wait3A_1414 : memref<1x1664xf32, #tpu.memory_space<vmem>> -> memref<1664xf32, #tpu.memory_space<vmem>>
    %dma_wait3A_1416 = arith.constant 128 : i32
    %dma_wait3A_1417 = tpu.memref_slice %dma_wait3A_1415[%dma_wait3A_1416] : memref<1664xf32, #tpu.memory_space<vmem>> -> memref<128xf32, #tpu.memory_space<vmem>>
    %dma_wait3A_1418 = arith.constant 0 : i32
    %dma_wait3A_1419 = tpu.memref_slice %arg10[%dma_wait3A_1411, %dma_wait3A_1418] : memref<4x1664xi32, #tpu.memory_space<vmem>> -> memref<1x1664xi32, #tpu.memory_space<vmem>>
    %dma_wait3A_1420 = tpu.memref_squeeze %dma_wait3A_1419 : memref<1x1664xi32, #tpu.memory_space<vmem>> -> memref<1664xi32, #tpu.memory_space<vmem>>
    %dma_wait3A_1421 = arith.constant 128 : i32
    %dma_wait3A_1422 = tpu.memref_slice %dma_wait3A_1420[%dma_wait3A_1421] : memref<1664xi32, #tpu.memory_space<vmem>> -> memref<128xi32, #tpu.memory_space<vmem>>
    %dma_wait3A_1423 = arith.constant 0 : i32
    %dma_wait3A_1424 = tpu.memref_slice %arg15[%dma_wait3A_1423] : memref<262144xf32, #tpu.memory_space<vmem_shared>> -> memref<262144xf32, #tpu.memory_space<vmem_shared>>
    tpu.wait_indirect_dma semaphore(%arg19 : memref<!tpu.dma_semaphore, #tpu.memory_space<semaphore_mem>>) src(%dma_wait3A_1424 : memref<262144xf32, #tpu.memory_space<vmem_shared>>) dst(%dma_wait3A_1417 : memref<128xf32, #tpu.memory_space<vmem>>)
    %dma_wait3A_1425 = arith.constant 0 : i32
    %dma_wait3A_1426 = arith.constant 0 : i32
    %dma_wait3A_1427 = arith.constant 0 : i32
    %dma_wait3A_1428 = tpu.memref_slice %arg11[%dma_wait3A_1426, %dma_wait3A_1427] : memref<4x1664xf32, #tpu.memory_space<vmem>> -> memref<1x1664xf32, #tpu.memory_space<vmem>>
    %dma_wait3A_1429 = tpu.memref_squeeze %dma_wait3A_1428 : memref<1x1664xf32, #tpu.memory_space<vmem>> -> memref<1664xf32, #tpu.memory_space<vmem>>
    %dma_wait3A_1430 = arith.constant 256 : i32
    %dma_wait3A_1431 = tpu.memref_slice %dma_wait3A_1429[%dma_wait3A_1430] : memref<1664xf32, #tpu.memory_space<vmem>> -> memref<128xf32, #tpu.memory_space<vmem>>
    %dma_wait3A_1432 = arith.constant 0 : i32
    %dma_wait3A_1433 = tpu.memref_slice %arg10[%dma_wait3A_1425, %dma_wait3A_1432] : memref<4x1664xi32, #tpu.memory_space<vmem>> -> memref<1x1664xi32, #tpu.memory_space<vmem>>
    %dma_wait3A_1434 = tpu.memref_squeeze %dma_wait3A_1433 : memref<1x1664xi32, #tpu.memory_space<vmem>> -> memref<1664xi32, #tpu.memory_space<vmem>>
    %dma_wait3A_1435 = arith.constant 256 : i32
    %dma_wait3A_1436 = tpu.memref_slice %dma_wait3A_1434[%dma_wait3A_1435] : memref<1664xi32, #tpu.memory_space<vmem>> -> memref<128xi32, #tpu.memory_space<vmem>>
    %dma_wait3A_1437 = arith.constant 0 : i32
    %dma_wait3A_1438 = tpu.memref_slice %arg15[%dma_wait3A_1437] : memref<262144xf32, #tpu.memory_space<vmem_shared>> -> memref<262144xf32, #tpu.memory_space<vmem_shared>>
    tpu.wait_indirect_dma semaphore(%arg19 : memref<!tpu.dma_semaphore, #tpu.memory_space<semaphore_mem>>) src(%dma_wait3A_1438 : memref<262144xf32, #tpu.memory_space<vmem_shared>>) dst(%dma_wait3A_1431 : memref<128xf32, #tpu.memory_space<vmem>>)
    %dma_wait3A_1439 = arith.constant 0 : i32
    %dma_wait3A_1440 = arith.constant 0 : i32
    %dma_wait3A_1441 = arith.constant 0 : i32
    %dma_wait3A_1442 = tpu.memref_slice %arg11[%dma_wait3A_1440, %dma_wait3A_1441] : memref<4x1664xf32, #tpu.memory_space<vmem>> -> memref<1x1664xf32, #tpu.memory_space<vmem>>
    %dma_wait3A_1443 = tpu.memref_squeeze %dma_wait3A_1442 : memref<1x1664xf32, #tpu.memory_space<vmem>> -> memref<1664xf32, #tpu.memory_space<vmem>>
    %dma_wait3A_1444 = arith.constant 384 : i32
    %dma_wait3A_1445 = tpu.memref_slice %dma_wait3A_1443[%dma_wait3A_1444] : memref<1664xf32, #tpu.memory_space<vmem>> -> memref<128xf32, #tpu.memory_space<vmem>>
    %dma_wait3A_1446 = arith.constant 0 : i32
    %dma_wait3A_1447 = tpu.memref_slice %arg10[%dma_wait3A_1439, %dma_wait3A_1446] : memref<4x1664xi32, #tpu.memory_space<vmem>> -> memref<1x1664xi32, #tpu.memory_space<vmem>>
    %dma_wait3A_1448 = tpu.memref_squeeze %dma_wait3A_1447 : memref<1x1664xi32, #tpu.memory_space<vmem>> -> memref<1664xi32, #tpu.memory_space<vmem>>
    %dma_wait3A_1449 = arith.constant 384 : i32
    %dma_wait3A_1450 = tpu.memref_slice %dma_wait3A_1448[%dma_wait3A_1449] : memref<1664xi32, #tpu.memory_space<vmem>> -> memref<128xi32, #tpu.memory_space<vmem>>
    %dma_wait3A_1451 = arith.constant 0 : i32
    %dma_wait3A_1452 = tpu.memref_slice %arg15[%dma_wait3A_1451] : memref<262144xf32, #tpu.memory_space<vmem_shared>> -> memref<262144xf32, #tpu.memory_space<vmem_shared>>
    tpu.wait_indirect_dma semaphore(%arg19 : memref<!tpu.dma_semaphore, #tpu.memory_space<semaphore_mem>>) src(%dma_wait3A_1452 : memref<262144xf32, #tpu.memory_space<vmem_shared>>) dst(%dma_wait3A_1445 : memref<128xf32, #tpu.memory_space<vmem>>)
    %dma_wait3A_1453 = arith.constant 0 : i32
    %dma_wait3A_1454 = arith.constant 0 : i32
    %dma_wait3A_1455 = arith.constant 0 : i32
    %dma_wait3A_1456 = tpu.memref_slice %arg11[%dma_wait3A_1454, %dma_wait3A_1455] : memref<4x1664xf32, #tpu.memory_space<vmem>> -> memref<1x1664xf32, #tpu.memory_space<vmem>>
    %dma_wait3A_1457 = tpu.memref_squeeze %dma_wait3A_1456 : memref<1x1664xf32, #tpu.memory_space<vmem>> -> memref<1664xf32, #tpu.memory_space<vmem>>
    %dma_wait3A_1458 = arith.constant 512 : i32
    %dma_wait3A_1459 = tpu.memref_slice %dma_wait3A_1457[%dma_wait3A_1458] : memref<1664xf32, #tpu.memory_space<vmem>> -> memref<128xf32, #tpu.memory_space<vmem>>
    %dma_wait3A_1460 = arith.constant 0 : i32
    %dma_wait3A_1461 = tpu.memref_slice %arg10[%dma_wait3A_1453, %dma_wait3A_1460] : memref<4x1664xi32, #tpu.memory_space<vmem>> -> memref<1x1664xi32, #tpu.memory_space<vmem>>
    %dma_wait3A_1462 = tpu.memref_squeeze %dma_wait3A_1461 : memref<1x1664xi32, #tpu.memory_space<vmem>> -> memref<1664xi32, #tpu.memory_space<vmem>>
    %dma_wait3A_1463 = arith.constant 512 : i32
    %dma_wait3A_1464 = tpu.memref_slice %dma_wait3A_1462[%dma_wait3A_1463] : memref<1664xi32, #tpu.memory_space<vmem>> -> memref<128xi32, #tpu.memory_space<vmem>>
    %dma_wait3A_1465 = arith.constant 0 : i32
    %dma_wait3A_1466 = tpu.memref_slice %arg15[%dma_wait3A_1465] : memref<262144xf32, #tpu.memory_space<vmem_shared>> -> memref<262144xf32, #tpu.memory_space<vmem_shared>>
    tpu.wait_indirect_dma semaphore(%arg19 : memref<!tpu.dma_semaphore, #tpu.memory_space<semaphore_mem>>) src(%dma_wait3A_1466 : memref<262144xf32, #tpu.memory_space<vmem_shared>>) dst(%dma_wait3A_1459 : memref<128xf32, #tpu.memory_space<vmem>>)
    %dma_wait3A_1467 = arith.constant 0 : i32
    %dma_wait3A_1468 = arith.constant 0 : i32
    %dma_wait3A_1469 = arith.constant 0 : i32
    %dma_wait3A_1470 = tpu.memref_slice %arg11[%dma_wait3A_1468, %dma_wait3A_1469] : memref<4x1664xf32, #tpu.memory_space<vmem>> -> memref<1x1664xf32, #tpu.memory_space<vmem>>
    %dma_wait3A_1471 = tpu.memref_squeeze %dma_wait3A_1470 : memref<1x1664xf32, #tpu.memory_space<vmem>> -> memref<1664xf32, #tpu.memory_space<vmem>>
    %dma_wait3A_1472 = arith.constant 640 : i32
    %dma_wait3A_1473 = tpu.memref_slice %dma_wait3A_1471[%dma_wait3A_1472] : memref<1664xf32, #tpu.memory_space<vmem>> -> memref<128xf32, #tpu.memory_space<vmem>>
    %dma_wait3A_1474 = arith.constant 0 : i32
    %dma_wait3A_1475 = tpu.memref_slice %arg10[%dma_wait3A_1467, %dma_wait3A_1474] : memref<4x1664xi32, #tpu.memory_space<vmem>> -> memref<1x1664xi32, #tpu.memory_space<vmem>>
    %dma_wait3A_1476 = tpu.memref_squeeze %dma_wait3A_1475 : memref<1x1664xi32, #tpu.memory_space<vmem>> -> memref<1664xi32, #tpu.memory_space<vmem>>
    %dma_wait3A_1477 = arith.constant 640 : i32
    %dma_wait3A_1478 = tpu.memref_slice %dma_wait3A_1476[%dma_wait3A_1477] : memref<1664xi32, #tpu.memory_space<vmem>> -> memref<128xi32, #tpu.memory_space<vmem>>
    %dma_wait3A_1479 = arith.constant 0 : i32
    %dma_wait3A_1480 = tpu.memref_slice %arg15[%dma_wait3A_1479] : memref<262144xf32, #tpu.memory_space<vmem_shared>> -> memref<262144xf32, #tpu.memory_space<vmem_shared>>
    tpu.wait_indirect_dma semaphore(%arg19 : memref<!tpu.dma_semaphore, #tpu.memory_space<semaphore_mem>>) src(%dma_wait3A_1480 : memref<262144xf32, #tpu.memory_space<vmem_shared>>) dst(%dma_wait3A_1473 : memref<128xf32, #tpu.memory_space<vmem>>)
    %dma_wait3A_1481 = arith.constant 0 : i32
    %dma_wait3A_1482 = arith.constant 0 : i32
    %dma_wait3A_1483 = arith.constant 0 : i32
    %dma_wait3A_1484 = tpu.memref_slice %arg11[%dma_wait3A_1482, %dma_wait3A_1483] : memref<4x1664xf32, #tpu.memory_space<vmem>> -> memref<1x1664xf32, #tpu.memory_space<vmem>>
    %dma_wait3A_1485 = tpu.memref_squeeze %dma_wait3A_1484 : memref<1x1664xf32, #tpu.memory_space<vmem>> -> memref<1664xf32, #tpu.memory_space<vmem>>
    %dma_wait3A_1486 = arith.constant 768 : i32
    %dma_wait3A_1487 = tpu.memref_slice %dma_wait3A_1485[%dma_wait3A_1486] : memref<1664xf32, #tpu.memory_space<vmem>> -> memref<128xf32, #tpu.memory_space<vmem>>
    %dma_wait3A_1488 = arith.constant 0 : i32
    %dma_wait3A_1489 = tpu.memref_slice %arg10[%dma_wait3A_1481, %dma_wait3A_1488] : memref<4x1664xi32, #tpu.memory_space<vmem>> -> memref<1x1664xi32, #tpu.memory_space<vmem>>
    %dma_wait3A_1490 = tpu.memref_squeeze %dma_wait3A_1489 : memref<1x1664xi32, #tpu.memory_space<vmem>> -> memref<1664xi32, #tpu.memory_space<vmem>>
    %dma_wait3A_1491 = arith.constant 768 : i32
    %dma_wait3A_1492 = tpu.memref_slice %dma_wait3A_1490[%dma_wait3A_1491] : memref<1664xi32, #tpu.memory_space<vmem>> -> memref<128xi32, #tpu.memory_space<vmem>>
    %dma_wait3A_1493 = arith.constant 0 : i32
    %dma_wait3A_1494 = tpu.memref_slice %arg15[%dma_wait3A_1493] : memref<262144xf32, #tpu.memory_space<vmem_shared>> -> memref<262144xf32, #tpu.memory_space<vmem_shared>>
    tpu.wait_indirect_dma semaphore(%arg19 : memref<!tpu.dma_semaphore, #tpu.memory_space<semaphore_mem>>) src(%dma_wait3A_1494 : memref<262144xf32, #tpu.memory_space<vmem_shared>>) dst(%dma_wait3A_1487 : memref<128xf32, #tpu.memory_space<vmem>>)
    %dma_wait3A_1495 = arith.constant 0 : i32
    %dma_wait3A_1496 = arith.constant 0 : i32
    %dma_wait3A_1497 = arith.constant 0 : i32
    %dma_wait3A_1498 = tpu.memref_slice %arg11[%dma_wait3A_1496, %dma_wait3A_1497] : memref<4x1664xf32, #tpu.memory_space<vmem>> -> memref<1x1664xf32, #tpu.memory_space<vmem>>
    %dma_wait3A_1499 = tpu.memref_squeeze %dma_wait3A_1498 : memref<1x1664xf32, #tpu.memory_space<vmem>> -> memref<1664xf32, #tpu.memory_space<vmem>>
    %dma_wait3A_1500 = arith.constant 896 : i32
    %dma_wait3A_1501 = tpu.memref_slice %dma_wait3A_1499[%dma_wait3A_1500] : memref<1664xf32, #tpu.memory_space<vmem>> -> memref<128xf32, #tpu.memory_space<vmem>>
    %dma_wait3A_1502 = arith.constant 0 : i32
    %dma_wait3A_1503 = tpu.memref_slice %arg10[%dma_wait3A_1495, %dma_wait3A_1502] : memref<4x1664xi32, #tpu.memory_space<vmem>> -> memref<1x1664xi32, #tpu.memory_space<vmem>>
    %dma_wait3A_1504 = tpu.memref_squeeze %dma_wait3A_1503 : memref<1x1664xi32, #tpu.memory_space<vmem>> -> memref<1664xi32, #tpu.memory_space<vmem>>
    %dma_wait3A_1505 = arith.constant 896 : i32
    %dma_wait3A_1506 = tpu.memref_slice %dma_wait3A_1504[%dma_wait3A_1505] : memref<1664xi32, #tpu.memory_space<vmem>> -> memref<128xi32, #tpu.memory_space<vmem>>
    %dma_wait3A_1507 = arith.constant 0 : i32
    %dma_wait3A_1508 = tpu.memref_slice %arg15[%dma_wait3A_1507] : memref<262144xf32, #tpu.memory_space<vmem_shared>> -> memref<262144xf32, #tpu.memory_space<vmem_shared>>
    tpu.wait_indirect_dma semaphore(%arg19 : memref<!tpu.dma_semaphore, #tpu.memory_space<semaphore_mem>>) src(%dma_wait3A_1508 : memref<262144xf32, #tpu.memory_space<vmem_shared>>) dst(%dma_wait3A_1501 : memref<128xf32, #tpu.memory_space<vmem>>)
    %dma_wait3A_1509 = arith.constant 0 : i32
    %dma_wait3A_1510 = arith.constant 0 : i32
    %dma_wait3A_1511 = arith.constant 0 : i32
    %dma_wait3A_1512 = tpu.memref_slice %arg11[%dma_wait3A_1510, %dma_wait3A_1511] : memref<4x1664xf32, #tpu.memory_space<vmem>> -> memref<1x1664xf32, #tpu.memory_space<vmem>>
    %dma_wait3A_1513 = tpu.memref_squeeze %dma_wait3A_1512 : memref<1x1664xf32, #tpu.memory_space<vmem>> -> memref<1664xf32, #tpu.memory_space<vmem>>
    %dma_wait3A_1514 = arith.constant 1024 : i32
    %dma_wait3A_1515 = tpu.memref_slice %dma_wait3A_1513[%dma_wait3A_1514] : memref<1664xf32, #tpu.memory_space<vmem>> -> memref<128xf32, #tpu.memory_space<vmem>>
    %dma_wait3A_1516 = arith.constant 0 : i32
    %dma_wait3A_1517 = tpu.memref_slice %arg10[%dma_wait3A_1509, %dma_wait3A_1516] : memref<4x1664xi32, #tpu.memory_space<vmem>> -> memref<1x1664xi32, #tpu.memory_space<vmem>>
    %dma_wait3A_1518 = tpu.memref_squeeze %dma_wait3A_1517 : memref<1x1664xi32, #tpu.memory_space<vmem>> -> memref<1664xi32, #tpu.memory_space<vmem>>
    %dma_wait3A_1519 = arith.constant 1024 : i32
    %dma_wait3A_1520 = tpu.memref_slice %dma_wait3A_1518[%dma_wait3A_1519] : memref<1664xi32, #tpu.memory_space<vmem>> -> memref<128xi32, #tpu.memory_space<vmem>>
    %dma_wait3A_1521 = arith.constant 0 : i32
    %dma_wait3A_1522 = tpu.memref_slice %arg15[%dma_wait3A_1521] : memref<262144xf32, #tpu.memory_space<vmem_shared>> -> memref<262144xf32, #tpu.memory_space<vmem_shared>>
    tpu.wait_indirect_dma semaphore(%arg19 : memref<!tpu.dma_semaphore, #tpu.memory_space<semaphore_mem>>) src(%dma_wait3A_1522 : memref<262144xf32, #tpu.memory_space<vmem_shared>>) dst(%dma_wait3A_1515 : memref<128xf32, #tpu.memory_space<vmem>>)
    %dma_wait3A_1523 = arith.constant 0 : i32
    %dma_wait3A_1524 = arith.constant 0 : i32
    %dma_wait3A_1525 = arith.constant 0 : i32
    %dma_wait3A_1526 = tpu.memref_slice %arg11[%dma_wait3A_1524, %dma_wait3A_1525] : memref<4x1664xf32, #tpu.memory_space<vmem>> -> memref<1x1664xf32, #tpu.memory_space<vmem>>
    %dma_wait3A_1527 = tpu.memref_squeeze %dma_wait3A_1526 : memref<1x1664xf32, #tpu.memory_space<vmem>> -> memref<1664xf32, #tpu.memory_space<vmem>>
    %dma_wait3A_1528 = arith.constant 1152 : i32
    %dma_wait3A_1529 = tpu.memref_slice %dma_wait3A_1527[%dma_wait3A_1528] : memref<1664xf32, #tpu.memory_space<vmem>> -> memref<128xf32, #tpu.memory_space<vmem>>
    %dma_wait3A_1530 = arith.constant 0 : i32
    %dma_wait3A_1531 = tpu.memref_slice %arg10[%dma_wait3A_1523, %dma_wait3A_1530] : memref<4x1664xi32, #tpu.memory_space<vmem>> -> memref<1x1664xi32, #tpu.memory_space<vmem>>
    %dma_wait3A_1532 = tpu.memref_squeeze %dma_wait3A_1531 : memref<1x1664xi32, #tpu.memory_space<vmem>> -> memref<1664xi32, #tpu.memory_space<vmem>>
    %dma_wait3A_1533 = arith.constant 1152 : i32
    %dma_wait3A_1534 = tpu.memref_slice %dma_wait3A_1532[%dma_wait3A_1533] : memref<1664xi32, #tpu.memory_space<vmem>> -> memref<128xi32, #tpu.memory_space<vmem>>
    %dma_wait3A_1535 = arith.constant 0 : i32
    %dma_wait3A_1536 = tpu.memref_slice %arg15[%dma_wait3A_1535] : memref<262144xf32, #tpu.memory_space<vmem_shared>> -> memref<262144xf32, #tpu.memory_space<vmem_shared>>
    tpu.wait_indirect_dma semaphore(%arg19 : memref<!tpu.dma_semaphore, #tpu.memory_space<semaphore_mem>>) src(%dma_wait3A_1536 : memref<262144xf32, #tpu.memory_space<vmem_shared>>) dst(%dma_wait3A_1529 : memref<128xf32, #tpu.memory_space<vmem>>)
    %dma_wait3A_1537 = arith.constant 0 : i32
    %dma_wait3A_1538 = arith.constant 0 : i32
    %dma_wait3A_1539 = arith.constant 0 : i32
    %dma_wait3A_1540 = tpu.memref_slice %arg11[%dma_wait3A_1538, %dma_wait3A_1539] : memref<4x1664xf32, #tpu.memory_space<vmem>> -> memref<1x1664xf32, #tpu.memory_space<vmem>>
    %dma_wait3A_1541 = tpu.memref_squeeze %dma_wait3A_1540 : memref<1x1664xf32, #tpu.memory_space<vmem>> -> memref<1664xf32, #tpu.memory_space<vmem>>
    %dma_wait3A_1542 = arith.constant 1280 : i32
    %dma_wait3A_1543 = tpu.memref_slice %dma_wait3A_1541[%dma_wait3A_1542] : memref<1664xf32, #tpu.memory_space<vmem>> -> memref<128xf32, #tpu.memory_space<vmem>>
    %dma_wait3A_1544 = arith.constant 0 : i32
    %dma_wait3A_1545 = tpu.memref_slice %arg10[%dma_wait3A_1537, %dma_wait3A_1544] : memref<4x1664xi32, #tpu.memory_space<vmem>> -> memref<1x1664xi32, #tpu.memory_space<vmem>>
    %dma_wait3A_1546 = tpu.memref_squeeze %dma_wait3A_1545 : memref<1x1664xi32, #tpu.memory_space<vmem>> -> memref<1664xi32, #tpu.memory_space<vmem>>
    %dma_wait3A_1547 = arith.constant 1280 : i32
    %dma_wait3A_1548 = tpu.memref_slice %dma_wait3A_1546[%dma_wait3A_1547] : memref<1664xi32, #tpu.memory_space<vmem>> -> memref<128xi32, #tpu.memory_space<vmem>>
    %dma_wait3A_1549 = arith.constant 0 : i32
    %dma_wait3A_1550 = tpu.memref_slice %arg15[%dma_wait3A_1549] : memref<262144xf32, #tpu.memory_space<vmem_shared>> -> memref<262144xf32, #tpu.memory_space<vmem_shared>>
    tpu.wait_indirect_dma semaphore(%arg19 : memref<!tpu.dma_semaphore, #tpu.memory_space<semaphore_mem>>) src(%dma_wait3A_1550 : memref<262144xf32, #tpu.memory_space<vmem_shared>>) dst(%dma_wait3A_1543 : memref<128xf32, #tpu.memory_space<vmem>>)
    %dma_wait3A_1551 = arith.constant 0 : i32
    %dma_wait3A_1552 = arith.constant 0 : i32
    %dma_wait3A_1553 = arith.constant 0 : i32
    %dma_wait3A_1554 = tpu.memref_slice %arg11[%dma_wait3A_1552, %dma_wait3A_1553] : memref<4x1664xf32, #tpu.memory_space<vmem>> -> memref<1x1664xf32, #tpu.memory_space<vmem>>
    %dma_wait3A_1555 = tpu.memref_squeeze %dma_wait3A_1554 : memref<1x1664xf32, #tpu.memory_space<vmem>> -> memref<1664xf32, #tpu.memory_space<vmem>>
    %dma_wait3A_1556 = arith.constant 1408 : i32
    %dma_wait3A_1557 = tpu.memref_slice %dma_wait3A_1555[%dma_wait3A_1556] : memref<1664xf32, #tpu.memory_space<vmem>> -> memref<128xf32, #tpu.memory_space<vmem>>
    %dma_wait3A_1558 = arith.constant 0 : i32
    %dma_wait3A_1559 = tpu.memref_slice %arg10[%dma_wait3A_1551, %dma_wait3A_1558] : memref<4x1664xi32, #tpu.memory_space<vmem>> -> memref<1x1664xi32, #tpu.memory_space<vmem>>
    %dma_wait3A_1560 = tpu.memref_squeeze %dma_wait3A_1559 : memref<1x1664xi32, #tpu.memory_space<vmem>> -> memref<1664xi32, #tpu.memory_space<vmem>>
    %dma_wait3A_1561 = arith.constant 1408 : i32
    %dma_wait3A_1562 = tpu.memref_slice %dma_wait3A_1560[%dma_wait3A_1561] : memref<1664xi32, #tpu.memory_space<vmem>> -> memref<128xi32, #tpu.memory_space<vmem>>
    %dma_wait3A_1563 = arith.constant 0 : i32
    %dma_wait3A_1564 = tpu.memref_slice %arg15[%dma_wait3A_1563] : memref<262144xf32, #tpu.memory_space<vmem_shared>> -> memref<262144xf32, #tpu.memory_space<vmem_shared>>
    tpu.wait_indirect_dma semaphore(%arg19 : memref<!tpu.dma_semaphore, #tpu.memory_space<semaphore_mem>>) src(%dma_wait3A_1564 : memref<262144xf32, #tpu.memory_space<vmem_shared>>) dst(%dma_wait3A_1557 : memref<128xf32, #tpu.memory_space<vmem>>)
    %dma_wait3A_1565 = arith.constant 0 : i32
    %dma_wait3A_1566 = arith.constant 0 : i32
    %dma_wait3A_1567 = arith.constant 0 : i32
    %dma_wait3A_1568 = tpu.memref_slice %arg11[%dma_wait3A_1566, %dma_wait3A_1567] : memref<4x1664xf32, #tpu.memory_space<vmem>> -> memref<1x1664xf32, #tpu.memory_space<vmem>>
    %dma_wait3A_1569 = tpu.memref_squeeze %dma_wait3A_1568 : memref<1x1664xf32, #tpu.memory_space<vmem>> -> memref<1664xf32, #tpu.memory_space<vmem>>
    %dma_wait3A_1570 = arith.constant 1536 : i32
    %dma_wait3A_1571 = tpu.memref_slice %dma_wait3A_1569[%dma_wait3A_1570] : memref<1664xf32, #tpu.memory_space<vmem>> -> memref<128xf32, #tpu.memory_space<vmem>>
    %dma_wait3A_1572 = arith.constant 0 : i32
    %dma_wait3A_1573 = tpu.memref_slice %arg10[%dma_wait3A_1565, %dma_wait3A_1572] : memref<4x1664xi32, #tpu.memory_space<vmem>> -> memref<1x1664xi32, #tpu.memory_space<vmem>>
    %dma_wait3A_1574 = tpu.memref_squeeze %dma_wait3A_1573 : memref<1x1664xi32, #tpu.memory_space<vmem>> -> memref<1664xi32, #tpu.memory_space<vmem>>
    %dma_wait3A_1575 = arith.constant 1536 : i32
    %dma_wait3A_1576 = tpu.memref_slice %dma_wait3A_1574[%dma_wait3A_1575] : memref<1664xi32, #tpu.memory_space<vmem>> -> memref<128xi32, #tpu.memory_space<vmem>>
    %dma_wait3A_1577 = arith.constant 0 : i32
    %dma_wait3A_1578 = tpu.memref_slice %arg15[%dma_wait3A_1577] : memref<262144xf32, #tpu.memory_space<vmem_shared>> -> memref<262144xf32, #tpu.memory_space<vmem_shared>>
    tpu.wait_indirect_dma semaphore(%arg19 : memref<!tpu.dma_semaphore, #tpu.memory_space<semaphore_mem>>) src(%dma_wait3A_1578 : memref<262144xf32, #tpu.memory_space<vmem_shared>>) dst(%dma_wait3A_1571 : memref<128xf32, #tpu.memory_space<vmem>>)
    %dma_wait3A_1579 = arith.constant 1 : i32
    %dma_wait3A_1580 = arith.constant 1 : i32
    %dma_wait3A_1581 = arith.constant 0 : i32
    %dma_wait3A_1582 = tpu.memref_slice %arg11[%dma_wait3A_1580, %dma_wait3A_1581] : memref<4x1664xf32, #tpu.memory_space<vmem>> -> memref<1x1664xf32, #tpu.memory_space<vmem>>
    %dma_wait3A_1583 = tpu.memref_squeeze %dma_wait3A_1582 : memref<1x1664xf32, #tpu.memory_space<vmem>> -> memref<1664xf32, #tpu.memory_space<vmem>>
    %dma_wait3A_1584 = arith.constant 0 : i32
    %dma_wait3A_1585 = tpu.memref_slice %dma_wait3A_1583[%dma_wait3A_1584] : memref<1664xf32, #tpu.memory_space<vmem>> -> memref<128xf32, #tpu.memory_space<vmem>>
    %dma_wait3A_1586 = arith.constant 0 : i32
    %dma_wait3A_1587 = tpu.memref_slice %arg10[%dma_wait3A_1579, %dma_wait3A_1586] : memref<4x1664xi32, #tpu.memory_space<vmem>> -> memref<1x1664xi32, #tpu.memory_space<vmem>>
    %dma_wait3A_1588 = tpu.memref_squeeze %dma_wait3A_1587 : memref<1x1664xi32, #tpu.memory_space<vmem>> -> memref<1664xi32, #tpu.memory_space<vmem>>
    %dma_wait3A_1589 = arith.constant 0 : i32
    %dma_wait3A_1590 = tpu.memref_slice %dma_wait3A_1588[%dma_wait3A_1589] : memref<1664xi32, #tpu.memory_space<vmem>> -> memref<128xi32, #tpu.memory_space<vmem>>
    %dma_wait3A_1591 = arith.constant 0 : i32
    %dma_wait3A_1592 = tpu.memref_slice %arg16[%dma_wait3A_1591] : memref<262144xf32, #tpu.memory_space<vmem_shared>> -> memref<262144xf32, #tpu.memory_space<vmem_shared>>
    tpu.wait_indirect_dma semaphore(%arg19 : memref<!tpu.dma_semaphore, #tpu.memory_space<semaphore_mem>>) src(%dma_wait3A_1592 : memref<262144xf32, #tpu.memory_space<vmem_shared>>) dst(%dma_wait3A_1585 : memref<128xf32, #tpu.memory_space<vmem>>)
    %dma_wait3A_1593 = arith.constant 1 : i32
    %dma_wait3A_1594 = arith.constant 1 : i32
    %dma_wait3A_1595 = arith.constant 0 : i32
    %dma_wait3A_1596 = tpu.memref_slice %arg11[%dma_wait3A_1594, %dma_wait3A_1595] : memref<4x1664xf32, #tpu.memory_space<vmem>> -> memref<1x1664xf32, #tpu.memory_space<vmem>>
    %dma_wait3A_1597 = tpu.memref_squeeze %dma_wait3A_1596 : memref<1x1664xf32, #tpu.memory_space<vmem>> -> memref<1664xf32, #tpu.memory_space<vmem>>
    %dma_wait3A_1598 = arith.constant 128 : i32
    %dma_wait3A_1599 = tpu.memref_slice %dma_wait3A_1597[%dma_wait3A_1598] : memref<1664xf32, #tpu.memory_space<vmem>> -> memref<128xf32, #tpu.memory_space<vmem>>
    %dma_wait3A_1600 = arith.constant 0 : i32
    %dma_wait3A_1601 = tpu.memref_slice %arg10[%dma_wait3A_1593, %dma_wait3A_1600] : memref<4x1664xi32, #tpu.memory_space<vmem>> -> memref<1x1664xi32, #tpu.memory_space<vmem>>
    %dma_wait3A_1602 = tpu.memref_squeeze %dma_wait3A_1601 : memref<1x1664xi32, #tpu.memory_space<vmem>> -> memref<1664xi32, #tpu.memory_space<vmem>>
    %dma_wait3A_1603 = arith.constant 128 : i32
    %dma_wait3A_1604 = tpu.memref_slice %dma_wait3A_1602[%dma_wait3A_1603] : memref<1664xi32, #tpu.memory_space<vmem>> -> memref<128xi32, #tpu.memory_space<vmem>>
    %dma_wait3A_1605 = arith.constant 0 : i32
    %dma_wait3A_1606 = tpu.memref_slice %arg16[%dma_wait3A_1605] : memref<262144xf32, #tpu.memory_space<vmem_shared>> -> memref<262144xf32, #tpu.memory_space<vmem_shared>>
    tpu.wait_indirect_dma semaphore(%arg19 : memref<!tpu.dma_semaphore, #tpu.memory_space<semaphore_mem>>) src(%dma_wait3A_1606 : memref<262144xf32, #tpu.memory_space<vmem_shared>>) dst(%dma_wait3A_1599 : memref<128xf32, #tpu.memory_space<vmem>>)
    %dma_wait3A_1607 = arith.constant 1 : i32
    %dma_wait3A_1608 = arith.constant 1 : i32
    %dma_wait3A_1609 = arith.constant 0 : i32
    %dma_wait3A_1610 = tpu.memref_slice %arg11[%dma_wait3A_1608, %dma_wait3A_1609] : memref<4x1664xf32, #tpu.memory_space<vmem>> -> memref<1x1664xf32, #tpu.memory_space<vmem>>
    %dma_wait3A_1611 = tpu.memref_squeeze %dma_wait3A_1610 : memref<1x1664xf32, #tpu.memory_space<vmem>> -> memref<1664xf32, #tpu.memory_space<vmem>>
    %dma_wait3A_1612 = arith.constant 256 : i32
    %dma_wait3A_1613 = tpu.memref_slice %dma_wait3A_1611[%dma_wait3A_1612] : memref<1664xf32, #tpu.memory_space<vmem>> -> memref<128xf32, #tpu.memory_space<vmem>>
    %dma_wait3A_1614 = arith.constant 0 : i32
    %dma_wait3A_1615 = tpu.memref_slice %arg10[%dma_wait3A_1607, %dma_wait3A_1614] : memref<4x1664xi32, #tpu.memory_space<vmem>> -> memref<1x1664xi32, #tpu.memory_space<vmem>>
    %dma_wait3A_1616 = tpu.memref_squeeze %dma_wait3A_1615 : memref<1x1664xi32, #tpu.memory_space<vmem>> -> memref<1664xi32, #tpu.memory_space<vmem>>
    %dma_wait3A_1617 = arith.constant 256 : i32
    %dma_wait3A_1618 = tpu.memref_slice %dma_wait3A_1616[%dma_wait3A_1617] : memref<1664xi32, #tpu.memory_space<vmem>> -> memref<128xi32, #tpu.memory_space<vmem>>
    %dma_wait3A_1619 = arith.constant 0 : i32
    %dma_wait3A_1620 = tpu.memref_slice %arg16[%dma_wait3A_1619] : memref<262144xf32, #tpu.memory_space<vmem_shared>> -> memref<262144xf32, #tpu.memory_space<vmem_shared>>
    tpu.wait_indirect_dma semaphore(%arg19 : memref<!tpu.dma_semaphore, #tpu.memory_space<semaphore_mem>>) src(%dma_wait3A_1620 : memref<262144xf32, #tpu.memory_space<vmem_shared>>) dst(%dma_wait3A_1613 : memref<128xf32, #tpu.memory_space<vmem>>)
    %dma_wait3A_1621 = arith.constant 1 : i32
    %dma_wait3A_1622 = arith.constant 1 : i32
    %dma_wait3A_1623 = arith.constant 0 : i32
    %dma_wait3A_1624 = tpu.memref_slice %arg11[%dma_wait3A_1622, %dma_wait3A_1623] : memref<4x1664xf32, #tpu.memory_space<vmem>> -> memref<1x1664xf32, #tpu.memory_space<vmem>>
    %dma_wait3A_1625 = tpu.memref_squeeze %dma_wait3A_1624 : memref<1x1664xf32, #tpu.memory_space<vmem>> -> memref<1664xf32, #tpu.memory_space<vmem>>
    %dma_wait3A_1626 = arith.constant 384 : i32
    %dma_wait3A_1627 = tpu.memref_slice %dma_wait3A_1625[%dma_wait3A_1626] : memref<1664xf32, #tpu.memory_space<vmem>> -> memref<128xf32, #tpu.memory_space<vmem>>
    %dma_wait3A_1628 = arith.constant 0 : i32
    %dma_wait3A_1629 = tpu.memref_slice %arg10[%dma_wait3A_1621, %dma_wait3A_1628] : memref<4x1664xi32, #tpu.memory_space<vmem>> -> memref<1x1664xi32, #tpu.memory_space<vmem>>
    %dma_wait3A_1630 = tpu.memref_squeeze %dma_wait3A_1629 : memref<1x1664xi32, #tpu.memory_space<vmem>> -> memref<1664xi32, #tpu.memory_space<vmem>>
    %dma_wait3A_1631 = arith.constant 384 : i32
    %dma_wait3A_1632 = tpu.memref_slice %dma_wait3A_1630[%dma_wait3A_1631] : memref<1664xi32, #tpu.memory_space<vmem>> -> memref<128xi32, #tpu.memory_space<vmem>>
    %dma_wait3A_1633 = arith.constant 0 : i32
    %dma_wait3A_1634 = tpu.memref_slice %arg16[%dma_wait3A_1633] : memref<262144xf32, #tpu.memory_space<vmem_shared>> -> memref<262144xf32, #tpu.memory_space<vmem_shared>>
    tpu.wait_indirect_dma semaphore(%arg19 : memref<!tpu.dma_semaphore, #tpu.memory_space<semaphore_mem>>) src(%dma_wait3A_1634 : memref<262144xf32, #tpu.memory_space<vmem_shared>>) dst(%dma_wait3A_1627 : memref<128xf32, #tpu.memory_space<vmem>>)
    %dma_wait3A_1635 = arith.constant 1 : i32
    %dma_wait3A_1636 = arith.constant 1 : i32
    %dma_wait3A_1637 = arith.constant 0 : i32
    %dma_wait3A_1638 = tpu.memref_slice %arg11[%dma_wait3A_1636, %dma_wait3A_1637] : memref<4x1664xf32, #tpu.memory_space<vmem>> -> memref<1x1664xf32, #tpu.memory_space<vmem>>
    %dma_wait3A_1639 = tpu.memref_squeeze %dma_wait3A_1638 : memref<1x1664xf32, #tpu.memory_space<vmem>> -> memref<1664xf32, #tpu.memory_space<vmem>>
    %dma_wait3A_1640 = arith.constant 512 : i32
    %dma_wait3A_1641 = tpu.memref_slice %dma_wait3A_1639[%dma_wait3A_1640] : memref<1664xf32, #tpu.memory_space<vmem>> -> memref<128xf32, #tpu.memory_space<vmem>>
    %dma_wait3A_1642 = arith.constant 0 : i32
    %dma_wait3A_1643 = tpu.memref_slice %arg10[%dma_wait3A_1635, %dma_wait3A_1642] : memref<4x1664xi32, #tpu.memory_space<vmem>> -> memref<1x1664xi32, #tpu.memory_space<vmem>>
    %dma_wait3A_1644 = tpu.memref_squeeze %dma_wait3A_1643 : memref<1x1664xi32, #tpu.memory_space<vmem>> -> memref<1664xi32, #tpu.memory_space<vmem>>
    %dma_wait3A_1645 = arith.constant 512 : i32
    %dma_wait3A_1646 = tpu.memref_slice %dma_wait3A_1644[%dma_wait3A_1645] : memref<1664xi32, #tpu.memory_space<vmem>> -> memref<128xi32, #tpu.memory_space<vmem>>
    %dma_wait3A_1647 = arith.constant 0 : i32
    %dma_wait3A_1648 = tpu.memref_slice %arg16[%dma_wait3A_1647] : memref<262144xf32, #tpu.memory_space<vmem_shared>> -> memref<262144xf32, #tpu.memory_space<vmem_shared>>
    tpu.wait_indirect_dma semaphore(%arg19 : memref<!tpu.dma_semaphore, #tpu.memory_space<semaphore_mem>>) src(%dma_wait3A_1648 : memref<262144xf32, #tpu.memory_space<vmem_shared>>) dst(%dma_wait3A_1641 : memref<128xf32, #tpu.memory_space<vmem>>)
    %dma_wait3A_1649 = arith.constant 1 : i32
    %dma_wait3A_1650 = arith.constant 1 : i32
    %dma_wait3A_1651 = arith.constant 0 : i32
    %dma_wait3A_1652 = tpu.memref_slice %arg11[%dma_wait3A_1650, %dma_wait3A_1651] : memref<4x1664xf32, #tpu.memory_space<vmem>> -> memref<1x1664xf32, #tpu.memory_space<vmem>>
    %dma_wait3A_1653 = tpu.memref_squeeze %dma_wait3A_1652 : memref<1x1664xf32, #tpu.memory_space<vmem>> -> memref<1664xf32, #tpu.memory_space<vmem>>
    %dma_wait3A_1654 = arith.constant 640 : i32
    %dma_wait3A_1655 = tpu.memref_slice %dma_wait3A_1653[%dma_wait3A_1654] : memref<1664xf32, #tpu.memory_space<vmem>> -> memref<128xf32, #tpu.memory_space<vmem>>
    %dma_wait3A_1656 = arith.constant 0 : i32
    %dma_wait3A_1657 = tpu.memref_slice %arg10[%dma_wait3A_1649, %dma_wait3A_1656] : memref<4x1664xi32, #tpu.memory_space<vmem>> -> memref<1x1664xi32, #tpu.memory_space<vmem>>
    %dma_wait3A_1658 = tpu.memref_squeeze %dma_wait3A_1657 : memref<1x1664xi32, #tpu.memory_space<vmem>> -> memref<1664xi32, #tpu.memory_space<vmem>>
    %dma_wait3A_1659 = arith.constant 640 : i32
    %dma_wait3A_1660 = tpu.memref_slice %dma_wait3A_1658[%dma_wait3A_1659] : memref<1664xi32, #tpu.memory_space<vmem>> -> memref<128xi32, #tpu.memory_space<vmem>>
    %dma_wait3A_1661 = arith.constant 0 : i32
    %dma_wait3A_1662 = tpu.memref_slice %arg16[%dma_wait3A_1661] : memref<262144xf32, #tpu.memory_space<vmem_shared>> -> memref<262144xf32, #tpu.memory_space<vmem_shared>>
    tpu.wait_indirect_dma semaphore(%arg19 : memref<!tpu.dma_semaphore, #tpu.memory_space<semaphore_mem>>) src(%dma_wait3A_1662 : memref<262144xf32, #tpu.memory_space<vmem_shared>>) dst(%dma_wait3A_1655 : memref<128xf32, #tpu.memory_space<vmem>>)
    %dma_wait3A_1663 = arith.constant 1 : i32
    %dma_wait3A_1664 = arith.constant 1 : i32
    %dma_wait3A_1665 = arith.constant 0 : i32
    %dma_wait3A_1666 = tpu.memref_slice %arg11[%dma_wait3A_1664, %dma_wait3A_1665] : memref<4x1664xf32, #tpu.memory_space<vmem>> -> memref<1x1664xf32, #tpu.memory_space<vmem>>
    %dma_wait3A_1667 = tpu.memref_squeeze %dma_wait3A_1666 : memref<1x1664xf32, #tpu.memory_space<vmem>> -> memref<1664xf32, #tpu.memory_space<vmem>>
    %dma_wait3A_1668 = arith.constant 768 : i32
    %dma_wait3A_1669 = tpu.memref_slice %dma_wait3A_1667[%dma_wait3A_1668] : memref<1664xf32, #tpu.memory_space<vmem>> -> memref<128xf32, #tpu.memory_space<vmem>>
    %dma_wait3A_1670 = arith.constant 0 : i32
    %dma_wait3A_1671 = tpu.memref_slice %arg10[%dma_wait3A_1663, %dma_wait3A_1670] : memref<4x1664xi32, #tpu.memory_space<vmem>> -> memref<1x1664xi32, #tpu.memory_space<vmem>>
    %dma_wait3A_1672 = tpu.memref_squeeze %dma_wait3A_1671 : memref<1x1664xi32, #tpu.memory_space<vmem>> -> memref<1664xi32, #tpu.memory_space<vmem>>
    %dma_wait3A_1673 = arith.constant 768 : i32
    %dma_wait3A_1674 = tpu.memref_slice %dma_wait3A_1672[%dma_wait3A_1673] : memref<1664xi32, #tpu.memory_space<vmem>> -> memref<128xi32, #tpu.memory_space<vmem>>
    %dma_wait3A_1675 = arith.constant 0 : i32
    %dma_wait3A_1676 = tpu.memref_slice %arg16[%dma_wait3A_1675] : memref<262144xf32, #tpu.memory_space<vmem_shared>> -> memref<262144xf32, #tpu.memory_space<vmem_shared>>
    tpu.wait_indirect_dma semaphore(%arg19 : memref<!tpu.dma_semaphore, #tpu.memory_space<semaphore_mem>>) src(%dma_wait3A_1676 : memref<262144xf32, #tpu.memory_space<vmem_shared>>) dst(%dma_wait3A_1669 : memref<128xf32, #tpu.memory_space<vmem>>)
    %dma_wait3A_1677 = arith.constant 1 : i32
    %dma_wait3A_1678 = arith.constant 1 : i32
    %dma_wait3A_1679 = arith.constant 0 : i32
    %dma_wait3A_1680 = tpu.memref_slice %arg11[%dma_wait3A_1678, %dma_wait3A_1679] : memref<4x1664xf32, #tpu.memory_space<vmem>> -> memref<1x1664xf32, #tpu.memory_space<vmem>>
    %dma_wait3A_1681 = tpu.memref_squeeze %dma_wait3A_1680 : memref<1x1664xf32, #tpu.memory_space<vmem>> -> memref<1664xf32, #tpu.memory_space<vmem>>
    %dma_wait3A_1682 = arith.constant 896 : i32
    %dma_wait3A_1683 = tpu.memref_slice %dma_wait3A_1681[%dma_wait3A_1682] : memref<1664xf32, #tpu.memory_space<vmem>> -> memref<128xf32, #tpu.memory_space<vmem>>
    %dma_wait3A_1684 = arith.constant 0 : i32
    %dma_wait3A_1685 = tpu.memref_slice %arg10[%dma_wait3A_1677, %dma_wait3A_1684] : memref<4x1664xi32, #tpu.memory_space<vmem>> -> memref<1x1664xi32, #tpu.memory_space<vmem>>
    %dma_wait3A_1686 = tpu.memref_squeeze %dma_wait3A_1685 : memref<1x1664xi32, #tpu.memory_space<vmem>> -> memref<1664xi32, #tpu.memory_space<vmem>>
    %dma_wait3A_1687 = arith.constant 896 : i32
    %dma_wait3A_1688 = tpu.memref_slice %dma_wait3A_1686[%dma_wait3A_1687] : memref<1664xi32, #tpu.memory_space<vmem>> -> memref<128xi32, #tpu.memory_space<vmem>>
    %dma_wait3A_1689 = arith.constant 0 : i32
    %dma_wait3A_1690 = tpu.memref_slice %arg16[%dma_wait3A_1689] : memref<262144xf32, #tpu.memory_space<vmem_shared>> -> memref<262144xf32, #tpu.memory_space<vmem_shared>>
    tpu.wait_indirect_dma semaphore(%arg19 : memref<!tpu.dma_semaphore, #tpu.memory_space<semaphore_mem>>) src(%dma_wait3A_1690 : memref<262144xf32, #tpu.memory_space<vmem_shared>>) dst(%dma_wait3A_1683 : memref<128xf32, #tpu.memory_space<vmem>>)
    %dma_wait3A_1691 = arith.constant 1 : i32
    %dma_wait3A_1692 = arith.constant 1 : i32
    %dma_wait3A_1693 = arith.constant 0 : i32
    %dma_wait3A_1694 = tpu.memref_slice %arg11[%dma_wait3A_1692, %dma_wait3A_1693] : memref<4x1664xf32, #tpu.memory_space<vmem>> -> memref<1x1664xf32, #tpu.memory_space<vmem>>
    %dma_wait3A_1695 = tpu.memref_squeeze %dma_wait3A_1694 : memref<1x1664xf32, #tpu.memory_space<vmem>> -> memref<1664xf32, #tpu.memory_space<vmem>>
    %dma_wait3A_1696 = arith.constant 1024 : i32
    %dma_wait3A_1697 = tpu.memref_slice %dma_wait3A_1695[%dma_wait3A_1696] : memref<1664xf32, #tpu.memory_space<vmem>> -> memref<128xf32, #tpu.memory_space<vmem>>
    %dma_wait3A_1698 = arith.constant 0 : i32
    %dma_wait3A_1699 = tpu.memref_slice %arg10[%dma_wait3A_1691, %dma_wait3A_1698] : memref<4x1664xi32, #tpu.memory_space<vmem>> -> memref<1x1664xi32, #tpu.memory_space<vmem>>
    %dma_wait3A_1700 = tpu.memref_squeeze %dma_wait3A_1699 : memref<1x1664xi32, #tpu.memory_space<vmem>> -> memref<1664xi32, #tpu.memory_space<vmem>>
    %dma_wait3A_1701 = arith.constant 1024 : i32
    %dma_wait3A_1702 = tpu.memref_slice %dma_wait3A_1700[%dma_wait3A_1701] : memref<1664xi32, #tpu.memory_space<vmem>> -> memref<128xi32, #tpu.memory_space<vmem>>
    %dma_wait3A_1703 = arith.constant 0 : i32
    %dma_wait3A_1704 = tpu.memref_slice %arg16[%dma_wait3A_1703] : memref<262144xf32, #tpu.memory_space<vmem_shared>> -> memref<262144xf32, #tpu.memory_space<vmem_shared>>
    tpu.wait_indirect_dma semaphore(%arg19 : memref<!tpu.dma_semaphore, #tpu.memory_space<semaphore_mem>>) src(%dma_wait3A_1704 : memref<262144xf32, #tpu.memory_space<vmem_shared>>) dst(%dma_wait3A_1697 : memref<128xf32, #tpu.memory_space<vmem>>)
    %dma_wait3A_1705 = arith.constant 1 : i32
    %dma_wait3A_1706 = arith.constant 1 : i32
    %dma_wait3A_1707 = arith.constant 0 : i32
    %dma_wait3A_1708 = tpu.memref_slice %arg11[%dma_wait3A_1706, %dma_wait3A_1707] : memref<4x1664xf32, #tpu.memory_space<vmem>> -> memref<1x1664xf32, #tpu.memory_space<vmem>>
    %dma_wait3A_1709 = tpu.memref_squeeze %dma_wait3A_1708 : memref<1x1664xf32, #tpu.memory_space<vmem>> -> memref<1664xf32, #tpu.memory_space<vmem>>
    %dma_wait3A_1710 = arith.constant 1152 : i32
    %dma_wait3A_1711 = tpu.memref_slice %dma_wait3A_1709[%dma_wait3A_1710] : memref<1664xf32, #tpu.memory_space<vmem>> -> memref<128xf32, #tpu.memory_space<vmem>>
    %dma_wait3A_1712 = arith.constant 0 : i32
    %dma_wait3A_1713 = tpu.memref_slice %arg10[%dma_wait3A_1705, %dma_wait3A_1712] : memref<4x1664xi32, #tpu.memory_space<vmem>> -> memref<1x1664xi32, #tpu.memory_space<vmem>>
    %dma_wait3A_1714 = tpu.memref_squeeze %dma_wait3A_1713 : memref<1x1664xi32, #tpu.memory_space<vmem>> -> memref<1664xi32, #tpu.memory_space<vmem>>
    %dma_wait3A_1715 = arith.constant 1152 : i32
    %dma_wait3A_1716 = tpu.memref_slice %dma_wait3A_1714[%dma_wait3A_1715] : memref<1664xi32, #tpu.memory_space<vmem>> -> memref<128xi32, #tpu.memory_space<vmem>>
    %dma_wait3A_1717 = arith.constant 0 : i32
    %dma_wait3A_1718 = tpu.memref_slice %arg16[%dma_wait3A_1717] : memref<262144xf32, #tpu.memory_space<vmem_shared>> -> memref<262144xf32, #tpu.memory_space<vmem_shared>>
    tpu.wait_indirect_dma semaphore(%arg19 : memref<!tpu.dma_semaphore, #tpu.memory_space<semaphore_mem>>) src(%dma_wait3A_1718 : memref<262144xf32, #tpu.memory_space<vmem_shared>>) dst(%dma_wait3A_1711 : memref<128xf32, #tpu.memory_space<vmem>>)
    %dma_wait3A_1719 = arith.constant 1 : i32
    %dma_wait3A_1720 = arith.constant 1 : i32
    %dma_wait3A_1721 = arith.constant 0 : i32
    %dma_wait3A_1722 = tpu.memref_slice %arg11[%dma_wait3A_1720, %dma_wait3A_1721] : memref<4x1664xf32, #tpu.memory_space<vmem>> -> memref<1x1664xf32, #tpu.memory_space<vmem>>
    %dma_wait3A_1723 = tpu.memref_squeeze %dma_wait3A_1722 : memref<1x1664xf32, #tpu.memory_space<vmem>> -> memref<1664xf32, #tpu.memory_space<vmem>>
    %dma_wait3A_1724 = arith.constant 1280 : i32
    %dma_wait3A_1725 = tpu.memref_slice %dma_wait3A_1723[%dma_wait3A_1724] : memref<1664xf32, #tpu.memory_space<vmem>> -> memref<128xf32, #tpu.memory_space<vmem>>
    %dma_wait3A_1726 = arith.constant 0 : i32
    %dma_wait3A_1727 = tpu.memref_slice %arg10[%dma_wait3A_1719, %dma_wait3A_1726] : memref<4x1664xi32, #tpu.memory_space<vmem>> -> memref<1x1664xi32, #tpu.memory_space<vmem>>
    %dma_wait3A_1728 = tpu.memref_squeeze %dma_wait3A_1727 : memref<1x1664xi32, #tpu.memory_space<vmem>> -> memref<1664xi32, #tpu.memory_space<vmem>>
    %dma_wait3A_1729 = arith.constant 1280 : i32
    %dma_wait3A_1730 = tpu.memref_slice %dma_wait3A_1728[%dma_wait3A_1729] : memref<1664xi32, #tpu.memory_space<vmem>> -> memref<128xi32, #tpu.memory_space<vmem>>
    %dma_wait3A_1731 = arith.constant 0 : i32
    %dma_wait3A_1732 = tpu.memref_slice %arg16[%dma_wait3A_1731] : memref<262144xf32, #tpu.memory_space<vmem_shared>> -> memref<262144xf32, #tpu.memory_space<vmem_shared>>
    tpu.wait_indirect_dma semaphore(%arg19 : memref<!tpu.dma_semaphore, #tpu.memory_space<semaphore_mem>>) src(%dma_wait3A_1732 : memref<262144xf32, #tpu.memory_space<vmem_shared>>) dst(%dma_wait3A_1725 : memref<128xf32, #tpu.memory_space<vmem>>)
    %dma_wait3A_1733 = arith.constant 1 : i32
    %dma_wait3A_1734 = arith.constant 1 : i32
    %dma_wait3A_1735 = arith.constant 0 : i32
    %dma_wait3A_1736 = tpu.memref_slice %arg11[%dma_wait3A_1734, %dma_wait3A_1735] : memref<4x1664xf32, #tpu.memory_space<vmem>> -> memref<1x1664xf32, #tpu.memory_space<vmem>>
    %dma_wait3A_1737 = tpu.memref_squeeze %dma_wait3A_1736 : memref<1x1664xf32, #tpu.memory_space<vmem>> -> memref<1664xf32, #tpu.memory_space<vmem>>
    %dma_wait3A_1738 = arith.constant 1408 : i32
    %dma_wait3A_1739 = tpu.memref_slice %dma_wait3A_1737[%dma_wait3A_1738] : memref<1664xf32, #tpu.memory_space<vmem>> -> memref<128xf32, #tpu.memory_space<vmem>>
    %dma_wait3A_1740 = arith.constant 0 : i32
    %dma_wait3A_1741 = tpu.memref_slice %arg10[%dma_wait3A_1733, %dma_wait3A_1740] : memref<4x1664xi32, #tpu.memory_space<vmem>> -> memref<1x1664xi32, #tpu.memory_space<vmem>>
    %dma_wait3A_1742 = tpu.memref_squeeze %dma_wait3A_1741 : memref<1x1664xi32, #tpu.memory_space<vmem>> -> memref<1664xi32, #tpu.memory_space<vmem>>
    %dma_wait3A_1743 = arith.constant 1408 : i32
    %dma_wait3A_1744 = tpu.memref_slice %dma_wait3A_1742[%dma_wait3A_1743] : memref<1664xi32, #tpu.memory_space<vmem>> -> memref<128xi32, #tpu.memory_space<vmem>>
    %dma_wait3A_1745 = arith.constant 0 : i32
    %dma_wait3A_1746 = tpu.memref_slice %arg16[%dma_wait3A_1745] : memref<262144xf32, #tpu.memory_space<vmem_shared>> -> memref<262144xf32, #tpu.memory_space<vmem_shared>>
    tpu.wait_indirect_dma semaphore(%arg19 : memref<!tpu.dma_semaphore, #tpu.memory_space<semaphore_mem>>) src(%dma_wait3A_1746 : memref<262144xf32, #tpu.memory_space<vmem_shared>>) dst(%dma_wait3A_1739 : memref<128xf32, #tpu.memory_space<vmem>>)
    %dma_wait3A_1747 = arith.constant 1 : i32
    %dma_wait3A_1748 = arith.constant 1 : i32
    %dma_wait3A_1749 = arith.constant 0 : i32
    %dma_wait3A_1750 = tpu.memref_slice %arg11[%dma_wait3A_1748, %dma_wait3A_1749] : memref<4x1664xf32, #tpu.memory_space<vmem>> -> memref<1x1664xf32, #tpu.memory_space<vmem>>
    %dma_wait3A_1751 = tpu.memref_squeeze %dma_wait3A_1750 : memref<1x1664xf32, #tpu.memory_space<vmem>> -> memref<1664xf32, #tpu.memory_space<vmem>>
    %dma_wait3A_1752 = arith.constant 1536 : i32
    %dma_wait3A_1753 = tpu.memref_slice %dma_wait3A_1751[%dma_wait3A_1752] : memref<1664xf32, #tpu.memory_space<vmem>> -> memref<128xf32, #tpu.memory_space<vmem>>
    %dma_wait3A_1754 = arith.constant 0 : i32
    %dma_wait3A_1755 = tpu.memref_slice %arg10[%dma_wait3A_1747, %dma_wait3A_1754] : memref<4x1664xi32, #tpu.memory_space<vmem>> -> memref<1x1664xi32, #tpu.memory_space<vmem>>
    %dma_wait3A_1756 = tpu.memref_squeeze %dma_wait3A_1755 : memref<1x1664xi32, #tpu.memory_space<vmem>> -> memref<1664xi32, #tpu.memory_space<vmem>>
    %dma_wait3A_1757 = arith.constant 1536 : i32
    %dma_wait3A_1758 = tpu.memref_slice %dma_wait3A_1756[%dma_wait3A_1757] : memref<1664xi32, #tpu.memory_space<vmem>> -> memref<128xi32, #tpu.memory_space<vmem>>
    %dma_wait3A_1759 = arith.constant 0 : i32
    %dma_wait3A_1760 = tpu.memref_slice %arg16[%dma_wait3A_1759] : memref<262144xf32, #tpu.memory_space<vmem_shared>> -> memref<262144xf32, #tpu.memory_space<vmem_shared>>
    tpu.wait_indirect_dma semaphore(%arg19 : memref<!tpu.dma_semaphore, #tpu.memory_space<semaphore_mem>>) src(%dma_wait3A_1760 : memref<262144xf32, #tpu.memory_space<vmem_shared>>) dst(%dma_wait3A_1753 : memref<128xf32, #tpu.memory_space<vmem>>)
    %scan3A_1761 = arith.constant 0 : i32
    %scan3A_1762 = arith.constant 1 : i32
    %scan3A_1763 = arith.constant 0 : i32
    %scan3A_1764 = arith.constant 52 : i32
    %scan3A_1765 = arith.addi %scan3A_1763, %scan3A_1764 : i32
    %scan3A_1766 = arith.constant 1 : i32
    %scan3A_1767 = scf.for %scan3A_2452 = %scan3A_1763 to %scan3A_1765 step %scan3A_1766 iter_args(%scan3A_2453 = %broadcast_in_dim3A_1396) -> (vector<16xf32>)  : i32 {
      %mul3A_2454 = arith.constant 32 : i32
      %mul3A_2455 = arith.muli %scan3A_2452, %mul3A_2454 : i32
      %add3A_2456 = arith.constant 0 : i32
      %add3A_2457 = arith.addi %mul3A_2455, %add3A_2456 : i32
      %get3A = arith.constant 0 : i32
      %get3A_2458 = tpu.memref_slice %arg11[%scan3A_1761, %get3A] : memref<4x1664xf32, #tpu.memory_space<vmem>> -> memref<1x1664xf32, #tpu.memory_space<vmem>>
      %get3A_2459 = tpu.memref_squeeze %get3A_2458 : memref<1x1664xf32, #tpu.memory_space<vmem>> -> memref<1664xf32, #tpu.memory_space<vmem>>
      %get3A_2460 = arith.index_cast %add3A_2457 : i32 to index
      %get3A_2461 = tpu.vector_load %get3A_2459[%get3A_2460] {strides = array<i32>} : memref<1664xf32, #tpu.memory_space<vmem>>, vector<16xf32>,
      %get3A_2462 = vector.shape_cast %get3A_2461 : vector<16xf32> to vector<16xf32>
      %get3A_2463 = arith.constant 0 : i32
      %get3A_2464 = tpu.memref_slice %arg11[%scan3A_1762, %get3A_2463] : memref<4x1664xf32, #tpu.memory_space<vmem>> -> memref<1x1664xf32, #tpu.memory_space<vmem>>
      %get3A_2465 = tpu.memref_squeeze %get3A_2464 : memref<1x1664xf32, #tpu.memory_space<vmem>> -> memref<1664xf32, #tpu.memory_space<vmem>>
      %get3A_2466 = arith.index_cast %add3A_2457 : i32 to index
      %get3A_2467 = tpu.vector_load %get3A_2465[%get3A_2466] {strides = array<i32>} : memref<1664xf32, #tpu.memory_space<vmem>>, vector<16xf32>,
      %get3A_2468 = vector.shape_cast %get3A_2467 : vector<16xf32> to vector<16xf32>
      %add3A_2469 = arith.addi %mul3A_2, %add3A_2457 : i32
      %add3A_2470 = vector.broadcast %add3A_2469 : i32 to vector<16xi32>
      %add3A_2471 = arith.addi %add3A_2470, %iota3A : vector<16xi32>
      %sub3A = arith.subf %get3A_2462, %get3A_2468 : vector<16xf32>
      %lt3A = arith.constant 50000 : i32
      %lt3A_2472 = vector.broadcast %lt3A : i32 to vector<16xi32>
      %lt3A_2473 = arith.cmpi slt, %add3A_2471, %lt3A_2472 : vector<16xi32>
      %mul3A_2474 = arith.mulf %sub3A, %sub3A : vector<16xf32>
      %jit3A = arith.constant 0.000000e+00 : f32
      %broadcast_in_dim3A_2475 = vector.broadcast %jit3A : f32 to vector<16xf32>
      %select_n3A = arith.select %lt3A_2473, %mul3A_2474, %broadcast_in_dim3A_2475 : vector<16xi1>, vector<16xf32>
      %add3A_2476 = arith.addf %scan3A_2453, %select_n3A : vector<16xf32>
      %mul3A_2477 = arith.constant 32 : i32
      %mul3A_2478 = arith.muli %scan3A_2452, %mul3A_2477 : i32
      %add3A_2479 = arith.constant 16 : i32
      %add3A_2480 = arith.addi %mul3A_2478, %add3A_2479 : i32
      %get3A_2481 = arith.constant 0 : i32
      %get3A_2482 = tpu.memref_slice %arg11[%scan3A_1761, %get3A_2481] : memref<4x1664xf32, #tpu.memory_space<vmem>> -> memref<1x1664xf32, #tpu.memory_space<vmem>>
      %get3A_2483 = tpu.memref_squeeze %get3A_2482 : memref<1x1664xf32, #tpu.memory_space<vmem>> -> memref<1664xf32, #tpu.memory_space<vmem>>
      %get3A_2484 = arith.index_cast %add3A_2480 : i32 to index
      %get3A_2485 = tpu.vector_load %get3A_2483[%get3A_2484] {strides = array<i32>} : memref<1664xf32, #tpu.memory_space<vmem>>, vector<16xf32>,
      %get3A_2486 = vector.shape_cast %get3A_2485 : vector<16xf32> to vector<16xf32>
      %get3A_2487 = arith.constant 0 : i32
      %get3A_2488 = tpu.memref_slice %arg11[%scan3A_1762, %get3A_2487] : memref<4x1664xf32, #tpu.memory_space<vmem>> -> memref<1x1664xf32, #tpu.memory_space<vmem>>
      %get3A_2489 = tpu.memref_squeeze %get3A_2488 : memref<1x1664xf32, #tpu.memory_space<vmem>> -> memref<1664xf32, #tpu.memory_space<vmem>>
      %get3A_2490 = arith.index_cast %add3A_2480 : i32 to index
      %get3A_2491 = tpu.vector_load %get3A_2489[%get3A_2490] {strides = array<i32>} : memref<1664xf32, #tpu.memory_space<vmem>>, vector<16xf32>,
      %get3A_2492 = vector.shape_cast %get3A_2491 : vector<16xf32> to vector<16xf32>
      %add3A_2493 = arith.addi %mul3A_2, %add3A_2480 : i32
      %add3A_2494 = vector.broadcast %add3A_2493 : i32 to vector<16xi32>
      %add3A_2495 = arith.addi %add3A_2494, %iota3A : vector<16xi32>
      %sub3A_2496 = arith.subf %get3A_2486, %get3A_2492 : vector<16xf32>
      %lt3A_2497 = arith.constant 50000 : i32
      %lt3A_2498 = vector.broadcast %lt3A_2497 : i32 to vector<16xi32>
      %lt3A_2499 = arith.cmpi slt, %add3A_2495, %lt3A_2498 : vector<16xi32>
      %mul3A_2500 = arith.mulf %sub3A_2496, %sub3A_2496 : vector<16xf32>
      %jit3A_2501 = arith.constant 0.000000e+00 : f32
      %broadcast_in_dim3A_2502 = vector.broadcast %jit3A_2501 : f32 to vector<16xf32>
      %select_n3A_2503 = arith.select %lt3A_2499, %mul3A_2500, %broadcast_in_dim3A_2502 : vector<16xi1>, vector<16xf32>
      %add3A_2504 = arith.addf %add3A_2476, %select_n3A_2503 : vector<16xf32>
      scf.yield %add3A_2504 : vector<16xf32>
    }
    %scan3A_1768 = arith.constant 52 : i32
    %dma_wait3A_1769 = arith.constant 2 : i32
    %dma_wait3A_1770 = arith.constant 2 : i32
    %dma_wait3A_1771 = arith.constant 0 : i32
    %dma_wait3A_1772 = tpu.memref_slice %arg11[%dma_wait3A_1770, %dma_wait3A_1771] : memref<4x1664xf32, #tpu.memory_space<vmem>> -> memref<1x1664xf32, #tpu.memory_space<vmem>>
    %dma_wait3A_1773 = tpu.memref_squeeze %dma_wait3A_1772 : memref<1x1664xf32, #tpu.memory_space<vmem>> -> memref<1664xf32, #tpu.memory_space<vmem>>
    %dma_wait3A_1774 = arith.constant 0 : i32
    %dma_wait3A_1775 = tpu.memref_slice %dma_wait3A_1773[%dma_wait3A_1774] : memref<1664xf32, #tpu.memory_space<vmem>> -> memref<128xf32, #tpu.memory_space<vmem>>
    %dma_wait3A_1776 = arith.constant 0 : i32
    %dma_wait3A_1777 = tpu.memref_slice %arg10[%dma_wait3A_1769, %dma_wait3A_1776] : memref<4x1664xi32, #tpu.memory_space<vmem>> -> memref<1x1664xi32, #tpu.memory_space<vmem>>
    %dma_wait3A_1778 = tpu.memref_squeeze %dma_wait3A_1777 : memref<1x1664xi32, #tpu.memory_space<vmem>> -> memref<1664xi32, #tpu.memory_space<vmem>>
    %dma_wait3A_1779 = arith.constant 0 : i32
    %dma_wait3A_1780 = tpu.memref_slice %dma_wait3A_1778[%dma_wait3A_1779] : memref<1664xi32, #tpu.memory_space<vmem>> -> memref<128xi32, #tpu.memory_space<vmem>>
    %dma_wait3A_1781 = arith.constant 0 : i32
    %dma_wait3A_1782 = tpu.memref_slice %arg15[%dma_wait3A_1781] : memref<262144xf32, #tpu.memory_space<vmem_shared>> -> memref<262144xf32, #tpu.memory_space<vmem_shared>>
    tpu.wait_indirect_dma semaphore(%arg19 : memref<!tpu.dma_semaphore, #tpu.memory_space<semaphore_mem>>) src(%dma_wait3A_1782 : memref<262144xf32, #tpu.memory_space<vmem_shared>>) dst(%dma_wait3A_1775 : memref<128xf32, #tpu.memory_space<vmem>>)
    %dma_wait3A_1783 = arith.constant 2 : i32
    %dma_wait3A_1784 = arith.constant 2 : i32
    %dma_wait3A_1785 = arith.constant 0 : i32
    %dma_wait3A_1786 = tpu.memref_slice %arg11[%dma_wait3A_1784, %dma_wait3A_1785] : memref<4x1664xf32, #tpu.memory_space<vmem>> -> memref<1x1664xf32, #tpu.memory_space<vmem>>
    %dma_wait3A_1787 = tpu.memref_squeeze %dma_wait3A_1786 : memref<1x1664xf32, #tpu.memory_space<vmem>> -> memref<1664xf32, #tpu.memory_space<vmem>>
    %dma_wait3A_1788 = arith.constant 128 : i32
    %dma_wait3A_1789 = tpu.memref_slice %dma_wait3A_1787[%dma_wait3A_1788] : memref<1664xf32, #tpu.memory_space<vmem>> -> memref<128xf32, #tpu.memory_space<vmem>>
    %dma_wait3A_1790 = arith.constant 0 : i32
    %dma_wait3A_1791 = tpu.memref_slice %arg10[%dma_wait3A_1783, %dma_wait3A_1790] : memref<4x1664xi32, #tpu.memory_space<vmem>> -> memref<1x1664xi32, #tpu.memory_space<vmem>>
    %dma_wait3A_1792 = tpu.memref_squeeze %dma_wait3A_1791 : memref<1x1664xi32, #tpu.memory_space<vmem>> -> memref<1664xi32, #tpu.memory_space<vmem>>
    %dma_wait3A_1793 = arith.constant 128 : i32
    %dma_wait3A_1794 = tpu.memref_slice %dma_wait3A_1792[%dma_wait3A_1793] : memref<1664xi32, #tpu.memory_space<vmem>> -> memref<128xi32, #tpu.memory_space<vmem>>
    %dma_wait3A_1795 = arith.constant 0 : i32
    %dma_wait3A_1796 = tpu.memref_slice %arg15[%dma_wait3A_1795] : memref<262144xf32, #tpu.memory_space<vmem_shared>> -> memref<262144xf32, #tpu.memory_space<vmem_shared>>
    tpu.wait_indirect_dma semaphore(%arg19 : memref<!tpu.dma_semaphore, #tpu.memory_space<semaphore_mem>>) src(%dma_wait3A_1796 : memref<262144xf32, #tpu.memory_space<vmem_shared>>) dst(%dma_wait3A_1789 : memref<128xf32, #tpu.memory_space<vmem>>)
    %dma_wait3A_1797 = arith.constant 2 : i32
    %dma_wait3A_1798 = arith.constant 2 : i32
    %dma_wait3A_1799 = arith.constant 0 : i32
    %dma_wait3A_1800 = tpu.memref_slice %arg11[%dma_wait3A_1798, %dma_wait3A_1799] : memref<4x1664xf32, #tpu.memory_space<vmem>> -> memref<1x1664xf32, #tpu.memory_space<vmem>>
    %dma_wait3A_1801 = tpu.memref_squeeze %dma_wait3A_1800 : memref<1x1664xf32, #tpu.memory_space<vmem>> -> memref<1664xf32, #tpu.memory_space<vmem>>
    %dma_wait3A_1802 = arith.constant 256 : i32
    %dma_wait3A_1803 = tpu.memref_slice %dma_wait3A_1801[%dma_wait3A_1802] : memref<1664xf32, #tpu.memory_space<vmem>> -> memref<128xf32, #tpu.memory_space<vmem>>
    %dma_wait3A_1804 = arith.constant 0 : i32
    %dma_wait3A_1805 = tpu.memref_slice %arg10[%dma_wait3A_1797, %dma_wait3A_1804] : memref<4x1664xi32, #tpu.memory_space<vmem>> -> memref<1x1664xi32, #tpu.memory_space<vmem>>
    %dma_wait3A_1806 = tpu.memref_squeeze %dma_wait3A_1805 : memref<1x1664xi32, #tpu.memory_space<vmem>> -> memref<1664xi32, #tpu.memory_space<vmem>>
    %dma_wait3A_1807 = arith.constant 256 : i32
    %dma_wait3A_1808 = tpu.memref_slice %dma_wait3A_1806[%dma_wait3A_1807] : memref<1664xi32, #tpu.memory_space<vmem>> -> memref<128xi32, #tpu.memory_space<vmem>>
    %dma_wait3A_1809 = arith.constant 0 : i32
    %dma_wait3A_1810 = tpu.memref_slice %arg15[%dma_wait3A_1809] : memref<262144xf32, #tpu.memory_space<vmem_shared>> -> memref<262144xf32, #tpu.memory_space<vmem_shared>>
    tpu.wait_indirect_dma semaphore(%arg19 : memref<!tpu.dma_semaphore, #tpu.memory_space<semaphore_mem>>) src(%dma_wait3A_1810 : memref<262144xf32, #tpu.memory_space<vmem_shared>>) dst(%dma_wait3A_1803 : memref<128xf32, #tpu.memory_space<vmem>>)
    %dma_wait3A_1811 = arith.constant 2 : i32
    %dma_wait3A_1812 = arith.constant 2 : i32
    %dma_wait3A_1813 = arith.constant 0 : i32
    %dma_wait3A_1814 = tpu.memref_slice %arg11[%dma_wait3A_1812, %dma_wait3A_1813] : memref<4x1664xf32, #tpu.memory_space<vmem>> -> memref<1x1664xf32, #tpu.memory_space<vmem>>
    %dma_wait3A_1815 = tpu.memref_squeeze %dma_wait3A_1814 : memref<1x1664xf32, #tpu.memory_space<vmem>> -> memref<1664xf32, #tpu.memory_space<vmem>>
    %dma_wait3A_1816 = arith.constant 384 : i32
    %dma_wait3A_1817 = tpu.memref_slice %dma_wait3A_1815[%dma_wait3A_1816] : memref<1664xf32, #tpu.memory_space<vmem>> -> memref<128xf32, #tpu.memory_space<vmem>>
    %dma_wait3A_1818 = arith.constant 0 : i32
    %dma_wait3A_1819 = tpu.memref_slice %arg10[%dma_wait3A_1811, %dma_wait3A_1818] : memref<4x1664xi32, #tpu.memory_space<vmem>> -> memref<1x1664xi32, #tpu.memory_space<vmem>>
    %dma_wait3A_1820 = tpu.memref_squeeze %dma_wait3A_1819 : memref<1x1664xi32, #tpu.memory_space<vmem>> -> memref<1664xi32, #tpu.memory_space<vmem>>
    %dma_wait3A_1821 = arith.constant 384 : i32
    %dma_wait3A_1822 = tpu.memref_slice %dma_wait3A_1820[%dma_wait3A_1821] : memref<1664xi32, #tpu.memory_space<vmem>> -> memref<128xi32, #tpu.memory_space<vmem>>
    %dma_wait3A_1823 = arith.constant 0 : i32
    %dma_wait3A_1824 = tpu.memref_slice %arg15[%dma_wait3A_1823] : memref<262144xf32, #tpu.memory_space<vmem_shared>> -> memref<262144xf32, #tpu.memory_space<vmem_shared>>
    tpu.wait_indirect_dma semaphore(%arg19 : memref<!tpu.dma_semaphore, #tpu.memory_space<semaphore_mem>>) src(%dma_wait3A_1824 : memref<262144xf32, #tpu.memory_space<vmem_shared>>) dst(%dma_wait3A_1817 : memref<128xf32, #tpu.memory_space<vmem>>)
    %dma_wait3A_1825 = arith.constant 2 : i32
    %dma_wait3A_1826 = arith.constant 2 : i32
    %dma_wait3A_1827 = arith.constant 0 : i32
    %dma_wait3A_1828 = tpu.memref_slice %arg11[%dma_wait3A_1826, %dma_wait3A_1827] : memref<4x1664xf32, #tpu.memory_space<vmem>> -> memref<1x1664xf32, #tpu.memory_space<vmem>>
    %dma_wait3A_1829 = tpu.memref_squeeze %dma_wait3A_1828 : memref<1x1664xf32, #tpu.memory_space<vmem>> -> memref<1664xf32, #tpu.memory_space<vmem>>
    %dma_wait3A_1830 = arith.constant 512 : i32
    %dma_wait3A_1831 = tpu.memref_slice %dma_wait3A_1829[%dma_wait3A_1830] : memref<1664xf32, #tpu.memory_space<vmem>> -> memref<128xf32, #tpu.memory_space<vmem>>
    %dma_wait3A_1832 = arith.constant 0 : i32
    %dma_wait3A_1833 = tpu.memref_slice %arg10[%dma_wait3A_1825, %dma_wait3A_1832] : memref<4x1664xi32, #tpu.memory_space<vmem>> -> memref<1x1664xi32, #tpu.memory_space<vmem>>
    %dma_wait3A_1834 = tpu.memref_squeeze %dma_wait3A_1833 : memref<1x1664xi32, #tpu.memory_space<vmem>> -> memref<1664xi32, #tpu.memory_space<vmem>>
    %dma_wait3A_1835 = arith.constant 512 : i32
    %dma_wait3A_1836 = tpu.memref_slice %dma_wait3A_1834[%dma_wait3A_1835] : memref<1664xi32, #tpu.memory_space<vmem>> -> memref<128xi32, #tpu.memory_space<vmem>>
    %dma_wait3A_1837 = arith.constant 0 : i32
    %dma_wait3A_1838 = tpu.memref_slice %arg15[%dma_wait3A_1837] : memref<262144xf32, #tpu.memory_space<vmem_shared>> -> memref<262144xf32, #tpu.memory_space<vmem_shared>>
    tpu.wait_indirect_dma semaphore(%arg19 : memref<!tpu.dma_semaphore, #tpu.memory_space<semaphore_mem>>) src(%dma_wait3A_1838 : memref<262144xf32, #tpu.memory_space<vmem_shared>>) dst(%dma_wait3A_1831 : memref<128xf32, #tpu.memory_space<vmem>>)
    %dma_wait3A_1839 = arith.constant 2 : i32
    %dma_wait3A_1840 = arith.constant 2 : i32
    %dma_wait3A_1841 = arith.constant 0 : i32
    %dma_wait3A_1842 = tpu.memref_slice %arg11[%dma_wait3A_1840, %dma_wait3A_1841] : memref<4x1664xf32, #tpu.memory_space<vmem>> -> memref<1x1664xf32, #tpu.memory_space<vmem>>
    %dma_wait3A_1843 = tpu.memref_squeeze %dma_wait3A_1842 : memref<1x1664xf32, #tpu.memory_space<vmem>> -> memref<1664xf32, #tpu.memory_space<vmem>>
    %dma_wait3A_1844 = arith.constant 640 : i32
    %dma_wait3A_1845 = tpu.memref_slice %dma_wait3A_1843[%dma_wait3A_1844] : memref<1664xf32, #tpu.memory_space<vmem>> -> memref<128xf32, #tpu.memory_space<vmem>>
    %dma_wait3A_1846 = arith.constant 0 : i32
    %dma_wait3A_1847 = tpu.memref_slice %arg10[%dma_wait3A_1839, %dma_wait3A_1846] : memref<4x1664xi32, #tpu.memory_space<vmem>> -> memref<1x1664xi32, #tpu.memory_space<vmem>>
    %dma_wait3A_1848 = tpu.memref_squeeze %dma_wait3A_1847 : memref<1x1664xi32, #tpu.memory_space<vmem>> -> memref<1664xi32, #tpu.memory_space<vmem>>
    %dma_wait3A_1849 = arith.constant 640 : i32
    %dma_wait3A_1850 = tpu.memref_slice %dma_wait3A_1848[%dma_wait3A_1849] : memref<1664xi32, #tpu.memory_space<vmem>> -> memref<128xi32, #tpu.memory_space<vmem>>
    %dma_wait3A_1851 = arith.constant 0 : i32
    %dma_wait3A_1852 = tpu.memref_slice %arg15[%dma_wait3A_1851] : memref<262144xf32, #tpu.memory_space<vmem_shared>> -> memref<262144xf32, #tpu.memory_space<vmem_shared>>
    tpu.wait_indirect_dma semaphore(%arg19 : memref<!tpu.dma_semaphore, #tpu.memory_space<semaphore_mem>>) src(%dma_wait3A_1852 : memref<262144xf32, #tpu.memory_space<vmem_shared>>) dst(%dma_wait3A_1845 : memref<128xf32, #tpu.memory_space<vmem>>)
    %dma_wait3A_1853 = arith.constant 2 : i32
    %dma_wait3A_1854 = arith.constant 2 : i32
    %dma_wait3A_1855 = arith.constant 0 : i32
    %dma_wait3A_1856 = tpu.memref_slice %arg11[%dma_wait3A_1854, %dma_wait3A_1855] : memref<4x1664xf32, #tpu.memory_space<vmem>> -> memref<1x1664xf32, #tpu.memory_space<vmem>>
    %dma_wait3A_1857 = tpu.memref_squeeze %dma_wait3A_1856 : memref<1x1664xf32, #tpu.memory_space<vmem>> -> memref<1664xf32, #tpu.memory_space<vmem>>
    %dma_wait3A_1858 = arith.constant 768 : i32
    %dma_wait3A_1859 = tpu.memref_slice %dma_wait3A_1857[%dma_wait3A_1858] : memref<1664xf32, #tpu.memory_space<vmem>> -> memref<128xf32, #tpu.memory_space<vmem>>
    %dma_wait3A_1860 = arith.constant 0 : i32
    %dma_wait3A_1861 = tpu.memref_slice %arg10[%dma_wait3A_1853, %dma_wait3A_1860] : memref<4x1664xi32, #tpu.memory_space<vmem>> -> memref<1x1664xi32, #tpu.memory_space<vmem>>
    %dma_wait3A_1862 = tpu.memref_squeeze %dma_wait3A_1861 : memref<1x1664xi32, #tpu.memory_space<vmem>> -> memref<1664xi32, #tpu.memory_space<vmem>>
    %dma_wait3A_1863 = arith.constant 768 : i32
    %dma_wait3A_1864 = tpu.memref_slice %dma_wait3A_1862[%dma_wait3A_1863] : memref<1664xi32, #tpu.memory_space<vmem>> -> memref<128xi32, #tpu.memory_space<vmem>>
    %dma_wait3A_1865 = arith.constant 0 : i32
    %dma_wait3A_1866 = tpu.memref_slice %arg15[%dma_wait3A_1865] : memref<262144xf32, #tpu.memory_space<vmem_shared>> -> memref<262144xf32, #tpu.memory_space<vmem_shared>>
    tpu.wait_indirect_dma semaphore(%arg19 : memref<!tpu.dma_semaphore, #tpu.memory_space<semaphore_mem>>) src(%dma_wait3A_1866 : memref<262144xf32, #tpu.memory_space<vmem_shared>>) dst(%dma_wait3A_1859 : memref<128xf32, #tpu.memory_space<vmem>>)
    %dma_wait3A_1867 = arith.constant 2 : i32
    %dma_wait3A_1868 = arith.constant 2 : i32
    %dma_wait3A_1869 = arith.constant 0 : i32
    %dma_wait3A_1870 = tpu.memref_slice %arg11[%dma_wait3A_1868, %dma_wait3A_1869] : memref<4x1664xf32, #tpu.memory_space<vmem>> -> memref<1x1664xf32, #tpu.memory_space<vmem>>
    %dma_wait3A_1871 = tpu.memref_squeeze %dma_wait3A_1870 : memref<1x1664xf32, #tpu.memory_space<vmem>> -> memref<1664xf32, #tpu.memory_space<vmem>>
    %dma_wait3A_1872 = arith.constant 896 : i32
    %dma_wait3A_1873 = tpu.memref_slice %dma_wait3A_1871[%dma_wait3A_1872] : memref<1664xf32, #tpu.memory_space<vmem>> -> memref<128xf32, #tpu.memory_space<vmem>>
    %dma_wait3A_1874 = arith.constant 0 : i32
    %dma_wait3A_1875 = tpu.memref_slice %arg10[%dma_wait3A_1867, %dma_wait3A_1874] : memref<4x1664xi32, #tpu.memory_space<vmem>> -> memref<1x1664xi32, #tpu.memory_space<vmem>>
    %dma_wait3A_1876 = tpu.memref_squeeze %dma_wait3A_1875 : memref<1x1664xi32, #tpu.memory_space<vmem>> -> memref<1664xi32, #tpu.memory_space<vmem>>
    %dma_wait3A_1877 = arith.constant 896 : i32
    %dma_wait3A_1878 = tpu.memref_slice %dma_wait3A_1876[%dma_wait3A_1877] : memref<1664xi32, #tpu.memory_space<vmem>> -> memref<128xi32, #tpu.memory_space<vmem>>
    %dma_wait3A_1879 = arith.constant 0 : i32
    %dma_wait3A_1880 = tpu.memref_slice %arg15[%dma_wait3A_1879] : memref<262144xf32, #tpu.memory_space<vmem_shared>> -> memref<262144xf32, #tpu.memory_space<vmem_shared>>
    tpu.wait_indirect_dma semaphore(%arg19 : memref<!tpu.dma_semaphore, #tpu.memory_space<semaphore_mem>>) src(%dma_wait3A_1880 : memref<262144xf32, #tpu.memory_space<vmem_shared>>) dst(%dma_wait3A_1873 : memref<128xf32, #tpu.memory_space<vmem>>)
    %dma_wait3A_1881 = arith.constant 2 : i32
    %dma_wait3A_1882 = arith.constant 2 : i32
    %dma_wait3A_1883 = arith.constant 0 : i32
    %dma_wait3A_1884 = tpu.memref_slice %arg11[%dma_wait3A_1882, %dma_wait3A_1883] : memref<4x1664xf32, #tpu.memory_space<vmem>> -> memref<1x1664xf32, #tpu.memory_space<vmem>>
    %dma_wait3A_1885 = tpu.memref_squeeze %dma_wait3A_1884 : memref<1x1664xf32, #tpu.memory_space<vmem>> -> memref<1664xf32, #tpu.memory_space<vmem>>
    %dma_wait3A_1886 = arith.constant 1024 : i32
    %dma_wait3A_1887 = tpu.memref_slice %dma_wait3A_1885[%dma_wait3A_1886] : memref<1664xf32, #tpu.memory_space<vmem>> -> memref<128xf32, #tpu.memory_space<vmem>>
    %dma_wait3A_1888 = arith.constant 0 : i32
    %dma_wait3A_1889 = tpu.memref_slice %arg10[%dma_wait3A_1881, %dma_wait3A_1888] : memref<4x1664xi32, #tpu.memory_space<vmem>> -> memref<1x1664xi32, #tpu.memory_space<vmem>>
    %dma_wait3A_1890 = tpu.memref_squeeze %dma_wait3A_1889 : memref<1x1664xi32, #tpu.memory_space<vmem>> -> memref<1664xi32, #tpu.memory_space<vmem>>
    %dma_wait3A_1891 = arith.constant 1024 : i32
    %dma_wait3A_1892 = tpu.memref_slice %dma_wait3A_1890[%dma_wait3A_1891] : memref<1664xi32, #tpu.memory_space<vmem>> -> memref<128xi32, #tpu.memory_space<vmem>>
    %dma_wait3A_1893 = arith.constant 0 : i32
    %dma_wait3A_1894 = tpu.memref_slice %arg15[%dma_wait3A_1893] : memref<262144xf32, #tpu.memory_space<vmem_shared>> -> memref<262144xf32, #tpu.memory_space<vmem_shared>>
    tpu.wait_indirect_dma semaphore(%arg19 : memref<!tpu.dma_semaphore, #tpu.memory_space<semaphore_mem>>) src(%dma_wait3A_1894 : memref<262144xf32, #tpu.memory_space<vmem_shared>>) dst(%dma_wait3A_1887 : memref<128xf32, #tpu.memory_space<vmem>>)
    %dma_wait3A_1895 = arith.constant 2 : i32
    %dma_wait3A_1896 = arith.constant 2 : i32
    %dma_wait3A_1897 = arith.constant 0 : i32
    %dma_wait3A_1898 = tpu.memref_slice %arg11[%dma_wait3A_1896, %dma_wait3A_1897] : memref<4x1664xf32, #tpu.memory_space<vmem>> -> memref<1x1664xf32, #tpu.memory_space<vmem>>
    %dma_wait3A_1899 = tpu.memref_squeeze %dma_wait3A_1898 : memref<1x1664xf32, #tpu.memory_space<vmem>> -> memref<1664xf32, #tpu.memory_space<vmem>>
    %dma_wait3A_1900 = arith.constant 1152 : i32
    %dma_wait3A_1901 = tpu.memref_slice %dma_wait3A_1899[%dma_wait3A_1900] : memref<1664xf32, #tpu.memory_space<vmem>> -> memref<128xf32, #tpu.memory_space<vmem>>
    %dma_wait3A_1902 = arith.constant 0 : i32
    %dma_wait3A_1903 = tpu.memref_slice %arg10[%dma_wait3A_1895, %dma_wait3A_1902] : memref<4x1664xi32, #tpu.memory_space<vmem>> -> memref<1x1664xi32, #tpu.memory_space<vmem>>
    %dma_wait3A_1904 = tpu.memref_squeeze %dma_wait3A_1903 : memref<1x1664xi32, #tpu.memory_space<vmem>> -> memref<1664xi32, #tpu.memory_space<vmem>>
    %dma_wait3A_1905 = arith.constant 1152 : i32
    %dma_wait3A_1906 = tpu.memref_slice %dma_wait3A_1904[%dma_wait3A_1905] : memref<1664xi32, #tpu.memory_space<vmem>> -> memref<128xi32, #tpu.memory_space<vmem>>
    %dma_wait3A_1907 = arith.constant 0 : i32
    %dma_wait3A_1908 = tpu.memref_slice %arg15[%dma_wait3A_1907] : memref<262144xf32, #tpu.memory_space<vmem_shared>> -> memref<262144xf32, #tpu.memory_space<vmem_shared>>
    tpu.wait_indirect_dma semaphore(%arg19 : memref<!tpu.dma_semaphore, #tpu.memory_space<semaphore_mem>>) src(%dma_wait3A_1908 : memref<262144xf32, #tpu.memory_space<vmem_shared>>) dst(%dma_wait3A_1901 : memref<128xf32, #tpu.memory_space<vmem>>)
    %dma_wait3A_1909 = arith.constant 2 : i32
    %dma_wait3A_1910 = arith.constant 2 : i32
    %dma_wait3A_1911 = arith.constant 0 : i32
    %dma_wait3A_1912 = tpu.memref_slice %arg11[%dma_wait3A_1910, %dma_wait3A_1911] : memref<4x1664xf32, #tpu.memory_space<vmem>> -> memref<1x1664xf32, #tpu.memory_space<vmem>>
    %dma_wait3A_1913 = tpu.memref_squeeze %dma_wait3A_1912 : memref<1x1664xf32, #tpu.memory_space<vmem>> -> memref<1664xf32, #tpu.memory_space<vmem>>
    %dma_wait3A_1914 = arith.constant 1280 : i32
    %dma_wait3A_1915 = tpu.memref_slice %dma_wait3A_1913[%dma_wait3A_1914] : memref<1664xf32, #tpu.memory_space<vmem>> -> memref<128xf32, #tpu.memory_space<vmem>>
    %dma_wait3A_1916 = arith.constant 0 : i32
    %dma_wait3A_1917 = tpu.memref_slice %arg10[%dma_wait3A_1909, %dma_wait3A_1916] : memref<4x1664xi32, #tpu.memory_space<vmem>> -> memref<1x1664xi32, #tpu.memory_space<vmem>>
    %dma_wait3A_1918 = tpu.memref_squeeze %dma_wait3A_1917 : memref<1x1664xi32, #tpu.memory_space<vmem>> -> memref<1664xi32, #tpu.memory_space<vmem>>
    %dma_wait3A_1919 = arith.constant 1280 : i32
    %dma_wait3A_1920 = tpu.memref_slice %dma_wait3A_1918[%dma_wait3A_1919] : memref<1664xi32, #tpu.memory_space<vmem>> -> memref<128xi32, #tpu.memory_space<vmem>>
    %dma_wait3A_1921 = arith.constant 0 : i32
    %dma_wait3A_1922 = tpu.memref_slice %arg15[%dma_wait3A_1921] : memref<262144xf32, #tpu.memory_space<vmem_shared>> -> memref<262144xf32, #tpu.memory_space<vmem_shared>>
    tpu.wait_indirect_dma semaphore(%arg19 : memref<!tpu.dma_semaphore, #tpu.memory_space<semaphore_mem>>) src(%dma_wait3A_1922 : memref<262144xf32, #tpu.memory_space<vmem_shared>>) dst(%dma_wait3A_1915 : memref<128xf32, #tpu.memory_space<vmem>>)
    %dma_wait3A_1923 = arith.constant 2 : i32
    %dma_wait3A_1924 = arith.constant 2 : i32
    %dma_wait3A_1925 = arith.constant 0 : i32
    %dma_wait3A_1926 = tpu.memref_slice %arg11[%dma_wait3A_1924, %dma_wait3A_1925] : memref<4x1664xf32, #tpu.memory_space<vmem>> -> memref<1x1664xf32, #tpu.memory_space<vmem>>
    %dma_wait3A_1927 = tpu.memref_squeeze %dma_wait3A_1926 : memref<1x1664xf32, #tpu.memory_space<vmem>> -> memref<1664xf32, #tpu.memory_space<vmem>>
    %dma_wait3A_1928 = arith.constant 1408 : i32
    %dma_wait3A_1929 = tpu.memref_slice %dma_wait3A_1927[%dma_wait3A_1928] : memref<1664xf32, #tpu.memory_space<vmem>> -> memref<128xf32, #tpu.memory_space<vmem>>
    %dma_wait3A_1930 = arith.constant 0 : i32
    %dma_wait3A_1931 = tpu.memref_slice %arg10[%dma_wait3A_1923, %dma_wait3A_1930] : memref<4x1664xi32, #tpu.memory_space<vmem>> -> memref<1x1664xi32, #tpu.memory_space<vmem>>
    %dma_wait3A_1932 = tpu.memref_squeeze %dma_wait3A_1931 : memref<1x1664xi32, #tpu.memory_space<vmem>> -> memref<1664xi32, #tpu.memory_space<vmem>>
    %dma_wait3A_1933 = arith.constant 1408 : i32
    %dma_wait3A_1934 = tpu.memref_slice %dma_wait3A_1932[%dma_wait3A_1933] : memref<1664xi32, #tpu.memory_space<vmem>> -> memref<128xi32, #tpu.memory_space<vmem>>
    %dma_wait3A_1935 = arith.constant 0 : i32
    %dma_wait3A_1936 = tpu.memref_slice %arg15[%dma_wait3A_1935] : memref<262144xf32, #tpu.memory_space<vmem_shared>> -> memref<262144xf32, #tpu.memory_space<vmem_shared>>
    tpu.wait_indirect_dma semaphore(%arg19 : memref<!tpu.dma_semaphore, #tpu.memory_space<semaphore_mem>>) src(%dma_wait3A_1936 : memref<262144xf32, #tpu.memory_space<vmem_shared>>) dst(%dma_wait3A_1929 : memref<128xf32, #tpu.memory_space<vmem>>)
    %dma_wait3A_1937 = arith.constant 2 : i32
    %dma_wait3A_1938 = arith.constant 2 : i32
    %dma_wait3A_1939 = arith.constant 0 : i32
    %dma_wait3A_1940 = tpu.memref_slice %arg11[%dma_wait3A_1938, %dma_wait3A_1939] : memref<4x1664xf32, #tpu.memory_space<vmem>> -> memref<1x1664xf32, #tpu.memory_space<vmem>>
    %dma_wait3A_1941 = tpu.memref_squeeze %dma_wait3A_1940 : memref<1x1664xf32, #tpu.memory_space<vmem>> -> memref<1664xf32, #tpu.memory_space<vmem>>
    %dma_wait3A_1942 = arith.constant 1536 : i32
    %dma_wait3A_1943 = tpu.memref_slice %dma_wait3A_1941[%dma_wait3A_1942] : memref<1664xf32, #tpu.memory_space<vmem>> -> memref<128xf32, #tpu.memory_space<vmem>>
    %dma_wait3A_1944 = arith.constant 0 : i32
    %dma_wait3A_1945 = tpu.memref_slice %arg10[%dma_wait3A_1937, %dma_wait3A_1944] : memref<4x1664xi32, #tpu.memory_space<vmem>> -> memref<1x1664xi32, #tpu.memory_space<vmem>>
    %dma_wait3A_1946 = tpu.memref_squeeze %dma_wait3A_1945 : memref<1x1664xi32, #tpu.memory_space<vmem>> -> memref<1664xi32, #tpu.memory_space<vmem>>
    %dma_wait3A_1947 = arith.constant 1536 : i32
    %dma_wait3A_1948 = tpu.memref_slice %dma_wait3A_1946[%dma_wait3A_1947] : memref<1664xi32, #tpu.memory_space<vmem>> -> memref<128xi32, #tpu.memory_space<vmem>>
    %dma_wait3A_1949 = arith.constant 0 : i32
    %dma_wait3A_1950 = tpu.memref_slice %arg15[%dma_wait3A_1949] : memref<262144xf32, #tpu.memory_space<vmem_shared>> -> memref<262144xf32, #tpu.memory_space<vmem_shared>>
    tpu.wait_indirect_dma semaphore(%arg19 : memref<!tpu.dma_semaphore, #tpu.memory_space<semaphore_mem>>) src(%dma_wait3A_1950 : memref<262144xf32, #tpu.memory_space<vmem_shared>>) dst(%dma_wait3A_1943 : memref<128xf32, #tpu.memory_space<vmem>>)
    %dma_wait3A_1951 = arith.constant 3 : i32
    %dma_wait3A_1952 = arith.constant 3 : i32
    %dma_wait3A_1953 = arith.constant 0 : i32
    %dma_wait3A_1954 = tpu.memref_slice %arg11[%dma_wait3A_1952, %dma_wait3A_1953] : memref<4x1664xf32, #tpu.memory_space<vmem>> -> memref<1x1664xf32, #tpu.memory_space<vmem>>
    %dma_wait3A_1955 = tpu.memref_squeeze %dma_wait3A_1954 : memref<1x1664xf32, #tpu.memory_space<vmem>> -> memref<1664xf32, #tpu.memory_space<vmem>>
    %dma_wait3A_1956 = arith.constant 0 : i32
    %dma_wait3A_1957 = tpu.memref_slice %dma_wait3A_1955[%dma_wait3A_1956] : memref<1664xf32, #tpu.memory_space<vmem>> -> memref<128xf32, #tpu.memory_space<vmem>>
    %dma_wait3A_1958 = arith.constant 0 : i32
    %dma_wait3A_1959 = tpu.memref_slice %arg10[%dma_wait3A_1951, %dma_wait3A_1958] : memref<4x1664xi32, #tpu.memory_space<vmem>> -> memref<1x1664xi32, #tpu.memory_space<vmem>>
    %dma_wait3A_1960 = tpu.memref_squeeze %dma_wait3A_1959 : memref<1x1664xi32, #tpu.memory_space<vmem>> -> memref<1664xi32, #tpu.memory_space<vmem>>
    %dma_wait3A_1961 = arith.constant 0 : i32
    %dma_wait3A_1962 = tpu.memref_slice %dma_wait3A_1960[%dma_wait3A_1961] : memref<1664xi32, #tpu.memory_space<vmem>> -> memref<128xi32, #tpu.memory_space<vmem>>
    %dma_wait3A_1963 = arith.constant 0 : i32
    %dma_wait3A_1964 = tpu.memref_slice %arg16[%dma_wait3A_1963] : memref<262144xf32, #tpu.memory_space<vmem_shared>> -> memref<262144xf32, #tpu.memory_space<vmem_shared>>
    tpu.wait_indirect_dma semaphore(%arg19 : memref<!tpu.dma_semaphore, #tpu.memory_space<semaphore_mem>>) src(%dma_wait3A_1964 : memref<262144xf32, #tpu.memory_space<vmem_shared>>) dst(%dma_wait3A_1957 : memref<128xf32, #tpu.memory_space<vmem>>)
    %dma_wait3A_1965 = arith.constant 3 : i32
    %dma_wait3A_1966 = arith.constant 3 : i32
    %dma_wait3A_1967 = arith.constant 0 : i32
    %dma_wait3A_1968 = tpu.memref_slice %arg11[%dma_wait3A_1966, %dma_wait3A_1967] : memref<4x1664xf32, #tpu.memory_space<vmem>> -> memref<1x1664xf32, #tpu.memory_space<vmem>>
    %dma_wait3A_1969 = tpu.memref_squeeze %dma_wait3A_1968 : memref<1x1664xf32, #tpu.memory_space<vmem>> -> memref<1664xf32, #tpu.memory_space<vmem>>
    %dma_wait3A_1970 = arith.constant 128 : i32
    %dma_wait3A_1971 = tpu.memref_slice %dma_wait3A_1969[%dma_wait3A_1970] : memref<1664xf32, #tpu.memory_space<vmem>> -> memref<128xf32, #tpu.memory_space<vmem>>
    %dma_wait3A_1972 = arith.constant 0 : i32
    %dma_wait3A_1973 = tpu.memref_slice %arg10[%dma_wait3A_1965, %dma_wait3A_1972] : memref<4x1664xi32, #tpu.memory_space<vmem>> -> memref<1x1664xi32, #tpu.memory_space<vmem>>
    %dma_wait3A_1974 = tpu.memref_squeeze %dma_wait3A_1973 : memref<1x1664xi32, #tpu.memory_space<vmem>> -> memref<1664xi32, #tpu.memory_space<vmem>>
    %dma_wait3A_1975 = arith.constant 128 : i32
    %dma_wait3A_1976 = tpu.memref_slice %dma_wait3A_1974[%dma_wait3A_1975] : memref<1664xi32, #tpu.memory_space<vmem>> -> memref<128xi32, #tpu.memory_space<vmem>>
    %dma_wait3A_1977 = arith.constant 0 : i32
    %dma_wait3A_1978 = tpu.memref_slice %arg16[%dma_wait3A_1977] : memref<262144xf32, #tpu.memory_space<vmem_shared>> -> memref<262144xf32, #tpu.memory_space<vmem_shared>>
    tpu.wait_indirect_dma semaphore(%arg19 : memref<!tpu.dma_semaphore, #tpu.memory_space<semaphore_mem>>) src(%dma_wait3A_1978 : memref<262144xf32, #tpu.memory_space<vmem_shared>>) dst(%dma_wait3A_1971 : memref<128xf32, #tpu.memory_space<vmem>>)
    %dma_wait3A_1979 = arith.constant 3 : i32
    %dma_wait3A_1980 = arith.constant 3 : i32
    %dma_wait3A_1981 = arith.constant 0 : i32
    %dma_wait3A_1982 = tpu.memref_slice %arg11[%dma_wait3A_1980, %dma_wait3A_1981] : memref<4x1664xf32, #tpu.memory_space<vmem>> -> memref<1x1664xf32, #tpu.memory_space<vmem>>
    %dma_wait3A_1983 = tpu.memref_squeeze %dma_wait3A_1982 : memref<1x1664xf32, #tpu.memory_space<vmem>> -> memref<1664xf32, #tpu.memory_space<vmem>>
    %dma_wait3A_1984 = arith.constant 256 : i32
    %dma_wait3A_1985 = tpu.memref_slice %dma_wait3A_1983[%dma_wait3A_1984] : memref<1664xf32, #tpu.memory_space<vmem>> -> memref<128xf32, #tpu.memory_space<vmem>>
    %dma_wait3A_1986 = arith.constant 0 : i32
    %dma_wait3A_1987 = tpu.memref_slice %arg10[%dma_wait3A_1979, %dma_wait3A_1986] : memref<4x1664xi32, #tpu.memory_space<vmem>> -> memref<1x1664xi32, #tpu.memory_space<vmem>>
    %dma_wait3A_1988 = tpu.memref_squeeze %dma_wait3A_1987 : memref<1x1664xi32, #tpu.memory_space<vmem>> -> memref<1664xi32, #tpu.memory_space<vmem>>
    %dma_wait3A_1989 = arith.constant 256 : i32
    %dma_wait3A_1990 = tpu.memref_slice %dma_wait3A_1988[%dma_wait3A_1989] : memref<1664xi32, #tpu.memory_space<vmem>> -> memref<128xi32, #tpu.memory_space<vmem>>
    %dma_wait3A_1991 = arith.constant 0 : i32
    %dma_wait3A_1992 = tpu.memref_slice %arg16[%dma_wait3A_1991] : memref<262144xf32, #tpu.memory_space<vmem_shared>> -> memref<262144xf32, #tpu.memory_space<vmem_shared>>
    tpu.wait_indirect_dma semaphore(%arg19 : memref<!tpu.dma_semaphore, #tpu.memory_space<semaphore_mem>>) src(%dma_wait3A_1992 : memref<262144xf32, #tpu.memory_space<vmem_shared>>) dst(%dma_wait3A_1985 : memref<128xf32, #tpu.memory_space<vmem>>)
    %dma_wait3A_1993 = arith.constant 3 : i32
    %dma_wait3A_1994 = arith.constant 3 : i32
    %dma_wait3A_1995 = arith.constant 0 : i32
    %dma_wait3A_1996 = tpu.memref_slice %arg11[%dma_wait3A_1994, %dma_wait3A_1995] : memref<4x1664xf32, #tpu.memory_space<vmem>> -> memref<1x1664xf32, #tpu.memory_space<vmem>>
    %dma_wait3A_1997 = tpu.memref_squeeze %dma_wait3A_1996 : memref<1x1664xf32, #tpu.memory_space<vmem>> -> memref<1664xf32, #tpu.memory_space<vmem>>
    %dma_wait3A_1998 = arith.constant 384 : i32
    %dma_wait3A_1999 = tpu.memref_slice %dma_wait3A_1997[%dma_wait3A_1998] : memref<1664xf32, #tpu.memory_space<vmem>> -> memref<128xf32, #tpu.memory_space<vmem>>
    %dma_wait3A_2000 = arith.constant 0 : i32
    %dma_wait3A_2001 = tpu.memref_slice %arg10[%dma_wait3A_1993, %dma_wait3A_2000] : memref<4x1664xi32, #tpu.memory_space<vmem>> -> memref<1x1664xi32, #tpu.memory_space<vmem>>
    %dma_wait3A_2002 = tpu.memref_squeeze %dma_wait3A_2001 : memref<1x1664xi32, #tpu.memory_space<vmem>> -> memref<1664xi32, #tpu.memory_space<vmem>>
    %dma_wait3A_2003 = arith.constant 384 : i32
    %dma_wait3A_2004 = tpu.memref_slice %dma_wait3A_2002[%dma_wait3A_2003] : memref<1664xi32, #tpu.memory_space<vmem>> -> memref<128xi32, #tpu.memory_space<vmem>>
    %dma_wait3A_2005 = arith.constant 0 : i32
    %dma_wait3A_2006 = tpu.memref_slice %arg16[%dma_wait3A_2005] : memref<262144xf32, #tpu.memory_space<vmem_shared>> -> memref<262144xf32, #tpu.memory_space<vmem_shared>>
    tpu.wait_indirect_dma semaphore(%arg19 : memref<!tpu.dma_semaphore, #tpu.memory_space<semaphore_mem>>) src(%dma_wait3A_2006 : memref<262144xf32, #tpu.memory_space<vmem_shared>>) dst(%dma_wait3A_1999 : memref<128xf32, #tpu.memory_space<vmem>>)
    %dma_wait3A_2007 = arith.constant 3 : i32
    %dma_wait3A_2008 = arith.constant 3 : i32
    %dma_wait3A_2009 = arith.constant 0 : i32
    %dma_wait3A_2010 = tpu.memref_slice %arg11[%dma_wait3A_2008, %dma_wait3A_2009] : memref<4x1664xf32, #tpu.memory_space<vmem>> -> memref<1x1664xf32, #tpu.memory_space<vmem>>
    %dma_wait3A_2011 = tpu.memref_squeeze %dma_wait3A_2010 : memref<1x1664xf32, #tpu.memory_space<vmem>> -> memref<1664xf32, #tpu.memory_space<vmem>>
    %dma_wait3A_2012 = arith.constant 512 : i32
    %dma_wait3A_2013 = tpu.memref_slice %dma_wait3A_2011[%dma_wait3A_2012] : memref<1664xf32, #tpu.memory_space<vmem>> -> memref<128xf32, #tpu.memory_space<vmem>>
    %dma_wait3A_2014 = arith.constant 0 : i32
    %dma_wait3A_2015 = tpu.memref_slice %arg10[%dma_wait3A_2007, %dma_wait3A_2014] : memref<4x1664xi32, #tpu.memory_space<vmem>> -> memref<1x1664xi32, #tpu.memory_space<vmem>>
    %dma_wait3A_2016 = tpu.memref_squeeze %dma_wait3A_2015 : memref<1x1664xi32, #tpu.memory_space<vmem>> -> memref<1664xi32, #tpu.memory_space<vmem>>
    %dma_wait3A_2017 = arith.constant 512 : i32
    %dma_wait3A_2018 = tpu.memref_slice %dma_wait3A_2016[%dma_wait3A_2017] : memref<1664xi32, #tpu.memory_space<vmem>> -> memref<128xi32, #tpu.memory_space<vmem>>
    %dma_wait3A_2019 = arith.constant 0 : i32
    %dma_wait3A_2020 = tpu.memref_slice %arg16[%dma_wait3A_2019] : memref<262144xf32, #tpu.memory_space<vmem_shared>> -> memref<262144xf32, #tpu.memory_space<vmem_shared>>
    tpu.wait_indirect_dma semaphore(%arg19 : memref<!tpu.dma_semaphore, #tpu.memory_space<semaphore_mem>>) src(%dma_wait3A_2020 : memref<262144xf32, #tpu.memory_space<vmem_shared>>) dst(%dma_wait3A_2013 : memref<128xf32, #tpu.memory_space<vmem>>)
    %dma_wait3A_2021 = arith.constant 3 : i32
    %dma_wait3A_2022 = arith.constant 3 : i32
    %dma_wait3A_2023 = arith.constant 0 : i32
    %dma_wait3A_2024 = tpu.memref_slice %arg11[%dma_wait3A_2022, %dma_wait3A_2023] : memref<4x1664xf32, #tpu.memory_space<vmem>> -> memref<1x1664xf32, #tpu.memory_space<vmem>>
    %dma_wait3A_2025 = tpu.memref_squeeze %dma_wait3A_2024 : memref<1x1664xf32, #tpu.memory_space<vmem>> -> memref<1664xf32, #tpu.memory_space<vmem>>
    %dma_wait3A_2026 = arith.constant 640 : i32
    %dma_wait3A_2027 = tpu.memref_slice %dma_wait3A_2025[%dma_wait3A_2026] : memref<1664xf32, #tpu.memory_space<vmem>> -> memref<128xf32, #tpu.memory_space<vmem>>
    %dma_wait3A_2028 = arith.constant 0 : i32
    %dma_wait3A_2029 = tpu.memref_slice %arg10[%dma_wait3A_2021, %dma_wait3A_2028] : memref<4x1664xi32, #tpu.memory_space<vmem>> -> memref<1x1664xi32, #tpu.memory_space<vmem>>
    %dma_wait3A_2030 = tpu.memref_squeeze %dma_wait3A_2029 : memref<1x1664xi32, #tpu.memory_space<vmem>> -> memref<1664xi32, #tpu.memory_space<vmem>>
    %dma_wait3A_2031 = arith.constant 640 : i32
    %dma_wait3A_2032 = tpu.memref_slice %dma_wait3A_2030[%dma_wait3A_2031] : memref<1664xi32, #tpu.memory_space<vmem>> -> memref<128xi32, #tpu.memory_space<vmem>>
    %dma_wait3A_2033 = arith.constant 0 : i32
    %dma_wait3A_2034 = tpu.memref_slice %arg16[%dma_wait3A_2033] : memref<262144xf32, #tpu.memory_space<vmem_shared>> -> memref<262144xf32, #tpu.memory_space<vmem_shared>>
    tpu.wait_indirect_dma semaphore(%arg19 : memref<!tpu.dma_semaphore, #tpu.memory_space<semaphore_mem>>) src(%dma_wait3A_2034 : memref<262144xf32, #tpu.memory_space<vmem_shared>>) dst(%dma_wait3A_2027 : memref<128xf32, #tpu.memory_space<vmem>>)
    %dma_wait3A_2035 = arith.constant 3 : i32
    %dma_wait3A_2036 = arith.constant 3 : i32
    %dma_wait3A_2037 = arith.constant 0 : i32
    %dma_wait3A_2038 = tpu.memref_slice %arg11[%dma_wait3A_2036, %dma_wait3A_2037] : memref<4x1664xf32, #tpu.memory_space<vmem>> -> memref<1x1664xf32, #tpu.memory_space<vmem>>
    %dma_wait3A_2039 = tpu.memref_squeeze %dma_wait3A_2038 : memref<1x1664xf32, #tpu.memory_space<vmem>> -> memref<1664xf32, #tpu.memory_space<vmem>>
    %dma_wait3A_2040 = arith.constant 768 : i32
    %dma_wait3A_2041 = tpu.memref_slice %dma_wait3A_2039[%dma_wait3A_2040] : memref<1664xf32, #tpu.memory_space<vmem>> -> memref<128xf32, #tpu.memory_space<vmem>>
    %dma_wait3A_2042 = arith.constant 0 : i32
    %dma_wait3A_2043 = tpu.memref_slice %arg10[%dma_wait3A_2035, %dma_wait3A_2042] : memref<4x1664xi32, #tpu.memory_space<vmem>> -> memref<1x1664xi32, #tpu.memory_space<vmem>>
    %dma_wait3A_2044 = tpu.memref_squeeze %dma_wait3A_2043 : memref<1x1664xi32, #tpu.memory_space<vmem>> -> memref<1664xi32, #tpu.memory_space<vmem>>
    %dma_wait3A_2045 = arith.constant 768 : i32
    %dma_wait3A_2046 = tpu.memref_slice %dma_wait3A_2044[%dma_wait3A_2045] : memref<1664xi32, #tpu.memory_space<vmem>> -> memref<128xi32, #tpu.memory_space<vmem>>
    %dma_wait3A_2047 = arith.constant 0 : i32
    %dma_wait3A_2048 = tpu.memref_slice %arg16[%dma_wait3A_2047] : memref<262144xf32, #tpu.memory_space<vmem_shared>> -> memref<262144xf32, #tpu.memory_space<vmem_shared>>
    tpu.wait_indirect_dma semaphore(%arg19 : memref<!tpu.dma_semaphore, #tpu.memory_space<semaphore_mem>>) src(%dma_wait3A_2048 : memref<262144xf32, #tpu.memory_space<vmem_shared>>) dst(%dma_wait3A_2041 : memref<128xf32, #tpu.memory_space<vmem>>)
    %dma_wait3A_2049 = arith.constant 3 : i32
    %dma_wait3A_2050 = arith.constant 3 : i32
    %dma_wait3A_2051 = arith.constant 0 : i32
    %dma_wait3A_2052 = tpu.memref_slice %arg11[%dma_wait3A_2050, %dma_wait3A_2051] : memref<4x1664xf32, #tpu.memory_space<vmem>> -> memref<1x1664xf32, #tpu.memory_space<vmem>>
    %dma_wait3A_2053 = tpu.memref_squeeze %dma_wait3A_2052 : memref<1x1664xf32, #tpu.memory_space<vmem>> -> memref<1664xf32, #tpu.memory_space<vmem>>
    %dma_wait3A_2054 = arith.constant 896 : i32
    %dma_wait3A_2055 = tpu.memref_slice %dma_wait3A_2053[%dma_wait3A_2054] : memref<1664xf32, #tpu.memory_space<vmem>> -> memref<128xf32, #tpu.memory_space<vmem>>
    %dma_wait3A_2056 = arith.constant 0 : i32
    %dma_wait3A_2057 = tpu.memref_slice %arg10[%dma_wait3A_2049, %dma_wait3A_2056] : memref<4x1664xi32, #tpu.memory_space<vmem>> -> memref<1x1664xi32, #tpu.memory_space<vmem>>
    %dma_wait3A_2058 = tpu.memref_squeeze %dma_wait3A_2057 : memref<1x1664xi32, #tpu.memory_space<vmem>> -> memref<1664xi32, #tpu.memory_space<vmem>>
    %dma_wait3A_2059 = arith.constant 896 : i32
    %dma_wait3A_2060 = tpu.memref_slice %dma_wait3A_2058[%dma_wait3A_2059] : memref<1664xi32, #tpu.memory_space<vmem>> -> memref<128xi32, #tpu.memory_space<vmem>>
    %dma_wait3A_2061 = arith.constant 0 : i32
    %dma_wait3A_2062 = tpu.memref_slice %arg16[%dma_wait3A_2061] : memref<262144xf32, #tpu.memory_space<vmem_shared>> -> memref<262144xf32, #tpu.memory_space<vmem_shared>>
    tpu.wait_indirect_dma semaphore(%arg19 : memref<!tpu.dma_semaphore, #tpu.memory_space<semaphore_mem>>) src(%dma_wait3A_2062 : memref<262144xf32, #tpu.memory_space<vmem_shared>>) dst(%dma_wait3A_2055 : memref<128xf32, #tpu.memory_space<vmem>>)
    %dma_wait3A_2063 = arith.constant 3 : i32
    %dma_wait3A_2064 = arith.constant 3 : i32
    %dma_wait3A_2065 = arith.constant 0 : i32
    %dma_wait3A_2066 = tpu.memref_slice %arg11[%dma_wait3A_2064, %dma_wait3A_2065] : memref<4x1664xf32, #tpu.memory_space<vmem>> -> memref<1x1664xf32, #tpu.memory_space<vmem>>
    %dma_wait3A_2067 = tpu.memref_squeeze %dma_wait3A_2066 : memref<1x1664xf32, #tpu.memory_space<vmem>> -> memref<1664xf32, #tpu.memory_space<vmem>>
    %dma_wait3A_2068 = arith.constant 1024 : i32
    %dma_wait3A_2069 = tpu.memref_slice %dma_wait3A_2067[%dma_wait3A_2068] : memref<1664xf32, #tpu.memory_space<vmem>> -> memref<128xf32, #tpu.memory_space<vmem>>
    %dma_wait3A_2070 = arith.constant 0 : i32
    %dma_wait3A_2071 = tpu.memref_slice %arg10[%dma_wait3A_2063, %dma_wait3A_2070] : memref<4x1664xi32, #tpu.memory_space<vmem>> -> memref<1x1664xi32, #tpu.memory_space<vmem>>
    %dma_wait3A_2072 = tpu.memref_squeeze %dma_wait3A_2071 : memref<1x1664xi32, #tpu.memory_space<vmem>> -> memref<1664xi32, #tpu.memory_space<vmem>>
    %dma_wait3A_2073 = arith.constant 1024 : i32
    %dma_wait3A_2074 = tpu.memref_slice %dma_wait3A_2072[%dma_wait3A_2073] : memref<1664xi32, #tpu.memory_space<vmem>> -> memref<128xi32, #tpu.memory_space<vmem>>
    %dma_wait3A_2075 = arith.constant 0 : i32
    %dma_wait3A_2076 = tpu.memref_slice %arg16[%dma_wait3A_2075] : memref<262144xf32, #tpu.memory_space<vmem_shared>> -> memref<262144xf32, #tpu.memory_space<vmem_shared>>
    tpu.wait_indirect_dma semaphore(%arg19 : memref<!tpu.dma_semaphore, #tpu.memory_space<semaphore_mem>>) src(%dma_wait3A_2076 : memref<262144xf32, #tpu.memory_space<vmem_shared>>) dst(%dma_wait3A_2069 : memref<128xf32, #tpu.memory_space<vmem>>)
    %dma_wait3A_2077 = arith.constant 3 : i32
    %dma_wait3A_2078 = arith.constant 3 : i32
    %dma_wait3A_2079 = arith.constant 0 : i32
    %dma_wait3A_2080 = tpu.memref_slice %arg11[%dma_wait3A_2078, %dma_wait3A_2079] : memref<4x1664xf32, #tpu.memory_space<vmem>> -> memref<1x1664xf32, #tpu.memory_space<vmem>>
    %dma_wait3A_2081 = tpu.memref_squeeze %dma_wait3A_2080 : memref<1x1664xf32, #tpu.memory_space<vmem>> -> memref<1664xf32, #tpu.memory_space<vmem>>
    %dma_wait3A_2082 = arith.constant 1152 : i32
    %dma_wait3A_2083 = tpu.memref_slice %dma_wait3A_2081[%dma_wait3A_2082] : memref<1664xf32, #tpu.memory_space<vmem>> -> memref<128xf32, #tpu.memory_space<vmem>>
    %dma_wait3A_2084 = arith.constant 0 : i32
    %dma_wait3A_2085 = tpu.memref_slice %arg10[%dma_wait3A_2077, %dma_wait3A_2084] : memref<4x1664xi32, #tpu.memory_space<vmem>> -> memref<1x1664xi32, #tpu.memory_space<vmem>>
    %dma_wait3A_2086 = tpu.memref_squeeze %dma_wait3A_2085 : memref<1x1664xi32, #tpu.memory_space<vmem>> -> memref<1664xi32, #tpu.memory_space<vmem>>
    %dma_wait3A_2087 = arith.constant 1152 : i32
    %dma_wait3A_2088 = tpu.memref_slice %dma_wait3A_2086[%dma_wait3A_2087] : memref<1664xi32, #tpu.memory_space<vmem>> -> memref<128xi32, #tpu.memory_space<vmem>>
    %dma_wait3A_2089 = arith.constant 0 : i32
    %dma_wait3A_2090 = tpu.memref_slice %arg16[%dma_wait3A_2089] : memref<262144xf32, #tpu.memory_space<vmem_shared>> -> memref<262144xf32, #tpu.memory_space<vmem_shared>>
    tpu.wait_indirect_dma semaphore(%arg19 : memref<!tpu.dma_semaphore, #tpu.memory_space<semaphore_mem>>) src(%dma_wait3A_2090 : memref<262144xf32, #tpu.memory_space<vmem_shared>>) dst(%dma_wait3A_2083 : memref<128xf32, #tpu.memory_space<vmem>>)
    %dma_wait3A_2091 = arith.constant 3 : i32
    %dma_wait3A_2092 = arith.constant 3 : i32
    %dma_wait3A_2093 = arith.constant 0 : i32
    %dma_wait3A_2094 = tpu.memref_slice %arg11[%dma_wait3A_2092, %dma_wait3A_2093] : memref<4x1664xf32, #tpu.memory_space<vmem>> -> memref<1x1664xf32, #tpu.memory_space<vmem>>
    %dma_wait3A_2095 = tpu.memref_squeeze %dma_wait3A_2094 : memref<1x1664xf32, #tpu.memory_space<vmem>> -> memref<1664xf32, #tpu.memory_space<vmem>>
    %dma_wait3A_2096 = arith.constant 1280 : i32
    %dma_wait3A_2097 = tpu.memref_slice %dma_wait3A_2095[%dma_wait3A_2096] : memref<1664xf32, #tpu.memory_space<vmem>> -> memref<128xf32, #tpu.memory_space<vmem>>
    %dma_wait3A_2098 = arith.constant 0 : i32
    %dma_wait3A_2099 = tpu.memref_slice %arg10[%dma_wait3A_2091, %dma_wait3A_2098] : memref<4x1664xi32, #tpu.memory_space<vmem>> -> memref<1x1664xi32, #tpu.memory_space<vmem>>
    %dma_wait3A_2100 = tpu.memref_squeeze %dma_wait3A_2099 : memref<1x1664xi32, #tpu.memory_space<vmem>> -> memref<1664xi32, #tpu.memory_space<vmem>>
    %dma_wait3A_2101 = arith.constant 1280 : i32
    %dma_wait3A_2102 = tpu.memref_slice %dma_wait3A_2100[%dma_wait3A_2101] : memref<1664xi32, #tpu.memory_space<vmem>> -> memref<128xi32, #tpu.memory_space<vmem>>
    %dma_wait3A_2103 = arith.constant 0 : i32
    %dma_wait3A_2104 = tpu.memref_slice %arg16[%dma_wait3A_2103] : memref<262144xf32, #tpu.memory_space<vmem_shared>> -> memref<262144xf32, #tpu.memory_space<vmem_shared>>
    tpu.wait_indirect_dma semaphore(%arg19 : memref<!tpu.dma_semaphore, #tpu.memory_space<semaphore_mem>>) src(%dma_wait3A_2104 : memref<262144xf32, #tpu.memory_space<vmem_shared>>) dst(%dma_wait3A_2097 : memref<128xf32, #tpu.memory_space<vmem>>)
    %dma_wait3A_2105 = arith.constant 3 : i32
    %dma_wait3A_2106 = arith.constant 3 : i32
    %dma_wait3A_2107 = arith.constant 0 : i32
    %dma_wait3A_2108 = tpu.memref_slice %arg11[%dma_wait3A_2106, %dma_wait3A_2107] : memref<4x1664xf32, #tpu.memory_space<vmem>> -> memref<1x1664xf32, #tpu.memory_space<vmem>>
    %dma_wait3A_2109 = tpu.memref_squeeze %dma_wait3A_2108 : memref<1x1664xf32, #tpu.memory_space<vmem>> -> memref<1664xf32, #tpu.memory_space<vmem>>
    %dma_wait3A_2110 = arith.constant 1408 : i32
    %dma_wait3A_2111 = tpu.memref_slice %dma_wait3A_2109[%dma_wait3A_2110] : memref<1664xf32, #tpu.memory_space<vmem>> -> memref<128xf32, #tpu.memory_space<vmem>>
    %dma_wait3A_2112 = arith.constant 0 : i32
    %dma_wait3A_2113 = tpu.memref_slice %arg10[%dma_wait3A_2105, %dma_wait3A_2112] : memref<4x1664xi32, #tpu.memory_space<vmem>> -> memref<1x1664xi32, #tpu.memory_space<vmem>>
    %dma_wait3A_2114 = tpu.memref_squeeze %dma_wait3A_2113 : memref<1x1664xi32, #tpu.memory_space<vmem>> -> memref<1664xi32, #tpu.memory_space<vmem>>
    %dma_wait3A_2115 = arith.constant 1408 : i32
    %dma_wait3A_2116 = tpu.memref_slice %dma_wait3A_2114[%dma_wait3A_2115] : memref<1664xi32, #tpu.memory_space<vmem>> -> memref<128xi32, #tpu.memory_space<vmem>>
    %dma_wait3A_2117 = arith.constant 0 : i32
    %dma_wait3A_2118 = tpu.memref_slice %arg16[%dma_wait3A_2117] : memref<262144xf32, #tpu.memory_space<vmem_shared>> -> memref<262144xf32, #tpu.memory_space<vmem_shared>>
    tpu.wait_indirect_dma semaphore(%arg19 : memref<!tpu.dma_semaphore, #tpu.memory_space<semaphore_mem>>) src(%dma_wait3A_2118 : memref<262144xf32, #tpu.memory_space<vmem_shared>>) dst(%dma_wait3A_2111 : memref<128xf32, #tpu.memory_space<vmem>>)
    %dma_wait3A_2119 = arith.constant 3 : i32
    %dma_wait3A_2120 = arith.constant 3 : i32
    %dma_wait3A_2121 = arith.constant 0 : i32
    %dma_wait3A_2122 = tpu.memref_slice %arg11[%dma_wait3A_2120, %dma_wait3A_2121] : memref<4x1664xf32, #tpu.memory_space<vmem>> -> memref<1x1664xf32, #tpu.memory_space<vmem>>
    %dma_wait3A_2123 = tpu.memref_squeeze %dma_wait3A_2122 : memref<1x1664xf32, #tpu.memory_space<vmem>> -> memref<1664xf32, #tpu.memory_space<vmem>>
    %dma_wait3A_2124 = arith.constant 1536 : i32
    %dma_wait3A_2125 = tpu.memref_slice %dma_wait3A_2123[%dma_wait3A_2124] : memref<1664xf32, #tpu.memory_space<vmem>> -> memref<128xf32, #tpu.memory_space<vmem>>
    %dma_wait3A_2126 = arith.constant 0 : i32
    %dma_wait3A_2127 = tpu.memref_slice %arg10[%dma_wait3A_2119, %dma_wait3A_2126] : memref<4x1664xi32, #tpu.memory_space<vmem>> -> memref<1x1664xi32, #tpu.memory_space<vmem>>
    %dma_wait3A_2128 = tpu.memref_squeeze %dma_wait3A_2127 : memref<1x1664xi32, #tpu.memory_space<vmem>> -> memref<1664xi32, #tpu.memory_space<vmem>>
    %dma_wait3A_2129 = arith.constant 1536 : i32
    %dma_wait3A_2130 = tpu.memref_slice %dma_wait3A_2128[%dma_wait3A_2129] : memref<1664xi32, #tpu.memory_space<vmem>> -> memref<128xi32, #tpu.memory_space<vmem>>
    %dma_wait3A_2131 = arith.constant 0 : i32
    %dma_wait3A_2132 = tpu.memref_slice %arg16[%dma_wait3A_2131] : memref<262144xf32, #tpu.memory_space<vmem_shared>> -> memref<262144xf32, #tpu.memory_space<vmem_shared>>
    tpu.wait_indirect_dma semaphore(%arg19 : memref<!tpu.dma_semaphore, #tpu.memory_space<semaphore_mem>>) src(%dma_wait3A_2132 : memref<262144xf32, #tpu.memory_space<vmem_shared>>) dst(%dma_wait3A_2125 : memref<128xf32, #tpu.memory_space<vmem>>)
    %scan3A_2133 = arith.constant 2 : i32
    %scan3A_2134 = arith.constant 3 : i32
    %scan3A_2135 = arith.constant 0 : i32
    %scan3A_2136 = arith.constant 52 : i32
    %scan3A_2137 = arith.addi %scan3A_2135, %scan3A_2136 : i32
    %scan3A_2138 = arith.constant 1 : i32
    %scan3A_2139 = scf.for %scan3A_2452 = %scan3A_2135 to %scan3A_2137 step %scan3A_2138 iter_args(%scan3A_2453 = %scan3A_1767) -> (vector<16xf32>)  : i32 {
      %mul3A_2454 = arith.constant 32 : i32
      %mul3A_2455 = arith.muli %scan3A_2452, %mul3A_2454 : i32
      %add3A_2456 = arith.constant 0 : i32
      %add3A_2457 = arith.addi %mul3A_2455, %add3A_2456 : i32
      %get3A = arith.constant 0 : i32
      %get3A_2458 = tpu.memref_slice %arg11[%scan3A_2133, %get3A] : memref<4x1664xf32, #tpu.memory_space<vmem>> -> memref<1x1664xf32, #tpu.memory_space<vmem>>
      %get3A_2459 = tpu.memref_squeeze %get3A_2458 : memref<1x1664xf32, #tpu.memory_space<vmem>> -> memref<1664xf32, #tpu.memory_space<vmem>>
      %get3A_2460 = arith.index_cast %add3A_2457 : i32 to index
      %get3A_2461 = tpu.vector_load %get3A_2459[%get3A_2460] {strides = array<i32>} : memref<1664xf32, #tpu.memory_space<vmem>>, vector<16xf32>,
      %get3A_2462 = vector.shape_cast %get3A_2461 : vector<16xf32> to vector<16xf32>
      %get3A_2463 = arith.constant 0 : i32
      %get3A_2464 = tpu.memref_slice %arg11[%scan3A_2134, %get3A_2463] : memref<4x1664xf32, #tpu.memory_space<vmem>> -> memref<1x1664xf32, #tpu.memory_space<vmem>>
      %get3A_2465 = tpu.memref_squeeze %get3A_2464 : memref<1x1664xf32, #tpu.memory_space<vmem>> -> memref<1664xf32, #tpu.memory_space<vmem>>
      %get3A_2466 = arith.index_cast %add3A_2457 : i32 to index
      %get3A_2467 = tpu.vector_load %get3A_2465[%get3A_2466] {strides = array<i32>} : memref<1664xf32, #tpu.memory_space<vmem>>, vector<16xf32>,
      %get3A_2468 = vector.shape_cast %get3A_2467 : vector<16xf32> to vector<16xf32>
      %add3A_2469 = arith.addi %mul3A_2, %add3A_2457 : i32
      %add3A_2470 = vector.broadcast %add3A_2469 : i32 to vector<16xi32>
      %add3A_2471 = arith.addi %add3A_2470, %iota3A : vector<16xi32>
      %sub3A = arith.subf %get3A_2462, %get3A_2468 : vector<16xf32>
      %lt3A = arith.constant 50000 : i32
      %lt3A_2472 = vector.broadcast %lt3A : i32 to vector<16xi32>
      %lt3A_2473 = arith.cmpi slt, %add3A_2471, %lt3A_2472 : vector<16xi32>
      %mul3A_2474 = arith.mulf %sub3A, %sub3A : vector<16xf32>
      %jit3A = arith.constant 0.000000e+00 : f32
      %broadcast_in_dim3A_2475 = vector.broadcast %jit3A : f32 to vector<16xf32>
      %select_n3A = arith.select %lt3A_2473, %mul3A_2474, %broadcast_in_dim3A_2475 : vector<16xi1>, vector<16xf32>
      %add3A_2476 = arith.addf %scan3A_2453, %select_n3A : vector<16xf32>
      %mul3A_2477 = arith.constant 32 : i32
      %mul3A_2478 = arith.muli %scan3A_2452, %mul3A_2477 : i32
      %add3A_2479 = arith.constant 16 : i32
      %add3A_2480 = arith.addi %mul3A_2478, %add3A_2479 : i32
      %get3A_2481 = arith.constant 0 : i32
      %get3A_2482 = tpu.memref_slice %arg11[%scan3A_2133, %get3A_2481] : memref<4x1664xf32, #tpu.memory_space<vmem>> -> memref<1x1664xf32, #tpu.memory_space<vmem>>
      %get3A_2483 = tpu.memref_squeeze %get3A_2482 : memref<1x1664xf32, #tpu.memory_space<vmem>> -> memref<1664xf32, #tpu.memory_space<vmem>>
      %get3A_2484 = arith.index_cast %add3A_2480 : i32 to index
      %get3A_2485 = tpu.vector_load %get3A_2483[%get3A_2484] {strides = array<i32>} : memref<1664xf32, #tpu.memory_space<vmem>>, vector<16xf32>,
      %get3A_2486 = vector.shape_cast %get3A_2485 : vector<16xf32> to vector<16xf32>
      %get3A_2487 = arith.constant 0 : i32
      %get3A_2488 = tpu.memref_slice %arg11[%scan3A_2134, %get3A_2487] : memref<4x1664xf32, #tpu.memory_space<vmem>> -> memref<1x1664xf32, #tpu.memory_space<vmem>>
      %get3A_2489 = tpu.memref_squeeze %get3A_2488 : memref<1x1664xf32, #tpu.memory_space<vmem>> -> memref<1664xf32, #tpu.memory_space<vmem>>
      %get3A_2490 = arith.index_cast %add3A_2480 : i32 to index
      %get3A_2491 = tpu.vector_load %get3A_2489[%get3A_2490] {strides = array<i32>} : memref<1664xf32, #tpu.memory_space<vmem>>, vector<16xf32>,
      %get3A_2492 = vector.shape_cast %get3A_2491 : vector<16xf32> to vector<16xf32>
      %add3A_2493 = arith.addi %mul3A_2, %add3A_2480 : i32
      %add3A_2494 = vector.broadcast %add3A_2493 : i32 to vector<16xi32>
      %add3A_2495 = arith.addi %add3A_2494, %iota3A : vector<16xi32>
      %sub3A_2496 = arith.subf %get3A_2486, %get3A_2492 : vector<16xf32>
      %lt3A_2497 = arith.constant 50000 : i32
      %lt3A_2498 = vector.broadcast %lt3A_2497 : i32 to vector<16xi32>
      %lt3A_2499 = arith.cmpi slt, %add3A_2495, %lt3A_2498 : vector<16xi32>
      %mul3A_2500 = arith.mulf %sub3A_2496, %sub3A_2496 : vector<16xf32>
      %jit3A_2501 = arith.constant 0.000000e+00 : f32
      %broadcast_in_dim3A_2502 = vector.broadcast %jit3A_2501 : f32 to vector<16xf32>
      %select_n3A_2503 = arith.select %lt3A_2499, %mul3A_2500, %broadcast_in_dim3A_2502 : vector<16xi1>, vector<16xf32>
      %add3A_2504 = arith.addf %add3A_2476, %select_n3A_2503 : vector<16xf32>
      scf.yield %add3A_2504 : vector<16xf32>
    }
    %scan3A_2140 = arith.constant 52 : i32
    %dma_wait3A_2141 = arith.constant 0 : i32
    %dma_wait3A_2142 = arith.constant 0 : i32
    %dma_wait3A_2143 = arith.constant 0 : i32
    %dma_wait3A_2144 = tpu.memref_slice %arg14[%dma_wait3A_2142, %dma_wait3A_2143] : memref<4x640xf32, #tpu.memory_space<vmem>> -> memref<1x640xf32, #tpu.memory_space<vmem>>
    %dma_wait3A_2145 = tpu.memref_squeeze %dma_wait3A_2144 : memref<1x640xf32, #tpu.memory_space<vmem>> -> memref<640xf32, #tpu.memory_space<vmem>>
    %dma_wait3A_2146 = arith.constant 0 : i32
    %dma_wait3A_2147 = tpu.memref_slice %dma_wait3A_2145[%dma_wait3A_2146] : memref<640xf32, #tpu.memory_space<vmem>> -> memref<128xf32, #tpu.memory_space<vmem>>
    %dma_wait3A_2148 = arith.constant 0 : i32
    %dma_wait3A_2149 = tpu.memref_slice %arg13[%dma_wait3A_2141, %dma_wait3A_2148] : memref<4x640xi32, #tpu.memory_space<vmem>> -> memref<1x640xi32, #tpu.memory_space<vmem>>
    %dma_wait3A_2150 = tpu.memref_squeeze %dma_wait3A_2149 : memref<1x640xi32, #tpu.memory_space<vmem>> -> memref<640xi32, #tpu.memory_space<vmem>>
    %dma_wait3A_2151 = arith.constant 0 : i32
    %dma_wait3A_2152 = tpu.memref_slice %dma_wait3A_2150[%dma_wait3A_2151] : memref<640xi32, #tpu.memory_space<vmem>> -> memref<128xi32, #tpu.memory_space<vmem>>
    %dma_wait3A_2153 = arith.constant 0 : i32
    %dma_wait3A_2154 = tpu.memref_slice %arg15[%dma_wait3A_2153] : memref<262144xf32, #tpu.memory_space<vmem_shared>> -> memref<262144xf32, #tpu.memory_space<vmem_shared>>
    tpu.wait_indirect_dma semaphore(%arg19 : memref<!tpu.dma_semaphore, #tpu.memory_space<semaphore_mem>>) src(%dma_wait3A_2154 : memref<262144xf32, #tpu.memory_space<vmem_shared>>) dst(%dma_wait3A_2147 : memref<128xf32, #tpu.memory_space<vmem>>)
    %dma_wait3A_2155 = arith.constant 0 : i32
    %dma_wait3A_2156 = arith.constant 0 : i32
    %dma_wait3A_2157 = arith.constant 0 : i32
    %dma_wait3A_2158 = tpu.memref_slice %arg14[%dma_wait3A_2156, %dma_wait3A_2157] : memref<4x640xf32, #tpu.memory_space<vmem>> -> memref<1x640xf32, #tpu.memory_space<vmem>>
    %dma_wait3A_2159 = tpu.memref_squeeze %dma_wait3A_2158 : memref<1x640xf32, #tpu.memory_space<vmem>> -> memref<640xf32, #tpu.memory_space<vmem>>
    %dma_wait3A_2160 = arith.constant 128 : i32
    %dma_wait3A_2161 = tpu.memref_slice %dma_wait3A_2159[%dma_wait3A_2160] : memref<640xf32, #tpu.memory_space<vmem>> -> memref<128xf32, #tpu.memory_space<vmem>>
    %dma_wait3A_2162 = arith.constant 0 : i32
    %dma_wait3A_2163 = tpu.memref_slice %arg13[%dma_wait3A_2155, %dma_wait3A_2162] : memref<4x640xi32, #tpu.memory_space<vmem>> -> memref<1x640xi32, #tpu.memory_space<vmem>>
    %dma_wait3A_2164 = tpu.memref_squeeze %dma_wait3A_2163 : memref<1x640xi32, #tpu.memory_space<vmem>> -> memref<640xi32, #tpu.memory_space<vmem>>
    %dma_wait3A_2165 = arith.constant 128 : i32
    %dma_wait3A_2166 = tpu.memref_slice %dma_wait3A_2164[%dma_wait3A_2165] : memref<640xi32, #tpu.memory_space<vmem>> -> memref<128xi32, #tpu.memory_space<vmem>>
    %dma_wait3A_2167 = arith.constant 0 : i32
    %dma_wait3A_2168 = tpu.memref_slice %arg15[%dma_wait3A_2167] : memref<262144xf32, #tpu.memory_space<vmem_shared>> -> memref<262144xf32, #tpu.memory_space<vmem_shared>>
    tpu.wait_indirect_dma semaphore(%arg19 : memref<!tpu.dma_semaphore, #tpu.memory_space<semaphore_mem>>) src(%dma_wait3A_2168 : memref<262144xf32, #tpu.memory_space<vmem_shared>>) dst(%dma_wait3A_2161 : memref<128xf32, #tpu.memory_space<vmem>>)
    %dma_wait3A_2169 = arith.constant 0 : i32
    %dma_wait3A_2170 = arith.constant 0 : i32
    %dma_wait3A_2171 = arith.constant 0 : i32
    %dma_wait3A_2172 = tpu.memref_slice %arg14[%dma_wait3A_2170, %dma_wait3A_2171] : memref<4x640xf32, #tpu.memory_space<vmem>> -> memref<1x640xf32, #tpu.memory_space<vmem>>
    %dma_wait3A_2173 = tpu.memref_squeeze %dma_wait3A_2172 : memref<1x640xf32, #tpu.memory_space<vmem>> -> memref<640xf32, #tpu.memory_space<vmem>>
    %dma_wait3A_2174 = arith.constant 256 : i32
    %dma_wait3A_2175 = tpu.memref_slice %dma_wait3A_2173[%dma_wait3A_2174] : memref<640xf32, #tpu.memory_space<vmem>> -> memref<128xf32, #tpu.memory_space<vmem>>
    %dma_wait3A_2176 = arith.constant 0 : i32
    %dma_wait3A_2177 = tpu.memref_slice %arg13[%dma_wait3A_2169, %dma_wait3A_2176] : memref<4x640xi32, #tpu.memory_space<vmem>> -> memref<1x640xi32, #tpu.memory_space<vmem>>
    %dma_wait3A_2178 = tpu.memref_squeeze %dma_wait3A_2177 : memref<1x640xi32, #tpu.memory_space<vmem>> -> memref<640xi32, #tpu.memory_space<vmem>>
    %dma_wait3A_2179 = arith.constant 256 : i32
    %dma_wait3A_2180 = tpu.memref_slice %dma_wait3A_2178[%dma_wait3A_2179] : memref<640xi32, #tpu.memory_space<vmem>> -> memref<128xi32, #tpu.memory_space<vmem>>
    %dma_wait3A_2181 = arith.constant 0 : i32
    %dma_wait3A_2182 = tpu.memref_slice %arg15[%dma_wait3A_2181] : memref<262144xf32, #tpu.memory_space<vmem_shared>> -> memref<262144xf32, #tpu.memory_space<vmem_shared>>
    tpu.wait_indirect_dma semaphore(%arg19 : memref<!tpu.dma_semaphore, #tpu.memory_space<semaphore_mem>>) src(%dma_wait3A_2182 : memref<262144xf32, #tpu.memory_space<vmem_shared>>) dst(%dma_wait3A_2175 : memref<128xf32, #tpu.memory_space<vmem>>)
    %dma_wait3A_2183 = arith.constant 0 : i32
    %dma_wait3A_2184 = arith.constant 0 : i32
    %dma_wait3A_2185 = arith.constant 0 : i32
    %dma_wait3A_2186 = tpu.memref_slice %arg14[%dma_wait3A_2184, %dma_wait3A_2185] : memref<4x640xf32, #tpu.memory_space<vmem>> -> memref<1x640xf32, #tpu.memory_space<vmem>>
    %dma_wait3A_2187 = tpu.memref_squeeze %dma_wait3A_2186 : memref<1x640xf32, #tpu.memory_space<vmem>> -> memref<640xf32, #tpu.memory_space<vmem>>
    %dma_wait3A_2188 = arith.constant 384 : i32
    %dma_wait3A_2189 = tpu.memref_slice %dma_wait3A_2187[%dma_wait3A_2188] : memref<640xf32, #tpu.memory_space<vmem>> -> memref<128xf32, #tpu.memory_space<vmem>>
    %dma_wait3A_2190 = arith.constant 0 : i32
    %dma_wait3A_2191 = tpu.memref_slice %arg13[%dma_wait3A_2183, %dma_wait3A_2190] : memref<4x640xi32, #tpu.memory_space<vmem>> -> memref<1x640xi32, #tpu.memory_space<vmem>>
    %dma_wait3A_2192 = tpu.memref_squeeze %dma_wait3A_2191 : memref<1x640xi32, #tpu.memory_space<vmem>> -> memref<640xi32, #tpu.memory_space<vmem>>
    %dma_wait3A_2193 = arith.constant 384 : i32
    %dma_wait3A_2194 = tpu.memref_slice %dma_wait3A_2192[%dma_wait3A_2193] : memref<640xi32, #tpu.memory_space<vmem>> -> memref<128xi32, #tpu.memory_space<vmem>>
    %dma_wait3A_2195 = arith.constant 0 : i32
    %dma_wait3A_2196 = tpu.memref_slice %arg15[%dma_wait3A_2195] : memref<262144xf32, #tpu.memory_space<vmem_shared>> -> memref<262144xf32, #tpu.memory_space<vmem_shared>>
    tpu.wait_indirect_dma semaphore(%arg19 : memref<!tpu.dma_semaphore, #tpu.memory_space<semaphore_mem>>) src(%dma_wait3A_2196 : memref<262144xf32, #tpu.memory_space<vmem_shared>>) dst(%dma_wait3A_2189 : memref<128xf32, #tpu.memory_space<vmem>>)
    %dma_wait3A_2197 = arith.constant 0 : i32
    %dma_wait3A_2198 = arith.constant 0 : i32
    %dma_wait3A_2199 = arith.constant 0 : i32
    %dma_wait3A_2200 = tpu.memref_slice %arg14[%dma_wait3A_2198, %dma_wait3A_2199] : memref<4x640xf32, #tpu.memory_space<vmem>> -> memref<1x640xf32, #tpu.memory_space<vmem>>
    %dma_wait3A_2201 = tpu.memref_squeeze %dma_wait3A_2200 : memref<1x640xf32, #tpu.memory_space<vmem>> -> memref<640xf32, #tpu.memory_space<vmem>>
    %dma_wait3A_2202 = arith.constant 512 : i32
    %dma_wait3A_2203 = tpu.memref_slice %dma_wait3A_2201[%dma_wait3A_2202] : memref<640xf32, #tpu.memory_space<vmem>> -> memref<128xf32, #tpu.memory_space<vmem>>
    %dma_wait3A_2204 = arith.constant 0 : i32
    %dma_wait3A_2205 = tpu.memref_slice %arg13[%dma_wait3A_2197, %dma_wait3A_2204] : memref<4x640xi32, #tpu.memory_space<vmem>> -> memref<1x640xi32, #tpu.memory_space<vmem>>
    %dma_wait3A_2206 = tpu.memref_squeeze %dma_wait3A_2205 : memref<1x640xi32, #tpu.memory_space<vmem>> -> memref<640xi32, #tpu.memory_space<vmem>>
    %dma_wait3A_2207 = arith.constant 512 : i32
    %dma_wait3A_2208 = tpu.memref_slice %dma_wait3A_2206[%dma_wait3A_2207] : memref<640xi32, #tpu.memory_space<vmem>> -> memref<128xi32, #tpu.memory_space<vmem>>
    %dma_wait3A_2209 = arith.constant 0 : i32
    %dma_wait3A_2210 = tpu.memref_slice %arg15[%dma_wait3A_2209] : memref<262144xf32, #tpu.memory_space<vmem_shared>> -> memref<262144xf32, #tpu.memory_space<vmem_shared>>
    tpu.wait_indirect_dma semaphore(%arg19 : memref<!tpu.dma_semaphore, #tpu.memory_space<semaphore_mem>>) src(%dma_wait3A_2210 : memref<262144xf32, #tpu.memory_space<vmem_shared>>) dst(%dma_wait3A_2203 : memref<128xf32, #tpu.memory_space<vmem>>)
    %scan3A_2211 = arith.constant 0 : i32
    %scan3A_2212 = arith.constant 0 : i32
    %scan3A_2213 = arith.constant 20 : i32
    %scan3A_2214 = arith.addi %scan3A_2212, %scan3A_2213 : i32
    %scan3A_2215 = arith.constant 1 : i32
    %scan3A_2216 = scf.for %scan3A_2452 = %scan3A_2212 to %scan3A_2214 step %scan3A_2215 iter_args(%scan3A_2453 = %scan3A_2139) -> (vector<16xf32>)  : i32 {
      %mul3A_2454 = arith.constant 32 : i32
      %mul3A_2455 = arith.muli %scan3A_2452, %mul3A_2454 : i32
      %add3A_2456 = arith.constant 0 : i32
      %add3A_2457 = arith.addi %mul3A_2455, %add3A_2456 : i32
      %get3A = arith.constant 0 : i32
      %get3A_2458 = tpu.memref_slice %arg14[%scan3A_2211, %get3A] : memref<4x640xf32, #tpu.memory_space<vmem>> -> memref<1x640xf32, #tpu.memory_space<vmem>>
      %get3A_2459 = tpu.memref_squeeze %get3A_2458 : memref<1x640xf32, #tpu.memory_space<vmem>> -> memref<640xf32, #tpu.memory_space<vmem>>
      %get3A_2460 = arith.index_cast %add3A_2457 : i32 to index
      %get3A_2461 = tpu.vector_load %get3A_2459[%get3A_2460] {strides = array<i32>} : memref<640xf32, #tpu.memory_space<vmem>>, vector<16xf32>,
      %get3A_2462 = vector.shape_cast %get3A_2461 : vector<16xf32> to vector<16xf32>
      %add3A_2463 = arith.addi %mul3A_4, %add3A_2457 : i32
      %add3A_2464 = vector.broadcast %add3A_2463 : i32 to vector<16xi32>
      %add3A_2465 = arith.addi %add3A_2464, %iota3A : vector<16xi32>
      %sub3A = arith.constant 1.000000e+00 : f32
      %sub3A_2466 = vector.broadcast %sub3A : f32 to vector<16xf32>
      %sub3A_2467 = arith.subf %get3A_2462, %sub3A_2466 : vector<16xf32>
      %lt3A = arith.constant 20000 : i32
      %lt3A_2468 = vector.broadcast %lt3A : i32 to vector<16xi32>
      %lt3A_2469 = arith.cmpi slt, %add3A_2465, %lt3A_2468 : vector<16xi32>
      %mul3A_2470 = arith.mulf %sub3A_2467, %sub3A_2467 : vector<16xf32>
      %jit3A = arith.constant 0.000000e+00 : f32
      %broadcast_in_dim3A_2471 = vector.broadcast %jit3A : f32 to vector<16xf32>
      %select_n3A = arith.select %lt3A_2469, %mul3A_2470, %broadcast_in_dim3A_2471 : vector<16xi1>, vector<16xf32>
      %add3A_2472 = arith.addf %scan3A_2453, %select_n3A : vector<16xf32>
      %mul3A_2473 = arith.constant 32 : i32
      %mul3A_2474 = arith.muli %scan3A_2452, %mul3A_2473 : i32
      %add3A_2475 = arith.constant 16 : i32
      %add3A_2476 = arith.addi %mul3A_2474, %add3A_2475 : i32
      %get3A_2477 = arith.constant 0 : i32
      %get3A_2478 = tpu.memref_slice %arg14[%scan3A_2211, %get3A_2477] : memref<4x640xf32, #tpu.memory_space<vmem>> -> memref<1x640xf32, #tpu.memory_space<vmem>>
      %get3A_2479 = tpu.memref_squeeze %get3A_2478 : memref<1x640xf32, #tpu.memory_space<vmem>> -> memref<640xf32, #tpu.memory_space<vmem>>
      %get3A_2480 = arith.index_cast %add3A_2476 : i32 to index
      %get3A_2481 = tpu.vector_load %get3A_2479[%get3A_2480] {strides = array<i32>} : memref<640xf32, #tpu.memory_space<vmem>>, vector<16xf32>,
      %get3A_2482 = vector.shape_cast %get3A_2481 : vector<16xf32> to vector<16xf32>
      %add3A_2483 = arith.addi %mul3A_4, %add3A_2476 : i32
      %add3A_2484 = vector.broadcast %add3A_2483 : i32 to vector<16xi32>
      %add3A_2485 = arith.addi %add3A_2484, %iota3A : vector<16xi32>
      %sub3A_2486 = arith.constant 1.000000e+00 : f32
      %sub3A_2487 = vector.broadcast %sub3A_2486 : f32 to vector<16xf32>
      %sub3A_2488 = arith.subf %get3A_2482, %sub3A_2487 : vector<16xf32>
      %lt3A_2489 = arith.constant 20000 : i32
      %lt3A_2490 = vector.broadcast %lt3A_2489 : i32 to vector<16xi32>
      %lt3A_2491 = arith.cmpi slt, %add3A_2485, %lt3A_2490 : vector<16xi32>
      %mul3A_2492 = arith.mulf %sub3A_2488, %sub3A_2488 : vector<16xf32>
      %jit3A_2493 = arith.constant 0.000000e+00 : f32
      %broadcast_in_dim3A_2494 = vector.broadcast %jit3A_2493 : f32 to vector<16xf32>
      %select_n3A_2495 = arith.select %lt3A_2491, %mul3A_2492, %broadcast_in_dim3A_2494 : vector<16xi1>, vector<16xf32>
      %add3A_2496 = arith.addf %add3A_2472, %select_n3A_2495 : vector<16xf32>
      scf.yield %add3A_2496 : vector<16xf32>
    }
    %scan3A_2217 = arith.constant 20 : i32
    %dma_wait3A_2218 = arith.constant 1 : i32
    %dma_wait3A_2219 = arith.constant 1 : i32
    %dma_wait3A_2220 = arith.constant 0 : i32
    %dma_wait3A_2221 = tpu.memref_slice %arg14[%dma_wait3A_2219, %dma_wait3A_2220] : memref<4x640xf32, #tpu.memory_space<vmem>> -> memref<1x640xf32, #tpu.memory_space<vmem>>
    %dma_wait3A_2222 = tpu.memref_squeeze %dma_wait3A_2221 : memref<1x640xf32, #tpu.memory_space<vmem>> -> memref<640xf32, #tpu.memory_space<vmem>>
    %dma_wait3A_2223 = arith.constant 0 : i32
    %dma_wait3A_2224 = tpu.memref_slice %dma_wait3A_2222[%dma_wait3A_2223] : memref<640xf32, #tpu.memory_space<vmem>> -> memref<128xf32, #tpu.memory_space<vmem>>
    %dma_wait3A_2225 = arith.constant 0 : i32
    %dma_wait3A_2226 = tpu.memref_slice %arg13[%dma_wait3A_2218, %dma_wait3A_2225] : memref<4x640xi32, #tpu.memory_space<vmem>> -> memref<1x640xi32, #tpu.memory_space<vmem>>
    %dma_wait3A_2227 = tpu.memref_squeeze %dma_wait3A_2226 : memref<1x640xi32, #tpu.memory_space<vmem>> -> memref<640xi32, #tpu.memory_space<vmem>>
    %dma_wait3A_2228 = arith.constant 0 : i32
    %dma_wait3A_2229 = tpu.memref_slice %dma_wait3A_2227[%dma_wait3A_2228] : memref<640xi32, #tpu.memory_space<vmem>> -> memref<128xi32, #tpu.memory_space<vmem>>
    %dma_wait3A_2230 = arith.constant 0 : i32
    %dma_wait3A_2231 = tpu.memref_slice %arg15[%dma_wait3A_2230] : memref<262144xf32, #tpu.memory_space<vmem_shared>> -> memref<262144xf32, #tpu.memory_space<vmem_shared>>
    tpu.wait_indirect_dma semaphore(%arg19 : memref<!tpu.dma_semaphore, #tpu.memory_space<semaphore_mem>>) src(%dma_wait3A_2231 : memref<262144xf32, #tpu.memory_space<vmem_shared>>) dst(%dma_wait3A_2224 : memref<128xf32, #tpu.memory_space<vmem>>)
    %dma_wait3A_2232 = arith.constant 1 : i32
    %dma_wait3A_2233 = arith.constant 1 : i32
    %dma_wait3A_2234 = arith.constant 0 : i32
    %dma_wait3A_2235 = tpu.memref_slice %arg14[%dma_wait3A_2233, %dma_wait3A_2234] : memref<4x640xf32, #tpu.memory_space<vmem>> -> memref<1x640xf32, #tpu.memory_space<vmem>>
    %dma_wait3A_2236 = tpu.memref_squeeze %dma_wait3A_2235 : memref<1x640xf32, #tpu.memory_space<vmem>> -> memref<640xf32, #tpu.memory_space<vmem>>
    %dma_wait3A_2237 = arith.constant 128 : i32
    %dma_wait3A_2238 = tpu.memref_slice %dma_wait3A_2236[%dma_wait3A_2237] : memref<640xf32, #tpu.memory_space<vmem>> -> memref<128xf32, #tpu.memory_space<vmem>>
    %dma_wait3A_2239 = arith.constant 0 : i32
    %dma_wait3A_2240 = tpu.memref_slice %arg13[%dma_wait3A_2232, %dma_wait3A_2239] : memref<4x640xi32, #tpu.memory_space<vmem>> -> memref<1x640xi32, #tpu.memory_space<vmem>>
    %dma_wait3A_2241 = tpu.memref_squeeze %dma_wait3A_2240 : memref<1x640xi32, #tpu.memory_space<vmem>> -> memref<640xi32, #tpu.memory_space<vmem>>
    %dma_wait3A_2242 = arith.constant 128 : i32
    %dma_wait3A_2243 = tpu.memref_slice %dma_wait3A_2241[%dma_wait3A_2242] : memref<640xi32, #tpu.memory_space<vmem>> -> memref<128xi32, #tpu.memory_space<vmem>>
    %dma_wait3A_2244 = arith.constant 0 : i32
    %dma_wait3A_2245 = tpu.memref_slice %arg15[%dma_wait3A_2244] : memref<262144xf32, #tpu.memory_space<vmem_shared>> -> memref<262144xf32, #tpu.memory_space<vmem_shared>>
    tpu.wait_indirect_dma semaphore(%arg19 : memref<!tpu.dma_semaphore, #tpu.memory_space<semaphore_mem>>) src(%dma_wait3A_2245 : memref<262144xf32, #tpu.memory_space<vmem_shared>>) dst(%dma_wait3A_2238 : memref<128xf32, #tpu.memory_space<vmem>>)
    %dma_wait3A_2246 = arith.constant 1 : i32
    %dma_wait3A_2247 = arith.constant 1 : i32
    %dma_wait3A_2248 = arith.constant 0 : i32
    %dma_wait3A_2249 = tpu.memref_slice %arg14[%dma_wait3A_2247, %dma_wait3A_2248] : memref<4x640xf32, #tpu.memory_space<vmem>> -> memref<1x640xf32, #tpu.memory_space<vmem>>
    %dma_wait3A_2250 = tpu.memref_squeeze %dma_wait3A_2249 : memref<1x640xf32, #tpu.memory_space<vmem>> -> memref<640xf32, #tpu.memory_space<vmem>>
    %dma_wait3A_2251 = arith.constant 256 : i32
    %dma_wait3A_2252 = tpu.memref_slice %dma_wait3A_2250[%dma_wait3A_2251] : memref<640xf32, #tpu.memory_space<vmem>> -> memref<128xf32, #tpu.memory_space<vmem>>
    %dma_wait3A_2253 = arith.constant 0 : i32
    %dma_wait3A_2254 = tpu.memref_slice %arg13[%dma_wait3A_2246, %dma_wait3A_2253] : memref<4x640xi32, #tpu.memory_space<vmem>> -> memref<1x640xi32, #tpu.memory_space<vmem>>
    %dma_wait3A_2255 = tpu.memref_squeeze %dma_wait3A_2254 : memref<1x640xi32, #tpu.memory_space<vmem>> -> memref<640xi32, #tpu.memory_space<vmem>>
    %dma_wait3A_2256 = arith.constant 256 : i32
    %dma_wait3A_2257 = tpu.memref_slice %dma_wait3A_2255[%dma_wait3A_2256] : memref<640xi32, #tpu.memory_space<vmem>> -> memref<128xi32, #tpu.memory_space<vmem>>
    %dma_wait3A_2258 = arith.constant 0 : i32
    %dma_wait3A_2259 = tpu.memref_slice %arg15[%dma_wait3A_2258] : memref<262144xf32, #tpu.memory_space<vmem_shared>> -> memref<262144xf32, #tpu.memory_space<vmem_shared>>
    tpu.wait_indirect_dma semaphore(%arg19 : memref<!tpu.dma_semaphore, #tpu.memory_space<semaphore_mem>>) src(%dma_wait3A_2259 : memref<262144xf32, #tpu.memory_space<vmem_shared>>) dst(%dma_wait3A_2252 : memref<128xf32, #tpu.memory_space<vmem>>)
    %dma_wait3A_2260 = arith.constant 1 : i32
    %dma_wait3A_2261 = arith.constant 1 : i32
    %dma_wait3A_2262 = arith.constant 0 : i32
    %dma_wait3A_2263 = tpu.memref_slice %arg14[%dma_wait3A_2261, %dma_wait3A_2262] : memref<4x640xf32, #tpu.memory_space<vmem>> -> memref<1x640xf32, #tpu.memory_space<vmem>>
    %dma_wait3A_2264 = tpu.memref_squeeze %dma_wait3A_2263 : memref<1x640xf32, #tpu.memory_space<vmem>> -> memref<640xf32, #tpu.memory_space<vmem>>
    %dma_wait3A_2265 = arith.constant 384 : i32
    %dma_wait3A_2266 = tpu.memref_slice %dma_wait3A_2264[%dma_wait3A_2265] : memref<640xf32, #tpu.memory_space<vmem>> -> memref<128xf32, #tpu.memory_space<vmem>>
    %dma_wait3A_2267 = arith.constant 0 : i32
    %dma_wait3A_2268 = tpu.memref_slice %arg13[%dma_wait3A_2260, %dma_wait3A_2267] : memref<4x640xi32, #tpu.memory_space<vmem>> -> memref<1x640xi32, #tpu.memory_space<vmem>>
    %dma_wait3A_2269 = tpu.memref_squeeze %dma_wait3A_2268 : memref<1x640xi32, #tpu.memory_space<vmem>> -> memref<640xi32, #tpu.memory_space<vmem>>
    %dma_wait3A_2270 = arith.constant 384 : i32
    %dma_wait3A_2271 = tpu.memref_slice %dma_wait3A_2269[%dma_wait3A_2270] : memref<640xi32, #tpu.memory_space<vmem>> -> memref<128xi32, #tpu.memory_space<vmem>>
    %dma_wait3A_2272 = arith.constant 0 : i32
    %dma_wait3A_2273 = tpu.memref_slice %arg15[%dma_wait3A_2272] : memref<262144xf32, #tpu.memory_space<vmem_shared>> -> memref<262144xf32, #tpu.memory_space<vmem_shared>>
    tpu.wait_indirect_dma semaphore(%arg19 : memref<!tpu.dma_semaphore, #tpu.memory_space<semaphore_mem>>) src(%dma_wait3A_2273 : memref<262144xf32, #tpu.memory_space<vmem_shared>>) dst(%dma_wait3A_2266 : memref<128xf32, #tpu.memory_space<vmem>>)
    %dma_wait3A_2274 = arith.constant 1 : i32
    %dma_wait3A_2275 = arith.constant 1 : i32
    %dma_wait3A_2276 = arith.constant 0 : i32
    %dma_wait3A_2277 = tpu.memref_slice %arg14[%dma_wait3A_2275, %dma_wait3A_2276] : memref<4x640xf32, #tpu.memory_space<vmem>> -> memref<1x640xf32, #tpu.memory_space<vmem>>
    %dma_wait3A_2278 = tpu.memref_squeeze %dma_wait3A_2277 : memref<1x640xf32, #tpu.memory_space<vmem>> -> memref<640xf32, #tpu.memory_space<vmem>>
    %dma_wait3A_2279 = arith.constant 512 : i32
    %dma_wait3A_2280 = tpu.memref_slice %dma_wait3A_2278[%dma_wait3A_2279] : memref<640xf32, #tpu.memory_space<vmem>> -> memref<128xf32, #tpu.memory_space<vmem>>
    %dma_wait3A_2281 = arith.constant 0 : i32
    %dma_wait3A_2282 = tpu.memref_slice %arg13[%dma_wait3A_2274, %dma_wait3A_2281] : memref<4x640xi32, #tpu.memory_space<vmem>> -> memref<1x640xi32, #tpu.memory_space<vmem>>
    %dma_wait3A_2283 = tpu.memref_squeeze %dma_wait3A_2282 : memref<1x640xi32, #tpu.memory_space<vmem>> -> memref<640xi32, #tpu.memory_space<vmem>>
    %dma_wait3A_2284 = arith.constant 512 : i32
    %dma_wait3A_2285 = tpu.memref_slice %dma_wait3A_2283[%dma_wait3A_2284] : memref<640xi32, #tpu.memory_space<vmem>> -> memref<128xi32, #tpu.memory_space<vmem>>
    %dma_wait3A_2286 = arith.constant 0 : i32
    %dma_wait3A_2287 = tpu.memref_slice %arg15[%dma_wait3A_2286] : memref<262144xf32, #tpu.memory_space<vmem_shared>> -> memref<262144xf32, #tpu.memory_space<vmem_shared>>
    tpu.wait_indirect_dma semaphore(%arg19 : memref<!tpu.dma_semaphore, #tpu.memory_space<semaphore_mem>>) src(%dma_wait3A_2287 : memref<262144xf32, #tpu.memory_space<vmem_shared>>) dst(%dma_wait3A_2280 : memref<128xf32, #tpu.memory_space<vmem>>)
    %scan3A_2288 = arith.constant 1 : i32
    %scan3A_2289 = arith.constant 0 : i32
    %scan3A_2290 = arith.constant 20 : i32
    %scan3A_2291 = arith.addi %scan3A_2289, %scan3A_2290 : i32
    %scan3A_2292 = arith.constant 1 : i32
    %scan3A_2293 = scf.for %scan3A_2452 = %scan3A_2289 to %scan3A_2291 step %scan3A_2292 iter_args(%scan3A_2453 = %scan3A_2216) -> (vector<16xf32>)  : i32 {
      %mul3A_2454 = arith.constant 32 : i32
      %mul3A_2455 = arith.muli %scan3A_2452, %mul3A_2454 : i32
      %add3A_2456 = arith.constant 0 : i32
      %add3A_2457 = arith.addi %mul3A_2455, %add3A_2456 : i32
      %get3A = arith.constant 0 : i32
      %get3A_2458 = tpu.memref_slice %arg14[%scan3A_2288, %get3A] : memref<4x640xf32, #tpu.memory_space<vmem>> -> memref<1x640xf32, #tpu.memory_space<vmem>>
      %get3A_2459 = tpu.memref_squeeze %get3A_2458 : memref<1x640xf32, #tpu.memory_space<vmem>> -> memref<640xf32, #tpu.memory_space<vmem>>
      %get3A_2460 = arith.index_cast %add3A_2457 : i32 to index
      %get3A_2461 = tpu.vector_load %get3A_2459[%get3A_2460] {strides = array<i32>} : memref<640xf32, #tpu.memory_space<vmem>>, vector<16xf32>,
      %get3A_2462 = vector.shape_cast %get3A_2461 : vector<16xf32> to vector<16xf32>
      %add3A_2463 = arith.addi %mul3A_4, %add3A_2457 : i32
      %add3A_2464 = vector.broadcast %add3A_2463 : i32 to vector<16xi32>
      %add3A_2465 = arith.addi %add3A_2464, %iota3A : vector<16xi32>
      %sub3A = arith.constant 0.000000e+00 : f32
      %sub3A_2466 = vector.broadcast %sub3A : f32 to vector<16xf32>
      %sub3A_2467 = arith.subf %get3A_2462, %sub3A_2466 : vector<16xf32>
      %lt3A = arith.constant 20000 : i32
      %lt3A_2468 = vector.broadcast %lt3A : i32 to vector<16xi32>
      %lt3A_2469 = arith.cmpi slt, %add3A_2465, %lt3A_2468 : vector<16xi32>
      %mul3A_2470 = arith.mulf %sub3A_2467, %sub3A_2467 : vector<16xf32>
      %jit3A = arith.constant 0.000000e+00 : f32
      %broadcast_in_dim3A_2471 = vector.broadcast %jit3A : f32 to vector<16xf32>
      %select_n3A = arith.select %lt3A_2469, %mul3A_2470, %broadcast_in_dim3A_2471 : vector<16xi1>, vector<16xf32>
      %add3A_2472 = arith.addf %scan3A_2453, %select_n3A : vector<16xf32>
      %mul3A_2473 = arith.constant 32 : i32
      %mul3A_2474 = arith.muli %scan3A_2452, %mul3A_2473 : i32
      %add3A_2475 = arith.constant 16 : i32
      %add3A_2476 = arith.addi %mul3A_2474, %add3A_2475 : i32
      %get3A_2477 = arith.constant 0 : i32
      %get3A_2478 = tpu.memref_slice %arg14[%scan3A_2288, %get3A_2477] : memref<4x640xf32, #tpu.memory_space<vmem>> -> memref<1x640xf32, #tpu.memory_space<vmem>>
      %get3A_2479 = tpu.memref_squeeze %get3A_2478 : memref<1x640xf32, #tpu.memory_space<vmem>> -> memref<640xf32, #tpu.memory_space<vmem>>
      %get3A_2480 = arith.index_cast %add3A_2476 : i32 to index
      %get3A_2481 = tpu.vector_load %get3A_2479[%get3A_2480] {strides = array<i32>} : memref<640xf32, #tpu.memory_space<vmem>>, vector<16xf32>,
      %get3A_2482 = vector.shape_cast %get3A_2481 : vector<16xf32> to vector<16xf32>
      %add3A_2483 = arith.addi %mul3A_4, %add3A_2476 : i32
      %add3A_2484 = vector.broadcast %add3A_2483 : i32 to vector<16xi32>
      %add3A_2485 = arith.addi %add3A_2484, %iota3A : vector<16xi32>
      %sub3A_2486 = arith.constant 0.000000e+00 : f32
      %sub3A_2487 = vector.broadcast %sub3A_2486 : f32 to vector<16xf32>
      %sub3A_2488 = arith.subf %get3A_2482, %sub3A_2487 : vector<16xf32>
      %lt3A_2489 = arith.constant 20000 : i32
      %lt3A_2490 = vector.broadcast %lt3A_2489 : i32 to vector<16xi32>
      %lt3A_2491 = arith.cmpi slt, %add3A_2485, %lt3A_2490 : vector<16xi32>
      %mul3A_2492 = arith.mulf %sub3A_2488, %sub3A_2488 : vector<16xf32>
      %jit3A_2493 = arith.constant 0.000000e+00 : f32
      %broadcast_in_dim3A_2494 = vector.broadcast %jit3A_2493 : f32 to vector<16xf32>
      %select_n3A_2495 = arith.select %lt3A_2491, %mul3A_2492, %broadcast_in_dim3A_2494 : vector<16xi1>, vector<16xf32>
      %add3A_2496 = arith.addf %add3A_2472, %select_n3A_2495 : vector<16xf32>
      scf.yield %add3A_2496 : vector<16xf32>
    }
    %scan3A_2294 = arith.constant 20 : i32
    %dma_wait3A_2295 = arith.constant 2 : i32
    %dma_wait3A_2296 = arith.constant 2 : i32
    %dma_wait3A_2297 = arith.constant 0 : i32
    %dma_wait3A_2298 = tpu.memref_slice %arg14[%dma_wait3A_2296, %dma_wait3A_2297] : memref<4x640xf32, #tpu.memory_space<vmem>> -> memref<1x640xf32, #tpu.memory_space<vmem>>
    %dma_wait3A_2299 = tpu.memref_squeeze %dma_wait3A_2298 : memref<1x640xf32, #tpu.memory_space<vmem>> -> memref<640xf32, #tpu.memory_space<vmem>>
    %dma_wait3A_2300 = arith.constant 0 : i32
    %dma_wait3A_2301 = tpu.memref_slice %dma_wait3A_2299[%dma_wait3A_2300] : memref<640xf32, #tpu.memory_space<vmem>> -> memref<128xf32, #tpu.memory_space<vmem>>
    %dma_wait3A_2302 = arith.constant 0 : i32
    %dma_wait3A_2303 = tpu.memref_slice %arg13[%dma_wait3A_2295, %dma_wait3A_2302] : memref<4x640xi32, #tpu.memory_space<vmem>> -> memref<1x640xi32, #tpu.memory_space<vmem>>
    %dma_wait3A_2304 = tpu.memref_squeeze %dma_wait3A_2303 : memref<1x640xi32, #tpu.memory_space<vmem>> -> memref<640xi32, #tpu.memory_space<vmem>>
    %dma_wait3A_2305 = arith.constant 0 : i32
    %dma_wait3A_2306 = tpu.memref_slice %dma_wait3A_2304[%dma_wait3A_2305] : memref<640xi32, #tpu.memory_space<vmem>> -> memref<128xi32, #tpu.memory_space<vmem>>
    %dma_wait3A_2307 = arith.constant 0 : i32
    %dma_wait3A_2308 = tpu.memref_slice %arg16[%dma_wait3A_2307] : memref<262144xf32, #tpu.memory_space<vmem_shared>> -> memref<262144xf32, #tpu.memory_space<vmem_shared>>
    tpu.wait_indirect_dma semaphore(%arg19 : memref<!tpu.dma_semaphore, #tpu.memory_space<semaphore_mem>>) src(%dma_wait3A_2308 : memref<262144xf32, #tpu.memory_space<vmem_shared>>) dst(%dma_wait3A_2301 : memref<128xf32, #tpu.memory_space<vmem>>)
    %dma_wait3A_2309 = arith.constant 2 : i32
    %dma_wait3A_2310 = arith.constant 2 : i32
    %dma_wait3A_2311 = arith.constant 0 : i32
    %dma_wait3A_2312 = tpu.memref_slice %arg14[%dma_wait3A_2310, %dma_wait3A_2311] : memref<4x640xf32, #tpu.memory_space<vmem>> -> memref<1x640xf32, #tpu.memory_space<vmem>>
    %dma_wait3A_2313 = tpu.memref_squeeze %dma_wait3A_2312 : memref<1x640xf32, #tpu.memory_space<vmem>> -> memref<640xf32, #tpu.memory_space<vmem>>
    %dma_wait3A_2314 = arith.constant 128 : i32
    %dma_wait3A_2315 = tpu.memref_slice %dma_wait3A_2313[%dma_wait3A_2314] : memref<640xf32, #tpu.memory_space<vmem>> -> memref<128xf32, #tpu.memory_space<vmem>>
    %dma_wait3A_2316 = arith.constant 0 : i32
    %dma_wait3A_2317 = tpu.memref_slice %arg13[%dma_wait3A_2309, %dma_wait3A_2316] : memref<4x640xi32, #tpu.memory_space<vmem>> -> memref<1x640xi32, #tpu.memory_space<vmem>>
    %dma_wait3A_2318 = tpu.memref_squeeze %dma_wait3A_2317 : memref<1x640xi32, #tpu.memory_space<vmem>> -> memref<640xi32, #tpu.memory_space<vmem>>
    %dma_wait3A_2319 = arith.constant 128 : i32
    %dma_wait3A_2320 = tpu.memref_slice %dma_wait3A_2318[%dma_wait3A_2319] : memref<640xi32, #tpu.memory_space<vmem>> -> memref<128xi32, #tpu.memory_space<vmem>>
    %dma_wait3A_2321 = arith.constant 0 : i32
    %dma_wait3A_2322 = tpu.memref_slice %arg16[%dma_wait3A_2321] : memref<262144xf32, #tpu.memory_space<vmem_shared>> -> memref<262144xf32, #tpu.memory_space<vmem_shared>>
    tpu.wait_indirect_dma semaphore(%arg19 : memref<!tpu.dma_semaphore, #tpu.memory_space<semaphore_mem>>) src(%dma_wait3A_2322 : memref<262144xf32, #tpu.memory_space<vmem_shared>>) dst(%dma_wait3A_2315 : memref<128xf32, #tpu.memory_space<vmem>>)
    %dma_wait3A_2323 = arith.constant 2 : i32
    %dma_wait3A_2324 = arith.constant 2 : i32
    %dma_wait3A_2325 = arith.constant 0 : i32
    %dma_wait3A_2326 = tpu.memref_slice %arg14[%dma_wait3A_2324, %dma_wait3A_2325] : memref<4x640xf32, #tpu.memory_space<vmem>> -> memref<1x640xf32, #tpu.memory_space<vmem>>
    %dma_wait3A_2327 = tpu.memref_squeeze %dma_wait3A_2326 : memref<1x640xf32, #tpu.memory_space<vmem>> -> memref<640xf32, #tpu.memory_space<vmem>>
    %dma_wait3A_2328 = arith.constant 256 : i32
    %dma_wait3A_2329 = tpu.memref_slice %dma_wait3A_2327[%dma_wait3A_2328] : memref<640xf32, #tpu.memory_space<vmem>> -> memref<128xf32, #tpu.memory_space<vmem>>
    %dma_wait3A_2330 = arith.constant 0 : i32
    %dma_wait3A_2331 = tpu.memref_slice %arg13[%dma_wait3A_2323, %dma_wait3A_2330] : memref<4x640xi32, #tpu.memory_space<vmem>> -> memref<1x640xi32, #tpu.memory_space<vmem>>
    %dma_wait3A_2332 = tpu.memref_squeeze %dma_wait3A_2331 : memref<1x640xi32, #tpu.memory_space<vmem>> -> memref<640xi32, #tpu.memory_space<vmem>>
    %dma_wait3A_2333 = arith.constant 256 : i32
    %dma_wait3A_2334 = tpu.memref_slice %dma_wait3A_2332[%dma_wait3A_2333] : memref<640xi32, #tpu.memory_space<vmem>> -> memref<128xi32, #tpu.memory_space<vmem>>
    %dma_wait3A_2335 = arith.constant 0 : i32
    %dma_wait3A_2336 = tpu.memref_slice %arg16[%dma_wait3A_2335] : memref<262144xf32, #tpu.memory_space<vmem_shared>> -> memref<262144xf32, #tpu.memory_space<vmem_shared>>
    tpu.wait_indirect_dma semaphore(%arg19 : memref<!tpu.dma_semaphore, #tpu.memory_space<semaphore_mem>>) src(%dma_wait3A_2336 : memref<262144xf32, #tpu.memory_space<vmem_shared>>) dst(%dma_wait3A_2329 : memref<128xf32, #tpu.memory_space<vmem>>)
    %dma_wait3A_2337 = arith.constant 2 : i32
    %dma_wait3A_2338 = arith.constant 2 : i32
    %dma_wait3A_2339 = arith.constant 0 : i32
    %dma_wait3A_2340 = tpu.memref_slice %arg14[%dma_wait3A_2338, %dma_wait3A_2339] : memref<4x640xf32, #tpu.memory_space<vmem>> -> memref<1x640xf32, #tpu.memory_space<vmem>>
    %dma_wait3A_2341 = tpu.memref_squeeze %dma_wait3A_2340 : memref<1x640xf32, #tpu.memory_space<vmem>> -> memref<640xf32, #tpu.memory_space<vmem>>
    %dma_wait3A_2342 = arith.constant 384 : i32
    %dma_wait3A_2343 = tpu.memref_slice %dma_wait3A_2341[%dma_wait3A_2342] : memref<640xf32, #tpu.memory_space<vmem>> -> memref<128xf32, #tpu.memory_space<vmem>>
    %dma_wait3A_2344 = arith.constant 0 : i32
    %dma_wait3A_2345 = tpu.memref_slice %arg13[%dma_wait3A_2337, %dma_wait3A_2344] : memref<4x640xi32, #tpu.memory_space<vmem>> -> memref<1x640xi32, #tpu.memory_space<vmem>>
    %dma_wait3A_2346 = tpu.memref_squeeze %dma_wait3A_2345 : memref<1x640xi32, #tpu.memory_space<vmem>> -> memref<640xi32, #tpu.memory_space<vmem>>
    %dma_wait3A_2347 = arith.constant 384 : i32
    %dma_wait3A_2348 = tpu.memref_slice %dma_wait3A_2346[%dma_wait3A_2347] : memref<640xi32, #tpu.memory_space<vmem>> -> memref<128xi32, #tpu.memory_space<vmem>>
    %dma_wait3A_2349 = arith.constant 0 : i32
    %dma_wait3A_2350 = tpu.memref_slice %arg16[%dma_wait3A_2349] : memref<262144xf32, #tpu.memory_space<vmem_shared>> -> memref<262144xf32, #tpu.memory_space<vmem_shared>>
    tpu.wait_indirect_dma semaphore(%arg19 : memref<!tpu.dma_semaphore, #tpu.memory_space<semaphore_mem>>) src(%dma_wait3A_2350 : memref<262144xf32, #tpu.memory_space<vmem_shared>>) dst(%dma_wait3A_2343 : memref<128xf32, #tpu.memory_space<vmem>>)
    %dma_wait3A_2351 = arith.constant 2 : i32
    %dma_wait3A_2352 = arith.constant 2 : i32
    %dma_wait3A_2353 = arith.constant 0 : i32
    %dma_wait3A_2354 = tpu.memref_slice %arg14[%dma_wait3A_2352, %dma_wait3A_2353] : memref<4x640xf32, #tpu.memory_space<vmem>> -> memref<1x640xf32, #tpu.memory_space<vmem>>
    %dma_wait3A_2355 = tpu.memref_squeeze %dma_wait3A_2354 : memref<1x640xf32, #tpu.memory_space<vmem>> -> memref<640xf32, #tpu.memory_space<vmem>>
    %dma_wait3A_2356 = arith.constant 512 : i32
    %dma_wait3A_2357 = tpu.memref_slice %dma_wait3A_2355[%dma_wait3A_2356] : memref<640xf32, #tpu.memory_space<vmem>> -> memref<128xf32, #tpu.memory_space<vmem>>
    %dma_wait3A_2358 = arith.constant 0 : i32
    %dma_wait3A_2359 = tpu.memref_slice %arg13[%dma_wait3A_2351, %dma_wait3A_2358] : memref<4x640xi32, #tpu.memory_space<vmem>> -> memref<1x640xi32, #tpu.memory_space<vmem>>
    %dma_wait3A_2360 = tpu.memref_squeeze %dma_wait3A_2359 : memref<1x640xi32, #tpu.memory_space<vmem>> -> memref<640xi32, #tpu.memory_space<vmem>>
    %dma_wait3A_2361 = arith.constant 512 : i32
    %dma_wait3A_2362 = tpu.memref_slice %dma_wait3A_2360[%dma_wait3A_2361] : memref<640xi32, #tpu.memory_space<vmem>> -> memref<128xi32, #tpu.memory_space<vmem>>
    %dma_wait3A_2363 = arith.constant 0 : i32
    %dma_wait3A_2364 = tpu.memref_slice %arg16[%dma_wait3A_2363] : memref<262144xf32, #tpu.memory_space<vmem_shared>> -> memref<262144xf32, #tpu.memory_space<vmem_shared>>
    tpu.wait_indirect_dma semaphore(%arg19 : memref<!tpu.dma_semaphore, #tpu.memory_space<semaphore_mem>>) src(%dma_wait3A_2364 : memref<262144xf32, #tpu.memory_space<vmem_shared>>) dst(%dma_wait3A_2357 : memref<128xf32, #tpu.memory_space<vmem>>)
    %scan3A_2365 = arith.constant 2 : i32
    %scan3A_2366 = arith.constant 0 : i32
    %scan3A_2367 = arith.constant 20 : i32
    %scan3A_2368 = arith.addi %scan3A_2366, %scan3A_2367 : i32
    %scan3A_2369 = arith.constant 1 : i32
    %scan3A_2370 = scf.for %scan3A_2452 = %scan3A_2366 to %scan3A_2368 step %scan3A_2369 iter_args(%scan3A_2453 = %scan3A_2293) -> (vector<16xf32>)  : i32 {
      %mul3A_2454 = arith.constant 32 : i32
      %mul3A_2455 = arith.muli %scan3A_2452, %mul3A_2454 : i32
      %add3A_2456 = arith.constant 0 : i32
      %add3A_2457 = arith.addi %mul3A_2455, %add3A_2456 : i32
      %get3A = arith.constant 0 : i32
      %get3A_2458 = tpu.memref_slice %arg14[%scan3A_2365, %get3A] : memref<4x640xf32, #tpu.memory_space<vmem>> -> memref<1x640xf32, #tpu.memory_space<vmem>>
      %get3A_2459 = tpu.memref_squeeze %get3A_2458 : memref<1x640xf32, #tpu.memory_space<vmem>> -> memref<640xf32, #tpu.memory_space<vmem>>
      %get3A_2460 = arith.index_cast %add3A_2457 : i32 to index
      %get3A_2461 = tpu.vector_load %get3A_2459[%get3A_2460] {strides = array<i32>} : memref<640xf32, #tpu.memory_space<vmem>>, vector<16xf32>,
      %get3A_2462 = vector.shape_cast %get3A_2461 : vector<16xf32> to vector<16xf32>
      %add3A_2463 = arith.addi %mul3A_4, %add3A_2457 : i32
      %add3A_2464 = vector.broadcast %add3A_2463 : i32 to vector<16xi32>
      %add3A_2465 = arith.addi %add3A_2464, %iota3A : vector<16xi32>
      %sub3A = arith.constant 1.000000e+00 : f32
      %sub3A_2466 = vector.broadcast %sub3A : f32 to vector<16xf32>
      %sub3A_2467 = arith.subf %get3A_2462, %sub3A_2466 : vector<16xf32>
      %lt3A = arith.constant 20000 : i32
      %lt3A_2468 = vector.broadcast %lt3A : i32 to vector<16xi32>
      %lt3A_2469 = arith.cmpi slt, %add3A_2465, %lt3A_2468 : vector<16xi32>
      %mul3A_2470 = arith.mulf %sub3A_2467, %sub3A_2467 : vector<16xf32>
      %jit3A = arith.constant 0.000000e+00 : f32
      %broadcast_in_dim3A_2471 = vector.broadcast %jit3A : f32 to vector<16xf32>
      %select_n3A = arith.select %lt3A_2469, %mul3A_2470, %broadcast_in_dim3A_2471 : vector<16xi1>, vector<16xf32>
      %add3A_2472 = arith.addf %scan3A_2453, %select_n3A : vector<16xf32>
      %mul3A_2473 = arith.constant 32 : i32
      %mul3A_2474 = arith.muli %scan3A_2452, %mul3A_2473 : i32
      %add3A_2475 = arith.constant 16 : i32
      %add3A_2476 = arith.addi %mul3A_2474, %add3A_2475 : i32
      %get3A_2477 = arith.constant 0 : i32
      %get3A_2478 = tpu.memref_slice %arg14[%scan3A_2365, %get3A_2477] : memref<4x640xf32, #tpu.memory_space<vmem>> -> memref<1x640xf32, #tpu.memory_space<vmem>>
      %get3A_2479 = tpu.memref_squeeze %get3A_2478 : memref<1x640xf32, #tpu.memory_space<vmem>> -> memref<640xf32, #tpu.memory_space<vmem>>
      %get3A_2480 = arith.index_cast %add3A_2476 : i32 to index
      %get3A_2481 = tpu.vector_load %get3A_2479[%get3A_2480] {strides = array<i32>} : memref<640xf32, #tpu.memory_space<vmem>>, vector<16xf32>,
      %get3A_2482 = vector.shape_cast %get3A_2481 : vector<16xf32> to vector<16xf32>
      %add3A_2483 = arith.addi %mul3A_4, %add3A_2476 : i32
      %add3A_2484 = vector.broadcast %add3A_2483 : i32 to vector<16xi32>
      %add3A_2485 = arith.addi %add3A_2484, %iota3A : vector<16xi32>
      %sub3A_2486 = arith.constant 1.000000e+00 : f32
      %sub3A_2487 = vector.broadcast %sub3A_2486 : f32 to vector<16xf32>
      %sub3A_2488 = arith.subf %get3A_2482, %sub3A_2487 : vector<16xf32>
      %lt3A_2489 = arith.constant 20000 : i32
      %lt3A_2490 = vector.broadcast %lt3A_2489 : i32 to vector<16xi32>
      %lt3A_2491 = arith.cmpi slt, %add3A_2485, %lt3A_2490 : vector<16xi32>
      %mul3A_2492 = arith.mulf %sub3A_2488, %sub3A_2488 : vector<16xf32>
      %jit3A_2493 = arith.constant 0.000000e+00 : f32
      %broadcast_in_dim3A_2494 = vector.broadcast %jit3A_2493 : f32 to vector<16xf32>
      %select_n3A_2495 = arith.select %lt3A_2491, %mul3A_2492, %broadcast_in_dim3A_2494 : vector<16xi1>, vector<16xf32>
      %add3A_2496 = arith.addf %add3A_2472, %select_n3A_2495 : vector<16xf32>
      scf.yield %add3A_2496 : vector<16xf32>
    }
    %scan3A_2371 = arith.constant 20 : i32
    %dma_wait3A_2372 = arith.constant 3 : i32
    %dma_wait3A_2373 = arith.constant 3 : i32
    %dma_wait3A_2374 = arith.constant 0 : i32
    %dma_wait3A_2375 = tpu.memref_slice %arg14[%dma_wait3A_2373, %dma_wait3A_2374] : memref<4x640xf32, #tpu.memory_space<vmem>> -> memref<1x640xf32, #tpu.memory_space<vmem>>
    %dma_wait3A_2376 = tpu.memref_squeeze %dma_wait3A_2375 : memref<1x640xf32, #tpu.memory_space<vmem>> -> memref<640xf32, #tpu.memory_space<vmem>>
    %dma_wait3A_2377 = arith.constant 0 : i32
    %dma_wait3A_2378 = tpu.memref_slice %dma_wait3A_2376[%dma_wait3A_2377] : memref<640xf32, #tpu.memory_space<vmem>> -> memref<128xf32, #tpu.memory_space<vmem>>
    %dma_wait3A_2379 = arith.constant 0 : i32
    %dma_wait3A_2380 = tpu.memref_slice %arg13[%dma_wait3A_2372, %dma_wait3A_2379] : memref<4x640xi32, #tpu.memory_space<vmem>> -> memref<1x640xi32, #tpu.memory_space<vmem>>
    %dma_wait3A_2381 = tpu.memref_squeeze %dma_wait3A_2380 : memref<1x640xi32, #tpu.memory_space<vmem>> -> memref<640xi32, #tpu.memory_space<vmem>>
    %dma_wait3A_2382 = arith.constant 0 : i32
    %dma_wait3A_2383 = tpu.memref_slice %dma_wait3A_2381[%dma_wait3A_2382] : memref<640xi32, #tpu.memory_space<vmem>> -> memref<128xi32, #tpu.memory_space<vmem>>
    %dma_wait3A_2384 = arith.constant 0 : i32
    %dma_wait3A_2385 = tpu.memref_slice %arg16[%dma_wait3A_2384] : memref<262144xf32, #tpu.memory_space<vmem_shared>> -> memref<262144xf32, #tpu.memory_space<vmem_shared>>
    tpu.wait_indirect_dma semaphore(%arg19 : memref<!tpu.dma_semaphore, #tpu.memory_space<semaphore_mem>>) src(%dma_wait3A_2385 : memref<262144xf32, #tpu.memory_space<vmem_shared>>) dst(%dma_wait3A_2378 : memref<128xf32, #tpu.memory_space<vmem>>)
    %dma_wait3A_2386 = arith.constant 3 : i32
    %dma_wait3A_2387 = arith.constant 3 : i32
    %dma_wait3A_2388 = arith.constant 0 : i32
    %dma_wait3A_2389 = tpu.memref_slice %arg14[%dma_wait3A_2387, %dma_wait3A_2388] : memref<4x640xf32, #tpu.memory_space<vmem>> -> memref<1x640xf32, #tpu.memory_space<vmem>>
    %dma_wait3A_2390 = tpu.memref_squeeze %dma_wait3A_2389 : memref<1x640xf32, #tpu.memory_space<vmem>> -> memref<640xf32, #tpu.memory_space<vmem>>
    %dma_wait3A_2391 = arith.constant 128 : i32
    %dma_wait3A_2392 = tpu.memref_slice %dma_wait3A_2390[%dma_wait3A_2391] : memref<640xf32, #tpu.memory_space<vmem>> -> memref<128xf32, #tpu.memory_space<vmem>>
    %dma_wait3A_2393 = arith.constant 0 : i32
    %dma_wait3A_2394 = tpu.memref_slice %arg13[%dma_wait3A_2386, %dma_wait3A_2393] : memref<4x640xi32, #tpu.memory_space<vmem>> -> memref<1x640xi32, #tpu.memory_space<vmem>>
    %dma_wait3A_2395 = tpu.memref_squeeze %dma_wait3A_2394 : memref<1x640xi32, #tpu.memory_space<vmem>> -> memref<640xi32, #tpu.memory_space<vmem>>
    %dma_wait3A_2396 = arith.constant 128 : i32
    %dma_wait3A_2397 = tpu.memref_slice %dma_wait3A_2395[%dma_wait3A_2396] : memref<640xi32, #tpu.memory_space<vmem>> -> memref<128xi32, #tpu.memory_space<vmem>>
    %dma_wait3A_2398 = arith.constant 0 : i32
    %dma_wait3A_2399 = tpu.memref_slice %arg16[%dma_wait3A_2398] : memref<262144xf32, #tpu.memory_space<vmem_shared>> -> memref<262144xf32, #tpu.memory_space<vmem_shared>>
    tpu.wait_indirect_dma semaphore(%arg19 : memref<!tpu.dma_semaphore, #tpu.memory_space<semaphore_mem>>) src(%dma_wait3A_2399 : memref<262144xf32, #tpu.memory_space<vmem_shared>>) dst(%dma_wait3A_2392 : memref<128xf32, #tpu.memory_space<vmem>>)
    %dma_wait3A_2400 = arith.constant 3 : i32
    %dma_wait3A_2401 = arith.constant 3 : i32
    %dma_wait3A_2402 = arith.constant 0 : i32
    %dma_wait3A_2403 = tpu.memref_slice %arg14[%dma_wait3A_2401, %dma_wait3A_2402] : memref<4x640xf32, #tpu.memory_space<vmem>> -> memref<1x640xf32, #tpu.memory_space<vmem>>
    %dma_wait3A_2404 = tpu.memref_squeeze %dma_wait3A_2403 : memref<1x640xf32, #tpu.memory_space<vmem>> -> memref<640xf32, #tpu.memory_space<vmem>>
    %dma_wait3A_2405 = arith.constant 256 : i32
    %dma_wait3A_2406 = tpu.memref_slice %dma_wait3A_2404[%dma_wait3A_2405] : memref<640xf32, #tpu.memory_space<vmem>> -> memref<128xf32, #tpu.memory_space<vmem>>
    %dma_wait3A_2407 = arith.constant 0 : i32
    %dma_wait3A_2408 = tpu.memref_slice %arg13[%dma_wait3A_2400, %dma_wait3A_2407] : memref<4x640xi32, #tpu.memory_space<vmem>> -> memref<1x640xi32, #tpu.memory_space<vmem>>
    %dma_wait3A_2409 = tpu.memref_squeeze %dma_wait3A_2408 : memref<1x640xi32, #tpu.memory_space<vmem>> -> memref<640xi32, #tpu.memory_space<vmem>>
    %dma_wait3A_2410 = arith.constant 256 : i32
    %dma_wait3A_2411 = tpu.memref_slice %dma_wait3A_2409[%dma_wait3A_2410] : memref<640xi32, #tpu.memory_space<vmem>> -> memref<128xi32, #tpu.memory_space<vmem>>
    %dma_wait3A_2412 = arith.constant 0 : i32
    %dma_wait3A_2413 = tpu.memref_slice %arg16[%dma_wait3A_2412] : memref<262144xf32, #tpu.memory_space<vmem_shared>> -> memref<262144xf32, #tpu.memory_space<vmem_shared>>
    tpu.wait_indirect_dma semaphore(%arg19 : memref<!tpu.dma_semaphore, #tpu.memory_space<semaphore_mem>>) src(%dma_wait3A_2413 : memref<262144xf32, #tpu.memory_space<vmem_shared>>) dst(%dma_wait3A_2406 : memref<128xf32, #tpu.memory_space<vmem>>)
    %dma_wait3A_2414 = arith.constant 3 : i32
    %dma_wait3A_2415 = arith.constant 3 : i32
    %dma_wait3A_2416 = arith.constant 0 : i32
    %dma_wait3A_2417 = tpu.memref_slice %arg14[%dma_wait3A_2415, %dma_wait3A_2416] : memref<4x640xf32, #tpu.memory_space<vmem>> -> memref<1x640xf32, #tpu.memory_space<vmem>>
    %dma_wait3A_2418 = tpu.memref_squeeze %dma_wait3A_2417 : memref<1x640xf32, #tpu.memory_space<vmem>> -> memref<640xf32, #tpu.memory_space<vmem>>
    %dma_wait3A_2419 = arith.constant 384 : i32
    %dma_wait3A_2420 = tpu.memref_slice %dma_wait3A_2418[%dma_wait3A_2419] : memref<640xf32, #tpu.memory_space<vmem>> -> memref<128xf32, #tpu.memory_space<vmem>>
    %dma_wait3A_2421 = arith.constant 0 : i32
    %dma_wait3A_2422 = tpu.memref_slice %arg13[%dma_wait3A_2414, %dma_wait3A_2421] : memref<4x640xi32, #tpu.memory_space<vmem>> -> memref<1x640xi32, #tpu.memory_space<vmem>>
    %dma_wait3A_2423 = tpu.memref_squeeze %dma_wait3A_2422 : memref<1x640xi32, #tpu.memory_space<vmem>> -> memref<640xi32, #tpu.memory_space<vmem>>
    %dma_wait3A_2424 = arith.constant 384 : i32
    %dma_wait3A_2425 = tpu.memref_slice %dma_wait3A_2423[%dma_wait3A_2424] : memref<640xi32, #tpu.memory_space<vmem>> -> memref<128xi32, #tpu.memory_space<vmem>>
    %dma_wait3A_2426 = arith.constant 0 : i32
    %dma_wait3A_2427 = tpu.memref_slice %arg16[%dma_wait3A_2426] : memref<262144xf32, #tpu.memory_space<vmem_shared>> -> memref<262144xf32, #tpu.memory_space<vmem_shared>>
    tpu.wait_indirect_dma semaphore(%arg19 : memref<!tpu.dma_semaphore, #tpu.memory_space<semaphore_mem>>) src(%dma_wait3A_2427 : memref<262144xf32, #tpu.memory_space<vmem_shared>>) dst(%dma_wait3A_2420 : memref<128xf32, #tpu.memory_space<vmem>>)
    %dma_wait3A_2428 = arith.constant 3 : i32
    %dma_wait3A_2429 = arith.constant 3 : i32
    %dma_wait3A_2430 = arith.constant 0 : i32
    %dma_wait3A_2431 = tpu.memref_slice %arg14[%dma_wait3A_2429, %dma_wait3A_2430] : memref<4x640xf32, #tpu.memory_space<vmem>> -> memref<1x640xf32, #tpu.memory_space<vmem>>
    %dma_wait3A_2432 = tpu.memref_squeeze %dma_wait3A_2431 : memref<1x640xf32, #tpu.memory_space<vmem>> -> memref<640xf32, #tpu.memory_space<vmem>>
    %dma_wait3A_2433 = arith.constant 512 : i32
    %dma_wait3A_2434 = tpu.memref_slice %dma_wait3A_2432[%dma_wait3A_2433] : memref<640xf32, #tpu.memory_space<vmem>> -> memref<128xf32, #tpu.memory_space<vmem>>
    %dma_wait3A_2435 = arith.constant 0 : i32
    %dma_wait3A_2436 = tpu.memref_slice %arg13[%dma_wait3A_2428, %dma_wait3A_2435] : memref<4x640xi32, #tpu.memory_space<vmem>> -> memref<1x640xi32, #tpu.memory_space<vmem>>
    %dma_wait3A_2437 = tpu.memref_squeeze %dma_wait3A_2436 : memref<1x640xi32, #tpu.memory_space<vmem>> -> memref<640xi32, #tpu.memory_space<vmem>>
    %dma_wait3A_2438 = arith.constant 512 : i32
    %dma_wait3A_2439 = tpu.memref_slice %dma_wait3A_2437[%dma_wait3A_2438] : memref<640xi32, #tpu.memory_space<vmem>> -> memref<128xi32, #tpu.memory_space<vmem>>
    %dma_wait3A_2440 = arith.constant 0 : i32
    %dma_wait3A_2441 = tpu.memref_slice %arg16[%dma_wait3A_2440] : memref<262144xf32, #tpu.memory_space<vmem_shared>> -> memref<262144xf32, #tpu.memory_space<vmem_shared>>
    tpu.wait_indirect_dma semaphore(%arg19 : memref<!tpu.dma_semaphore, #tpu.memory_space<semaphore_mem>>) src(%dma_wait3A_2441 : memref<262144xf32, #tpu.memory_space<vmem_shared>>) dst(%dma_wait3A_2434 : memref<128xf32, #tpu.memory_space<vmem>>)
    %scan3A_2442 = arith.constant 3 : i32
    %scan3A_2443 = arith.constant 0 : i32
    %scan3A_2444 = arith.constant 20 : i32
    %scan3A_2445 = arith.addi %scan3A_2443, %scan3A_2444 : i32
    %scan3A_2446 = arith.constant 1 : i32
    %scan3A_2447 = scf.for %scan3A_2452 = %scan3A_2443 to %scan3A_2445 step %scan3A_2446 iter_args(%scan3A_2453 = %scan3A_2370) -> (vector<16xf32>)  : i32 {
      %mul3A_2454 = arith.constant 32 : i32
      %mul3A_2455 = arith.muli %scan3A_2452, %mul3A_2454 : i32
      %add3A_2456 = arith.constant 0 : i32
      %add3A_2457 = arith.addi %mul3A_2455, %add3A_2456 : i32
      %get3A = arith.constant 0 : i32
      %get3A_2458 = tpu.memref_slice %arg14[%scan3A_2442, %get3A] : memref<4x640xf32, #tpu.memory_space<vmem>> -> memref<1x640xf32, #tpu.memory_space<vmem>>
      %get3A_2459 = tpu.memref_squeeze %get3A_2458 : memref<1x640xf32, #tpu.memory_space<vmem>> -> memref<640xf32, #tpu.memory_space<vmem>>
      %get3A_2460 = arith.index_cast %add3A_2457 : i32 to index
      %get3A_2461 = tpu.vector_load %get3A_2459[%get3A_2460] {strides = array<i32>} : memref<640xf32, #tpu.memory_space<vmem>>, vector<16xf32>,
      %get3A_2462 = vector.shape_cast %get3A_2461 : vector<16xf32> to vector<16xf32>
      %add3A_2463 = arith.addi %mul3A_4, %add3A_2457 : i32
      %add3A_2464 = vector.broadcast %add3A_2463 : i32 to vector<16xi32>
      %add3A_2465 = arith.addi %add3A_2464, %iota3A : vector<16xi32>
      %sub3A = arith.constant 0.000000e+00 : f32
      %sub3A_2466 = vector.broadcast %sub3A : f32 to vector<16xf32>
      %sub3A_2467 = arith.subf %get3A_2462, %sub3A_2466 : vector<16xf32>
      %lt3A = arith.constant 20000 : i32
      %lt3A_2468 = vector.broadcast %lt3A : i32 to vector<16xi32>
      %lt3A_2469 = arith.cmpi slt, %add3A_2465, %lt3A_2468 : vector<16xi32>
      %mul3A_2470 = arith.mulf %sub3A_2467, %sub3A_2467 : vector<16xf32>
      %jit3A = arith.constant 0.000000e+00 : f32
      %broadcast_in_dim3A_2471 = vector.broadcast %jit3A : f32 to vector<16xf32>
      %select_n3A = arith.select %lt3A_2469, %mul3A_2470, %broadcast_in_dim3A_2471 : vector<16xi1>, vector<16xf32>
      %add3A_2472 = arith.addf %scan3A_2453, %select_n3A : vector<16xf32>
      %mul3A_2473 = arith.constant 32 : i32
      %mul3A_2474 = arith.muli %scan3A_2452, %mul3A_2473 : i32
      %add3A_2475 = arith.constant 16 : i32
      %add3A_2476 = arith.addi %mul3A_2474, %add3A_2475 : i32
      %get3A_2477 = arith.constant 0 : i32
      %get3A_2478 = tpu.memref_slice %arg14[%scan3A_2442, %get3A_2477] : memref<4x640xf32, #tpu.memory_space<vmem>> -> memref<1x640xf32, #tpu.memory_space<vmem>>
      %get3A_2479 = tpu.memref_squeeze %get3A_2478 : memref<1x640xf32, #tpu.memory_space<vmem>> -> memref<640xf32, #tpu.memory_space<vmem>>
      %get3A_2480 = arith.index_cast %add3A_2476 : i32 to index
      %get3A_2481 = tpu.vector_load %get3A_2479[%get3A_2480] {strides = array<i32>} : memref<640xf32, #tpu.memory_space<vmem>>, vector<16xf32>,
      %get3A_2482 = vector.shape_cast %get3A_2481 : vector<16xf32> to vector<16xf32>
      %add3A_2483 = arith.addi %mul3A_4, %add3A_2476 : i32
      %add3A_2484 = vector.broadcast %add3A_2483 : i32 to vector<16xi32>
      %add3A_2485 = arith.addi %add3A_2484, %iota3A : vector<16xi32>
      %sub3A_2486 = arith.constant 0.000000e+00 : f32
      %sub3A_2487 = vector.broadcast %sub3A_2486 : f32 to vector<16xf32>
      %sub3A_2488 = arith.subf %get3A_2482, %sub3A_2487 : vector<16xf32>
      %lt3A_2489 = arith.constant 20000 : i32
      %lt3A_2490 = vector.broadcast %lt3A_2489 : i32 to vector<16xi32>
      %lt3A_2491 = arith.cmpi slt, %add3A_2485, %lt3A_2490 : vector<16xi32>
      %mul3A_2492 = arith.mulf %sub3A_2488, %sub3A_2488 : vector<16xf32>
      %jit3A_2493 = arith.constant 0.000000e+00 : f32
      %broadcast_in_dim3A_2494 = vector.broadcast %jit3A_2493 : f32 to vector<16xf32>
      %select_n3A_2495 = arith.select %lt3A_2491, %mul3A_2492, %broadcast_in_dim3A_2494 : vector<16xi1>, vector<16xf32>
      %add3A_2496 = arith.addf %add3A_2472, %select_n3A_2495 : vector<16xf32>
      scf.yield %add3A_2496 : vector<16xf32>
    }
    %scan3A_2448 = arith.constant 20 : i32
    %swap3A = arith.constant 0 : index
    %swap3A_2449 = tpu.vector_load %arg17[%swap3A] {strides = array<i32>} : memref<16xf32, #tpu.memory_space<vmem>>, vector<16xf32>,
    %swap3A_2450 = vector.shape_cast %swap3A_2449 : vector<16xf32> to vector<16xf32>
    %swap3A_2451 = vector.shape_cast %scan3A_2447 : vector<16xf32> to vector<16xf32>
    tpu.vector_store %arg17[%swap3A], %swap3A_2451 {strides = array<i32>} : memref<16xf32, #tpu.memory_space<vmem>>, vector<16xf32>,
    "tpu.region"() ({
      %run_scoped3A = tpu.sem_alloc : memref<!tpu.dma_semaphore, #tpu.memory_space<semaphore_mem>>
      %dma_start3A_2452 = arith.constant 0 : i32
      %dma_start3A_2453 = tpu.memref_slice %arg8[%add3A, %dma_start3A_2452] : memref<32x16xf32, #tpu.memory_space<hbm>> -> memref<1x16xf32, #tpu.memory_space<hbm>>
      %dma_start3A_2454 = tpu.memref_squeeze %dma_start3A_2453 : memref<1x16xf32, #tpu.memory_space<hbm>> -> memref<16xf32, #tpu.memory_space<hbm>>
      %dma_start3A_2455 = arith.constant 0 : i32
      %dma_start3A_2456 = tpu.memref_slice %arg8[%add3A, %dma_start3A_2455] : memref<32x16xf32, #tpu.memory_space<hbm>> -> memref<1x16xf32, #tpu.memory_space<hbm>>
      %dma_start3A_2457 = tpu.memref_squeeze %dma_start3A_2456 : memref<1x16xf32, #tpu.memory_space<hbm>> -> memref<16xf32, #tpu.memory_space<hbm>>
      tpu.enqueue_dma source(%arg17 : memref<16xf32, #tpu.memory_space<vmem>>) target(%dma_start3A_2457 : memref<16xf32, #tpu.memory_space<hbm>>) target_semaphore(%run_scoped3A : memref<!tpu.dma_semaphore, #tpu.memory_space<semaphore_mem>>)
      %dma_wait3A_2458 = arith.constant 0 : i32
      %dma_wait3A_2459 = tpu.memref_slice %arg8[%add3A, %dma_wait3A_2458] : memref<32x16xf32, #tpu.memory_space<hbm>> -> memref<1x16xf32, #tpu.memory_space<hbm>>
      %dma_wait3A_2460 = tpu.memref_squeeze %dma_wait3A_2459 : memref<1x16xf32, #tpu.memory_space<hbm>> -> memref<16xf32, #tpu.memory_space<hbm>>
      %dma_wait3A_2461 = arith.constant 0 : i32
      %dma_wait3A_2462 = tpu.memref_slice %arg8[%add3A, %dma_wait3A_2461] : memref<32x16xf32, #tpu.memory_space<hbm>> -> memref<1x16xf32, #tpu.memory_space<hbm>>
      %dma_wait3A_2463 = tpu.memref_squeeze %dma_wait3A_2462 : memref<1x16xf32, #tpu.memory_space<hbm>> -> memref<16xf32, #tpu.memory_space<hbm>>
      tpu.wait_dma2 semaphore(%run_scoped3A : memref<!tpu.dma_semaphore, #tpu.memory_space<semaphore_mem>>) src(%arg17 : memref<16xf32, #tpu.memory_space<vmem>>) dst(%dma_wait3A_2463 : memref<16xf32, #tpu.memory_space<hbm>>)
      tpu.yield
    }) : () -> ()
    return
  }
}

</mosaic_0001>

<sc_bundles>
// kernel: _sc_gather_loss.3.cloned.1.call-start
scs
__scs_entry_jumppad:
0x0: {  	(pc) =	sbr.rel $0x88, $3  }
0x1: {  	(tag) =	ssettag $0x0;
	lr =	simm.s32 $0x1  }
0x2: {  	[smem:$0x3F9B] =	sst lr;
	_ =	strace $0xD0000000  }
0x3: {  	_ = 	snop  }
0x4: {  	_ = 	snop  }
0x5: {  	_ = 	snop  }
0x6: {  	_ = 	snop  }
0x7: {  	_ = 	snop  }
__scs_overlays_trampoline_lowered:
0x8: {  	[smem:$0x3FAA] =	sst s0  }
0x9: {  	[smem:$0x3FAB] =	sst s1  }
0xa: {  	[smem:$0x3FAC] =	sst s2  }
0xb: {  	[smem:$0x3FAD] =	sst s3  }
0xc: {  	[smem:$0x3FAE] =	sst s4  }
0xd: {  	[smem:$0x3FAF] =	sst s5  }
0xe: {  	[smem:$0x3FB0] =	sst s6  }
0xf: {  	[smem:$0x3FB1] =	sst s7  }
0x10: {  	[smem:$0x3FB2] =	sst s8  }
0x11: {  	[smem:$0x3FB3] =	sst s9;
	s0 =	simm.s32 @!p0 $0x0  }
0x12: {  	s1 =	sld [smem:$0x3F99];
	s0 =	simm.s32 @p0 $0x1  }
0x13: {  	[smem:$0x3FB4] =	sst s0;
	s0 =	simm.s32 @!p1 $0x0  }
0x14: {  	s2 =	sld [smem:$0x3F98];
	s0 =	simm.s32 @p1 $0x1  }
0x15: {  	[smem:$0x3FB5] =	sst s0;
	s0 =	simm.s32 @!p2 $0x0  }
0x16: {  	s3 =	sld [smem:$0x3FDB];
	s0 =	simm.s32 @p2 $0x1  }
0x17: {  	s4 =	simm.s32 $0x1BF5;
	[smem:$0x3FB7] =	sst s0  }
0x18: {  	s0 =	sld [smem:$0x3F9A];
	_ =	swait.ge [sflag:s4], $0x0  }
0x19: {  	s7 =	sld [smem:$0x3F9B]  }
0x1a: {  	s8 =	sadd.s32 $0xFFFFE003, lr  }
0x1b: {  	s9 =	sadd.s32 $0xFFFFFEF7, lr;
	s5 =	simm.s32 $0xFFFFFFFF;
	p2 =	slt.u32 s8, $0xFFFFF086  }
0x1c: {  	p1 =	slt.u32 s9, $0xF7A;
	s5 =	simm.s32 @!p2 $0x0  }
0x1d: {  	s5 =	simm.s32 @p1 $0x1;
	p0 =	seq.s32 s7, s2  }
0x1e: {  	s7 =	smul.u32 @!p0 $0xF7A, s2;
	p2 =	seq.s32 @!p0 s5, $0x0  }
0x1f: {  	s9 =	smul.u32 $0xF7A, s1;
	s8 =	simm.s32 @!p0 $0x1BF5;
	p2 =	por !p2, p0  }
0x20: {  	[sflag:s8] =	ssyncset.s32 @!p0 $0xFFFFF086;
	s6 =	sadd.s32 @!p0 s3, s7;
	s7 =	simm.s32 @!p0 $0x108  }
0x21: {  	s3 =	sadd.s32 s3, s9;
	s6 =	sadd.s32 @!p0 $0x88, s6;
	s7 =	simm.s32 @p2 $0x1082  }
0x22: {  	[simem:s7], [sflag:s8] =	dma.local @!p0 [hbm:s6], $0xF7A  }
0x23: {  	s9 =	sor.u32 $0xD0000000, s2;
	s6 =	simm.s32 $0x108;
	_ =	swait.ge @!p0 [sflag:s8], $0x0  }
0x24: {  	s3 =	sadd.s32 $0x88, s3;
	s6 =	simm.s32 @!p1 $0x1082;
	[sflag:s4] =	ssyncset.s32 $0xFFFFF086  }
0x25: {  	[simem:s6], [sflag:s4] =	dma.local [hbm:s3], $0xF7A  }
0x26: {  	[smem:$0x3F9B] =	sst s1;
	(tag) =	ssettag s2;
	_ =	strace s9  }
0x27: {  	s1 =	sld [smem:$0x3FAB]  }
0x28: {  	s2 =	sld [smem:$0x3FAC]  }
0x29: {  	s4 =	sld [smem:$0x3FAE]  }
0x2a: {  	p0 =	seq.s32 s5, $0x0;
	s5 =	sld [smem:$0x3FAF]  }
0x2b: {  	s6 =	sld [smem:$0x3FB0]  }
0x2c: {  	s7 =	sld [smem:$0x3FB1]  }
0x2d: {  	s3 =	simm.s32 $0x108;
	s8 =	sld [smem:$0x3FB2]  }
0x2e: {  	s3 =	simm.s32 @!p0 $0x1082;
	s9 =	sld [smem:$0x3FB3]  }
0x2f: {  	lr =	sadd.s32 s0, s3;
	s0 =	sld [smem:$0x3FAA]  }
0x30: {  	s3 =	sld [smem:$0x3FAD]  }
0x31: {  	[smem:$0x3FB6] =	sst s10  }
0x32: {  	s10 =	sld [smem:$0x3FB4];
	_ =	sdelay $0x3  }
0x33: {  	p0 =	seq.s32 s10, $0x1;
	s10 =	sld [smem:$0x3FB6];
	_ =	sdelay $0x3  }
0x34: {  	[smem:$0x3FB6] =	sst s10  }
0x35: {  	s10 =	sld [smem:$0x3FB5];
	_ =	sdelay $0x3  }
0x36: {  	p1 =	seq.s32 s10, $0x1;
	s10 =	sld [smem:$0x3FB6];
	_ =	sdelay $0x3  }
0x37: {  	[smem:$0x3FB6] =	sst s10  }
0x38: {  	s10 =	sld [smem:$0x3FB7]  }
0x39: {  	_ = 	snop;
	(pc) =	sbr.ind lr, $3  }
0x3a: {  	_ = 	snop  }
0x3b: {  	_ = 	snop  }
0x3c: {  	p2 =	seq.s32 s10, $0x1;
	s10 =	sld [smem:$0x3FB6]  }
0x3d: {  	_ =	shalt  }
0x3e: {  	_ =	shalt  }
0x3f: {  	_ =	shalt  }
0x40: {  	_ =	shalt  }
0x41: {  	_ =	shalt  }
0x42: {  	_ =	shalt  }
0x43: {  	_ =	shalt  }
0x44: {  	_ =	shalt  }
0x45: {  	_ =	shalt  }
0x46: {  	_ =	shalt  }
0x47: {  	_ =	shalt  }
0x48: {  	_ =	shalt  }
0x49: {  	_ =	shalt  }
0x4a: {  	_ =	shalt  }
0x4b: {  	_ =	shalt  }
0x4c: {  	_ =	shalt  }
0x4d: {  	_ =	shalt  }
0x4e: {  	_ =	shalt  }
0x4f: {  	_ =	shalt  }
0x50: {  	_ =	shalt  }
0x51: {  	_ =	shalt  }
0x52: {  	_ =	shalt  }
0x53: {  	_ =	shalt  }
0x54: {  	_ =	shalt  }
0x55: {  	_ =	shalt  }
0x56: {  	_ =	shalt  }
0x57: {  	_ =	shalt  }
0x58: {  	_ =	shalt  }
0x59: {  	_ =	shalt  }
0x5a: {  	_ =	shalt  }
0x5b: {  	_ =	shalt  }
0x5c: {  	_ =	shalt  }
0x5d: {  	_ =	shalt  }
0x5e: {  	_ =	shalt  }
0x5f: {  	_ =	shalt  }
0x60: {  	_ =	shalt  }
0x61: {  	_ =	shalt  }
0x62: {  	_ =	shalt  }
0x63: {  	_ =	shalt  }
0x64: {  	_ =	shalt  }
0x65: {  	_ =	shalt  }
0x66: {  	_ =	shalt  }
0x67: {  	_ =	shalt  }
0x68: {  	_ =	shalt  }
0x69: {  	_ =	shalt  }
0x6a: {  	_ =	shalt  }
0x6b: {  	_ =	shalt  }
0x6c: {  	_ =	shalt  }
0x6d: {  	_ =	shalt  }
0x6e: {  	_ =	shalt  }
0x6f: {  	_ =	shalt  }
0x70: {  	_ =	shalt  }
0x71: {  	_ =	shalt  }
0x72: {  	_ =	shalt  }
0x73: {  	_ =	shalt  }
0x74: {  	_ =	shalt  }
0x75: {  	_ =	shalt  }
0x76: {  	_ =	shalt  }
0x77: {  	_ =	shalt  }
0x78: {  	_ =	shalt  }
0x79: {  	_ =	shalt  }
0x7a: {  	_ =	shalt  }
0x7b: {  	_ =	shalt  }
0x7c: {  	_ =	shalt  }
0x7d: {  	_ =	shalt  }
0x7e: {  	_ =	shalt  }
0x7f: {  	_ =	shalt  }
0x80: {  	_ =	shalt  }
0x81: {  	_ =	shalt  }
0x82: {  	_ =	shalt  }
0x83: {  	_ =	shalt  }
0x84: {  	_ =	shalt  }
0x85: {  	_ =	shalt  }
0x86: {  	_ =	shalt  }
0x87: {  	_ =	shalt  }
.Lfunc_end0:
.L_simem_size_0:
called_computation_lowered:
.L_overlay_start_0:
0x88: {  	s2 =	sld [smem:$0x3FD9]  }
0x89: {  	s3 =	sld [smem:$0x3FFE];
	_ =	sdelay $0x1  }
0x8a: {  	s1 =	srdreg.scid  }
0x8b: {  	s0 =	sand.u32 $0x1, s1  }
0x8c: {  	s17 =	sshll.u32 s0, $0xA;
	s2 =	sadd.s32 s3, s2  }
0x8d: {  	s2 =	sadd.s32 s2, s17  }
0x8e: {  	[smem:$0x3FC2] =	sst s2  }
0x8f: {  	_ = 	snop  }
0x90: {  	s2 =	sld [smem:$0x3FC9]  }
0x91: {  	s18 =	sld [smem:$0x3FC8]  }
0x92: {  	s4 =	sld [smem:$0x3FC7]  }
0x93: {  	s5 =	sld [smem:$0x3FC6]  }
0x94: {  	s6 =	sld [smem:$0x3FC5]  }
0x95: {  	s7 =	sld [smem:$0x3FC4];
	(tm) =	ssettm $0x1  }
0x96: {  	s8 =	sld [smem:$0x3FFB];
	_ =	sdelay $0x3  }
0x97: {  	_ =	strace s8  }
0x98: {  	s8 =	sld [smem:$0x3FFC];
	_ =	sdelay $0x3  }
0x99: {  	_ =	strace s8  }
0x9a: {  	s8 =	sld [smem:$0x3FFD];
	_ =	sdelay $0x3  }
0x9b: {  	_ =	strace s8  }
0x9c: {  	_ =	strace $0x8FFFFFFF  }
0x9d: {  	s19 =	sld [smem:$0x3FDB];
	_ =	sdelay $0x1  }
0x9e: {  	s9 =	simm.s32 $_scs_section_size  }
0x9f: {  	s10 =	simm.s32 $_size__tile_overlayer_lowered;
	s11 =	simm.s32 $_tile_overlayer_lowered  }
0xa0: {  	s22 =	simm.s32 $0x1BFF;
	s21 =	sshll.u32 s11, $0x1;
	s8 =	sadd.s32 s9, s19  }
0xa1: {  	s12 =	simm.s32 $0x0;
	s20 =	sshll.u32 s10, $0x1;
	s10 =	sadd.s32 s21, s8  }
0xa2: {  	[timem:s12], [sflag:s22] =	dma.local [hbm:s10], s20  }
0xa3: {  	_ =	swait.ge [sflag:s22], s20  }
0xa4: {  	s9 =	ssub.s32 $0x0, s20;
	[sflag:s22] =	ssyncset.done $0x0  }
0xa5: {  	[sflag:s22] =	ssyncadd.s32 s9;
	_ =	sdelay $0x1  }
0xa6: {  	s23 =	simm.s32 $0x1B8B  }
0xa7: {  	_ =	swait.ge [sflag:s23], $0x1  }
0xa8: {  	[sflag:s23] =	ssyncset.done $0x0  }
0xa9: {  	s25 =	simm.s32 $0x1B8E;
	s24 =	sld [smem:$0x3FFE];
	[sflag:s23] =	ssyncadd.s32 $0xFFFFFFFF  }
0xaa: {  	s26 =	simm.s32 $execute0_lowered;
	[smem:$0x3FD2] =	sst s25  }
0xab: {  	s10 =	sshll.u32 s26, $0x1;
	_ =	strace $0x80000046;
	[dreg:$0x1] =	wrdreg $0xFFFFFFFF  }
0xac: {  	s28 =	simm.s32 $_size_execute0_lowered;
	s8 =	sadd.s32 s8, s10;
	[dreg:$0x0] =	wrdreg $0x0  }
0xad: {  	s10 =	sshll.u32 s28, $0x1;
	[dreg:$0x2] =	wrdreg s8  }
0xae: {  	[dreg:$0x3] =	wrdreg s10  }
0xaf: {  	[dreg:$0x4] =	wrdreg $0xC0  }
0xb0: {  	_ =	task [dreg:s12], $0x5FFFF  }
0xb1: {  	[dreg:$0x1] =	wrdreg $0xFFFFFFFF  }
0xb2: {  	[dreg:$0x0] =	wrdreg $0x60  }
0xb3: {  	[dreg:$0x2] =	wrdreg s2  }
0xb4: {  	[dreg:$0x3] =	wrdreg s18  }
0xb5: {  	[dreg:$0x4] =	wrdreg s4  }
0xb6: {  	[dreg:$0x5] =	wrdreg s5  }
0xb7: {  	[dreg:$0x6] =	wrdreg s6  }
0xb8: {  	[dreg:$0x7] =	wrdreg s7  }
0xb9: {  	[dreg:$0x8] =	wrdreg s24  }
0xba: {  	[dreg:$0x9] =	wrdreg $0x90000  }
0xbb: {  	[dreg:$0xa] =	wrdreg $0xD0000  }
0xbc: {  	[dreg:$0xb] =	wrdreg $0x9  }
0xbd: {  	_ =	task.clear_ibuf [dreg:s12], $0xCFFFF;
	_ =	strace $0x90000046  }
0xbe: {  	s29 =	simm.s32 $0x9;
	_ =	strace $0x80000048  }
0xbf: {  	_ =	swait.ge [sflag:s29], $0x1  }
0xc0: {  	[sflag:s29] =	ssyncadd.s32 $0xFFFFFFFF  }
0xc1: {  	_ =	strace $0x90000048  }
0xc2: {  	_ =	sfence  }
0xc3: {  	s30 =	sld [smem:$0x0];
	_ =	sdelay $0x2  }
0xc4: {  	s31 =	sshll.u32 s1, $0xD;
	s1 =	sshrl.u32 s1, $0x2  }
0xc5: {  	s3 =	sand.u32 $0x4000, s31;
	s1 =	sadd.s32 s1, s30  }
0xc6: {  	s0 =	sor.u32 s3, s0;
	s1 =	sshll.u32 s1, $0x11  }
0xc7: {  	s0 =	sor.u32 s1, s0  }
0xc8: {  	s0 =	sadd.s32 $0x8F2B, s0  }
0xc9: {  	[sflag:s0] =	ssyncadd.remote.s32 $0x1  }
0xca: {  	_ =	sfence.sel $0xFFFF  }
0xcb: {  	[dreg:$0x0] =	wrdreg $0xFFFFFFFF;
	(pc) =	sbr.abs _section_cstart, $3  }
0xcc: {  	[dreg:$0x1] =	wrdreg $0xFFFFFFFF  }
0xcd: {  	_ =	task.clear_ibuf [dreg:s12], $0x2FFFF;
	_ =	strace $0x9FFFFFFF  }
0xce: {  	(tm) =	ssettm $0x7FFFFFFF  }
0xcf: {  	_ =	shalt  }
tec
execute0_lowered:
.L_overlay_start_1:
0x0: {  	(tag) =	ssettag $0x1  }
0x1: {  	s0 =	rddreg [dreg:$0x0]  }
0x2: {  	s2 =	rddreg [dreg:$0x1]  }
0x3: {  	s3 =	rddreg [dreg:$0x2]  }
0x4: {  	s11 =	rddreg [dreg:$0x3]  }
0x5: {  	s19 =	rddreg [dreg:$0x4]  }
0x6: {  	s21 =	rddreg [dreg:$0x5]  }
0x7: {  	s4 =	rddreg [dreg:$0x6]  }
0x8: {  	s5 =	srdreg.scid;
	s13 =	stileid.u32;
	s1 =	simm.s32 $0x0  }
0x9: {  	s31 =	simm.s32 $0x80;
	s18 =	sand.u32 $0x1, s5;
	s14 =	sshll.u32 s13, $0x1  }
0xa: {  	[smem:$0x7FF] =	sst s1;
	s15 =	sshll.u32 s13, $0xB;
	s28 =	smul.u32 $0xD00, s13  }
0xb: {  	s5 =	sor.u32 s18, s14;
	s6 =	ssub.s32 $0x2, s18;
	s30 =	smul.u32 $0x280, s18  }
0xc: {  	s0 =	sadd.s32 s0, s15;
	s2 =	sadd.s32 s2, s15;
	s9 =	smul.u32 $0x680, s5  }
0xd: {  	s7 =	sshll.u32 s5, $0x4;
	s12 =	smul.u32 $0x280, s5;
	[dreg:$0xa] =	wrdreg s0  }
0xe: {  	s8 =	sshrl.u32 s6, $0x1;
	[dreg:$0xb] =	wrdreg s2;
	s25 =	sadd.s32 s7, s4  }
0xf: {  	s26 =	ssub.s32 s6, s8;
	s16 =	sshrl.u32 s9, $0x3;
	s20 =	sshrl.u32 s12, $0x3  }
0x10: {  	s12 =	sshll.u32 s13, $0xE;
	s4 =	sadd.s32 s3, s16;
	s17 =	sadd.s32 $0x1A00, s16  }
0x11: {  	s5 =	sadd.s32 s11, s16;
	s9 =	sadd.s32 $0x3400, s16;
	s0 =	sadd.s32 $0x4E00, s16  }
0x12: {  	s22 =	sadd.s32 s19, s20;
	s23 =	sadd.s32 $0xA00, s20;
	s24 =	sadd.s32 s21, s20  }
0x13: {  	s29 =	sadd.s32 $0x1400, s20;
	s2 =	sadd.s32 $0x1E00, s20;
	s6 =	sadd.s32 s3, s17  }
0x14: {  	s7 =	sadd.s32 s11, s17;
	s8 =	sadd.s32 s3, s9;
	s9 =	sadd.s32 s11, s9  }
0x15: {  	s10 =	sadd.s32 s3, s0;
	s11 =	sadd.s32 s11, s0;
	[dreg:$0xc] =	wrdreg s22  }
0x16: {  	[dreg:$0xd] =	wrdreg s24;
	s14 =	sadd.s32 s19, s23;
	s15 =	sadd.s32 s21, s23  }
0x17: {  	s23 =	smul.u32 $0x680, s18;
	s16 =	sadd.s32 s19, s29;
	s17 =	sadd.s32 s21, s29  }
0x18: {  	s18 =	rddreg [dreg:$0x7];
	s24 =	smul.u32 $0x500, s13;
	s20 =	sadd.s32 s19, s2  }
0x19: {  	s21 =	sadd.s32 s21, s2;
	s22 =	rddreg [dreg:$0x8];
	s19 =	sshll.u32 s13, $0x6  }
0x1a: {  	s29 =	sadd.s32 $0x400, s25;
	_ =	strace $0x80000047;
	s2 =	sor.u32 $0x1C03, s19  }
0x1b: {  	s0 =	sadd.s32 s12, s22;
	[dreg:$0xf] =	wrdreg s29;
	s23 =	sadd.s32 s23, s28  }
0x1c: {  	s24 =	sadd.s32 s30, s24;
	[dreg:$0xe] =	wrdreg s2;
	s30 =	smax.u32 s26, $0x1  }
0x1d: {  	s28 =	sadd.s32 s12, s18;
	s0 =	sshrl.u32 s0, $0x3;
	[dreg:$0x10] =	wrdreg s30  }
0x1e: {  	s19 =	simm.s32 $0x1;
	s2 =	sshrl.u32 s28, $0x3;
	[dreg:$0x12] =	wrdreg s0  }
0x1f: {  	s26 =	simm.s32 $0x0;
	[dreg:$0x11] =	wrdreg s2;
	s2 =	simm.s32 $0x2  }
.LBB2_1:
0x20: {  	s0 =	rddreg [dreg:$0xa]  }
0x21: {  	s3 =	rddreg [dreg:$0xe]  }
0x22: {  	s12 =	rddreg [dreg:$0x11]  }
0x23: {  	[spmem:s12], [sflag:s3] =	dma.local [hbm:s0], $0x800  }
0x24: {  	s0 =	rddreg [dreg:$0xb]  }
0x25: {  	s12 =	rddreg [dreg:$0x12]  }
0x26: {  	[spmem:s12], [sflag:s3] =	dma.local [hbm:s0], $0x800  }
0x27: {  	[tilespmem:s1], [sflag:$0x1] =	stream.linear.gather [hbm4b:s4+s1], $0x80, $0x38;
	[tilespmem:$0x11080] =	vst v63  }
0x28: {  	s3 =	sadd.s32 $0x10, s4;
	s12 =	simm.s32 $0x400  }
0x29: {  	[tilespmem:s12], [sflag:$0x1] =	stream.linear.gather [hbm4b:s3+s1], $0x80, $0x38;
	[tilespmem:$0x11080] =	vst v63  }
0x2a: {  	s13 =	sadd.s32 $0x20, s4;
	s25 =	simm.s32 $0x800  }
0x2b: {  	[tilespmem:s25], [sflag:$0x1] =	stream.linear.gather [hbm4b:s13+s1], $0x80, $0x38;
	[tilespmem:$0x11080] =	vst v63  }
0x2c: {  	s3 =	sadd.s32 $0x30, s4;
	s12 =	simm.s32 $0xC00  }
0x2d: {  	[tilespmem:s12], [sflag:$0x1] =	stream.linear.gather [hbm4b:s3+s1], $0x80, $0x38;
	[tilespmem:$0x11080] =	vst v63  }
0x2e: {  	s13 =	sadd.s32 $0x40, s4;
	s25 =	simm.s32 $0x1000  }
0x2f: {  	[tilespmem:s25], [sflag:$0x1] =	stream.linear.gather [hbm4b:s13+s1], $0x80, $0x38;
	[tilespmem:$0x11080] =	vst v63  }
0x30: {  	s3 =	sadd.s32 $0x50, s4;
	s12 =	simm.s32 $0x1400  }
0x31: {  	[tilespmem:s12], [sflag:$0x1] =	stream.linear.gather [hbm4b:s3+s1], $0x80, $0x38;
	[tilespmem:$0x11080] =	vst v63  }
0x32: {  	s13 =	sadd.s32 $0x60, s4;
	s25 =	simm.s32 $0x1800  }
0x33: {  	[tilespmem:s25], [sflag:$0x1] =	stream.linear.gather [hbm4b:s13+s1], $0x80, $0x38;
	[tilespmem:$0x11080] =	vst v63  }
0x34: {  	s3 =	sadd.s32 $0x70, s4;
	s12 =	simm.s32 $0x1C00  }
0x35: {  	[tilespmem:s12], [sflag:$0x1] =	stream.linear.gather [hbm4b:s3+s1], $0x80, $0x38;
	[tilespmem:$0x11080] =	vst v63  }
0x36: {  	s13 =	sadd.s32 $0x80, s4;
	s25 =	simm.s32 $0x2000  }
0x37: {  	[tilespmem:s25], [sflag:$0x1] =	stream.linear.gather [hbm4b:s13+s1], $0x80, $0x38;
	[tilespmem:$0x11080] =	vst v63  }
0x38: {  	s3 =	sadd.s32 $0x90, s4;
	s12 =	simm.s32 $0x2400  }
0x39: {  	[tilespmem:s12], [sflag:$0x1] =	stream.linear.gather [hbm4b:s3+s1], $0x80, $0x38;
	[tilespmem:$0x11080] =	vst v63  }
0x3a: {  	s13 =	sadd.s32 $0xA0, s4;
	s25 =	simm.s32 $0x2800  }
0x3b: {  	[tilespmem:s25], [sflag:$0x1] =	stream.linear.gather [hbm4b:s13+s1], $0x80, $0x38;
	[tilespmem:$0x11080] =	vst v63  }
0x3c: {  	s3 =	sadd.s32 $0xB0, s4;
	s12 =	simm.s32 $0x2C00  }
0x3d: {  	[tilespmem:s12], [sflag:$0x1] =	stream.linear.gather [hbm4b:s3+s1], $0x80, $0x38;
	[tilespmem:$0x11080] =	vst v63  }
0x3e: {  	s13 =	sadd.s32 $0xC0, s4;
	s25 =	simm.s32 $0x3000  }
0x3f: {  	[tilespmem:s25], [sflag:$0x1] =	stream.linear.gather [hbm4b:s13+s1], $0x80, $0x38;
	[tilespmem:$0x11080] =	vst v63  }
0x40: {  	_ = 	snop  }
0x41: {  	[tilespmem:s31], [sflag:$0x1] =	stream.linear.gather [hbm4b:s5+s1], $0x80, $0x38;
	[tilespmem:$0x11080] =	vst v63  }
0x42: {  	s3 =	sadd.s32 $0x10, s5;
	s12 =	simm.s32 $0x480  }
0x43: {  	[tilespmem:s12], [sflag:$0x1] =	stream.linear.gather [hbm4b:s3+s1], $0x80, $0x38;
	[tilespmem:$0x11080] =	vst v63  }
0x44: {  	s13 =	sadd.s32 $0x20, s5;
	s25 =	simm.s32 $0x880  }
0x45: {  	[tilespmem:s25], [sflag:$0x1] =	stream.linear.gather [hbm4b:s13+s1], $0x80, $0x38;
	[tilespmem:$0x11080] =	vst v63  }
0x46: {  	s3 =	sadd.s32 $0x30, s5;
	s12 =	simm.s32 $0xC80  }
0x47: {  	[tilespmem:s12], [sflag:$0x1] =	stream.linear.gather [hbm4b:s3+s1], $0x80, $0x38;
	[tilespmem:$0x11080] =	vst v63  }
0x48: {  	s13 =	sadd.s32 $0x40, s5;
	s25 =	simm.s32 $0x1080  }
0x49: {  	[tilespmem:s25], [sflag:$0x1] =	stream.linear.gather [hbm4b:s13+s1], $0x80, $0x38;
	[tilespmem:$0x11080] =	vst v63  }
0x4a: {  	s3 =	sadd.s32 $0x50, s5;
	s12 =	simm.s32 $0x1480  }
0x4b: {  	[tilespmem:s12], [sflag:$0x1] =	stream.linear.gather [hbm4b:s3+s1], $0x80, $0x38;
	[tilespmem:$0x11080] =	vst v63  }
0x4c: {  	s13 =	sadd.s32 $0x60, s5;
	s25 =	simm.s32 $0x1880  }
0x4d: {  	[tilespmem:s25], [sflag:$0x1] =	stream.linear.gather [hbm4b:s13+s1], $0x80, $0x38;
	[tilespmem:$0x11080] =	vst v63  }
0x4e: {  	s3 =	sadd.s32 $0x70, s5;
	s12 =	simm.s32 $0x1C80  }
0x4f: {  	[tilespmem:s12], [sflag:$0x1] =	stream.linear.gather [hbm4b:s3+s1], $0x80, $0x38;
	[tilespmem:$0x11080] =	vst v63  }
0x50: {  	s13 =	sadd.s32 $0x80, s5;
	s25 =	simm.s32 $0x2080  }
0x51: {  	[tilespmem:s25], [sflag:$0x1] =	stream.linear.gather [hbm4b:s13+s1], $0x80, $0x38;
	[tilespmem:$0x11080] =	vst v63  }
0x52: {  	s3 =	sadd.s32 $0x90, s5;
	s12 =	simm.s32 $0x2480  }
0x53: {  	[tilespmem:s12], [sflag:$0x1] =	stream.linear.gather [hbm4b:s3+s1], $0x80, $0x38;
	[tilespmem:$0x11080] =	vst v63  }
0x54: {  	s13 =	sadd.s32 $0xA0, s5;
	s25 =	simm.s32 $0x2880  }
0x55: {  	[tilespmem:s25], [sflag:$0x1] =	stream.linear.gather [hbm4b:s13+s1], $0x80, $0x38;
	[tilespmem:$0x11080] =	vst v63  }
0x56: {  	s3 =	sadd.s32 $0xB0, s5;
	s12 =	simm.s32 $0x2C80  }
0x57: {  	[tilespmem:s12], [sflag:$0x1] =	stream.linear.gather [hbm4b:s3+s1], $0x80, $0x38;
	[tilespmem:$0x11080] =	vst v63  }
0x58: {  	s13 =	sadd.s32 $0xC0, s5;
	s25 =	simm.s32 $0x3080  }
0x59: {  	[tilespmem:s25], [sflag:$0x1] =	stream.linear.gather [hbm4b:s13+s1], $0x80, $0x38;
	[tilespmem:$0x11080] =	vst v63  }
0x5a: {  	s12 =	simm.s32 $0x100  }
0x5b: {  	[tilespmem:s12], [sflag:$0x1] =	stream.linear.gather [hbm4b:s6+s1], $0x80, $0x38;
	[tilespmem:$0x11080] =	vst v63  }
0x5c: {  	s13 =	sadd.s32 $0x10, s6;
	s25 =	simm.s32 $0x500  }
0x5d: {  	[tilespmem:s25], [sflag:$0x1] =	stream.linear.gather [hbm4b:s13+s1], $0x80, $0x38;
	[tilespmem:$0x11080] =	vst v63  }
0x5e: {  	s3 =	sadd.s32 $0x20, s6;
	s12 =	simm.s32 $0x900  }
0x5f: {  	[tilespmem:s12], [sflag:$0x1] =	stream.linear.gather [hbm4b:s3+s1], $0x80, $0x38;
	[tilespmem:$0x11080] =	vst v63  }
0x60: {  	s13 =	sadd.s32 $0x30, s6;
	s25 =	simm.s32 $0xD00  }
0x61: {  	[tilespmem:s25], [sflag:$0x1] =	stream.linear.gather [hbm4b:s13+s1], $0x80, $0x38;
	[tilespmem:$0x11080] =	vst v63  }
0x62: {  	s3 =	sadd.s32 $0x40, s6;
	s12 =	simm.s32 $0x1100  }
0x63: {  	[tilespmem:s12], [sflag:$0x1] =	stream.linear.gather [hbm4b:s3+s1], $0x80, $0x38;
	[tilespmem:$0x11080] =	vst v63  }
0x64: {  	s13 =	sadd.s32 $0x50, s6;
	s25 =	simm.s32 $0x1500  }
0x65: {  	[tilespmem:s25], [sflag:$0x1] =	stream.linear.gather [hbm4b:s13+s1], $0x80, $0x38;
	[tilespmem:$0x11080] =	vst v63  }
0x66: {  	s3 =	sadd.s32 $0x60, s6;
	s12 =	simm.s32 $0x1900  }
0x67: {  	[tilespmem:s12], [sflag:$0x1] =	stream.linear.gather [hbm4b:s3+s1], $0x80, $0x38;
	[tilespmem:$0x11080] =	vst v63  }
0x68: {  	s13 =	sadd.s32 $0x70, s6;
	s25 =	simm.s32 $0x1D00  }
0x69: {  	[tilespmem:s25], [sflag:$0x1] =	stream.linear.gather [hbm4b:s13+s1], $0x80, $0x38;
	[tilespmem:$0x11080] =	vst v63  }
0x6a: {  	s3 =	sadd.s32 $0x80, s6;
	s12 =	simm.s32 $0x2100  }
0x6b: {  	[tilespmem:s12], [sflag:$0x1] =	stream.linear.gather [hbm4b:s3+s1], $0x80, $0x38;
	[tilespmem:$0x11080] =	vst v63  }
0x6c: {  	s13 =	sadd.s32 $0x90, s6;
	s25 =	simm.s32 $0x2500  }
0x6d: {  	[tilespmem:s25], [sflag:$0x1] =	stream.linear.gather [hbm4b:s13+s1], $0x80, $0x38;
	[tilespmem:$0x11080] =	vst v63  }
0x6e: {  	s3 =	sadd.s32 $0xA0, s6;
	s12 =	simm.s32 $0x2900  }
0x6f: {  	[tilespmem:s12], [sflag:$0x1] =	stream.linear.gather [hbm4b:s3+s1], $0x80, $0x38;
	[tilespmem:$0x11080] =	vst v63  }
0x70: {  	s13 =	sadd.s32 $0xB0, s6;
	s25 =	simm.s32 $0x2D00  }
0x71: {  	[tilespmem:s25], [sflag:$0x1] =	stream.linear.gather [hbm4b:s13+s1], $0x80, $0x38;
	[tilespmem:$0x11080] =	vst v63  }
0x72: {  	s12 =	sadd.s32 $0xC0, s6;
	s13 =	simm.s32 $0x3100  }
0x73: {  	[tilespmem:s13], [sflag:$0x1] =	stream.linear.gather [hbm4b:s12+s1], $0x80, $0x38;
	[tilespmem:$0x11080] =	vst v63  }
0x74: {  	s25 =	simm.s32 $0x180  }
0x75: {  	[tilespmem:s25], [sflag:$0x1] =	stream.linear.gather [hbm4b:s7+s1], $0x80, $0x38;
	[tilespmem:$0x11080] =	vst v63  }
0x76: {  	s3 =	sadd.s32 $0x10, s7;
	s12 =	simm.s32 $0x580  }
0x77: {  	[tilespmem:s12], [sflag:$0x1] =	stream.linear.gather [hbm4b:s3+s1], $0x80, $0x38;
	[tilespmem:$0x11080] =	vst v63  }
0x78: {  	s13 =	sadd.s32 $0x20, s7;
	s25 =	simm.s32 $0x980  }
0x79: {  	[tilespmem:s25], [sflag:$0x1] =	stream.linear.gather [hbm4b:s13+s1], $0x80, $0x38;
	[tilespmem:$0x11080] =	vst v63  }
0x7a: {  	s3 =	sadd.s32 $0x30, s7;
	s12 =	simm.s32 $0xD80  }
0x7b: {  	[tilespmem:s12], [sflag:$0x1] =	stream.linear.gather [hbm4b:s3+s1], $0x80, $0x38;
	[tilespmem:$0x11080] =	vst v63  }
0x7c: {  	s13 =	sadd.s32 $0x40, s7;
	s25 =	simm.s32 $0x1180  }
0x7d: {  	[tilespmem:s25], [sflag:$0x1] =	stream.linear.gather [hbm4b:s13+s1], $0x80, $0x38;
	[tilespmem:$0x11080] =	vst v63  }
0x7e: {  	s3 =	sadd.s32 $0x50, s7;
	s12 =	simm.s32 $0x1580  }
0x7f: {  	[tilespmem:s12], [sflag:$0x1] =	stream.linear.gather [hbm4b:s3+s1], $0x80, $0x38;
	[tilespmem:$0x11080] =	vst v63  }
0x80: {  	s13 =	sadd.s32 $0x60, s7;
	s25 =	simm.s32 $0x1980  }
0x81: {  	[tilespmem:s25], [sflag:$0x1] =	stream.linear.gather [hbm4b:s13+s1], $0x80, $0x38;
	[tilespmem:$0x11080] =	vst v63  }
0x82: {  	s3 =	sadd.s32 $0x70, s7;
	s12 =	simm.s32 $0x1D80  }
0x83: {  	[tilespmem:s12], [sflag:$0x1] =	stream.linear.gather [hbm4b:s3+s1], $0x80, $0x38;
	[tilespmem:$0x11080] =	vst v63  }
0x84: {  	s13 =	sadd.s32 $0x80, s7;
	s25 =	simm.s32 $0x2180  }
0x85: {  	[tilespmem:s25], [sflag:$0x1] =	stream.linear.gather [hbm4b:s13+s1], $0x80, $0x38;
	[tilespmem:$0x11080] =	vst v63  }
0x86: {  	s3 =	sadd.s32 $0x90, s7;
	s12 =	simm.s32 $0x2580  }
0x87: {  	[tilespmem:s12], [sflag:$0x1] =	stream.linear.gather [hbm4b:s3+s1], $0x80, $0x38;
	[tilespmem:$0x11080] =	vst v63  }
0x88: {  	s13 =	sadd.s32 $0xA0, s7;
	s25 =	simm.s32 $0x2980  }
0x89: {  	[tilespmem:s25], [sflag:$0x1] =	stream.linear.gather [hbm4b:s13+s1], $0x80, $0x38;
	[tilespmem:$0x11080] =	vst v63  }
0x8a: {  	s3 =	sadd.s32 $0xB0, s7;
	s12 =	simm.s32 $0x2D80  }
0x8b: {  	[tilespmem:s12], [sflag:$0x1] =	stream.linear.gather [hbm4b:s3+s1], $0x80, $0x38;
	[tilespmem:$0x11080] =	vst v63  }
0x8c: {  	s13 =	sadd.s32 $0xC0, s7;
	s25 =	simm.s32 $0x3180  }
0x8d: {  	[tilespmem:s25], [sflag:$0x1] =	stream.linear.gather [hbm4b:s13+s1], $0x80, $0x38;
	[tilespmem:$0x11080] =	vst v63  }
0x8e: {  	s12 =	simm.s32 $0x200  }
0x8f: {  	[tilespmem:s12], [sflag:$0x1] =	stream.linear.gather [hbm4b:s8+s1], $0x80, $0x38;
	[tilespmem:$0x11080] =	vst v63  }
0x90: {  	s13 =	sadd.s32 $0x10, s8;
	s25 =	simm.s32 $0x600  }
0x91: {  	[tilespmem:s25], [sflag:$0x1] =	stream.linear.gather [hbm4b:s13+s1], $0x80, $0x38;
	[tilespmem:$0x11080] =	vst v63  }
0x92: {  	s3 =	sadd.s32 $0x20, s8;
	s12 =	simm.s32 $0xA00  }
0x93: {  	[tilespmem:s12], [sflag:$0x1] =	stream.linear.gather [hbm4b:s3+s1], $0x80, $0x38;
	[tilespmem:$0x11080] =	vst v63  }
0x94: {  	s13 =	sadd.s32 $0x30, s8;
	s25 =	simm.s32 $0xE00  }
0x95: {  	[tilespmem:s25], [sflag:$0x1] =	stream.linear.gather [hbm4b:s13+s1], $0x80, $0x38;
	[tilespmem:$0x11080] =	vst v63  }
0x96: {  	s3 =	sadd.s32 $0x40, s8;
	s12 =	simm.s32 $0x1200  }
0x97: {  	[tilespmem:s12], [sflag:$0x1] =	stream.linear.gather [hbm4b:s3+s1], $0x80, $0x38;
	[tilespmem:$0x11080] =	vst v63  }
0x98: {  	s13 =	sadd.s32 $0x50, s8;
	s25 =	simm.s32 $0x1600  }
0x99: {  	[tilespmem:s25], [sflag:$0x1] =	stream.linear.gather [hbm4b:s13+s1], $0x80, $0x38;
	[tilespmem:$0x11080] =	vst v63  }
0x9a: {  	s3 =	sadd.s32 $0x60, s8;
	s12 =	simm.s32 $0x1A00  }
0x9b: {  	[tilespmem:s12], [sflag:$0x1] =	stream.linear.gather [hbm4b:s3+s1], $0x80, $0x38;
	[tilespmem:$0x11080] =	vst v63  }
0x9c: {  	s13 =	sadd.s32 $0x70, s8;
	s25 =	simm.s32 $0x1E00  }
0x9d: {  	[tilespmem:s25], [sflag:$0x1] =	stream.linear.gather [hbm4b:s13+s1], $0x80, $0x38;
	[tilespmem:$0x11080] =	vst v63  }
0x9e: {  	s3 =	sadd.s32 $0x80, s8;
	s12 =	simm.s32 $0x2200  }
0x9f: {  	[tilespmem:s12], [sflag:$0x1] =	stream.linear.gather [hbm4b:s3+s1], $0x80, $0x38;
	[tilespmem:$0x11080] =	vst v63  }
0xa0: {  	s13 =	sadd.s32 $0x90, s8;
	s25 =	simm.s32 $0x2600  }
0xa1: {  	[tilespmem:s25], [sflag:$0x1] =	stream.linear.gather [hbm4b:s13+s1], $0x80, $0x38;
	[tilespmem:$0x11080] =	vst v63  }
0xa2: {  	s3 =	sadd.s32 $0xA0, s8;
	s12 =	simm.s32 $0x2A00  }
0xa3: {  	[tilespmem:s12], [sflag:$0x1] =	stream.linear.gather [hbm4b:s3+s1], $0x80, $0x38;
	[tilespmem:$0x11080] =	vst v63  }
0xa4: {  	s13 =	sadd.s32 $0xB0, s8;
	s25 =	simm.s32 $0x2E00  }
0xa5: {  	[tilespmem:s25], [sflag:$0x1] =	stream.linear.gather [hbm4b:s13+s1], $0x80, $0x38;
	[tilespmem:$0x11080] =	vst v63  }
0xa6: {  	s12 =	sadd.s32 $0xC0, s8;
	s13 =	simm.s32 $0x3200  }
0xa7: {  	[tilespmem:s13], [sflag:$0x1] =	stream.linear.gather [hbm4b:s12+s1], $0x80, $0x38;
	[tilespmem:$0x11080] =	vst v63  }
0xa8: {  	s25 =	simm.s32 $0x280  }
0xa9: {  	[tilespmem:s25], [sflag:$0x1] =	stream.linear.gather [hbm4b:s9+s1], $0x80, $0x38;
	[tilespmem:$0x11080] =	vst v63  }
0xaa: {  	s3 =	sadd.s32 $0x10, s9;
	s12 =	simm.s32 $0x680  }
0xab: {  	[tilespmem:s12], [sflag:$0x1] =	stream.linear.gather [hbm4b:s3+s1], $0x80, $0x38;
	[tilespmem:$0x11080] =	vst v63  }
0xac: {  	s13 =	sadd.s32 $0x20, s9;
	s25 =	simm.s32 $0xA80  }
0xad: {  	[tilespmem:s25], [sflag:$0x1] =	stream.linear.gather [hbm4b:s13+s1], $0x80, $0x38;
	[tilespmem:$0x11080] =	vst v63  }
0xae: {  	s3 =	sadd.s32 $0x30, s9;
	s12 =	simm.s32 $0xE80  }
0xaf: {  	[tilespmem:s12], [sflag:$0x1] =	stream.linear.gather [hbm4b:s3+s1], $0x80, $0x38;
	[tilespmem:$0x11080] =	vst v63  }
0xb0: {  	s13 =	sadd.s32 $0x40, s9;
	s25 =	simm.s32 $0x1280  }
0xb1: {  	[tilespmem:s25], [sflag:$0x1] =	stream.linear.gather [hbm4b:s13+s1], $0x80, $0x38;
	[tilespmem:$0x11080] =	vst v63  }
0xb2: {  	s3 =	sadd.s32 $0x50, s9;
	s12 =	simm.s32 $0x1680  }
0xb3: {  	[tilespmem:s12], [sflag:$0x1] =	stream.linear.gather [hbm4b:s3+s1], $0x80, $0x38;
	[tilespmem:$0x11080] =	vst v63  }
0xb4: {  	s13 =	sadd.s32 $0x60, s9;
	s25 =	simm.s32 $0x1A80  }
0xb5: {  	[tilespmem:s25], [sflag:$0x1] =	stream.linear.gather [hbm4b:s13+s1], $0x80, $0x38;
	[tilespmem:$0x11080] =	vst v63  }
0xb6: {  	s3 =	sadd.s32 $0x70, s9;
	s12 =	simm.s32 $0x1E80  }
0xb7: {  	[tilespmem:s12], [sflag:$0x1] =	stream.linear.gather [hbm4b:s3+s1], $0x80, $0x38;
	[tilespmem:$0x11080] =	vst v63  }
0xb8: {  	s13 =	sadd.s32 $0x80, s9;
	s25 =	simm.s32 $0x2280  }
0xb9: {  	[tilespmem:s25], [sflag:$0x1] =	stream.linear.gather [hbm4b:s13+s1], $0x80, $0x38;
	[tilespmem:$0x11080] =	vst v63  }
0xba: {  	s3 =	sadd.s32 $0x90, s9;
	s12 =	simm.s32 $0x2680  }
0xbb: {  	[tilespmem:s12], [sflag:$0x1] =	stream.linear.gather [hbm4b:s3+s1], $0x80, $0x38;
	[tilespmem:$0x11080] =	vst v63  }
0xbc: {  	s13 =	sadd.s32 $0xA0, s9;
	s25 =	simm.s32 $0x2A80  }
0xbd: {  	[tilespmem:s25], [sflag:$0x1] =	stream.linear.gather [hbm4b:s13+s1], $0x80, $0x38;
	[tilespmem:$0x11080] =	vst v63  }
0xbe: {  	s3 =	sadd.s32 $0xB0, s9;
	s12 =	simm.s32 $0x2E80  }
0xbf: {  	[tilespmem:s12], [sflag:$0x1] =	stream.linear.gather [hbm4b:s3+s1], $0x80, $0x38;
	[tilespmem:$0x11080] =	vst v63  }
0xc0: {  	s13 =	sadd.s32 $0xC0, s9;
	s25 =	simm.s32 $0x3280  }
0xc1: {  	[tilespmem:s25], [sflag:$0x1] =	stream.linear.gather [hbm4b:s13+s1], $0x80, $0x38;
	[tilespmem:$0x11080] =	vst v63  }
0xc2: {  	s12 =	simm.s32 $0x300  }
0xc3: {  	[tilespmem:s12], [sflag:$0x1] =	stream.linear.gather [hbm4b:s10+s1], $0x80, $0x38;
	[tilespmem:$0x11080] =	vst v63  }
0xc4: {  	s13 =	sadd.s32 $0x10, s10;
	s25 =	simm.s32 $0x700  }
0xc5: {  	[tilespmem:s25], [sflag:$0x1] =	stream.linear.gather [hbm4b:s13+s1], $0x80, $0x38;
	[tilespmem:$0x11080] =	vst v63  }
0xc6: {  	s3 =	sadd.s32 $0x20, s10;
	s12 =	simm.s32 $0xB00  }
0xc7: {  	[tilespmem:s12], [sflag:$0x1] =	stream.linear.gather [hbm4b:s3+s1], $0x80, $0x38;
	[tilespmem:$0x11080] =	vst v63  }
0xc8: {  	s13 =	sadd.s32 $0x30, s10;
	s25 =	simm.s32 $0xF00  }
0xc9: {  	[tilespmem:s25], [sflag:$0x1] =	stream.linear.gather [hbm4b:s13+s1], $0x80, $0x38;
	[tilespmem:$0x11080] =	vst v63  }
0xca: {  	s3 =	sadd.s32 $0x40, s10;
	s12 =	simm.s32 $0x1300  }
0xcb: {  	[tilespmem:s12], [sflag:$0x1] =	stream.linear.gather [hbm4b:s3+s1], $0x80, $0x38;
	[tilespmem:$0x11080] =	vst v63  }
0xcc: {  	s13 =	sadd.s32 $0x50, s10;
	s25 =	simm.s32 $0x1700  }
0xcd: {  	[tilespmem:s25], [sflag:$0x1] =	stream.linear.gather [hbm4b:s13+s1], $0x80, $0x38;
	[tilespmem:$0x11080] =	vst v63  }
0xce: {  	s3 =	sadd.s32 $0x60, s10;
	s12 =	simm.s32 $0x1B00  }
0xcf: {  	[tilespmem:s12], [sflag:$0x1] =	stream.linear.gather [hbm4b:s3+s1], $0x80, $0x38;
	[tilespmem:$0x11080] =	vst v63  }
0xd0: {  	s13 =	sadd.s32 $0x70, s10;
	s25 =	simm.s32 $0x1F00  }
0xd1: {  	[tilespmem:s25], [sflag:$0x1] =	stream.linear.gather [hbm4b:s13+s1], $0x80, $0x38;
	[tilespmem:$0x11080] =	vst v63  }
0xd2: {  	s3 =	sadd.s32 $0x80, s10;
	s12 =	simm.s32 $0x2300  }
0xd3: {  	[tilespmem:s12], [sflag:$0x1] =	stream.linear.gather [hbm4b:s3+s1], $0x80, $0x38;
	[tilespmem:$0x11080] =	vst v63  }
0xd4: {  	s13 =	sadd.s32 $0x90, s10;
	s25 =	simm.s32 $0x2700  }
0xd5: {  	[tilespmem:s25], [sflag:$0x1] =	stream.linear.gather [hbm4b:s13+s1], $0x80, $0x38;
	[tilespmem:$0x11080] =	vst v63  }
0xd6: {  	s3 =	sadd.s32 $0xA0, s10;
	s12 =	simm.s32 $0x2B00  }
0xd7: {  	[tilespmem:s12], [sflag:$0x1] =	stream.linear.gather [hbm4b:s3+s1], $0x80, $0x38;
	[tilespmem:$0x11080] =	vst v63  }
0xd8: {  	s13 =	sadd.s32 $0xB0, s10;
	s25 =	simm.s32 $0x2F00  }
0xd9: {  	[tilespmem:s25], [sflag:$0x1] =	stream.linear.gather [hbm4b:s13+s1], $0x80, $0x38;
	[tilespmem:$0x11080] =	vst v63  }
0xda: {  	s12 =	sadd.s32 $0xC0, s10;
	s13 =	simm.s32 $0x3300  }
0xdb: {  	[tilespmem:s13], [sflag:$0x1] =	stream.linear.gather [hbm4b:s12+s1], $0x80, $0x38;
	[tilespmem:$0x11080] =	vst v63  }
0xdc: {  	s25 =	simm.s32 $0x380  }
0xdd: {  	[tilespmem:s25], [sflag:$0x1] =	stream.linear.gather [hbm4b:s11+s1], $0x80, $0x38;
	[tilespmem:$0x11080] =	vst v63  }
0xde: {  	s3 =	sadd.s32 $0x10, s11;
	s12 =	simm.s32 $0x780  }
0xdf: {  	[tilespmem:s12], [sflag:$0x1] =	stream.linear.gather [hbm4b:s3+s1], $0x80, $0x38;
	[tilespmem:$0x11080] =	vst v63  }
0xe0: {  	s13 =	sadd.s32 $0x20, s11;
	s25 =	simm.s32 $0xB80  }
0xe1: {  	[tilespmem:s25], [sflag:$0x1] =	stream.linear.gather [hbm4b:s13+s1], $0x80, $0x38;
	[tilespmem:$0x11080] =	vst v63  }
0xe2: {  	s3 =	sadd.s32 $0x30, s11;
	s12 =	simm.s32 $0xF80  }
0xe3: {  	[tilespmem:s12], [sflag:$0x1] =	stream.linear.gather [hbm4b:s3+s1], $0x80, $0x38;
	[tilespmem:$0x11080] =	vst v63  }
0xe4: {  	s13 =	sadd.s32 $0x40, s11;
	s25 =	simm.s32 $0x1380  }
0xe5: {  	[tilespmem:s25], [sflag:$0x1] =	stream.linear.gather [hbm4b:s13+s1], $0x80, $0x38;
	[tilespmem:$0x11080] =	vst v63  }
0xe6: {  	s3 =	sadd.s32 $0x50, s11;
	s12 =	simm.s32 $0x1780  }
0xe7: {  	[tilespmem:s12], [sflag:$0x1] =	stream.linear.gather [hbm4b:s3+s1], $0x80, $0x38;
	[tilespmem:$0x11080] =	vst v63  }
0xe8: {  	s13 =	sadd.s32 $0x60, s11;
	s25 =	simm.s32 $0x1B80  }
0xe9: {  	[tilespmem:s25], [sflag:$0x1] =	stream.linear.gather [hbm4b:s13+s1], $0x80, $0x38;
	[tilespmem:$0x11080] =	vst v63  }
0xea: {  	s3 =	sadd.s32 $0x70, s11;
	s12 =	simm.s32 $0x1F80  }
0xeb: {  	[tilespmem:s12], [sflag:$0x1] =	stream.linear.gather [hbm4b:s3+s1], $0x80, $0x38;
	[tilespmem:$0x11080] =	vst v63  }
0xec: {  	s13 =	sadd.s32 $0x80, s11;
	s25 =	simm.s32 $0x2380  }
0xed: {  	[tilespmem:s25], [sflag:$0x1] =	stream.linear.gather [hbm4b:s13+s1], $0x80, $0x38;
	[tilespmem:$0x11080] =	vst v63  }
0xee: {  	s3 =	sadd.s32 $0x90, s11;
	s12 =	simm.s32 $0x2780  }
0xef: {  	[tilespmem:s12], [sflag:$0x1] =	stream.linear.gather [hbm4b:s3+s1], $0x80, $0x38;
	[tilespmem:$0x11080] =	vst v63  }
0xf0: {  	s13 =	sadd.s32 $0xA0, s11;
	s25 =	simm.s32 $0x2B80  }
0xf1: {  	[tilespmem:s25], [sflag:$0x1] =	stream.linear.gather [hbm4b:s13+s1], $0x80, $0x38;
	[tilespmem:$0x11080] =	vst v63  }
0xf2: {  	s3 =	sadd.s32 $0xB0, s11;
	s12 =	simm.s32 $0x2F80  }
0xf3: {  	[tilespmem:s12], [sflag:$0x1] =	stream.linear.gather [hbm4b:s3+s1], $0x80, $0x38;
	[tilespmem:$0x11080] =	vst v63  }
0xf4: {  	s13 =	sadd.s32 $0xC0, s11;
	s25 =	simm.s32 $0x3380  }
0xf5: {  	[tilespmem:s25], [sflag:$0x1] =	stream.linear.gather [hbm4b:s13+s1], $0x80, $0x38;
	[tilespmem:$0x11080] =	vst v63  }
0xf6: {  	s3 =	rddreg [dreg:$0xc];
	s12 =	simm.s32 $0x6800  }
0xf7: {  	[tilespmem:s12], [sflag:$0x1] =	stream.linear.gather [hbm4b:s3+s1], $0x80, $0x38;
	[tilespmem:$0x11080] =	vst v63  }
0xf8: {  	s13 =	sadd.s32 $0x10, s3;
	s25 =	simm.s32 $0x6C00  }
0xf9: {  	[tilespmem:s25], [sflag:$0x1] =	stream.linear.gather [hbm4b:s13+s1], $0x80, $0x38;
	[tilespmem:$0x11080] =	vst v63  }
0xfa: {  	s13 =	sadd.s32 $0x20, s3;
	s25 =	simm.s32 $0x7000  }
0xfb: {  	[tilespmem:s25], [sflag:$0x1] =	stream.linear.gather [hbm4b:s13+s1], $0x80, $0x38;
	[tilespmem:$0x11080] =	vst v63  }
0xfc: {  	s13 =	sadd.s32 $0x30, s3;
	s25 =	simm.s32 $0x7400  }
0xfd: {  	[tilespmem:s25], [sflag:$0x1] =	stream.linear.gather [hbm4b:s13+s1], $0x80, $0x38;
	[tilespmem:$0x11080] =	vst v63  }
0xfe: {  	s13 =	sadd.s32 $0x40, s3;
	s25 =	simm.s32 $0x7800  }
0xff: {  	[tilespmem:s25], [sflag:$0x1] =	stream.linear.gather [hbm4b:s13+s1], $0x80, $0x38;
	[tilespmem:$0x11080] =	vst v63  }
0x100: {  	s12 =	simm.s32 $0x6880;
	s3 =	rddreg [dreg:$0xd]  }
0x101: {  	[tilespmem:s12], [sflag:$0x1] =	stream.linear.gather [hbm4b:s3+s1], $0x80, $0x38;
	[tilespmem:$0x11080] =	vst v63  }
0x102: {  	s13 =	sadd.s32 $0x10, s3;
	s25 =	simm.s32 $0x6C80  }
0x103: {  	[tilespmem:s25], [sflag:$0x1] =	stream.linear.gather [hbm4b:s13+s1], $0x80, $0x38;
	[tilespmem:$0x11080] =	vst v63  }
0x104: {  	s13 =	sadd.s32 $0x20, s3;
	s25 =	simm.s32 $0x7080  }
0x105: {  	[tilespmem:s25], [sflag:$0x1] =	stream.linear.gather [hbm4b:s13+s1], $0x80, $0x38;
	[tilespmem:$0x11080] =	vst v63  }
0x106: {  	s13 =	sadd.s32 $0x30, s3;
	s25 =	simm.s32 $0x7480  }
0x107: {  	[tilespmem:s25], [sflag:$0x1] =	stream.linear.gather [hbm4b:s13+s1], $0x80, $0x38;
	[tilespmem:$0x11080] =	vst v63  }
0x108: {  	s13 =	sadd.s32 $0x40, s3;
	s25 =	simm.s32 $0x7880  }
0x109: {  	[tilespmem:s25], [sflag:$0x1] =	stream.linear.gather [hbm4b:s13+s1], $0x80, $0x38;
	[tilespmem:$0x11080] =	vst v63  }
0x10a: {  	s12 =	simm.s32 $0x6900  }
0x10b: {  	[tilespmem:s12], [sflag:$0x1] =	stream.linear.gather [hbm4b:s14+s1], $0x80, $0x38;
	[tilespmem:$0x11080] =	vst v63  }
0x10c: {  	s13 =	sadd.s32 $0x10, s14;
	s25 =	simm.s32 $0x6D00  }
0x10d: {  	[tilespmem:s25], [sflag:$0x1] =	stream.linear.gather [hbm4b:s13+s1], $0x80, $0x38;
	[tilespmem:$0x11080] =	vst v63  }
0x10e: {  	s3 =	sadd.s32 $0x20, s14;
	s12 =	simm.s32 $0x7100  }
0x10f: {  	[tilespmem:s12], [sflag:$0x1] =	stream.linear.gather [hbm4b:s3+s1], $0x80, $0x38;
	[tilespmem:$0x11080] =	vst v63  }
0x110: {  	s13 =	sadd.s32 $0x30, s14;
	s25 =	simm.s32 $0x7500  }
0x111: {  	[tilespmem:s25], [sflag:$0x1] =	stream.linear.gather [hbm4b:s13+s1], $0x80, $0x38;
	[tilespmem:$0x11080] =	vst v63  }
0x112: {  	s12 =	sadd.s32 $0x40, s14;
	s13 =	simm.s32 $0x7900  }
0x113: {  	[tilespmem:s13], [sflag:$0x1] =	stream.linear.gather [hbm4b:s12+s1], $0x80, $0x38;
	[tilespmem:$0x11080] =	vst v63  }
0x114: {  	s25 =	simm.s32 $0x6980  }
0x115: {  	[tilespmem:s25], [sflag:$0x1] =	stream.linear.gather [hbm4b:s15+s1], $0x80, $0x38;
	[tilespmem:$0x11080] =	vst v63  }
0x116: {  	s3 =	sadd.s32 $0x10, s15;
	s12 =	simm.s32 $0x6D80  }
0x117: {  	[tilespmem:s12], [sflag:$0x1] =	stream.linear.gather [hbm4b:s3+s1], $0x80, $0x38;
	[tilespmem:$0x11080] =	vst v63  }
0x118: {  	s13 =	sadd.s32 $0x20, s15;
	s25 =	simm.s32 $0x7180  }
0x119: {  	[tilespmem:s25], [sflag:$0x1] =	stream.linear.gather [hbm4b:s13+s1], $0x80, $0x38;
	[tilespmem:$0x11080] =	vst v63  }
0x11a: {  	s3 =	sadd.s32 $0x30, s15;
	s12 =	simm.s32 $0x7580  }
0x11b: {  	[tilespmem:s12], [sflag:$0x1] =	stream.linear.gather [hbm4b:s3+s1], $0x80, $0x38;
	[tilespmem:$0x11080] =	vst v63  }
0x11c: {  	s13 =	sadd.s32 $0x40, s15;
	s25 =	simm.s32 $0x7980  }
0x11d: {  	[tilespmem:s25], [sflag:$0x1] =	stream.linear.gather [hbm4b:s13+s1], $0x80, $0x38;
	[tilespmem:$0x11080] =	vst v63  }
0x11e: {  	s12 =	simm.s32 $0x6A00  }
0x11f: {  	[tilespmem:s12], [sflag:$0x1] =	stream.linear.gather [hbm4b:s16+s1], $0x80, $0x38;
	[tilespmem:$0x11080] =	vst v63  }
0x120: {  	s13 =	sadd.s32 $0x10, s16;
	s25 =	simm.s32 $0x6E00  }
0x121: {  	[tilespmem:s25], [sflag:$0x1] =	stream.linear.gather [hbm4b:s13+s1], $0x80, $0x38;
	[tilespmem:$0x11080] =	vst v63  }
0x122: {  	s3 =	sadd.s32 $0x20, s16;
	s12 =	simm.s32 $0x7200  }
0x123: {  	[tilespmem:s12], [sflag:$0x1] =	stream.linear.gather [hbm4b:s3+s1], $0x80, $0x38;
	[tilespmem:$0x11080] =	vst v63  }
0x124: {  	s13 =	sadd.s32 $0x30, s16;
	s25 =	simm.s32 $0x7600  }
0x125: {  	[tilespmem:s25], [sflag:$0x1] =	stream.linear.gather [hbm4b:s13+s1], $0x80, $0x38;
	[tilespmem:$0x11080] =	vst v63  }
0x126: {  	s12 =	sadd.s32 $0x40, s16;
	s13 =	simm.s32 $0x7A00  }
0x127: {  	[tilespmem:s13], [sflag:$0x1] =	stream.linear.gather [hbm4b:s12+s1], $0x80, $0x38;
	[tilespmem:$0x11080] =	vst v63  }
0x128: {  	s25 =	simm.s32 $0x6A80  }
0x129: {  	[tilespmem:s25], [sflag:$0x1] =	stream.linear.gather [hbm4b:s17+s1], $0x80, $0x38;
	[tilespmem:$0x11080] =	vst v63  }
0x12a: {  	s3 =	sadd.s32 $0x10, s17;
	s12 =	simm.s32 $0x6E80  }
0x12b: {  	[tilespmem:s12], [sflag:$0x1] =	stream.linear.gather [hbm4b:s3+s1], $0x80, $0x38;
	[tilespmem:$0x11080] =	vst v63  }
0x12c: {  	s13 =	sadd.s32 $0x20, s17;
	s25 =	simm.s32 $0x7280  }
0x12d: {  	[tilespmem:s25], [sflag:$0x1] =	stream.linear.gather [hbm4b:s13+s1], $0x80, $0x38;
	[tilespmem:$0x11080] =	vst v63  }
0x12e: {  	s3 =	sadd.s32 $0x30, s17;
	s12 =	simm.s32 $0x7680  }
0x12f: {  	[tilespmem:s12], [sflag:$0x1] =	stream.linear.gather [hbm4b:s3+s1], $0x80, $0x38;
	[tilespmem:$0x11080] =	vst v63  }
0x130: {  	s13 =	sadd.s32 $0x40, s17;
	s25 =	simm.s32 $0x7A80  }
0x131: {  	[tilespmem:s25], [sflag:$0x1] =	stream.linear.gather [hbm4b:s13+s1], $0x80, $0x38;
	[tilespmem:$0x11080] =	vst v63  }
0x132: {  	s12 =	simm.s32 $0x6B00  }
0x133: {  	[tilespmem:s12], [sflag:$0x1] =	stream.linear.gather [hbm4b:s20+s1], $0x80, $0x38;
	[tilespmem:$0x11080] =	vst v63  }
0x134: {  	s13 =	sadd.s32 $0x10, s20;
	s25 =	simm.s32 $0x6F00  }
0x135: {  	[tilespmem:s25], [sflag:$0x1] =	stream.linear.gather [hbm4b:s13+s1], $0x80, $0x38;
	[tilespmem:$0x11080] =	vst v63  }
0x136: {  	s3 =	sadd.s32 $0x20, s20;
	s12 =	simm.s32 $0x7300  }
0x137: {  	[tilespmem:s12], [sflag:$0x1] =	stream.linear.gather [hbm4b:s3+s1], $0x80, $0x38;
	[tilespmem:$0x11080] =	vst v63  }
0x138: {  	s13 =	sadd.s32 $0x30, s20;
	s25 =	simm.s32 $0x7700  }
0x139: {  	[tilespmem:s25], [sflag:$0x1] =	stream.linear.gather [hbm4b:s13+s1], $0x80, $0x38;
	[tilespmem:$0x11080] =	vst v63  }
0x13a: {  	s12 =	sadd.s32 $0x40, s20;
	s13 =	simm.s32 $0x7B00  }
0x13b: {  	[tilespmem:s13], [sflag:$0x1] =	stream.linear.gather [hbm4b:s12+s1], $0x80, $0x38;
	[tilespmem:$0x11080] =	vst v63  }
0x13c: {  	s25 =	simm.s32 $0x6B80  }
0x13d: {  	[tilespmem:s25], [sflag:$0x1] =	stream.linear.gather [hbm4b:s21+s1], $0x80, $0x38;
	[tilespmem:$0x11080] =	vst v63  }
0x13e: {  	s3 =	sadd.s32 $0x10, s21;
	s12 =	simm.s32 $0x6F80  }
0x13f: {  	[tilespmem:s12], [sflag:$0x1] =	stream.linear.gather [hbm4b:s3+s1], $0x80, $0x38;
	[tilespmem:$0x11080] =	vst v63  }
0x140: {  	s13 =	sadd.s32 $0x20, s21;
	s25 =	simm.s32 $0x7380  }
0x141: {  	[tilespmem:s25], [sflag:$0x1] =	stream.linear.gather [hbm4b:s13+s1], $0x80, $0x38;
	[tilespmem:$0x11080] =	vst v63  }
0x142: {  	s3 =	sadd.s32 $0x30, s21;
	s12 =	simm.s32 $0x7780  }
0x143: {  	[tilespmem:s12], [sflag:$0x1] =	stream.linear.gather [hbm4b:s3+s1], $0x80, $0x38;
	[tilespmem:$0x11080] =	vst v63  }
0x144: {  	s13 =	sadd.s32 $0x40, s21;
	s25 =	simm.s32 $0x7B80  }
0x145: {  	[tilespmem:s25], [sflag:$0x1] =	stream.linear.gather [hbm4b:s13+s1], $0x80, $0x38;
	[tilespmem:$0x11080] =	vst v63  }
0x146: {  	_ =	swait.ge [sflag:s19], $0x680  }
0x147: {  	[sflag:s19] =	ssyncset.done $0x0  }
0x148: {  	[sflag:s19] =	ssyncadd.s32 $0xFFFFF980  }
0x149: {  	s12 =	simm.s32 $0x0;
	_ =	swait.ge [sflag:s19], $0x680  }
0x14a: {  	s0 =	sand.u32 $0xFFFFFC00, s12;
	s13 =	sand.u32 $0x60, s1;
	[sflag:s19] =	ssyncset.done $0x0  }
0x14b: {  	s25 =	sor.u32 s13, s0;
	[sflag:s19] =	ssyncadd.s32 $0xFFFFF980  }
0x14c: {  	v0 =	vld [tilespmem:s25+$0x0]  }
0x14d: {  	v1 =	vld [tilespmem:s25+$0x80];
	_ =	sdelay $0x1  }
0x14e: {  	s12 =	simm.s32 $0x0  }
0x14f: {  	s25 =	sand.u32 $0x3FFFFE00, s12  }
0x150: {  	s25 =	sadd.s32 $0x3400, s25;
	v0 =	vshll.u32 v0, $0x9  }
0x151: {  	s3 =	sor.u32 $0x10, s13;
	s28 =	sor.u32 s13, s25;
	v0 =	vadd.s32 v1, v0  }
0x152: {  	s0 =	sor.u32 s0, s3;
	[tilespmem:s28+$0x0] =	vst v0  }
0x153: {  	v0 =	vld [tilespmem:s0+$0x0]  }
0x154: {  	v1 =	vld [tilespmem:s0+$0x80];
	_ =	sdelay $0x2  }
0x155: {  	s29 =	simm.s32 $0x2  }
0x156: {  	s30 =	simm.s32 $0x20;
	s13 =	simm.s32 $0x100;
	s28 =	simm.s32 $0x1;
	v0 =	vshll.u32 v0, $0x9  }
0x157: {  	s0 =	sor.u32 s3, s25;
	s25 =	sand.u32 $0x60, s30;
	s3 =	sand.u32 $0xFFFFFC00, s13;
	v0 =	vadd.s32 v1, v0  }
.LBB2_2:
0x158: {  	p0 =	sne.s32 s29, $0x33  }
0x159: {  	s12 =	sor.u32 s25, s3;
	[tilespmem:s0+$0x0] =	vst v0;
	s0 =	smov.u32 s29;
	s29 =	sadd.s32 $0x1, s29  }
0x15a: {  	v0 =	vld [tilespmem:s12+$0x0]  }
0x15b: {  	v1 =	vld [tilespmem:s12+$0x80];
	_ =	sdelay $0x1  }
0x15c: {  	s12 =	sshll.u32 s28, $0x7;
	s28 =	smov.u32 s0  }
0x15d: {  	s0 =	sand.u32 $0x3FFFFE00, s12  }
0x15e: {  	s0 =	sadd.s32 $0x3400, s0;
	v0 =	vshll.u32 v0, $0x9  }
0x15f: {  	s13 =	sor.u32 $0x10, s25;
	s12 =	sor.u32 s25, s0;
	v0 =	vadd.s32 v1, v0  }
0x160: {  	s3 =	sor.u32 s3, s13;
	[tilespmem:s12+$0x0] =	vst v0  }
0x161: {  	v0 =	vld [tilespmem:s3+$0x0]  }
0x162: {  	v1 =	vld [tilespmem:s3+$0x80]  }
.Ltmp0:
0x163: {  	(pc) =	sbr.rel @p0 .LBB2_2-.Ltmp0, $3  }
0x164: {  	_ =	sdelay $0x1  }
0x165: {  	s30 =	sadd.s32 $0x20, s30;
	s3 =	sshll.u32 s28, $0x8;
	v0 =	vshll.u32 v0, $0x9  }
0x166: {  	s25 =	sand.u32 $0x60, s30;
	s0 =	sor.u32 s13, s0;
	s3 =	sand.u32 $0xFFFFFC00, s3;
	v0 =	vadd.s32 v1, v0  }
0x167: {  	s12 =	sor.u32 s25, s3;
	[tilespmem:s0+$0x0] =	vst v0  }
0x168: {  	v0 =	vld [tilespmem:s12+$0x0]  }
0x169: {  	v1 =	vld [tilespmem:s12+$0x80];
	_ =	sdelay $0x1  }
0x16a: {  	s13 =	sshll.u32 s28, $0x7  }
0x16b: {  	s0 =	sand.u32 $0x3FFFFE00, s13  }
0x16c: {  	s0 =	sadd.s32 $0x3400, s0;
	v0 =	vshll.u32 v0, $0x9  }
0x16d: {  	s13 =	sor.u32 $0x10, s25;
	s12 =	sor.u32 s25, s0;
	v0 =	vadd.s32 v1, v0  }
0x16e: {  	s25 =	sor.u32 s3, s13;
	[tilespmem:s12+$0x0] =	vst v0  }
0x16f: {  	v0 =	vld [tilespmem:s25+$0x0]  }
0x170: {  	v1 =	vld [tilespmem:s25+$0x80];
	_ =	sdelay $0x3  }
0x171: {  	v0 =	vshll.u32 v0, $0x9  }
0x172: {  	s0 =	sor.u32 s13, s0;
	v0 =	vadd.s32 v1, v0  }
0x173: {  	s12 =	simm.s32 $0x3;
	[tilespmem:s0+$0x0] =	vst v0  }
0x174: {  	_ =	swait.ge [sflag:s12], $0x800  }
0x175: {  	[sflag:s12] =	ssyncset.done $0x0  }
0x176: {  	[sflag:s12] =	ssyncadd.s32 $0xFFFFF800  }
0x177: {  	_ =	swait.ge [sflag:s12], $0x800  }
0x178: {  	[sflag:s12] =	ssyncset.done $0x0  }
0x179: {  	[sflag:s12] =	ssyncadd.s32 $0xFFFFF800  }
0x17a: {  	s13 =	simm.s32 $0x3400;
	s25 =	simm.s32 $0x4E00;
	[bflag:$0x0] =	sbarrier.arrive $0xFFFF  }
0x17b: {  	[tilespmem:s25], [sflag:$0x2] =	stream.indirect.gather [spmem:s18], $0x1, s13, s31, $0xb8;
	[tilespmem:$0x11080] =	vst v63  }
0x17c: {  	s3 =	simm.s32 $0x3600;
	s12 =	simm.s32 $0x5000  }
0x17d: {  	[tilespmem:s12], [sflag:$0x2] =	stream.indirect.gather [spmem:s18], $0x1, s3, s31, $0xb8;
	[tilespmem:$0x11080] =	vst v63  }
0x17e: {  	s13 =	simm.s32 $0x3800;
	s25 =	simm.s32 $0x5200  }
0x17f: {  	[tilespmem:s25], [sflag:$0x2] =	stream.indirect.gather [spmem:s18], $0x1, s13, s31, $0xb8;
	[tilespmem:$0x11080] =	vst v63  }
0x180: {  	s3 =	simm.s32 $0x3A00;
	s12 =	simm.s32 $0x5400  }
0x181: {  	[tilespmem:s12], [sflag:$0x2] =	stream.indirect.gather [spmem:s18], $0x1, s3, s31, $0xb8;
	[tilespmem:$0x11080] =	vst v63  }
0x182: {  	s13 =	simm.s32 $0x3C00;
	s25 =	simm.s32 $0x5600  }
0x183: {  	[tilespmem:s25], [sflag:$0x2] =	stream.indirect.gather [spmem:s18], $0x1, s13, s31, $0xb8;
	[tilespmem:$0x11080] =	vst v63  }
0x184: {  	s3 =	simm.s32 $0x3E00;
	s12 =	simm.s32 $0x5800  }
0x185: {  	[tilespmem:s12], [sflag:$0x2] =	stream.indirect.gather [spmem:s18], $0x1, s3, s31, $0xb8;
	[tilespmem:$0x11080] =	vst v63  }
0x186: {  	s13 =	simm.s32 $0x4000;
	s25 =	simm.s32 $0x5A00  }
0x187: {  	[tilespmem:s25], [sflag:$0x2] =	stream.indirect.gather [spmem:s18], $0x1, s13, s31, $0xb8;
	[tilespmem:$0x11080] =	vst v63  }
0x188: {  	s3 =	simm.s32 $0x4200;
	s12 =	simm.s32 $0x5C00  }
0x189: {  	[tilespmem:s12], [sflag:$0x2] =	stream.indirect.gather [spmem:s18], $0x1, s3, s31, $0xb8;
	[tilespmem:$0x11080] =	vst v63  }
0x18a: {  	s13 =	simm.s32 $0x4400;
	s25 =	simm.s32 $0x5E00  }
0x18b: {  	[tilespmem:s25], [sflag:$0x2] =	stream.indirect.gather [spmem:s18], $0x1, s13, s31, $0xb8;
	[tilespmem:$0x11080] =	vst v63  }
0x18c: {  	s3 =	simm.s32 $0x4600;
	s12 =	simm.s32 $0x6000  }
0x18d: {  	[tilespmem:s12], [sflag:$0x2] =	stream.indirect.gather [spmem:s18], $0x1, s3, s31, $0xb8;
	[tilespmem:$0x11080] =	vst v63  }
0x18e: {  	s13 =	simm.s32 $0x4800;
	s25 =	simm.s32 $0x6200  }
0x18f: {  	[tilespmem:s25], [sflag:$0x2] =	stream.indirect.gather [spmem:s18], $0x1, s13, s31, $0xb8;
	[tilespmem:$0x11080] =	vst v63  }
0x190: {  	s3 =	simm.s32 $0x4A00;
	s12 =	simm.s32 $0x6400  }
0x191: {  	[tilespmem:s12], [sflag:$0x2] =	stream.indirect.gather [spmem:s18], $0x1, s3, s31, $0xb8;
	[tilespmem:$0x11080] =	vst v63  }
0x192: {  	s13 =	simm.s32 $0x4C00;
	s25 =	simm.s32 $0x6600  }
0x193: {  	[tilespmem:s25], [sflag:$0x2] =	stream.indirect.gather [spmem:s18], $0x1, s13, s31, $0xb8;
	[tilespmem:$0x11080] =	vst v63  }
0x194: {  	_ =	swait.ge [sflag:s19], $0x680  }
0x195: {  	[sflag:s19] =	ssyncset.done $0x0  }
0x196: {  	[sflag:s19] =	ssyncadd.s32 $0xFFFFF980  }
0x197: {  	s12 =	simm.s32 $0x0;
	s13 =	simm.s32 $0x0;
	_ =	swait.ge [sflag:s19], $0x680  }
0x198: {  	s0 =	sand.u32 $0x60, s12;
	s3 =	sand.u32 $0xFFFFFC00, s13;
	[sflag:s19] =	ssyncset.done $0x0  }
0x199: {  	s25 =	sor.u32 s0, s3;
	[sflag:s19] =	ssyncadd.s32 $0xFFFFF980  }
0x19a: {  	v0 =	vld [tilespmem:s25+$0x100]  }
0x19b: {  	v1 =	vld [tilespmem:s25+$0x180];
	_ =	sdelay $0x1  }
0x19c: {  	s13 =	simm.s32 $0x0  }
0x19d: {  	s12 =	sand.u32 $0x3FFFFE00, s13  }
0x19e: {  	s12 =	sadd.s32 $0x3480, s12;
	v0 =	vshll.u32 v0, $0x9  }
0x19f: {  	s25 =	sor.u32 s0, s12;
	s0 =	sor.u32 $0x10, s0;
	v0 =	vadd.s32 v1, v0  }
0x1a0: {  	s3 =	sor.u32 s3, s0;
	[tilespmem:s25+$0x0] =	vst v0  }
0x1a1: {  	v0 =	vld [tilespmem:s3+$0x100]  }
0x1a2: {  	v1 =	vld [tilespmem:s3+$0x180];
	_ =	sdelay $0x2  }
0x1a3: {  	s28 =	simm.s32 $0x1  }
0x1a4: {  	s29 =	simm.s32 $0x2;
	s30 =	simm.s32 $0x20;
	s13 =	simm.s32 $0x100;
	v0 =	vshll.u32 v0, $0x9  }
0x1a5: {  	s0 =	sor.u32 s0, s12;
	s25 =	sand.u32 $0x60, s30;
	s3 =	sand.u32 $0xFFFFFC00, s13;
	v0 =	vadd.s32 v1, v0  }
.LBB2_4:
0x1a6: {  	p0 =	sne.s32 s29, $0x33  }
0x1a7: {  	s12 =	sor.u32 s25, s3;
	[tilespmem:s0+$0x0] =	vst v0;
	s0 =	smov.u32 s29;
	s29 =	sadd.s32 $0x1, s29  }
0x1a8: {  	v0 =	vld [tilespmem:s12+$0x100]  }
0x1a9: {  	v1 =	vld [tilespmem:s12+$0x180];
	_ =	sdelay $0x1  }
0x1aa: {  	s12 =	sshll.u32 s28, $0x7;
	s28 =	smov.u32 s0  }
0x1ab: {  	s0 =	sand.u32 $0x3FFFFE00, s12  }
0x1ac: {  	s0 =	sadd.s32 $0x3480, s0;
	v0 =	vshll.u32 v0, $0x9  }
0x1ad: {  	s13 =	sor.u32 $0x10, s25;
	s12 =	sor.u32 s25, s0;
	v0 =	vadd.s32 v1, v0  }
0x1ae: {  	s3 =	sor.u32 s3, s13;
	[tilespmem:s12+$0x0] =	vst v0  }
0x1af: {  	v0 =	vld [tilespmem:s3+$0x100]  }
0x1b0: {  	v1 =	vld [tilespmem:s3+$0x180]  }
.Ltmp1:
0x1b1: {  	(pc) =	sbr.rel @p0 .LBB2_4-.Ltmp1, $3  }
0x1b2: {  	_ =	sdelay $0x1  }
0x1b3: {  	s30 =	sadd.s32 $0x20, s30;
	s3 =	sshll.u32 s28, $0x8;
	v0 =	vshll.u32 v0, $0x9  }
0x1b4: {  	s25 =	sand.u32 $0x60, s30;
	s0 =	sor.u32 s13, s0;
	s3 =	sand.u32 $0xFFFFFC00, s3;
	v0 =	vadd.s32 v1, v0  }
0x1b5: {  	s12 =	sor.u32 s25, s3;
	[tilespmem:s0+$0x0] =	vst v0  }
0x1b6: {  	v0 =	vld [tilespmem:s12+$0x100]  }
0x1b7: {  	v1 =	vld [tilespmem:s12+$0x180];
	_ =	sdelay $0x1  }
0x1b8: {  	s13 =	sshll.u32 s28, $0x7  }
0x1b9: {  	s0 =	sand.u32 $0x3FFFFE00, s13  }
0x1ba: {  	s0 =	sadd.s32 $0x3480, s0;
	v0 =	vshll.u32 v0, $0x9  }
0x1bb: {  	s13 =	sor.u32 $0x10, s25;
	s12 =	sor.u32 s25, s0;
	v0 =	vadd.s32 v1, v0  }
0x1bc: {  	[tilespmem:s12+$0x0] =	vst v0;
	s12 =	sor.u32 s3, s13  }
0x1bd: {  	v0 =	vld [tilespmem:s12+$0x100]  }
0x1be: {  	v1 =	vld [tilespmem:s12+$0x180];
	_ =	sdelay $0x3  }
0x1bf: {  	v0 =	vshll.u32 v0, $0x9  }
0x1c0: {  	s0 =	sor.u32 s13, s0;
	v0 =	vadd.s32 v1, v0  }
0x1c1: {  	s25 =	simm.s32 $0x4E80;
	s13 =	simm.s32 $0x3480;
	[tilespmem:s0+$0x0] =	vst v0  }
0x1c2: {  	[tilespmem:s25], [sflag:$0x2] =	stream.indirect.gather [spmem:s22], $0x1, s13, s31, $0xb8;
	[tilespmem:$0x11080] =	vst v63  }
0x1c3: {  	s3 =	simm.s32 $0x3680;
	s12 =	simm.s32 $0x5080  }
0x1c4: {  	[tilespmem:s12], [sflag:$0x2] =	stream.indirect.gather [spmem:s22], $0x1, s3, s31, $0xb8;
	[tilespmem:$0x11080] =	vst v63  }
0x1c5: {  	s13 =	simm.s32 $0x3880;
	s25 =	simm.s32 $0x5280  }
0x1c6: {  	[tilespmem:s25], [sflag:$0x2] =	stream.indirect.gather [spmem:s22], $0x1, s13, s31, $0xb8;
	[tilespmem:$0x11080] =	vst v63  }
0x1c7: {  	s3 =	simm.s32 $0x3A80;
	s12 =	simm.s32 $0x5480  }
0x1c8: {  	[tilespmem:s12], [sflag:$0x2] =	stream.indirect.gather [spmem:s22], $0x1, s3, s31, $0xb8;
	[tilespmem:$0x11080] =	vst v63  }
0x1c9: {  	s13 =	simm.s32 $0x3C80;
	s25 =	simm.s32 $0x5680  }
0x1ca: {  	[tilespmem:s25], [sflag:$0x2] =	stream.indirect.gather [spmem:s22], $0x1, s13, s31, $0xb8;
	[tilespmem:$0x11080] =	vst v63  }
0x1cb: {  	s3 =	simm.s32 $0x3E80;
	s12 =	simm.s32 $0x5880  }
0x1cc: {  	[tilespmem:s12], [sflag:$0x2] =	stream.indirect.gather [spmem:s22], $0x1, s3, s31, $0xb8;
	[tilespmem:$0x11080] =	vst v63  }
0x1cd: {  	s13 =	simm.s32 $0x4080;
	s25 =	simm.s32 $0x5A80  }
0x1ce: {  	[tilespmem:s25], [sflag:$0x2] =	stream.indirect.gather [spmem:s22], $0x1, s13, s31, $0xb8;
	[tilespmem:$0x11080] =	vst v63  }
0x1cf: {  	s3 =	simm.s32 $0x4280;
	s12 =	simm.s32 $0x5C80  }
0x1d0: {  	[tilespmem:s12], [sflag:$0x2] =	stream.indirect.gather [spmem:s22], $0x1, s3, s31, $0xb8;
	[tilespmem:$0x11080] =	vst v63  }
0x1d1: {  	s13 =	simm.s32 $0x4480;
	s25 =	simm.s32 $0x5E80  }
0x1d2: {  	[tilespmem:s25], [sflag:$0x2] =	stream.indirect.gather [spmem:s22], $0x1, s13, s31, $0xb8;
	[tilespmem:$0x11080] =	vst v63  }
0x1d3: {  	s3 =	simm.s32 $0x4680;
	s12 =	simm.s32 $0x6080  }
0x1d4: {  	[tilespmem:s12], [sflag:$0x2] =	stream.indirect.gather [spmem:s22], $0x1, s3, s31, $0xb8;
	[tilespmem:$0x11080] =	vst v63  }
0x1d5: {  	s13 =	simm.s32 $0x4880;
	s25 =	simm.s32 $0x6280  }
0x1d6: {  	[tilespmem:s25], [sflag:$0x2] =	stream.indirect.gather [spmem:s22], $0x1, s13, s31, $0xb8;
	[tilespmem:$0x11080] =	vst v63  }
0x1d7: {  	s3 =	simm.s32 $0x4A80;
	s12 =	simm.s32 $0x6480  }
0x1d8: {  	[tilespmem:s12], [sflag:$0x2] =	stream.indirect.gather [spmem:s22], $0x1, s3, s31, $0xb8;
	[tilespmem:$0x11080] =	vst v63  }
0x1d9: {  	s13 =	simm.s32 $0x4C80;
	s25 =	simm.s32 $0x6680  }
0x1da: {  	[tilespmem:s25], [sflag:$0x2] =	stream.indirect.gather [spmem:s22], $0x1, s13, s31, $0xb8;
	[tilespmem:$0x11080] =	vst v63  }
0x1db: {  	_ =	swait.ge [sflag:s19], $0x680  }
0x1dc: {  	[sflag:s19] =	ssyncset.done $0x0  }
0x1dd: {  	[sflag:s19] =	ssyncadd.s32 $0xFFFFF980  }
0x1de: {  	s12 =	simm.s32 $0x0;
	s13 =	simm.s32 $0x0;
	_ =	swait.ge [sflag:s19], $0x680  }
0x1df: {  	s0 =	sand.u32 $0x60, s12;
	s3 =	sand.u32 $0xFFFFFC00, s13;
	[sflag:s19] =	ssyncset.done $0x0  }
0x1e0: {  	s25 =	sor.u32 s0, s3;
	[sflag:s19] =	ssyncadd.s32 $0xFFFFF980  }
0x1e1: {  	v0 =	vld [tilespmem:s25+$0x200]  }
0x1e2: {  	v1 =	vld [tilespmem:s25+$0x280];
	_ =	sdelay $0x1  }
0x1e3: {  	s13 =	simm.s32 $0x0  }
0x1e4: {  	s12 =	sand.u32 $0x3FFFFE00, s13  }
0x1e5: {  	s12 =	sadd.s32 $0x3500, s12;
	v0 =	vshll.u32 v0, $0x9  }
0x1e6: {  	s25 =	sor.u32 s0, s12;
	s0 =	sor.u32 $0x10, s0;
	v0 =	vadd.s32 v1, v0  }
0x1e7: {  	s3 =	sor.u32 s3, s0;
	[tilespmem:s25+$0x0] =	vst v0  }
0x1e8: {  	v0 =	vld [tilespmem:s3+$0x200]  }
0x1e9: {  	v1 =	vld [tilespmem:s3+$0x280];
	_ =	sdelay $0x2  }
0x1ea: {  	s28 =	simm.s32 $0x1  }
0x1eb: {  	s29 =	simm.s32 $0x2;
	s30 =	simm.s32 $0x20;
	s13 =	simm.s32 $0x100;
	v0 =	vshll.u32 v0, $0x9  }
0x1ec: {  	s0 =	sor.u32 s0, s12;
	s25 =	sand.u32 $0x60, s30;
	s3 =	sand.u32 $0xFFFFFC00, s13;
	v0 =	vadd.s32 v1, v0  }
.LBB2_6:
0x1ed: {  	p0 =	sne.s32 s29, $0x33  }
0x1ee: {  	s12 =	sor.u32 s25, s3;
	[tilespmem:s0+$0x0] =	vst v0;
	s0 =	smov.u32 s29;
	s29 =	sadd.s32 $0x1, s29  }
0x1ef: {  	v0 =	vld [tilespmem:s12+$0x200]  }
0x1f0: {  	v1 =	vld [tilespmem:s12+$0x280];
	_ =	sdelay $0x1  }
0x1f1: {  	s12 =	sshll.u32 s28, $0x7;
	s28 =	smov.u32 s0  }
0x1f2: {  	s0 =	sand.u32 $0x3FFFFE00, s12  }
0x1f3: {  	s0 =	sadd.s32 $0x3500, s0;
	v0 =	vshll.u32 v0, $0x9  }
0x1f4: {  	s13 =	sor.u32 $0x10, s25;
	s12 =	sor.u32 s25, s0;
	v0 =	vadd.s32 v1, v0  }
0x1f5: {  	s3 =	sor.u32 s3, s13;
	[tilespmem:s12+$0x0] =	vst v0  }
0x1f6: {  	v0 =	vld [tilespmem:s3+$0x200]  }
0x1f7: {  	v1 =	vld [tilespmem:s3+$0x280]  }
.Ltmp2:
0x1f8: {  	(pc) =	sbr.rel @p0 .LBB2_6-.Ltmp2, $3  }
0x1f9: {  	_ =	sdelay $0x1  }
0x1fa: {  	s30 =	sadd.s32 $0x20, s30;
	s3 =	sshll.u32 s28, $0x8;
	v0 =	vshll.u32 v0, $0x9  }
0x1fb: {  	s25 =	sand.u32 $0x60, s30;
	s0 =	sor.u32 s13, s0;
	s3 =	sand.u32 $0xFFFFFC00, s3;
	v0 =	vadd.s32 v1, v0  }
0x1fc: {  	s12 =	sor.u32 s25, s3;
	[tilespmem:s0+$0x0] =	vst v0  }
0x1fd: {  	v0 =	vld [tilespmem:s12+$0x200]  }
0x1fe: {  	v1 =	vld [tilespmem:s12+$0x280];
	_ =	sdelay $0x1  }
0x1ff: {  	s13 =	sshll.u32 s28, $0x7  }
0x200: {  	s0 =	sand.u32 $0x3FFFFE00, s13  }
0x201: {  	s0 =	sadd.s32 $0x3500, s0;
	v0 =	vshll.u32 v0, $0x9  }
0x202: {  	s13 =	sor.u32 $0x10, s25;
	s12 =	sor.u32 s25, s0;
	v0 =	vadd.s32 v1, v0  }
0x203: {  	[tilespmem:s12+$0x0] =	vst v0;
	s12 =	sor.u32 s3, s13  }
0x204: {  	v0 =	vld [tilespmem:s12+$0x200]  }
0x205: {  	v1 =	vld [tilespmem:s12+$0x280];
	_ =	sdelay $0x3  }
0x206: {  	v0 =	vshll.u32 v0, $0x9  }
0x207: {  	s0 =	sor.u32 s13, s0;
	v0 =	vadd.s32 v1, v0  }
0x208: {  	s25 =	simm.s32 $0x4F00;
	s13 =	simm.s32 $0x3500;
	[tilespmem:s0+$0x0] =	vst v0  }
0x209: {  	[tilespmem:s25], [sflag:$0x2] =	stream.indirect.gather [spmem:s18], $0x1, s13, s31, $0xb8;
	[tilespmem:$0x11080] =	vst v63  }
0x20a: {  	s3 =	simm.s32 $0x3700;
	s12 =	simm.s32 $0x5100  }
0x20b: {  	[tilespmem:s12], [sflag:$0x2] =	stream.indirect.gather [spmem:s18], $0x1, s3, s31, $0xb8;
	[tilespmem:$0x11080] =	vst v63  }
0x20c: {  	s13 =	simm.s32 $0x3900;
	s25 =	simm.s32 $0x5300  }
0x20d: {  	[tilespmem:s25], [sflag:$0x2] =	stream.indirect.gather [spmem:s18], $0x1, s13, s31, $0xb8;
	[tilespmem:$0x11080] =	vst v63  }
0x20e: {  	s3 =	simm.s32 $0x3B00;
	s12 =	simm.s32 $0x5500  }
0x20f: {  	[tilespmem:s12], [sflag:$0x2] =	stream.indirect.gather [spmem:s18], $0x1, s3, s31, $0xb8;
	[tilespmem:$0x11080] =	vst v63  }
0x210: {  	s13 =	simm.s32 $0x3D00;
	s25 =	simm.s32 $0x5700  }
0x211: {  	[tilespmem:s25], [sflag:$0x2] =	stream.indirect.gather [spmem:s18], $0x1, s13, s31, $0xb8;
	[tilespmem:$0x11080] =	vst v63  }
0x212: {  	s3 =	simm.s32 $0x3F00;
	s12 =	simm.s32 $0x5900  }
0x213: {  	[tilespmem:s12], [sflag:$0x2] =	stream.indirect.gather [spmem:s18], $0x1, s3, s31, $0xb8;
	[tilespmem:$0x11080] =	vst v63  }
0x214: {  	s13 =	simm.s32 $0x4100;
	s25 =	simm.s32 $0x5B00  }
0x215: {  	[tilespmem:s25], [sflag:$0x2] =	stream.indirect.gather [spmem:s18], $0x1, s13, s31, $0xb8;
	[tilespmem:$0x11080] =	vst v63  }
0x216: {  	s3 =	simm.s32 $0x4300;
	s12 =	simm.s32 $0x5D00  }
0x217: {  	[tilespmem:s12], [sflag:$0x2] =	stream.indirect.gather [spmem:s18], $0x1, s3, s31, $0xb8;
	[tilespmem:$0x11080] =	vst v63  }
0x218: {  	s13 =	simm.s32 $0x4500;
	s25 =	simm.s32 $0x5F00  }
0x219: {  	[tilespmem:s25], [sflag:$0x2] =	stream.indirect.gather [spmem:s18], $0x1, s13, s31, $0xb8;
	[tilespmem:$0x11080] =	vst v63  }
0x21a: {  	s3 =	simm.s32 $0x4700;
	s12 =	simm.s32 $0x6100  }
0x21b: {  	[tilespmem:s12], [sflag:$0x2] =	stream.indirect.gather [spmem:s18], $0x1, s3, s31, $0xb8;
	[tilespmem:$0x11080] =	vst v63  }
0x21c: {  	s13 =	simm.s32 $0x4900;
	s25 =	simm.s32 $0x6300  }
0x21d: {  	[tilespmem:s25], [sflag:$0x2] =	stream.indirect.gather [spmem:s18], $0x1, s13, s31, $0xb8;
	[tilespmem:$0x11080] =	vst v63  }
0x21e: {  	s3 =	simm.s32 $0x4B00;
	s12 =	simm.s32 $0x6500  }
0x21f: {  	[tilespmem:s12], [sflag:$0x2] =	stream.indirect.gather [spmem:s18], $0x1, s3, s31, $0xb8;
	[tilespmem:$0x11080] =	vst v63  }
0x220: {  	s13 =	simm.s32 $0x4D00;
	s25 =	simm.s32 $0x6700  }
0x221: {  	[tilespmem:s25], [sflag:$0x2] =	stream.indirect.gather [spmem:s18], $0x1, s13, s31, $0xb8;
	[tilespmem:$0x11080] =	vst v63  }
0x222: {  	_ =	swait.ge [sflag:s19], $0x680  }
0x223: {  	[sflag:s19] =	ssyncset.done $0x0  }
0x224: {  	[sflag:s19] =	ssyncadd.s32 $0xFFFFF980  }
0x225: {  	s12 =	simm.s32 $0x0;
	s13 =	simm.s32 $0x0;
	_ =	swait.ge [sflag:s19], $0x680  }
0x226: {  	s0 =	sand.u32 $0x60, s12;
	s3 =	sand.u32 $0xFFFFFC00, s13;
	[sflag:s19] =	ssyncset.done $0x0  }
0x227: {  	s25 =	sor.u32 s0, s3;
	[sflag:s19] =	ssyncadd.s32 $0xFFFFF980  }
0x228: {  	v0 =	vld [tilespmem:s25+$0x300]  }
0x229: {  	v1 =	vld [tilespmem:s25+$0x380];
	_ =	sdelay $0x1  }
0x22a: {  	s13 =	simm.s32 $0x0  }
0x22b: {  	s12 =	sand.u32 $0x3FFFFE00, s13  }
0x22c: {  	s12 =	sadd.s32 $0x3580, s12;
	v0 =	vshll.u32 v0, $0x9  }
0x22d: {  	s25 =	sor.u32 s0, s12;
	s0 =	sor.u32 $0x10, s0;
	v0 =	vadd.s32 v1, v0  }
0x22e: {  	s3 =	sor.u32 s3, s0;
	[tilespmem:s25+$0x0] =	vst v0  }
0x22f: {  	v0 =	vld [tilespmem:s3+$0x300]  }
0x230: {  	v1 =	vld [tilespmem:s3+$0x380];
	_ =	sdelay $0x2  }
0x231: {  	s28 =	simm.s32 $0x1  }
0x232: {  	s29 =	simm.s32 $0x2;
	s30 =	simm.s32 $0x20;
	s13 =	simm.s32 $0x100;
	v0 =	vshll.u32 v0, $0x9  }
0x233: {  	s0 =	sor.u32 s0, s12;
	s25 =	sand.u32 $0x60, s30;
	s3 =	sand.u32 $0xFFFFFC00, s13;
	v0 =	vadd.s32 v1, v0  }
.LBB2_8:
0x234: {  	p0 =	sne.s32 s29, $0x33  }
0x235: {  	s12 =	sor.u32 s25, s3;
	[tilespmem:s0+$0x0] =	vst v0;
	s0 =	smov.u32 s29;
	s29 =	sadd.s32 $0x1, s29  }
0x236: {  	v0 =	vld [tilespmem:s12+$0x300]  }
0x237: {  	v1 =	vld [tilespmem:s12+$0x380];
	_ =	sdelay $0x1  }
0x238: {  	s12 =	sshll.u32 s28, $0x7;
	s28 =	smov.u32 s0  }
0x239: {  	s0 =	sand.u32 $0x3FFFFE00, s12  }
0x23a: {  	s0 =	sadd.s32 $0x3580, s0;
	v0 =	vshll.u32 v0, $0x9  }
0x23b: {  	s13 =	sor.u32 $0x10, s25;
	s12 =	sor.u32 s25, s0;
	v0 =	vadd.s32 v1, v0  }
0x23c: {  	s3 =	sor.u32 s3, s13;
	[tilespmem:s12+$0x0] =	vst v0  }
0x23d: {  	v0 =	vld [tilespmem:s3+$0x300]  }
0x23e: {  	v1 =	vld [tilespmem:s3+$0x380]  }
.Ltmp3:
0x23f: {  	(pc) =	sbr.rel @p0 .LBB2_8-.Ltmp3, $3  }
0x240: {  	_ =	sdelay $0x1  }
0x241: {  	s30 =	sadd.s32 $0x20, s30;
	s3 =	sshll.u32 s28, $0x8;
	v0 =	vshll.u32 v0, $0x9  }
0x242: {  	s25 =	sand.u32 $0x60, s30;
	s0 =	sor.u32 s13, s0;
	s3 =	sand.u32 $0xFFFFFC00, s3;
	v0 =	vadd.s32 v1, v0  }
0x243: {  	s12 =	sor.u32 s25, s3;
	[tilespmem:s0+$0x0] =	vst v0  }
0x244: {  	v0 =	vld [tilespmem:s12+$0x300]  }
0x245: {  	v1 =	vld [tilespmem:s12+$0x380];
	_ =	sdelay $0x1  }
0x246: {  	s13 =	sshll.u32 s28, $0x7  }
0x247: {  	s0 =	sand.u32 $0x3FFFFE00, s13  }
0x248: {  	s0 =	sadd.s32 $0x3580, s0;
	v0 =	vshll.u32 v0, $0x9  }
0x249: {  	s13 =	sor.u32 $0x10, s25;
	s12 =	sor.u32 s25, s0;
	v0 =	vadd.s32 v1, v0  }
0x24a: {  	[tilespmem:s12+$0x0] =	vst v0;
	s12 =	sor.u32 s3, s13  }
0x24b: {  	v0 =	vld [tilespmem:s12+$0x300]  }
0x24c: {  	v1 =	vld [tilespmem:s12+$0x380];
	_ =	sdelay $0x3  }
0x24d: {  	v0 =	vshll.u32 v0, $0x9  }
0x24e: {  	s0 =	sor.u32 s13, s0;
	v0 =	vadd.s32 v1, v0  }
0x24f: {  	s25 =	simm.s32 $0x4F80;
	s13 =	simm.s32 $0x3580;
	[tilespmem:s0+$0x0] =	vst v0  }
0x250: {  	[tilespmem:s25], [sflag:$0x2] =	stream.indirect.gather [spmem:s22], $0x1, s13, s31, $0xb8;
	[tilespmem:$0x11080] =	vst v63  }
0x251: {  	s3 =	simm.s32 $0x3780;
	s12 =	simm.s32 $0x5180  }
0x252: {  	[tilespmem:s12], [sflag:$0x2] =	stream.indirect.gather [spmem:s22], $0x1, s3, s31, $0xb8;
	[tilespmem:$0x11080] =	vst v63  }
0x253: {  	s13 =	simm.s32 $0x3980;
	s25 =	simm.s32 $0x5380  }
0x254: {  	[tilespmem:s25], [sflag:$0x2] =	stream.indirect.gather [spmem:s22], $0x1, s13, s31, $0xb8;
	[tilespmem:$0x11080] =	vst v63  }
0x255: {  	s3 =	simm.s32 $0x3B80;
	s12 =	simm.s32 $0x5580  }
0x256: {  	[tilespmem:s12], [sflag:$0x2] =	stream.indirect.gather [spmem:s22], $0x1, s3, s31, $0xb8;
	[tilespmem:$0x11080] =	vst v63  }
0x257: {  	s13 =	simm.s32 $0x3D80;
	s25 =	simm.s32 $0x5780  }
0x258: {  	[tilespmem:s25], [sflag:$0x2] =	stream.indirect.gather [spmem:s22], $0x1, s13, s31, $0xb8;
	[tilespmem:$0x11080] =	vst v63  }
0x259: {  	s3 =	simm.s32 $0x3F80;
	s12 =	simm.s32 $0x5980  }
0x25a: {  	[tilespmem:s12], [sflag:$0x2] =	stream.indirect.gather [spmem:s22], $0x1, s3, s31, $0xb8;
	[tilespmem:$0x11080] =	vst v63  }
0x25b: {  	s13 =	simm.s32 $0x4180;
	s25 =	simm.s32 $0x5B80  }
0x25c: {  	[tilespmem:s25], [sflag:$0x2] =	stream.indirect.gather [spmem:s22], $0x1, s13, s31, $0xb8;
	[tilespmem:$0x11080] =	vst v63  }
0x25d: {  	s3 =	simm.s32 $0x4380;
	s12 =	simm.s32 $0x5D80  }
0x25e: {  	[tilespmem:s12], [sflag:$0x2] =	stream.indirect.gather [spmem:s22], $0x1, s3, s31, $0xb8;
	[tilespmem:$0x11080] =	vst v63  }
0x25f: {  	s13 =	simm.s32 $0x4580;
	s25 =	simm.s32 $0x5F80  }
0x260: {  	[tilespmem:s25], [sflag:$0x2] =	stream.indirect.gather [spmem:s22], $0x1, s13, s31, $0xb8;
	[tilespmem:$0x11080] =	vst v63  }
0x261: {  	s3 =	simm.s32 $0x4780;
	s12 =	simm.s32 $0x6180  }
0x262: {  	[tilespmem:s12], [sflag:$0x2] =	stream.indirect.gather [spmem:s22], $0x1, s3, s31, $0xb8;
	[tilespmem:$0x11080] =	vst v63  }
0x263: {  	s13 =	simm.s32 $0x4980;
	s25 =	simm.s32 $0x6380  }
0x264: {  	[tilespmem:s25], [sflag:$0x2] =	stream.indirect.gather [spmem:s22], $0x1, s13, s31, $0xb8;
	[tilespmem:$0x11080] =	vst v63  }
0x265: {  	s3 =	simm.s32 $0x4B80;
	s12 =	simm.s32 $0x6580  }
0x266: {  	[tilespmem:s12], [sflag:$0x2] =	stream.indirect.gather [spmem:s22], $0x1, s3, s31, $0xb8;
	[tilespmem:$0x11080] =	vst v63  }
0x267: {  	s13 =	simm.s32 $0x4D80;
	s25 =	simm.s32 $0x6780  }
0x268: {  	[tilespmem:s25], [sflag:$0x2] =	stream.indirect.gather [spmem:s22], $0x1, s13, s31, $0xb8;
	[tilespmem:$0x11080] =	vst v63  }
0x269: {  	_ =	swait.ge [sflag:s19], $0x280  }
0x26a: {  	[sflag:s19] =	ssyncset.done $0x0  }
0x26b: {  	[sflag:s19] =	ssyncadd.s32 $0xFFFFFD80  }
0x26c: {  	s12 =	simm.s32 $0x0;
	s13 =	simm.s32 $0x0;
	_ =	swait.ge [sflag:s19], $0x280  }
0x26d: {  	s0 =	sand.u32 $0x60, s12;
	s3 =	sand.u32 $0xFFFFFC00, s13;
	[sflag:s19] =	ssyncset.done $0x0  }
0x26e: {  	s25 =	sor.u32 s0, s3;
	[sflag:s19] =	ssyncadd.s32 $0xFFFFFD80  }
0x26f: {  	v0 =	vld [tilespmem:s25+$0x6800]  }
0x270: {  	v1 =	vld [tilespmem:s25+$0x6880];
	_ =	sdelay $0x1  }
0x271: {  	s13 =	simm.s32 $0x0  }
0x272: {  	s12 =	sand.u32 $0x3FFFFE00, s13  }
0x273: {  	s12 =	sadd.s32 $0x7C00, s12;
	v0 =	vshll.u32 v0, $0x9  }
0x274: {  	s25 =	sor.u32 s0, s12;
	s0 =	sor.u32 $0x10, s0;
	v0 =	vadd.s32 v1, v0  }
0x275: {  	s3 =	sor.u32 s3, s0;
	[tilespmem:s25+$0x0] =	vst v0  }
0x276: {  	v0 =	vld [tilespmem:s3+$0x6800]  }
0x277: {  	v1 =	vld [tilespmem:s3+$0x6880];
	_ =	sdelay $0x2  }
0x278: {  	s28 =	simm.s32 $0x1  }
0x279: {  	s29 =	simm.s32 $0x2;
	s30 =	simm.s32 $0x20;
	s13 =	simm.s32 $0x100;
	v0 =	vshll.u32 v0, $0x9  }
0x27a: {  	s0 =	sor.u32 s0, s12;
	s25 =	sand.u32 $0x60, s30;
	s3 =	sand.u32 $0xFFFFFC00, s13;
	v0 =	vadd.s32 v1, v0  }
.LBB2_10:
0x27b: {  	p0 =	sne.s32 s29, $0x13  }
0x27c: {  	s12 =	sor.u32 s25, s3;
	[tilespmem:s0+$0x0] =	vst v0;
	s0 =	smov.u32 s29;
	s29 =	sadd.s32 $0x1, s29  }
0x27d: {  	v0 =	vld [tilespmem:s12+$0x6800]  }
0x27e: {  	v1 =	vld [tilespmem:s12+$0x6880];
	_ =	sdelay $0x1  }
0x27f: {  	s12 =	sshll.u32 s28, $0x7;
	s28 =	smov.u32 s0  }
0x280: {  	s0 =	sand.u32 $0x3FFFFE00, s12  }
0x281: {  	s0 =	sadd.s32 $0x7C00, s0;
	v0 =	vshll.u32 v0, $0x9  }
0x282: {  	s13 =	sor.u32 $0x10, s25;
	s12 =	sor.u32 s25, s0;
	v0 =	vadd.s32 v1, v0  }
0x283: {  	s3 =	sor.u32 s3, s13;
	[tilespmem:s12+$0x0] =	vst v0  }
0x284: {  	v0 =	vld [tilespmem:s3+$0x6800]  }
0x285: {  	v1 =	vld [tilespmem:s3+$0x6880]  }
.Ltmp4:
0x286: {  	(pc) =	sbr.rel @p0 .LBB2_10-.Ltmp4, $3  }
0x287: {  	_ =	sdelay $0x1  }
0x288: {  	s30 =	sadd.s32 $0x20, s30;
	s3 =	sshll.u32 s28, $0x8;
	v0 =	vshll.u32 v0, $0x9  }
0x289: {  	s25 =	sand.u32 $0x60, s30;
	s0 =	sor.u32 s13, s0;
	s3 =	sand.u32 $0xFFFFFC00, s3;
	v0 =	vadd.s32 v1, v0  }
0x28a: {  	s12 =	sor.u32 s25, s3;
	[tilespmem:s0+$0x0] =	vst v0  }
0x28b: {  	v0 =	vld [tilespmem:s12+$0x6800]  }
0x28c: {  	v1 =	vld [tilespmem:s12+$0x6880];
	_ =	sdelay $0x1  }
0x28d: {  	s13 =	sshll.u32 s28, $0x7  }
0x28e: {  	s0 =	sand.u32 $0x3FFFFE00, s13  }
0x28f: {  	s0 =	sadd.s32 $0x7C00, s0;
	v0 =	vshll.u32 v0, $0x9  }
0x290: {  	s13 =	sor.u32 $0x10, s25;
	s12 =	sor.u32 s25, s0;
	v0 =	vadd.s32 v1, v0  }
0x291: {  	[tilespmem:s12+$0x0] =	vst v0;
	s12 =	sor.u32 s3, s13  }
0x292: {  	v0 =	vld [tilespmem:s12+$0x6800]  }
0x293: {  	v1 =	vld [tilespmem:s12+$0x6880];
	_ =	sdelay $0x3  }
0x294: {  	v0 =	vshll.u32 v0, $0x9  }
0x295: {  	s0 =	sor.u32 s13, s0;
	v0 =	vadd.s32 v1, v0  }
0x296: {  	s25 =	simm.s32 $0x8600;
	s13 =	simm.s32 $0x7C00;
	[tilespmem:s0+$0x0] =	vst v0  }
0x297: {  	[tilespmem:s25], [sflag:$0x2] =	stream.indirect.gather [spmem:s18], $0x1, s13, s31, $0xb8;
	[tilespmem:$0x11080] =	vst v63  }
0x298: {  	s3 =	simm.s32 $0x7E00;
	s12 =	simm.s32 $0x8800  }
0x299: {  	[tilespmem:s12], [sflag:$0x2] =	stream.indirect.gather [spmem:s18], $0x1, s3, s31, $0xb8;
	[tilespmem:$0x11080] =	vst v63  }
0x29a: {  	s13 =	simm.s32 $0x8000;
	s25 =	simm.s32 $0x8A00  }
0x29b: {  	[tilespmem:s25], [sflag:$0x2] =	stream.indirect.gather [spmem:s18], $0x1, s13, s31, $0xb8;
	[tilespmem:$0x11080] =	vst v63  }
0x29c: {  	s3 =	simm.s32 $0x8200;
	s12 =	simm.s32 $0x8C00  }
0x29d: {  	[tilespmem:s12], [sflag:$0x2] =	stream.indirect.gather [spmem:s18], $0x1, s3, s31, $0xb8;
	[tilespmem:$0x11080] =	vst v63  }
0x29e: {  	s13 =	simm.s32 $0x8400;
	s25 =	simm.s32 $0x8E00  }
0x29f: {  	[tilespmem:s25], [sflag:$0x2] =	stream.indirect.gather [spmem:s18], $0x1, s13, s31, $0xb8;
	[tilespmem:$0x11080] =	vst v63  }
0x2a0: {  	_ =	swait.ge [sflag:s19], $0x280  }
0x2a1: {  	[sflag:s19] =	ssyncset.done $0x0  }
0x2a2: {  	[sflag:s19] =	ssyncadd.s32 $0xFFFFFD80  }
0x2a3: {  	s12 =	simm.s32 $0x0;
	s13 =	simm.s32 $0x0;
	_ =	swait.ge [sflag:s19], $0x280  }
0x2a4: {  	s0 =	sand.u32 $0x60, s12;
	s3 =	sand.u32 $0xFFFFFC00, s13;
	[sflag:s19] =	ssyncset.done $0x0  }
0x2a5: {  	s25 =	sor.u32 s0, s3;
	[sflag:s19] =	ssyncadd.s32 $0xFFFFFD80  }
0x2a6: {  	v0 =	vld [tilespmem:s25+$0x6900]  }
0x2a7: {  	v1 =	vld [tilespmem:s25+$0x6980];
	_ =	sdelay $0x1  }
0x2a8: {  	s13 =	simm.s32 $0x0  }
0x2a9: {  	s12 =	sand.u32 $0x3FFFFE00, s13  }
0x2aa: {  	s12 =	sadd.s32 $0x7C80, s12;
	v0 =	vshll.u32 v0, $0x9  }
0x2ab: {  	s25 =	sor.u32 s0, s12;
	s0 =	sor.u32 $0x10, s0;
	v0 =	vadd.s32 v1, v0  }
0x2ac: {  	s3 =	sor.u32 s3, s0;
	[tilespmem:s25+$0x0] =	vst v0  }
0x2ad: {  	v0 =	vld [tilespmem:s3+$0x6900]  }
0x2ae: {  	v1 =	vld [tilespmem:s3+$0x6980];
	_ =	sdelay $0x2  }
0x2af: {  	s28 =	simm.s32 $0x1  }
0x2b0: {  	s29 =	simm.s32 $0x2;
	s30 =	simm.s32 $0x20;
	s13 =	simm.s32 $0x100;
	v0 =	vshll.u32 v0, $0x9  }
0x2b1: {  	s0 =	sor.u32 s0, s12;
	s25 =	sand.u32 $0x60, s30;
	s3 =	sand.u32 $0xFFFFFC00, s13;
	v0 =	vadd.s32 v1, v0  }
.LBB2_12:
0x2b2: {  	p0 =	sne.s32 s29, $0x13  }
0x2b3: {  	s12 =	sor.u32 s25, s3;
	[tilespmem:s0+$0x0] =	vst v0;
	s0 =	smov.u32 s29;
	s29 =	sadd.s32 $0x1, s29  }
0x2b4: {  	v0 =	vld [tilespmem:s12+$0x6900]  }
0x2b5: {  	v1 =	vld [tilespmem:s12+$0x6980];
	_ =	sdelay $0x1  }
0x2b6: {  	s12 =	sshll.u32 s28, $0x7;
	s28 =	smov.u32 s0  }
0x2b7: {  	s0 =	sand.u32 $0x3FFFFE00, s12  }
0x2b8: {  	s0 =	sadd.s32 $0x7C80, s0;
	v0 =	vshll.u32 v0, $0x9  }
0x2b9: {  	s13 =	sor.u32 $0x10, s25;
	s12 =	sor.u32 s25, s0;
	v0 =	vadd.s32 v1, v0  }
0x2ba: {  	s3 =	sor.u32 s3, s13;
	[tilespmem:s12+$0x0] =	vst v0  }
0x2bb: {  	v0 =	vld [tilespmem:s3+$0x6900]  }
0x2bc: {  	v1 =	vld [tilespmem:s3+$0x6980]  }
.Ltmp5:
0x2bd: {  	(pc) =	sbr.rel @p0 .LBB2_12-.Ltmp5, $3  }
0x2be: {  	_ =	sdelay $0x1  }
0x2bf: {  	s30 =	sadd.s32 $0x20, s30;
	s3 =	sshll.u32 s28, $0x8;
	v0 =	vshll.u32 v0, $0x9  }
0x2c0: {  	s25 =	sand.u32 $0x60, s30;
	s0 =	sor.u32 s13, s0;
	s3 =	sand.u32 $0xFFFFFC00, s3;
	v0 =	vadd.s32 v1, v0  }
0x2c1: {  	s12 =	sor.u32 s25, s3;
	[tilespmem:s0+$0x0] =	vst v0  }
0x2c2: {  	v0 =	vld [tilespmem:s12+$0x6900]  }
0x2c3: {  	v1 =	vld [tilespmem:s12+$0x6980];
	_ =	sdelay $0x1  }
0x2c4: {  	s13 =	sshll.u32 s28, $0x7  }
0x2c5: {  	s0 =	sand.u32 $0x3FFFFE00, s13  }
0x2c6: {  	s0 =	sadd.s32 $0x7C80, s0;
	v0 =	vshll.u32 v0, $0x9  }
0x2c7: {  	s13 =	sor.u32 $0x10, s25;
	s12 =	sor.u32 s25, s0;
	v0 =	vadd.s32 v1, v0  }
0x2c8: {  	[tilespmem:s12+$0x0] =	vst v0;
	s12 =	sor.u32 s3, s13  }
0x2c9: {  	v0 =	vld [tilespmem:s12+$0x6900]  }
0x2ca: {  	v1 =	vld [tilespmem:s12+$0x6980];
	_ =	sdelay $0x3  }
0x2cb: {  	v0 =	vshll.u32 v0, $0x9  }
0x2cc: {  	s0 =	sor.u32 s13, s0;
	v0 =	vadd.s32 v1, v0  }
0x2cd: {  	s25 =	simm.s32 $0x8680;
	s13 =	simm.s32 $0x7C80;
	[tilespmem:s0+$0x0] =	vst v0  }
0x2ce: {  	[tilespmem:s25], [sflag:$0x2] =	stream.indirect.gather [spmem:s18], $0x1, s13, s31, $0xb8;
	[tilespmem:$0x11080] =	vst v63  }
0x2cf: {  	s3 =	simm.s32 $0x7E80;
	s12 =	simm.s32 $0x8880  }
0x2d0: {  	[tilespmem:s12], [sflag:$0x2] =	stream.indirect.gather [spmem:s18], $0x1, s3, s31, $0xb8;
	[tilespmem:$0x11080] =	vst v63  }
0x2d1: {  	s13 =	simm.s32 $0x8080;
	s25 =	simm.s32 $0x8A80  }
0x2d2: {  	[tilespmem:s25], [sflag:$0x2] =	stream.indirect.gather [spmem:s18], $0x1, s13, s31, $0xb8;
	[tilespmem:$0x11080] =	vst v63  }
0x2d3: {  	s3 =	simm.s32 $0x8280;
	s12 =	simm.s32 $0x8C80  }
0x2d4: {  	[tilespmem:s12], [sflag:$0x2] =	stream.indirect.gather [spmem:s18], $0x1, s3, s31, $0xb8;
	[tilespmem:$0x11080] =	vst v63  }
0x2d5: {  	s13 =	simm.s32 $0x8480;
	s25 =	simm.s32 $0x8E80  }
0x2d6: {  	[tilespmem:s25], [sflag:$0x2] =	stream.indirect.gather [spmem:s18], $0x1, s13, s31, $0xb8;
	[tilespmem:$0x11080] =	vst v63  }
0x2d7: {  	_ =	swait.ge [sflag:s19], $0x280  }
0x2d8: {  	[sflag:s19] =	ssyncset.done $0x0  }
0x2d9: {  	[sflag:s19] =	ssyncadd.s32 $0xFFFFFD80  }
0x2da: {  	s12 =	simm.s32 $0x0;
	s13 =	simm.s32 $0x0;
	_ =	swait.ge [sflag:s19], $0x280  }
0x2db: {  	s0 =	sand.u32 $0x60, s12;
	s3 =	sand.u32 $0xFFFFFC00, s13;
	[sflag:s19] =	ssyncset.done $0x0  }
0x2dc: {  	s25 =	sor.u32 s0, s3;
	[sflag:s19] =	ssyncadd.s32 $0xFFFFFD80  }
0x2dd: {  	v0 =	vld [tilespmem:s25+$0x6A00]  }
0x2de: {  	v1 =	vld [tilespmem:s25+$0x6A80];
	_ =	sdelay $0x1  }
0x2df: {  	s13 =	simm.s32 $0x0  }
0x2e0: {  	s12 =	sand.u32 $0x3FFFFE00, s13  }
0x2e1: {  	s12 =	sadd.s32 $0x7D00, s12;
	v0 =	vshll.u32 v0, $0x9  }
0x2e2: {  	s25 =	sor.u32 s0, s12;
	s0 =	sor.u32 $0x10, s0;
	v0 =	vadd.s32 v1, v0  }
0x2e3: {  	s3 =	sor.u32 s3, s0;
	[tilespmem:s25+$0x0] =	vst v0  }
0x2e4: {  	v0 =	vld [tilespmem:s3+$0x6A00]  }
0x2e5: {  	v1 =	vld [tilespmem:s3+$0x6A80];
	_ =	sdelay $0x2  }
0x2e6: {  	s28 =	simm.s32 $0x1  }
0x2e7: {  	s29 =	simm.s32 $0x2;
	s30 =	simm.s32 $0x20;
	s13 =	simm.s32 $0x100;
	v0 =	vshll.u32 v0, $0x9  }
0x2e8: {  	s0 =	sor.u32 s0, s12;
	s25 =	sand.u32 $0x60, s30;
	s3 =	sand.u32 $0xFFFFFC00, s13;
	v0 =	vadd.s32 v1, v0  }
.LBB2_14:
0x2e9: {  	p0 =	sne.s32 s29, $0x13  }
0x2ea: {  	s12 =	sor.u32 s25, s3;
	[tilespmem:s0+$0x0] =	vst v0;
	s0 =	smov.u32 s29;
	s29 =	sadd.s32 $0x1, s29  }
0x2eb: {  	v0 =	vld [tilespmem:s12+$0x6A00]  }
0x2ec: {  	v1 =	vld [tilespmem:s12+$0x6A80];
	_ =	sdelay $0x1  }
0x2ed: {  	s12 =	sshll.u32 s28, $0x7;
	s28 =	smov.u32 s0  }
0x2ee: {  	s0 =	sand.u32 $0x3FFFFE00, s12  }
0x2ef: {  	s0 =	sadd.s32 $0x7D00, s0;
	v0 =	vshll.u32 v0, $0x9  }
0x2f0: {  	s13 =	sor.u32 $0x10, s25;
	s12 =	sor.u32 s25, s0;
	v0 =	vadd.s32 v1, v0  }
0x2f1: {  	s3 =	sor.u32 s3, s13;
	[tilespmem:s12+$0x0] =	vst v0  }
0x2f2: {  	v0 =	vld [tilespmem:s3+$0x6A00]  }
0x2f3: {  	v1 =	vld [tilespmem:s3+$0x6A80]  }
.Ltmp6:
0x2f4: {  	(pc) =	sbr.rel @p0 .LBB2_14-.Ltmp6, $3  }
0x2f5: {  	_ =	sdelay $0x1  }
0x2f6: {  	s30 =	sadd.s32 $0x20, s30;
	s3 =	sshll.u32 s28, $0x8;
	v0 =	vshll.u32 v0, $0x9  }
0x2f7: {  	s25 =	sand.u32 $0x60, s30;
	s0 =	sor.u32 s13, s0;
	s3 =	sand.u32 $0xFFFFFC00, s3;
	v0 =	vadd.s32 v1, v0  }
0x2f8: {  	s12 =	sor.u32 s25, s3;
	[tilespmem:s0+$0x0] =	vst v0  }
0x2f9: {  	v0 =	vld [tilespmem:s12+$0x6A00]  }
0x2fa: {  	v1 =	vld [tilespmem:s12+$0x6A80];
	_ =	sdelay $0x1  }
0x2fb: {  	s13 =	sshll.u32 s28, $0x7  }
0x2fc: {  	s0 =	sand.u32 $0x3FFFFE00, s13  }
0x2fd: {  	s0 =	sadd.s32 $0x7D00, s0;
	v0 =	vshll.u32 v0, $0x9  }
0x2fe: {  	s13 =	sor.u32 $0x10, s25;
	s12 =	sor.u32 s25, s0;
	v0 =	vadd.s32 v1, v0  }
0x2ff: {  	[tilespmem:s12+$0x0] =	vst v0;
	s12 =	sor.u32 s3, s13  }
0x300: {  	v0 =	vld [tilespmem:s12+$0x6A00]  }
0x301: {  	v1 =	vld [tilespmem:s12+$0x6A80];
	_ =	sdelay $0x3  }
0x302: {  	v0 =	vshll.u32 v0, $0x9  }
0x303: {  	s0 =	sor.u32 s13, s0;
	v0 =	vadd.s32 v1, v0  }
0x304: {  	s25 =	simm.s32 $0x8700;
	s13 =	simm.s32 $0x7D00;
	[tilespmem:s0+$0x0] =	vst v0  }
0x305: {  	[tilespmem:s25], [sflag:$0x2] =	stream.indirect.gather [spmem:s22], $0x1, s13, s31, $0xb8;
	[tilespmem:$0x11080] =	vst v63  }
0x306: {  	s3 =	simm.s32 $0x7F00;
	s12 =	simm.s32 $0x8900  }
0x307: {  	[tilespmem:s12], [sflag:$0x2] =	stream.indirect.gather [spmem:s22], $0x1, s3, s31, $0xb8;
	[tilespmem:$0x11080] =	vst v63  }
0x308: {  	s13 =	simm.s32 $0x8100;
	s25 =	simm.s32 $0x8B00  }
0x309: {  	[tilespmem:s25], [sflag:$0x2] =	stream.indirect.gather [spmem:s22], $0x1, s13, s31, $0xb8;
	[tilespmem:$0x11080] =	vst v63  }
0x30a: {  	s3 =	simm.s32 $0x8300;
	s12 =	simm.s32 $0x8D00  }
0x30b: {  	[tilespmem:s12], [sflag:$0x2] =	stream.indirect.gather [spmem:s22], $0x1, s3, s31, $0xb8;
	[tilespmem:$0x11080] =	vst v63  }
0x30c: {  	s13 =	simm.s32 $0x8500;
	s25 =	simm.s32 $0x8F00  }
0x30d: {  	[tilespmem:s25], [sflag:$0x2] =	stream.indirect.gather [spmem:s22], $0x1, s13, s31, $0xb8;
	[tilespmem:$0x11080] =	vst v63  }
0x30e: {  	_ =	swait.ge [sflag:s19], $0x280  }
0x30f: {  	[sflag:s19] =	ssyncset.done $0x0  }
0x310: {  	[sflag:s19] =	ssyncadd.s32 $0xFFFFFD80  }
0x311: {  	s12 =	simm.s32 $0x0;
	s13 =	simm.s32 $0x0;
	_ =	swait.ge [sflag:s19], $0x280  }
0x312: {  	s0 =	sand.u32 $0x60, s12;
	s3 =	sand.u32 $0xFFFFFC00, s13;
	[sflag:s19] =	ssyncset.done $0x0  }
0x313: {  	s25 =	sor.u32 s0, s3;
	[sflag:s19] =	ssyncadd.s32 $0xFFFFFD80  }
0x314: {  	v0 =	vld [tilespmem:s25+$0x6B00]  }
0x315: {  	v1 =	vld [tilespmem:s25+$0x6B80];
	_ =	sdelay $0x1  }
0x316: {  	s13 =	simm.s32 $0x0  }
0x317: {  	s12 =	sand.u32 $0x3FFFFE00, s13  }
0x318: {  	s12 =	sadd.s32 $0x7D80, s12;
	v0 =	vshll.u32 v0, $0x9  }
0x319: {  	s25 =	sor.u32 s0, s12;
	s0 =	sor.u32 $0x10, s0;
	v0 =	vadd.s32 v1, v0  }
0x31a: {  	s3 =	sor.u32 s3, s0;
	[tilespmem:s25+$0x0] =	vst v0  }
0x31b: {  	v0 =	vld [tilespmem:s3+$0x6B00]  }
0x31c: {  	v1 =	vld [tilespmem:s3+$0x6B80];
	_ =	sdelay $0x2  }
0x31d: {  	s28 =	simm.s32 $0x1  }
0x31e: {  	s29 =	simm.s32 $0x2;
	s30 =	simm.s32 $0x20;
	s13 =	simm.s32 $0x100;
	v0 =	vshll.u32 v0, $0x9  }
0x31f: {  	s0 =	sor.u32 s0, s12;
	s25 =	sand.u32 $0x60, s30;
	s3 =	sand.u32 $0xFFFFFC00, s13;
	v0 =	vadd.s32 v1, v0  }
.LBB2_16:
0x320: {  	p0 =	sne.s32 s29, $0x13  }
0x321: {  	s12 =	sor.u32 s25, s3;
	[tilespmem:s0+$0x0] =	vst v0;
	s0 =	smov.u32 s29;
	s29 =	sadd.s32 $0x1, s29  }
0x322: {  	v0 =	vld [tilespmem:s12+$0x6B00]  }
0x323: {  	v1 =	vld [tilespmem:s12+$0x6B80];
	_ =	sdelay $0x1  }
0x324: {  	s12 =	sshll.u32 s28, $0x7;
	s28 =	smov.u32 s0  }
0x325: {  	s0 =	sand.u32 $0x3FFFFE00, s12  }
0x326: {  	s0 =	sadd.s32 $0x7D80, s0;
	v0 =	vshll.u32 v0, $0x9  }
0x327: {  	s13 =	sor.u32 $0x10, s25;
	s12 =	sor.u32 s25, s0;
	v0 =	vadd.s32 v1, v0  }
0x328: {  	s3 =	sor.u32 s3, s13;
	[tilespmem:s12+$0x0] =	vst v0  }
0x329: {  	v0 =	vld [tilespmem:s3+$0x6B00]  }
0x32a: {  	v1 =	vld [tilespmem:s3+$0x6B80]  }
.Ltmp7:
0x32b: {  	(pc) =	sbr.rel @p0 .LBB2_16-.Ltmp7, $3  }
0x32c: {  	_ =	sdelay $0x1  }
0x32d: {  	s30 =	sadd.s32 $0x20, s30;
	s3 =	sshll.u32 s28, $0x8;
	v0 =	vshll.u32 v0, $0x9  }
0x32e: {  	s25 =	sand.u32 $0x60, s30;
	s0 =	sor.u32 s13, s0;
	s3 =	sand.u32 $0xFFFFFC00, s3;
	v0 =	vadd.s32 v1, v0  }
0x32f: {  	s12 =	sor.u32 s25, s3;
	[tilespmem:s0+$0x0] =	vst v0  }
0x330: {  	v0 =	vld [tilespmem:s12+$0x6B00]  }
0x331: {  	v1 =	vld [tilespmem:s12+$0x6B80];
	_ =	sdelay $0x1  }
0x332: {  	s13 =	sshll.u32 s28, $0x7  }
0x333: {  	s0 =	sand.u32 $0x3FFFFE00, s13  }
0x334: {  	s0 =	sadd.s32 $0x7D80, s0;
	v0 =	vshll.u32 v0, $0x9  }
0x335: {  	s13 =	sor.u32 $0x10, s25;
	s12 =	sor.u32 s25, s0;
	v0 =	vadd.s32 v1, v0  }
0x336: {  	[tilespmem:s12+$0x0] =	vst v0;
	s12 =	sor.u32 s3, s13  }
0x337: {  	v0 =	vld [tilespmem:s12+$0x6B00]  }
0x338: {  	v1 =	vld [tilespmem:s12+$0x6B80];
	_ =	sdelay $0x3  }
0x339: {  	v0 =	vshll.u32 v0, $0x9  }
0x33a: {  	s0 =	sor.u32 s13, s0;
	v0 =	vadd.s32 v1, v0  }
0x33b: {  	s25 =	simm.s32 $0x8780;
	s13 =	simm.s32 $0x7D80;
	[tilespmem:s0+$0x0] =	vst v0  }
0x33c: {  	[tilespmem:s25], [sflag:$0x2] =	stream.indirect.gather [spmem:s22], $0x1, s13, s31, $0xb8;
	[tilespmem:$0x11080] =	vst v63  }
0x33d: {  	s3 =	simm.s32 $0x7F80;
	s12 =	simm.s32 $0x8980  }
0x33e: {  	[tilespmem:s12], [sflag:$0x2] =	stream.indirect.gather [spmem:s22], $0x1, s3, s31, $0xb8;
	[tilespmem:$0x11080] =	vst v63  }
0x33f: {  	s13 =	simm.s32 $0x8180;
	s25 =	simm.s32 $0x8B80  }
0x340: {  	[tilespmem:s25], [sflag:$0x2] =	stream.indirect.gather [spmem:s22], $0x1, s13, s31, $0xb8;
	[tilespmem:$0x11080] =	vst v63  }
0x341: {  	s3 =	simm.s32 $0x8380;
	s12 =	simm.s32 $0x8D80  }
0x342: {  	[tilespmem:s12], [sflag:$0x2] =	stream.indirect.gather [spmem:s22], $0x1, s3, s31, $0xb8;
	[tilespmem:$0x11080] =	vst v63  }
0x343: {  	s13 =	simm.s32 $0x8580;
	s25 =	simm.s32 $0x8F80  }
0x344: {  	[tilespmem:s25], [sflag:$0x2] =	stream.indirect.gather [spmem:s22], $0x1, s13, s31, $0xb8;
	[tilespmem:$0x11080] =	vst v63  }
0x345: {  	_ =	swait.ge [sflag:s2], $0x80  }
0x346: {  	[sflag:s2] =	ssyncset.done $0x0  }
0x347: {  	[sflag:s2] =	ssyncadd.s32 $0xFFFFFF80  }
0x348: {  	_ =	swait.ge [sflag:s2], $0x80  }
0x349: {  	[sflag:s2] =	ssyncset.done $0x0  }
0x34a: {  	[sflag:s2] =	ssyncadd.s32 $0xFFFFFF80  }
0x34b: {  	_ =	swait.ge [sflag:s2], $0x80  }
0x34c: {  	[sflag:s2] =	ssyncset.done $0x0  }
0x34d: {  	[sflag:s2] =	ssyncadd.s32 $0xFFFFFF80  }
0x34e: {  	_ =	swait.ge [sflag:s2], $0x80  }
0x34f: {  	[sflag:s2] =	ssyncset.done $0x0  }
0x350: {  	[sflag:s2] =	ssyncadd.s32 $0xFFFFFF80  }
0x351: {  	_ =	swait.ge [sflag:s2], $0x80  }
0x352: {  	[sflag:s2] =	ssyncset.done $0x0  }
0x353: {  	[sflag:s2] =	ssyncadd.s32 $0xFFFFFF80  }
0x354: {  	_ =	swait.ge [sflag:s2], $0x80  }
0x355: {  	[sflag:s2] =	ssyncset.done $0x0  }
0x356: {  	[sflag:s2] =	ssyncadd.s32 $0xFFFFFF80  }
0x357: {  	_ =	swait.ge [sflag:s2], $0x80  }
0x358: {  	[sflag:s2] =	ssyncset.done $0x0  }
0x359: {  	[sflag:s2] =	ssyncadd.s32 $0xFFFFFF80  }
0x35a: {  	_ =	swait.ge [sflag:s2], $0x80  }
0x35b: {  	[sflag:s2] =	ssyncset.done $0x0  }
0x35c: {  	[sflag:s2] =	ssyncadd.s32 $0xFFFFFF80  }
0x35d: {  	_ =	swait.ge [sflag:s2], $0x80  }
0x35e: {  	[sflag:s2] =	ssyncset.done $0x0  }
0x35f: {  	[sflag:s2] =	ssyncadd.s32 $0xFFFFFF80  }
0x360: {  	_ =	swait.ge [sflag:s2], $0x80  }
0x361: {  	[sflag:s2] =	ssyncset.done $0x0  }
0x362: {  	[sflag:s2] =	ssyncadd.s32 $0xFFFFFF80  }
0x363: {  	_ =	swait.ge [sflag:s2], $0x80  }
0x364: {  	[sflag:s2] =	ssyncset.done $0x0  }
0x365: {  	[sflag:s2] =	ssyncadd.s32 $0xFFFFFF80  }
0x366: {  	_ =	swait.ge [sflag:s2], $0x80  }
0x367: {  	[sflag:s2] =	ssyncset.done $0x0  }
0x368: {  	[sflag:s2] =	ssyncadd.s32 $0xFFFFFF80  }
0x369: {  	_ =	swait.ge [sflag:s2], $0x80  }
0x36a: {  	[sflag:s2] =	ssyncset.done $0x0  }
0x36b: {  	[sflag:s2] =	ssyncadd.s32 $0xFFFFFF80  }
0x36c: {  	_ =	swait.ge [sflag:s2], $0x80  }
0x36d: {  	[sflag:s2] =	ssyncset.done $0x0  }
0x36e: {  	[sflag:s2] =	ssyncadd.s32 $0xFFFFFF80  }
0x36f: {  	_ =	swait.ge [sflag:s2], $0x80  }
0x370: {  	[sflag:s2] =	ssyncset.done $0x0  }
0x371: {  	[sflag:s2] =	ssyncadd.s32 $0xFFFFFF80  }
0x372: {  	_ =	swait.ge [sflag:s2], $0x80  }
0x373: {  	[sflag:s2] =	ssyncset.done $0x0  }
0x374: {  	[sflag:s2] =	ssyncadd.s32 $0xFFFFFF80  }
0x375: {  	_ =	swait.ge [sflag:s2], $0x80  }
0x376: {  	[sflag:s2] =	ssyncset.done $0x0  }
0x377: {  	[sflag:s2] =	ssyncadd.s32 $0xFFFFFF80  }
0x378: {  	_ =	swait.ge [sflag:s2], $0x80  }
0x379: {  	[sflag:s2] =	ssyncset.done $0x0  }
0x37a: {  	[sflag:s2] =	ssyncadd.s32 $0xFFFFFF80  }
0x37b: {  	_ =	swait.ge [sflag:s2], $0x80  }
0x37c: {  	[sflag:s2] =	ssyncset.done $0x0  }
0x37d: {  	[sflag:s2] =	ssyncadd.s32 $0xFFFFFF80  }
0x37e: {  	_ =	swait.ge [sflag:s2], $0x80  }
0x37f: {  	[sflag:s2] =	ssyncset.done $0x0  }
0x380: {  	[sflag:s2] =	ssyncadd.s32 $0xFFFFFF80  }
0x381: {  	_ =	swait.ge [sflag:s2], $0x80  }
0x382: {  	[sflag:s2] =	ssyncset.done $0x0  }
0x383: {  	[sflag:s2] =	ssyncadd.s32 $0xFFFFFF80  }
0x384: {  	_ =	swait.ge [sflag:s2], $0x80  }
0x385: {  	[sflag:s2] =	ssyncset.done $0x0  }
0x386: {  	[sflag:s2] =	ssyncadd.s32 $0xFFFFFF80  }
0x387: {  	_ =	swait.ge [sflag:s2], $0x80  }
0x388: {  	[sflag:s2] =	ssyncset.done $0x0  }
0x389: {  	[sflag:s2] =	ssyncadd.s32 $0xFFFFFF80  }
0x38a: {  	_ =	swait.ge [sflag:s2], $0x80  }
0x38b: {  	[sflag:s2] =	ssyncset.done $0x0  }
0x38c: {  	[sflag:s2] =	ssyncadd.s32 $0xFFFFFF80  }
0x38d: {  	_ =	swait.ge [sflag:s2], $0x80  }
0x38e: {  	[sflag:s2] =	ssyncset.done $0x0  }
0x38f: {  	[sflag:s2] =	ssyncadd.s32 $0xFFFFFF80  }
0x390: {  	s12 =	simm.s32 $0x0;
	s13 =	simm.s32 $0x0;
	_ =	swait.ge [sflag:s2], $0x80  }
0x391: {  	s0 =	sand.u32 $0x1E00, s12;
	s3 =	sand.u32 $0x60, s13;
	[sflag:s2] =	ssyncset.done $0x0  }
0x392: {  	s25 =	simm.s32 $0x10;
	s3 =	sor.u32 s3, s0;
	[sflag:s2] =	ssyncadd.s32 $0xFFFFFF80  }
0x393: {  	s12 =	sand.u32 $0x70, s25;
	v0 =	vld [tilespmem:s3+$0x4E00]  }
0x394: {  	s0 =	sor.u32 s0, s12;
	v2 =	vld [tilespmem:s3+$0x4E80]  }
0x395: {  	v5 =	vld [tilespmem:s0+$0x4E00]  }
0x396: {  	s13 =	simm.s32 $0x80;
	s25 =	simm.s32 $0x20;
	v6 =	vld [tilespmem:s0+$0x4E80]  }
0x397: {  	s0 =	sand.u32 $0x1E00, s13;
	s13 =	sand.u32 $0x60, s25  }
0x398: {  	s28 =	simm.s32 $0x30;
	s3 =	sor.u32 s13, s0  }
0x399: {  	s25 =	sand.u32 $0x70, s28;
	v1 =	vld [tilespmem:s3+$0x4E00];
	v4 =	vsub.f32 v0, v2  }
0x39a: {  	s29 =	sadd.s32 $0x10, s23;
	s0 =	sor.u32 s0, s25;
	v2 =	vld [tilespmem:s3+$0x4E80]  }
0x39b: {  	v3 =	vimm.f32 $0.0e+00;
	s30 =	sadd.s32 $0xFFFFFFF0, s29;
	s25 =	simm.s32 $0x100;
	s3 =	simm.s32 $0x50;
	v0 =	vld [tilespmem:s0+$0x4E00];
	v5 =	vsub.f32 v5, v6;
	v4 =	vmul.f32 v4, v4  }
.LBB2_18:
0x39c: {  	s12 =	sadd.s32 $0xFFFFFFF0, s3;
	s13 =	sand.u32 $0x1E00, s25  }
0x39d: {  	v6 =	vld [tilespmem:s0+$0x4E80];
	p1 =	slt.u32 s30, $0xC350;
	s30 =	smov.u32 s3;
	p0 =	sne.s32 s3, $0x670  }
.Ltmp8:
0x39e: {  	s3 =	sadd.s32 $0x20, s3;
	s0 =	sand.u32 $0x60, s12;
	v4 =	vpsel !p1, $0x0, v4;
	v5 =	vmul.f32 v5, v5;
	(pc) =	sbr.rel @p0 .LBB2_18-.Ltmp8, $4  }
0x39f: {  	p1 =	slt.u32 s29, $0xC350;
	s0 =	sor.u32 s0, s13;
	v3 =	vadd.f32 v4, v3  }
0x3a0: {  	s12 =	sand.u32 $0x70, s30;
	v4 =	vsub.f32 v1, v2;
	v1 =	vld [tilespmem:s0+$0x4E00];
	v5 =	vpsel !p1, $0x0, v5  }
0x3a1: {  	s29 =	sadd.s32 s28, s23;
	s28 =	smov.u32 s30;
	v2 =	vld [tilespmem:s0+$0x4E80];
	s0 =	sor.u32 s13, s12;
	v3 =	vadd.f32 v5, v3  }
0x3a2: {  	s25 =	sadd.s32 $0x80, s25;
	s30 =	sadd.s32 $0xFFFFFFF0, s29;
	v4 =	vmul.f32 v4, v4;
	v5 =	vsub.f32 v0, v6;
	v0 =	vld [tilespmem:s0+$0x4E00]  }
0x3a3: {  	v6 =	vld [tilespmem:s0+$0x4E80];
	_ =	swait.ge [sflag:s2], $0x80  }
0x3a4: {  	[sflag:s2] =	ssyncset.done $0x0  }
0x3a5: {  	[sflag:s2] =	ssyncadd.s32 $0xFFFFFF80  }
0x3a6: {  	_ =	swait.ge [sflag:s2], $0x80  }
0x3a7: {  	[sflag:s2] =	ssyncset.done $0x0  }
0x3a8: {  	[sflag:s2] =	ssyncadd.s32 $0xFFFFFF80  }
0x3a9: {  	_ =	swait.ge [sflag:s2], $0x80  }
0x3aa: {  	[sflag:s2] =	ssyncset.done $0x0  }
0x3ab: {  	[sflag:s2] =	ssyncadd.s32 $0xFFFFFF80  }
0x3ac: {  	_ =	swait.ge [sflag:s2], $0x80  }
0x3ad: {  	[sflag:s2] =	ssyncset.done $0x0  }
0x3ae: {  	[sflag:s2] =	ssyncadd.s32 $0xFFFFFF80  }
0x3af: {  	_ =	swait.ge [sflag:s2], $0x80  }
0x3b0: {  	[sflag:s2] =	ssyncset.done $0x0  }
0x3b1: {  	[sflag:s2] =	ssyncadd.s32 $0xFFFFFF80  }
0x3b2: {  	_ =	swait.ge [sflag:s2], $0x80  }
0x3b3: {  	[sflag:s2] =	ssyncset.done $0x0  }
0x3b4: {  	[sflag:s2] =	ssyncadd.s32 $0xFFFFFF80  }
0x3b5: {  	_ =	swait.ge [sflag:s2], $0x80  }
0x3b6: {  	[sflag:s2] =	ssyncset.done $0x0  }
0x3b7: {  	[sflag:s2] =	ssyncadd.s32 $0xFFFFFF80  }
0x3b8: {  	_ =	swait.ge [sflag:s2], $0x80  }
0x3b9: {  	[sflag:s2] =	ssyncset.done $0x0  }
0x3ba: {  	[sflag:s2] =	ssyncadd.s32 $0xFFFFFF80  }
0x3bb: {  	_ =	swait.ge [sflag:s2], $0x80  }
0x3bc: {  	[sflag:s2] =	ssyncset.done $0x0  }
0x3bd: {  	[sflag:s2] =	ssyncadd.s32 $0xFFFFFF80  }
0x3be: {  	_ =	swait.ge [sflag:s2], $0x80  }
0x3bf: {  	[sflag:s2] =	ssyncset.done $0x0  }
0x3c0: {  	[sflag:s2] =	ssyncadd.s32 $0xFFFFFF80  }
0x3c1: {  	_ =	swait.ge [sflag:s2], $0x80  }
0x3c2: {  	[sflag:s2] =	ssyncset.done $0x0  }
0x3c3: {  	[sflag:s2] =	ssyncadd.s32 $0xFFFFFF80  }
0x3c4: {  	_ =	swait.ge [sflag:s2], $0x80  }
0x3c5: {  	[sflag:s2] =	ssyncset.done $0x0  }
0x3c6: {  	[sflag:s2] =	ssyncadd.s32 $0xFFFFFF80  }
0x3c7: {  	_ =	swait.ge [sflag:s2], $0x80  }
0x3c8: {  	[sflag:s2] =	ssyncset.done $0x0  }
0x3c9: {  	[sflag:s2] =	ssyncadd.s32 $0xFFFFFF80  }
0x3ca: {  	_ =	swait.ge [sflag:s2], $0x80  }
0x3cb: {  	[sflag:s2] =	ssyncset.done $0x0  }
0x3cc: {  	[sflag:s2] =	ssyncadd.s32 $0xFFFFFF80  }
0x3cd: {  	_ =	swait.ge [sflag:s2], $0x80  }
0x3ce: {  	[sflag:s2] =	ssyncset.done $0x0  }
0x3cf: {  	[sflag:s2] =	ssyncadd.s32 $0xFFFFFF80  }
0x3d0: {  	_ =	swait.ge [sflag:s2], $0x80  }
0x3d1: {  	[sflag:s2] =	ssyncset.done $0x0  }
0x3d2: {  	[sflag:s2] =	ssyncadd.s32 $0xFFFFFF80  }
0x3d3: {  	_ =	swait.ge [sflag:s2], $0x80  }
0x3d4: {  	[sflag:s2] =	ssyncset.done $0x0  }
0x3d5: {  	[sflag:s2] =	ssyncadd.s32 $0xFFFFFF80  }
0x3d6: {  	_ =	swait.ge [sflag:s2], $0x80  }
0x3d7: {  	[sflag:s2] =	ssyncset.done $0x0  }
0x3d8: {  	[sflag:s2] =	ssyncadd.s32 $0xFFFFFF80  }
0x3d9: {  	_ =	swait.ge [sflag:s2], $0x80  }
0x3da: {  	[sflag:s2] =	ssyncset.done $0x0  }
0x3db: {  	[sflag:s2] =	ssyncadd.s32 $0xFFFFFF80  }
0x3dc: {  	_ =	swait.ge [sflag:s2], $0x80  }
0x3dd: {  	[sflag:s2] =	ssyncset.done $0x0  }
0x3de: {  	[sflag:s2] =	ssyncadd.s32 $0xFFFFFF80  }
0x3df: {  	_ =	swait.ge [sflag:s2], $0x80  }
0x3e0: {  	[sflag:s2] =	ssyncset.done $0x0  }
0x3e1: {  	[sflag:s2] =	ssyncadd.s32 $0xFFFFFF80  }
0x3e2: {  	_ =	swait.ge [sflag:s2], $0x80  }
0x3e3: {  	[sflag:s2] =	ssyncset.done $0x0  }
0x3e4: {  	[sflag:s2] =	ssyncadd.s32 $0xFFFFFF80  }
0x3e5: {  	_ =	swait.ge [sflag:s2], $0x80  }
0x3e6: {  	[sflag:s2] =	ssyncset.done $0x0  }
0x3e7: {  	[sflag:s2] =	ssyncadd.s32 $0xFFFFFF80  }
0x3e8: {  	_ =	swait.ge [sflag:s2], $0x80  }
0x3e9: {  	[sflag:s2] =	ssyncset.done $0x0  }
0x3ea: {  	[sflag:s2] =	ssyncadd.s32 $0xFFFFFF80  }
0x3eb: {  	_ =	swait.ge [sflag:s2], $0x80  }
0x3ec: {  	[sflag:s2] =	ssyncset.done $0x0  }
0x3ed: {  	[sflag:s2] =	ssyncadd.s32 $0xFFFFFF80  }
0x3ee: {  	s12 =	simm.s32 $0x0;
	s3 =	simm.s32 $0x0;
	_ =	swait.ge [sflag:s2], $0x80  }
0x3ef: {  	s0 =	sand.u32 $0x1E00, s12;
	s3 =	sand.u32 $0x60, s3;
	[sflag:s2] =	ssyncset.done $0x0  }
0x3f0: {  	s12 =	simm.s32 $0x10;
	s3 =	sor.u32 s3, s0;
	[sflag:s2] =	ssyncadd.s32 $0xFFFFFF80  }
0x3f1: {  	p0 =	slt.u32 s30, $0xC350;
	s12 =	sand.u32 $0x70, s12;
	v7 =	vld [tilespmem:s3+$0x4F00]  }
0x3f2: {  	v4 =	vpsel !p0, $0x0, v4;
	v5 =	vmul.f32 v5, v5;
	v1 =	vsub.f32 v1, v2;
	s0 =	sor.u32 s0, s12;
	v2 =	vld [tilespmem:s3+$0x4F80]  }
0x3f3: {  	p4 =	slt.u32 s29, $0xC350;
	v3 =	vadd.f32 v4, v3;
	s3 =	sadd.s32 s28, s23;
	v8 =	vld [tilespmem:s0+$0x4F00]  }
0x3f4: {  	s13 =	simm.s32 $0x80;
	s25 =	simm.s32 $0x20;
	v4 =	vpsel !p4, $0x0, v5;
	v1 =	vmul.f32 v1, v1;
	v0 =	vsub.f32 v0, v6;
	v5 =	vld [tilespmem:s0+$0x4F80];
	s12 =	sadd.s32 $0xFFFFFFF0, s3  }
0x3f5: {  	v3 =	vadd.f32 v4, v3;
	s0 =	sand.u32 $0x1E00, s13;
	s13 =	sand.u32 $0x60, s25;
	p5 =	slt.u32 s12, $0xC350  }
0x3f6: {  	v0 =	vmul.f32 v0, v0;
	s28 =	simm.s32 $0x30;
	s12 =	sor.u32 s13, s0;
	v1 =	vpsel !p5, $0x0, v1  }
0x3f7: {  	p6 =	slt.u32 s3, $0xC350;
	s25 =	sand.u32 $0x70, s28;
	v3 =	vadd.f32 v1, v3;
	v1 =	vld [tilespmem:s12+$0x4F00];
	v4 =	vsub.f32 v7, v2  }
0x3f8: {  	s29 =	sadd.s32 $0x10, s23;
	v0 =	vpsel !p6, $0x0, v0;
	s0 =	sor.u32 s0, s25;
	v2 =	vld [tilespmem:s12+$0x4F80]  }
0x3f9: {  	s30 =	sadd.s32 $0xFFFFFFF0, s29;
	s3 =	simm.s32 $0x50;
	s25 =	simm.s32 $0x100;
	v5 =	vsub.f32 v8, v5;
	v3 =	vadd.f32 v0, v3;
	v0 =	vld [tilespmem:s0+$0x4F00];
	v4 =	vmul.f32 v4, v4  }
.LBB2_20:
0x3fa: {  	s12 =	sadd.s32 $0xFFFFFFF0, s3;
	s13 =	sand.u32 $0x1E00, s25  }
0x3fb: {  	v6 =	vld [tilespmem:s0+$0x4F80];
	p1 =	slt.u32 s30, $0xC350;
	s30 =	smov.u32 s3;
	p0 =	sne.s32 s3, $0x670  }
.Ltmp9:
0x3fc: {  	s3 =	sadd.s32 $0x20, s3;
	s0 =	sand.u32 $0x60, s12;
	v4 =	vpsel !p1, $0x0, v4;
	v5 =	vmul.f32 v5, v5;
	(pc) =	sbr.rel @p0 .LBB2_20-.Ltmp9, $4  }
0x3fd: {  	p1 =	slt.u32 s29, $0xC350;
	s0 =	sor.u32 s0, s13;
	v3 =	vadd.f32 v4, v3  }
0x3fe: {  	s12 =	sand.u32 $0x70, s30;
	v4 =	vsub.f32 v1, v2;
	v1 =	vld [tilespmem:s0+$0x4F00];
	v5 =	vpsel !p1, $0x0, v5  }
0x3ff: {  	s29 =	sadd.s32 s28, s23;
	s28 =	smov.u32 s30;
	v2 =	vld [tilespmem:s0+$0x4F80];
	s0 =	sor.u32 s13, s12;
	v3 =	vadd.f32 v5, v3  }
0x400: {  	s25 =	sadd.s32 $0x80, s25;
	s30 =	sadd.s32 $0xFFFFFFF0, s29;
	v4 =	vmul.f32 v4, v4;
	v5 =	vsub.f32 v0, v6;
	v0 =	vld [tilespmem:s0+$0x4F00]  }
0x401: {  	v6 =	vld [tilespmem:s0+$0x4F80];
	_ =	swait.ge [sflag:s2], $0x80  }
0x402: {  	[sflag:s2] =	ssyncset.done $0x0  }
0x403: {  	[sflag:s2] =	ssyncadd.s32 $0xFFFFFF80  }
0x404: {  	_ =	swait.ge [sflag:s2], $0x80  }
0x405: {  	[sflag:s2] =	ssyncset.done $0x0  }
0x406: {  	[sflag:s2] =	ssyncadd.s32 $0xFFFFFF80  }
0x407: {  	_ =	swait.ge [sflag:s2], $0x80  }
0x408: {  	[sflag:s2] =	ssyncset.done $0x0  }
0x409: {  	[sflag:s2] =	ssyncadd.s32 $0xFFFFFF80  }
0x40a: {  	_ =	swait.ge [sflag:s2], $0x80  }
0x40b: {  	[sflag:s2] =	ssyncset.done $0x0  }
0x40c: {  	p0 =	slt.u32 s30, $0xC350;
	s25 =	simm.s32 $0x0;
	[sflag:s2] =	ssyncadd.s32 $0xFFFFFF80  }
0x40d: {  	s3 =	simm.s32 $0x0;
	s0 =	sand.u32 $0xE00, s25;
	_ =	swait.ge [sflag:s2], $0x80  }
0x40e: {  	s3 =	sand.u32 $0x60, s3;
	s0 =	sadd.s32 $0x8600, s0;
	[sflag:s2] =	ssyncset.done $0x0  }
0x40f: {  	s12 =	simm.s32 $0x10;
	s3 =	sor.u32 s3, s0;
	[sflag:s2] =	ssyncadd.s32 $0xFFFFFF80  }
0x410: {  	v4 =	vpsel !p0, $0x0, v4;
	v5 =	vmul.f32 v5, v5;
	s12 =	sand.u32 $0x70, s12;
	v1 =	vsub.f32 v1, v2;
	v2 =	vld [tilespmem:s3+$0x0]  }
0x411: {  	p4 =	slt.u32 s29, $0xC350;
	s13 =	sadd.s32 s28, s23;
	v3 =	vadd.f32 v4, v3;
	s0 =	sor.u32 s12, s0  }
0x412: {  	s25 =	sadd.s32 $0xFFFFFFF0, s13;
	v4 =	vpsel !p4, $0x0, v5;
	v1 =	vmul.f32 v1, v1;
	v0 =	vsub.f32 v0, v6;
	v5 =	vld [tilespmem:s0+$0x0]  }
0x413: {  	s30 =	simm.s32 $0x80;
	p5 =	slt.u32 s25, $0xC350;
	v3 =	vadd.f32 v4, v3  }
0x414: {  	p6 =	slt.u32 s13, $0xC350;
	s13 =	sand.u32 $0xE00, s30;
	s12 =	simm.s32 $0x20;
	v1 =	vpsel !p5, $0x0, v1;
	v0 =	vmul.f32 v0, v0  }
0x415: {  	s28 =	simm.s32 $0x30;
	s25 =	sadd.s32 $0x8600, s13;
	v1 =	vadd.f32 v1, v3;
	s0 =	sand.u32 $0x60, s12;
	v2 =	vadd.f32 $-1.000000000e+00, v2  }
0x416: {  	s29 =	sadd.s32 $0x10, s24;
	s13 =	sand.u32 $0x70, s28;
	v0 =	vpsel !p6, $0x0, v0;
	s0 =	sor.u32 s0, s25  }
0x417: {  	v1 =	vadd.f32 v0, v1;
	s3 =	simm.s32 $0x50;
	s25 =	sor.u32 s13, s25;
	v0 =	vld [tilespmem:s0+$0x0];
	s0 =	sadd.s32 $0xFFFFFFF0, s29;
	v3 =	vadd.f32 $-1.000000000e+00, v5;
	v2 =	vmul.f32 v2, v2  }
.LBB2_22:
0x418: {  	s12 =	sadd.s32 $0xFFFFFFF0, s3;
	s30 =	sadd.s32 $0x80, s30  }
0x419: {  	v4 =	vld [tilespmem:s25+$0x0];
	p1 =	slt.u32 s0, $0x4E20;
	s0 =	smov.u32 s3;
	p0 =	sne.s32 s3, $0x270  }
.Ltmp10:
0x41a: {  	s3 =	sadd.s32 $0x20, s3;
	s13 =	sand.u32 $0xE00, s30;
	v2 =	vpsel !p1, $0x0, v2;
	v3 =	vmul.f32 v3, v3;
	(pc) =	sbr.rel @p0 .LBB2_22-.Ltmp10, $4  }
0x41b: {  	s12 =	sand.u32 $0x60, s12;
	p1 =	slt.u32 s29, $0x4E20;
	s13 =	sadd.s32 $0x8600, s13;
	v1 =	vadd.f32 v2, v1  }
0x41c: {  	s12 =	sor.u32 s12, s13;
	v2 =	vadd.f32 $-1.000000000e+00, v0;
	v3 =	vpsel !p1, $0x0, v3  }
0x41d: {  	s29 =	sadd.s32 s28, s24;
	s28 =	smov.u32 s0;
	v0 =	vld [tilespmem:s12+$0x0];
	s12 =	sand.u32 $0x70, s0;
	v1 =	vadd.f32 v3, v1  }
0x41e: {  	s0 =	sadd.s32 $0xFFFFFFF0, s29;
	s25 =	sor.u32 s12, s13;
	v2 =	vmul.f32 v2, v2;
	v3 =	vadd.f32 $-1.000000000e+00, v4  }
0x41f: {  	v4 =	vld [tilespmem:s25+$0x0];
	_ =	swait.ge [sflag:s2], $0x80  }
0x420: {  	[sflag:s2] =	ssyncset.done $0x0  }
0x421: {  	[sflag:s2] =	ssyncadd.s32 $0xFFFFFF80  }
0x422: {  	_ =	swait.ge [sflag:s2], $0x80  }
0x423: {  	[sflag:s2] =	ssyncset.done $0x0  }
0x424: {  	[sflag:s2] =	ssyncadd.s32 $0xFFFFFF80  }
0x425: {  	_ =	swait.ge [sflag:s2], $0x80  }
0x426: {  	[sflag:s2] =	ssyncset.done $0x0  }
0x427: {  	[sflag:s2] =	ssyncadd.s32 $0xFFFFFF80  }
0x428: {  	_ =	swait.ge [sflag:s2], $0x80  }
0x429: {  	[sflag:s2] =	ssyncset.done $0x0  }
0x42a: {  	p0 =	slt.u32 s0, $0x4E20;
	s25 =	simm.s32 $0x0;
	[sflag:s2] =	ssyncadd.s32 $0xFFFFFF80  }
0x42b: {  	s3 =	simm.s32 $0x0;
	s0 =	sand.u32 $0xE00, s25;
	_ =	swait.ge [sflag:s2], $0x80  }
0x42c: {  	s3 =	sand.u32 $0x60, s3;
	s0 =	sadd.s32 $0x8680, s0;
	[sflag:s2] =	ssyncset.done $0x0  }
0x42d: {  	s12 =	simm.s32 $0x10;
	s3 =	sor.u32 s3, s0;
	[sflag:s2] =	ssyncadd.s32 $0xFFFFFF80  }
0x42e: {  	v2 =	vpsel !p0, $0x0, v2;
	v3 =	vmul.f32 v3, v3;
	s12 =	sand.u32 $0x70, s12;
	v0 =	vadd.f32 $-1.000000000e+00, v0;
	v5 =	vld [tilespmem:s3+$0x0]  }
0x42f: {  	s13 =	sadd.s32 s28, s24;
	p4 =	slt.u32 s29, $0x4E20;
	v1 =	vadd.f32 v2, v1;
	s0 =	sor.u32 s12, s0  }
0x430: {  	s28 =	simm.s32 $0x30;
	s25 =	sadd.s32 $0xFFFFFFF0, s13;
	v2 =	vpsel !p4, $0x0, v3;
	v0 =	vmul.f32 v0, v0;
	v3 =	vadd.f32 $-1.000000000e+00, v4;
	v4 =	vld [tilespmem:s0+$0x0]  }
0x431: {  	s30 =	simm.s32 $0x80;
	s29 =	sadd.s32 $0x10, s24;
	p5 =	slt.u32 s25, $0x4E20;
	v1 =	vadd.f32 v2, v1  }
0x432: {  	p1 =	slt.u32 s13, $0x4E20;
	s12 =	sand.u32 $0xE00, s30;
	v0 =	vpsel !p5, $0x0, v0;
	v2 =	vmul.f32 v3, v3;
	s3 =	simm.s32 $0x20  }
0x433: {  	s13 =	sadd.s32 $0xFFFFFFF0, s29;
	s12 =	sadd.s32 $0x8680, s12;
	v0 =	vadd.f32 v0, v1;
	s0 =	sand.u32 $0x60, s3;
	v3 =	vmul.f32 v5, v5  }
0x434: {  	s25 =	sand.u32 $0x70, s28;
	p6 =	slt.u32 s13, $0x4E20;
	v1 =	vpsel !p1, $0x0, v2;
	s0 =	sor.u32 s0, s12  }
0x435: {  	v1 =	vadd.f32 v1, v0;
	s3 =	simm.s32 $0x50;
	v0 =	vld [tilespmem:s0+$0x0];
	s0 =	sor.u32 s25, s12;
	v2 =	vmul.f32 v4, v4;
	v3 =	vpsel !p6, $0x0, v3  }
.LBB2_24:
0x436: {  	s12 =	sadd.s32 $0xFFFFFFF0, s3;
	s30 =	sadd.s32 $0x80, s30  }
0x437: {  	v4 =	vld [tilespmem:s0+$0x0];
	v1 =	vadd.f32 v3, v1;
	p1 =	slt.u32 s29, $0x4E20;
	s0 =	smov.u32 s3;
	p0 =	sne.s32 s3, $0x270  }
.Ltmp11:
0x438: {  	s3 =	sadd.s32 $0x20, s3;
	s13 =	sand.u32 $0xE00, s30;
	v2 =	vpsel !p1, $0x0, v2;
	(pc) =	sbr.rel @p0 .LBB2_24-.Ltmp11, $4  }
0x439: {  	s29 =	sadd.s32 s28, s24;
	s12 =	sand.u32 $0x60, s12;
	s13 =	sadd.s32 $0x8680, s13;
	v1 =	vadd.f32 v2, v1  }
0x43a: {  	s25 =	sadd.s32 $0xFFFFFFF0, s29;
	s28 =	smov.u32 s0;
	s12 =	sor.u32 s12, s13;
	v2 =	vmul.f32 v0, v0  }
0x43b: {  	s0 =	sand.u32 $0x70, s28;
	p1 =	slt.u32 s25, $0x4E20;
	v0 =	vld [tilespmem:s12+$0x0]  }
0x43c: {  	s0 =	sor.u32 s0, s13;
	v3 =	vpsel !p1, $0x0, v2;
	v2 =	vmul.f32 v4, v4  }
0x43d: {  	v4 =	vld [tilespmem:s0+$0x0];
	_ =	swait.ge [sflag:s2], $0x80  }
0x43e: {  	[sflag:s2] =	ssyncset.done $0x0  }
0x43f: {  	[sflag:s2] =	ssyncadd.s32 $0xFFFFFF80  }
0x440: {  	_ =	swait.ge [sflag:s2], $0x80  }
0x441: {  	[sflag:s2] =	ssyncset.done $0x0  }
0x442: {  	[sflag:s2] =	ssyncadd.s32 $0xFFFFFF80  }
0x443: {  	_ =	swait.ge [sflag:s2], $0x80  }
0x444: {  	[sflag:s2] =	ssyncset.done $0x0  }
0x445: {  	[sflag:s2] =	ssyncadd.s32 $0xFFFFFF80  }
0x446: {  	_ =	swait.ge [sflag:s2], $0x80  }
0x447: {  	[sflag:s2] =	ssyncset.done $0x0  }
0x448: {  	s25 =	simm.s32 $0x0;
	[sflag:s2] =	ssyncadd.s32 $0xFFFFFF80  }
0x449: {  	s3 =	simm.s32 $0x0;
	s0 =	sand.u32 $0xE00, s25;
	_ =	swait.ge [sflag:s2], $0x80  }
0x44a: {  	s3 =	sand.u32 $0x60, s3;
	s0 =	sadd.s32 $0x8700, s0;
	[sflag:s2] =	ssyncset.done $0x0  }
0x44b: {  	s12 =	simm.s32 $0x10;
	s3 =	sor.u32 s3, s0;
	[sflag:s2] =	ssyncadd.s32 $0xFFFFFF80  }
0x44c: {  	s12 =	sand.u32 $0x70, s12;
	v5 =	vld [tilespmem:s3+$0x0]  }
0x44d: {  	v1 =	vadd.f32 v3, v1;
	p0 =	slt.u32 s29, $0x4E20;
	s13 =	sadd.s32 s28, s24;
	s0 =	sor.u32 s12, s0  }
0x44e: {  	v2 =	vpsel !p0, $0x0, v2;
	s25 =	sadd.s32 $0xFFFFFFF0, s13;
	v0 =	vmul.f32 v0, v0;
	v3 =	vld [tilespmem:s0+$0x0]  }
0x44f: {  	s30 =	simm.s32 $0x80;
	v1 =	vadd.f32 v2, v1;
	p5 =	slt.u32 s25, $0x4E20  }
0x450: {  	p6 =	slt.u32 s13, $0x4E20;
	s13 =	sand.u32 $0xE00, s30;
	s12 =	simm.s32 $0x20;
	v0 =	vpsel !p5, $0x0, v0;
	v2 =	vmul.f32 v4, v4  }
0x451: {  	s28 =	simm.s32 $0x30;
	s25 =	sadd.s32 $0x8700, s13;
	v0 =	vadd.f32 v0, v1;
	s0 =	sand.u32 $0x60, s12;
	v4 =	vadd.f32 $-1.000000000e+00, v5  }
0x452: {  	s29 =	sadd.s32 $0x10, s24;
	s13 =	sand.u32 $0x70, s28;
	v1 =	vpsel !p6, $0x0, v2;
	s0 =	sor.u32 s0, s25  }
0x453: {  	v1 =	vadd.f32 v1, v0;
	s3 =	simm.s32 $0x50;
	s25 =	sor.u32 s13, s25;
	v0 =	vld [tilespmem:s0+$0x0];
	s0 =	sadd.s32 $0xFFFFFFF0, s29;
	v3 =	vadd.f32 $-1.000000000e+00, v3;
	v2 =	vmul.f32 v4, v4  }
.LBB2_26:
0x454: {  	s12 =	sadd.s32 $0xFFFFFFF0, s3;
	s30 =	sadd.s32 $0x80, s30  }
0x455: {  	v4 =	vld [tilespmem:s25+$0x0];
	p1 =	slt.u32 s0, $0x4E20;
	s0 =	smov.u32 s3;
	p0 =	sne.s32 s3, $0x270  }
.Ltmp12:
0x456: {  	s3 =	sadd.s32 $0x20, s3;
	s13 =	sand.u32 $0xE00, s30;
	v2 =	vpsel !p1, $0x0, v2;
	v3 =	vmul.f32 v3, v3;
	(pc) =	sbr.rel @p0 .LBB2_26-.Ltmp12, $4  }
0x457: {  	s12 =	sand.u32 $0x60, s12;
	p1 =	slt.u32 s29, $0x4E20;
	s13 =	sadd.s32 $0x8700, s13;
	v1 =	vadd.f32 v2, v1  }
0x458: {  	s12 =	sor.u32 s12, s13;
	v2 =	vadd.f32 $-1.000000000e+00, v0;
	v3 =	vpsel !p1, $0x0, v3  }
0x459: {  	s29 =	sadd.s32 s28, s24;
	s28 =	smov.u32 s0;
	v0 =	vld [tilespmem:s12+$0x0];
	s12 =	sand.u32 $0x70, s0;
	v1 =	vadd.f32 v3, v1  }
0x45a: {  	s0 =	sadd.s32 $0xFFFFFFF0, s29;
	s25 =	sor.u32 s12, s13;
	v2 =	vmul.f32 v2, v2;
	v3 =	vadd.f32 $-1.000000000e+00, v4  }
0x45b: {  	v4 =	vld [tilespmem:s25+$0x0];
	_ =	swait.ge [sflag:s2], $0x80  }
0x45c: {  	[sflag:s2] =	ssyncset.done $0x0  }
0x45d: {  	[sflag:s2] =	ssyncadd.s32 $0xFFFFFF80  }
0x45e: {  	_ =	swait.ge [sflag:s2], $0x80  }
0x45f: {  	[sflag:s2] =	ssyncset.done $0x0  }
0x460: {  	[sflag:s2] =	ssyncadd.s32 $0xFFFFFF80  }
0x461: {  	_ =	swait.ge [sflag:s2], $0x80  }
0x462: {  	[sflag:s2] =	ssyncset.done $0x0  }
0x463: {  	[sflag:s2] =	ssyncadd.s32 $0xFFFFFF80  }
0x464: {  	_ =	swait.ge [sflag:s2], $0x80  }
0x465: {  	[sflag:s2] =	ssyncset.done $0x0  }
0x466: {  	p0 =	slt.u32 s0, $0x4E20;
	s13 =	simm.s32 $0x0;
	[sflag:s2] =	ssyncadd.s32 $0xFFFFFF80  }
0x467: {  	s3 =	simm.s32 $0x0;
	s0 =	sand.u32 $0xE00, s13;
	_ =	swait.ge [sflag:s2], $0x80  }
0x468: {  	s3 =	sand.u32 $0x60, s3;
	s0 =	sadd.s32 $0x8780, s0;
	[sflag:s2] =	ssyncset.done $0x0  }
0x469: {  	s12 =	simm.s32 $0x10;
	s3 =	sor.u32 s3, s0;
	[sflag:s2] =	ssyncadd.s32 $0xFFFFFF80  }
0x46a: {  	v2 =	vpsel !p0, $0x0, v2;
	v3 =	vmul.f32 v3, v3;
	s25 =	sand.u32 $0x70, s12;
	v0 =	vadd.f32 $-1.000000000e+00, v0;
	v5 =	vld [tilespmem:s3+$0x0]  }
0x46b: {  	p4 =	slt.u32 s29, $0x4E20;
	s13 =	sadd.s32 s28, s24;
	v1 =	vadd.f32 v2, v1;
	s0 =	sor.u32 s25, s0  }
0x46c: {  	s29 =	simm.s32 $0x30;
	s30 =	sadd.s32 $0xFFFFFFF0, s13;
	v2 =	vpsel !p4, $0x0, v3;
	v0 =	vmul.f32 v0, v0;
	v3 =	vadd.f32 $-1.000000000e+00, v4;
	v4 =	vld [tilespmem:s0+$0x0]  }
0x46d: {  	s28 =	simm.s32 $0x80;
	s12 =	simm.s32 $0x20;
	p5 =	slt.u32 s30, $0x4E20;
	v1 =	vadd.f32 v2, v1  }
0x46e: {  	p1 =	slt.u32 s13, $0x4E20;
	s13 =	sand.u32 $0xE00, s28;
	v0 =	vpsel !p5, $0x0, v0;
	v2 =	vmul.f32 v3, v3;
	s3 =	sadd.s32 $0x10, s24  }
0x46f: {  	v0 =	vadd.f32 v0, v1;
	s0 =	sand.u32 $0x60, s12;
	s12 =	sadd.s32 $0x8780, s13;
	s25 =	sadd.s32 $0xFFFFFFF0, s3;
	v3 =	vmul.f32 v5, v5  }
0x470: {  	s30 =	sand.u32 $0x70, s29;
	v1 =	vpsel !p1, $0x0, v2;
	s0 =	sor.u32 s0, s12;
	p6 =	slt.u32 s25, $0x4E20  }
0x471: {  	v1 =	vadd.f32 v1, v0;
	s25 =	simm.s32 $0x50;
	v0 =	vld [tilespmem:s0+$0x0];
	s0 =	sor.u32 s30, s12;
	v2 =	vmul.f32 v4, v4;
	v3 =	vpsel !p6, $0x0, v3  }
.LBB2_28:
0x472: {  	s12 =	sadd.s32 $0xFFFFFFF0, s25;
	s28 =	sadd.s32 $0x80, s28  }
0x473: {  	v4 =	vld [tilespmem:s0+$0x0];
	v1 =	vadd.f32 v3, v1;
	p1 =	slt.u32 s3, $0x4E20;
	s0 =	smov.u32 s25;
	p0 =	sne.s32 s25, $0x270  }
.Ltmp13:
0x474: {  	s25 =	sadd.s32 $0x20, s25;
	s3 =	sand.u32 $0xE00, s28;
	v2 =	vpsel !p1, $0x0, v2;
	(pc) =	sbr.rel @p0 .LBB2_28-.Ltmp13, $4  }
0x475: {  	s12 =	sand.u32 $0x60, s12;
	s13 =	sadd.s32 $0x8780, s3;
	s3 =	sadd.s32 s29, s24;
	v1 =	vadd.f32 v2, v1  }
0x476: {  	s29 =	smov.u32 s0;
	s12 =	sor.u32 s12, s13;
	s30 =	sadd.s32 $0xFFFFFFF0, s3;
	v2 =	vmul.f32 v0, v0  }
0x477: {  	s0 =	sand.u32 $0x70, s29;
	v0 =	vld [tilespmem:s12+$0x0];
	p1 =	slt.u32 s30, $0x4E20  }
0x478: {  	s0 =	sor.u32 s0, s13;
	v3 =	vpsel !p1, $0x0, v2;
	v2 =	vmul.f32 v4, v4  }
0x479: {  	v4 =	vld [tilespmem:s0+$0x0];
	_ =	sdelay $0x1  }
0x47a: {  	v1 =	vadd.f32 v3, v1;
	p0 =	slt.u32 s3, $0x4E20;
	s12 =	sadd.s32 s29, s24  }
0x47b: {  	v2 =	vpsel !p0, $0x0, v2;
	s13 =	sadd.s32 $0xFFFFFFF0, s12;
	v0 =	vmul.f32 v0, v0  }
0x47c: {  	v1 =	vadd.f32 v2, v1;
	p5 =	slt.u32 s13, $0x4E20  }
0x47d: {  	v0 =	vpsel !p5, $0x0, v0;
	v62 =	vmul.f32 v4, v4  }
0x47e: {  	p6 =	slt.u32 s12, $0x4E20;
	v0 =	vadd.f32 v0, v1  }
0x47f: {  	v63 =	vpsel !p6, $0x0, v62  }
0x480: {  	v0 =	vadd.f32 v63, v0;
	_ =	sdelay $0x1  }
0x481: {  	s25 =	rddreg [dreg:$0xf];
	s28 =	simm.s32 $0x11000;
	s29 =	simm.s32 $0x4;
	[tilespmem:$0x11000] =	vst v0  }
0x482: {  	[hbm4b:s25+s1] =	stream.linear.scatter [tilespmem:s28], [sflag:$0x4], $0x80, $0x38;
	[tilespmem:$0x11080] =	vst v63  }
0x483: {  	_ =	swait.ge [sflag:s29], $0x80  }
0x484: {  	s26 =	sadd.s32 $0x1, s26;
	s30 =	rddreg [dreg:$0x10]  }
0x485: {  	p0 =	sne.s32 s26, s30  }
.Ltmp14:
0x486: {  	_ = 	snop;
	(pc) =	sbr.rel @p0 .LBB2_1-.Ltmp14, $3  }
0x487: {  	_ =	sdelay $0x1  }
0x488: {  	[sflag:s29] =	ssyncset.done $0x0  }
0x489: {  	[sflag:s29] =	ssyncadd.s32 $0xFFFFFF80  }
0x48a: {  	_ =	sfence.sel $0x180000  }
0x48b: {  	[bflag:$0x0] =	sbarrier.arrive $0xFFFF  }
0x48c: {  	_ =	strace $0x90000047  }
0x48d: {  	s0 =	stileid.u32;
	[bflag:$0x2] =	sbarrier.arrive $0xFFFF  }
0x48e: {  	p0 =	sne.s32 s0, $0x0;
	s0 =	rddreg [dreg:$0x9]  }
0x48f: {  	s0 =	sadd.s32 @!p0 $0x100000, s0  }
0x490: {  	[sflag:s0] =	ssyncadd.tile.s32 @!p0 $0x1;
	_ =	shalt  }
.Lfunc_end2:
_tile_overlayer_lowered:
.L_overlay_start_2:
0x491: {  	(tag) =	ssettag $0x2  }
0x492: {  	s0 =	rddreg [dreg:$0x0];
	s2 =	stileid.u32  }
0x493: {  	s1 =	rddreg [dreg:$0x1];
	p0 =	sne.s32 s2, $0x0  }
0x494: {  	s3 =	rddreg [dreg:$0x2];
	[bflag:$0x3] =	sbarrier.arrive $0xFFFF;
	s2 =	simm.s32 @!p0 $0x1C04  }
0x495: {  	[timem:s3], [sflag:s2] =	dma.local @!p0 [hbm:s0], s1  }
0x496: {  	s0 =	simm.s32 @!p0 $0x4  }
0x497: {  	_ =	swait.ge @!p0 [sflag:s0], s1  }
0x498: {  	s1 =	ssub.s32 @!p0 $0x0, s1;
	[sflag:s0] =	ssyncset.done @!p0 $0x0  }
0x499: {  	[sflag:s0] =	ssyncadd.s32 @!p0 s1  }
0x49a: {  	[bflag:$0x3] =	sbarrier.arrive $0xFFFF  }
0x49b: {  	_ =	shalt  }

</sc_bundles>
